<compile_context>
chip_gen: v7x
topology: tpu7x:2x2x1
jax: 0.10.2.dev20260603
libtpu: 0.0.44.dev20260713+nightly
codegen_flags: <defaults>
</compile_context>

<pallas_src>
import jax
import jax.numpy as jnp
from jax import lax
from jax.experimental import pallas as pl
from jax.experimental.pallas import tpu as pltpu
from jax.experimental.pallas import tpu_sc as plsc

_NTILE = 16
_NCORE = 2
_LANES = 16
_EDGE_BATCH = 128


def _row_split(n_nodes):
  rows_base = (n_nodes // (_NTILE * 8)) * 8
  extra = n_nodes - _NTILE * rows_base
  assert extra % 8 == 0
  return rows_base, extra


def _make_seg_sum(n_nodes: int, n_edges: int, half: int):
  B = _EDGE_BATCH
  per_tile = n_edges // _NTILE
  assert per_tile * _NTILE == n_edges
  nbatch = per_tile // B
  tail = per_tile - nbatch * B
  assert nbatch >= 2 and tail % _LANES == 0
  rows_base, extra = _row_split(n_nodes)
  ZR = max(z for z in range(8, 49, 8) if rows_base % z == 0)
  nzcopy = rows_base // ZR
  assert extra <= ZR

  mesh = plsc.VectorSubcoreMesh(core_axis_name="c", subcore_axis_name="s")
  out_type = jax.ShapeDtypeStruct((_NCORE, n_nodes, half), jnp.float32)
  scratch = [
      pltpu.VMEM((B,), jnp.int32),
      pltpu.VMEM((B,), jnp.int32),
      pltpu.VMEM((B,), jnp.int32),
      pltpu.VMEM((B,), jnp.int32),
      pltpu.VMEM((B, half), jnp.float32),
      pltpu.VMEM((B, half), jnp.float32),
      pltpu.VMEM((ZR, half), jnp.float32),
      pltpu.VMEM_SHARED((n_nodes, half), jnp.float32),
      pltpu.SemaphoreType.DMA,
      pltpu.SemaphoreType.DMA,
      pltpu.SemaphoreType.DMA,
      pltpu.SemaphoreType.DMA,
      pltpu.SemaphoreType.DMA,
      pltpu.SemaphoreType.DMA,
  ]
  if tail:
    scratch += [
        pltpu.VMEM((tail,), jnp.int32),
        pltpu.VMEM((tail,), jnp.int32),
        pltpu.VMEM((tail, half), jnp.float32),
    ]

  def body(src_hbm, dst_hbm, x2_hbm, sums_hbm, srcv0, srcv1, dstv0, dstv1,
           rows0, rows1, zero_v, acc_sh, sg0, sg1, ss0, ss1, si, sz, *tbufs):
    srcv = (srcv0, srcv1)
    dstv = (dstv0, dstv1)
    rows = (rows0, rows1)
    sg = (sg0, sg1)
    ss = (ss0, ss1)
    c = lax.axis_index("c")
    s = lax.axis_index("s")

    def zrow(r, _):
      def zlane(k, _):
        zero_v[r, pl.ds(k * _LANES, _LANES)] = jnp.zeros(
            (_LANES,), jnp.float32)
        return 0
      return lax.fori_loop(0, half // _LANES, zlane, 0)
    lax.fori_loop(0, ZR, zrow, 0)

    r0 = s * rows_base
    for z in range(nzcopy):
      pltpu.async_copy(zero_v, acc_sh.at[pl.ds(r0 + z * ZR, ZR)], sz)
    if extra:
      @pl.when(s == _NTILE - 1)
      def _():
        pltpu.async_copy(zero_v.at[pl.ds(0, extra)],
                         acc_sh.at[pl.ds(n_nodes - extra, extra)], sz)

    ebase = s * per_tile

    def load_tx(jj, b):
      base = ebase + jj * B
      pltpu.async_copy(src_hbm.at[pl.ds(base, B)], srcv[b], si)
      pltpu.async_copy(dst_hbm.at[pl.ds(base, B)], dstv[b], si)
      pltpu.make_async_copy(src_hbm.at[pl.ds(base, B)], srcv[b], si).wait()
      pltpu.make_async_copy(dst_hbm.at[pl.ds(base, B)], dstv[b], si).wait()

      def tx(k, _):
        v = srcv[b][pl.ds(k * _LANES, _LANES)]
        srcv[b][pl.ds(k * _LANES, _LANES)] = v * 2 + c
        return 0
      lax.fori_loop(0, B // _LANES, tx, 0)

    def issue_gather(b):
      pltpu.async_copy(x2_hbm.at[srcv[b]], rows[b], sg[b])

    def wait_gather(b):
      pltpu.make_async_copy(x2_hbm.at[srcv[b]], rows[b], sg[b]).wait()

    def issue_scatter(b):
      pltpu.async_copy(rows[b], acc_sh.at[dstv[b]], ss[b], add=True)

    def wait_scatter(b):
      pltpu.make_async_copy(rows[b], acc_sh.at[dstv[b]], ss[b]).wait()

    load_tx(0, 0)
    issue_gather(0)
    load_tx(1, 1)
    for z in range(nzcopy):
      pltpu.make_async_copy(zero_v, acc_sh.at[pl.ds(r0 + z * ZR, ZR)],
                            sz).wait()
    if extra:
      @pl.when(s == _NTILE - 1)
      def _():
        pltpu.make_async_copy(zero_v.at[pl.ds(0, extra)],
                              acc_sh.at[pl.ds(n_nodes - extra, extra)],
                              sz).wait()
    plsc.subcore_barrier()
    wait_gather(0)
    issue_gather(1)
    issue_scatter(0)

    def step(g, _):
      for off, b in ((1, 1), (2, 0)):
        jj = 2 * g + off
        o = 1 - b
        wait_gather(b)
        wait_scatter(o)
        issue_scatter(b)

        @pl.when(jj < nbatch - 1)
        def _():
          load_tx(jj + 1, o)
          issue_gather(o)
      return 0
    lax.fori_loop(0, (nbatch - 1) // 2, step, 0)

    if (nbatch - 1) % 2:
      b = (nbatch - 1) % 2
      wait_gather(b)
      wait_scatter(1 - b)
      issue_scatter(b)

    wait_scatter((nbatch - 1) % 2)

    if tail:
      tsrc, tdst, trows = tbufs
      base = ebase + nbatch * B
      pltpu.sync_copy(src_hbm.at[pl.ds(base, tail)], tsrc)
      pltpu.sync_copy(dst_hbm.at[pl.ds(base, tail)], tdst)

      def ttx(k, _):
        v = tsrc[pl.ds(k * _LANES, _LANES)]
        tsrc[pl.ds(k * _LANES, _LANES)] = v * 2 + c
        return 0
      lax.fori_loop(0, tail // _LANES, ttx, 0)
      pltpu.async_copy(x2_hbm.at[tsrc], trows, si).wait()
      pltpu.sync_copy(trows, acc_sh.at[tdst], add=True)

    plsc.subcore_barrier()

    pltpu.sync_copy(acc_sh.at[pl.ds(r0, rows_base)],
                    sums_hbm.at[c, pl.ds(r0, rows_base)])
    if extra:
      @pl.when(s == _NTILE - 1)
      def _():
        pltpu.sync_copy(acc_sh.at[pl.ds(n_nodes - extra, extra)],
                        sums_hbm.at[c, pl.ds(n_nodes - extra, extra)])

  return pl.kernel(body, out_type=out_type, mesh=mesh,
                   scratch_types=tuple(scratch))


def _make_cnt(n_nodes: int, n_edges: int, half: int):
  per_tile = n_edges // (_NTILE * _NCORE)
  assert per_tile * _NTILE * _NCORE == n_edges
  CB = 128
  nbatch = per_tile // CB
  tail = per_tile - nbatch * CB
  assert nbatch >= 2 and tail % 8 == 0
  rows_base, extra = _row_split(n_nodes)
  ZR = max(z for z in range(8, 49, 8) if rows_base % z == 0)
  nzcopy = rows_base // ZR
  assert extra <= ZR

  mesh = plsc.VectorSubcoreMesh(core_axis_name="c", subcore_axis_name="s")
  out_type = jax.ShapeDtypeStruct((_NCORE, n_nodes, half), jnp.float32)
  scratch = [
      pltpu.VMEM((CB,), jnp.int32),
      pltpu.VMEM((CB,), jnp.int32),
      pltpu.VMEM((CB, half), jnp.float32),
      pltpu.VMEM((ZR, half), jnp.float32),
      pltpu.VMEM_SHARED((n_nodes, half), jnp.float32),
      pltpu.SemaphoreType.DMA,
      pltpu.SemaphoreType.DMA,
      pltpu.SemaphoreType.DMA,
  ]
  if tail:
    scratch.append(pltpu.VMEM((tail,), jnp.int32))

  def body(dst_hbm, cnt_hbm, idx0, idx1, ones_v, zero_v, cnt_sh,
           ss0, ss1, sz, *tbufs):
    c = lax.axis_index("c")
    s = lax.axis_index("s")
    idx = (idx0, idx1)
    ss = (ss0, ss1)

    def zrow(r, _):
      def zlane(k, _):
        zero_v[r, pl.ds(k * _LANES, _LANES)] = jnp.zeros(
            (_LANES,), jnp.float32)
        return 0
      return lax.fori_loop(0, half // _LANES, zlane, 0)
    lax.fori_loop(0, ZR, zrow, 0)

    def orow(r, _):
      def olane(k, _):
        ones_v[r, pl.ds(k * _LANES, _LANES)] = jnp.ones(
            (_LANES,), jnp.float32)
        return 0
      return lax.fori_loop(0, half // _LANES, olane, 0)
    lax.fori_loop(0, CB, orow, 0)

    r0 = s * rows_base
    for z in range(nzcopy):
      pltpu.async_copy(zero_v, cnt_sh.at[pl.ds(r0 + z * ZR, ZR)], sz)
    if extra:
      @pl.when(s == _NTILE - 1)
      def _():
        pltpu.async_copy(zero_v.at[pl.ds(0, extra)],
                         cnt_sh.at[pl.ds(n_nodes - extra, extra)], sz)

    ebase = (c * _NTILE + s) * per_tile

    def load_idx(jj, b):
      pltpu.sync_copy(dst_hbm.at[pl.ds(ebase + jj * CB, CB)], idx[b])

    def issue_scatter(b):
      pltpu.async_copy(ones_v, cnt_sh.at[idx[b]], ss[b], add=True)

    def wait_scatter(b):
      pltpu.make_async_copy(ones_v, cnt_sh.at[idx[b]], ss[b]).wait()

    load_idx(0, 0)
    for z in range(nzcopy):
      pltpu.make_async_copy(zero_v, cnt_sh.at[pl.ds(r0 + z * ZR, ZR)],
                            sz).wait()
    if extra:
      @pl.when(s == _NTILE - 1)
      def _():
        pltpu.make_async_copy(zero_v.at[pl.ds(0, extra)],
                              cnt_sh.at[pl.ds(n_nodes - extra, extra)],
                              sz).wait()
    plsc.subcore_barrier()
    issue_scatter(0)
    load_idx(1, 1)

    def step(g, _):
      for off, b in ((1, 1), (2, 0)):
        jj = 2 * g + off
        o = 1 - b
        wait_scatter(o)
        issue_scatter(b)

        @pl.when(jj < nbatch - 1)
        def _():
          load_idx(jj + 1, o)
      return 0
    lax.fori_loop(0, (nbatch - 1) // 2, step, 0)

    if (nbatch - 1) % 2:
      b = (nbatch - 1) % 2
      wait_scatter(1 - b)
      issue_scatter(b)

    wait_scatter((nbatch - 1) % 2)

    if tail:
      (tidx,) = tbufs
      pltpu.sync_copy(dst_hbm.at[pl.ds(ebase + nbatch * CB, tail)], tidx)
      pltpu.sync_copy(ones_v.at[pl.ds(0, tail)], cnt_sh.at[tidx], add=True)

    plsc.subcore_barrier()

    pltpu.sync_copy(cnt_sh.at[pl.ds(r0, rows_base)],
                    cnt_hbm.at[c, pl.ds(r0, rows_base)])
    if extra:
      @pl.when(s == _NTILE - 1)
      def _():
        pltpu.sync_copy(cnt_sh.at[pl.ds(n_nodes - extra, extra)],
                        cnt_hbm.at[c, pl.ds(n_nodes - extra, extra)])

  return pl.kernel(body, out_type=out_type, mesh=mesh,
                   scratch_types=tuple(scratch))


def _mm_body(sums_ref, cnt_ref, x_ref, wl_ref, b_ref, wr_ref, o_ref):
  agg = jnp.concatenate([sums_ref[0], sums_ref[1]], axis=-1)
  cnt = cnt_ref[0][:, 0:1] + cnt_ref[1][:, 0:1]
  agg = agg / jnp.maximum(cnt, 1.0)
  h = lax.dot_general(agg, wl_ref[...], (((1,), (1,)), ((), ())),
                      preferred_element_type=jnp.float32)
  h = h + lax.dot_general(x_ref[...], wr_ref[...], (((1,), (1,)), ((), ())),
                          preferred_element_type=jnp.float32)
  h = h + b_ref[...]
  o_ref[...] = jnp.maximum(h, 0.0)


def _sage_mm(sums, cnt, x, wl, b2d, wr, block_rows=1000):
  n, d = x.shape
  h = wl.shape[0]
  half = sums.shape[2]
  grid = (n // block_rows,)
  return pl.pallas_call(
      _mm_body,
      grid=grid,
      in_specs=[
          pl.BlockSpec((2, block_rows, half), lambda i: (0, i, 0)),
          pl.BlockSpec((2, block_rows, half), lambda i: (0, i, 0)),
          pl.BlockSpec((block_rows, d), lambda i: (i, 0)),
          pl.BlockSpec((h, d), lambda i: (0, 0)),
          pl.BlockSpec((1, h), lambda i: (0, 0)),
          pl.BlockSpec((h, d), lambda i: (0, 0)),
      ],
      out_specs=pl.BlockSpec((block_rows, h), lambda i: (i, 0)),
      out_shape=jax.ShapeDtypeStruct((n, h), jnp.float32),
  )(sums, cnt, x, wl, b2d, wr)


def kernel(x, edge_index, W1l, b1, W1r, W2l, b2, W2r):
  n, d = x.shape
  e = edge_index.shape[1]
  half = d // 2

  seg_sum = _make_seg_sum(n, e, half)
  cnt_fn = _make_cnt(n, e, half)

  src = edge_index[0]
  dst = edge_index[1]
  x2 = x.reshape(n * 2, half)

  cnt = cnt_fn(dst)
  sums1 = seg_sum(src, dst, x2)
  h = _sage_mm(sums1, cnt, x, W1l, b1.reshape(1, -1), W1r)

  h2 = h.reshape(n * 2, half)
  sums2 = seg_sum(src, dst, h2)
  out = _sage_mm(sums2, cnt, h, W2l, b2.reshape(1, -1), W2r)
  return out

# --- scband reference (transcript-rebuilt; emitter-appended) ---
"""Pipeline reference for scband-gnn-44994077393230 (READ-ONLY COPY).

The authoritative reference and input builder live on the scoring server;
editing this copy changes nothing except your own understanding.
"""

import jax, jax.numpy as jnp
import numpy as np

N = 10000
E = 160000
D = 256
H = 256


def setup_inputs(seed: int = 0) -> dict:
    key = jax.random.key(seed)
    ks = jax.random.split(key, 9)
    x = jax.random.normal(ks[0], (N, D), dtype=jnp.float32)
    edge_index = jax.random.randint(ks[1], (2, E), 0, N, dtype=jnp.int32)
    # SAGEConv layer 1: lin_l (neighbors, with bias), lin_r (root, no bias)
    W1l = jax.random.normal(ks[2], (H, D), dtype=jnp.float32) * (1.0 / np.sqrt(D))
    b1 = jnp.zeros((H,), dtype=jnp.float32)
    W1r = jax.random.normal(ks[3], (H, D), dtype=jnp.float32) * (1.0 / np.sqrt(D))
    # SAGEConv layer 2
    W2l = jax.random.normal(ks[4], (H, H), dtype=jnp.float32) * (1.0 / np.sqrt(H))
    b2 = jnp.zeros((H,), dtype=jnp.float32)
    W2r = jax.random.normal(ks[5], (H, H), dtype=jnp.float32) * (1.0 / np.sqrt(H))
    return {"x": x, "edge_index": edge_index, "W1l": W1l, "b1": b1, "W1r": W1r,
            "W2l": W2l, "b2": b2, "W2r": W2r}


def _sage_conv(x, edge_index, Wl, bl, Wr):
    # PyG SAGEConv with mean aggregation:
    # out[i] = lin_l(mean_{j in N(i)} x[j]) + lin_r(x[i])
    src = edge_index[0]
    dst = edge_index[1]
    msgs = jnp.take(x, src, axis=0)
    agg = jax.ops.segment_sum(msgs, dst, num_segments=N)
    cnt = jax.ops.segment_sum(jnp.ones((E,), dtype=x.dtype), dst, num_segments=N)
    agg = agg / jnp.clip(cnt, 1.0, None)[:, None]
    return agg @ Wl.T + bl + x @ Wr.T


def reference(x, edge_index, W1l, b1, W1r, W2l, b2, W2r):
    h = jax.nn.relu(_sage_conv(x, edge_index, W1l, b1, W1r))
    # F.dropout(p=0.5, training=self.training) -> identity in eval mode
    h = jax.nn.relu(_sage_conv(h, edge_index, W2l, b2, W2r))
    return h

if __name__ == "__main__":
    import jax
    _d = setup_inputs()
    print(jax.jit(kernel)(*tuple(_d.values())))

</pallas_src>

<mosaic_0001>
#map = affine_map<(d0, d1) -> (0)>
#map1 = affine_map<(d0, d1) -> (0, 0, 0)>
module attributes {stable_mosaic.version = 14 : i64} {
  func.func @body(%arg0: i32, %arg1: i32, %arg2: memref<160000xi32, #tpu.memory_space<hbm>>, %arg3: memref<2x10000x128xf32, #tpu.memory_space<hbm>>, %arg4: memref<128xi32, #tpu.memory_space<vmem>>, %arg5: memref<128xi32, #tpu.memory_space<vmem>>, %arg6: memref<128x128xf32, #tpu.memory_space<vmem>>, %arg7: memref<48x128xf32, #tpu.memory_space<vmem>>, %arg8: memref<10000x128xf32, #tpu.memory_space<vmem_shared>>, %arg9: memref<!tpu.dma_semaphore, #tpu.memory_space<semaphore_mem>>, %arg10: memref<!tpu.dma_semaphore, #tpu.memory_space<semaphore_mem>>, %arg11: memref<!tpu.dma_semaphore, #tpu.memory_space<semaphore_mem>>, %arg12: memref<8xi32, #tpu.memory_space<vmem>>) attributes {dimension_semantics = [#tpu.dimension_semantics<core_parallel>, #tpu.dimension_semantics<subcore_parallel>], iteration_bounds = array<i64: 2, 16>, scalar_prefetch = 0 : i64, scratch_operands = 9 : i64, tpu.core_type = #tpu.core_type<sc_vector_subcore>, window_params = [{transform_indices = #map}, {transform_indices = #map1}]} {
    %scan3A = arith.constant 0 : i32
    %scan3A_0 = arith.constant 0 : i32
    %scan3A_1 = arith.constant 48 : i32
    %scan3A_2 = arith.addi %scan3A_0, %scan3A_1 : i32
    %scan3A_3 = arith.constant 1 : i32
    %scan3A_4 = scf.for %scan3A_204 = %scan3A_0 to %scan3A_2 step %scan3A_3 iter_args(%scan3A_205 = %scan3A) -> (i32)  : i32 {
      %scan3A_206 = arith.constant 0 : i32
      %scan3A_207 = arith.constant 0 : i32
      %scan3A_208 = arith.constant 8 : i32
      %scan3A_209 = arith.addi %scan3A_207, %scan3A_208 : i32
      %scan3A_210 = arith.constant 1 : i32
      %scan3A_211 = scf.for %scan3A_213 = %scan3A_207 to %scan3A_209 step %scan3A_210 iter_args(%scan3A_214 = %scan3A_206) -> (i32)  : i32 {
        %broadcast_in_dim3A = arith.constant 0.000000e+00 : f32
        %broadcast_in_dim3A_215 = vector.broadcast %broadcast_in_dim3A : f32 to vector<16xf32>
        %mul3A_216 = arith.constant 16 : i32
        %mul3A_217 = arith.muli %scan3A_213, %mul3A_216 : i32
        %swap3A = arith.index_cast %scan3A_204 : i32 to index
        %swap3A_218 = arith.index_cast %mul3A_217 : i32 to index
        %swap3A_219 = tpu.vector_load %arg7[%swap3A, %swap3A_218] {strides = array<i32>} : memref<48x128xf32, #tpu.memory_space<vmem>>, vector<1x16xf32>,
        %swap3A_220 = vector.shape_cast %swap3A_219 : vector<1x16xf32> to vector<16xf32>
        %swap3A_221 = vector.shape_cast %broadcast_in_dim3A_215 : vector<16xf32> to vector<1x16xf32>
        tpu.vector_store %arg7[%swap3A, %swap3A_218], %swap3A_221 {strides = array<i32>} : memref<48x128xf32, #tpu.memory_space<vmem>>, vector<1x16xf32>,
        %scan3A_222 = arith.constant 0 : i32
        scf.yield %scan3A_222 : i32
      }
      %scan3A_212 = arith.constant 8 : i32
      scf.yield %scan3A_211 : i32
    }
    %scan3A_5 = arith.constant 48 : i32
    %scan3A_6 = arith.constant 0 : i32
    %scan3A_7 = arith.constant 0 : i32
    %scan3A_8 = arith.constant 128 : i32
    %scan3A_9 = arith.addi %scan3A_7, %scan3A_8 : i32
    %scan3A_10 = arith.constant 1 : i32
    %scan3A_11 = scf.for %scan3A_204 = %scan3A_7 to %scan3A_9 step %scan3A_10 iter_args(%scan3A_205 = %scan3A_6) -> (i32)  : i32 {
      %scan3A_206 = arith.constant 0 : i32
      %scan3A_207 = arith.constant 0 : i32
      %scan3A_208 = arith.constant 8 : i32
      %scan3A_209 = arith.addi %scan3A_207, %scan3A_208 : i32
      %scan3A_210 = arith.constant 1 : i32
      %scan3A_211 = scf.for %scan3A_213 = %scan3A_207 to %scan3A_209 step %scan3A_210 iter_args(%scan3A_214 = %scan3A_206) -> (i32)  : i32 {
        %broadcast_in_dim3A = arith.constant 1.000000e+00 : f32
        %broadcast_in_dim3A_215 = vector.broadcast %broadcast_in_dim3A : f32 to vector<16xf32>
        %mul3A_216 = arith.constant 16 : i32
        %mul3A_217 = arith.muli %scan3A_213, %mul3A_216 : i32
        %swap3A = arith.index_cast %scan3A_204 : i32 to index
        %swap3A_218 = arith.index_cast %mul3A_217 : i32 to index
        %swap3A_219 = tpu.vector_load %arg6[%swap3A, %swap3A_218] {strides = array<i32>} : memref<128x128xf32, #tpu.memory_space<vmem>>, vector<1x16xf32>,
        %swap3A_220 = vector.shape_cast %swap3A_219 : vector<1x16xf32> to vector<16xf32>
        %swap3A_221 = vector.shape_cast %broadcast_in_dim3A_215 : vector<16xf32> to vector<1x16xf32>
        tpu.vector_store %arg6[%swap3A, %swap3A_218], %swap3A_221 {strides = array<i32>} : memref<128x128xf32, #tpu.memory_space<vmem>>, vector<1x16xf32>,
        %scan3A_222 = arith.constant 0 : i32
        scf.yield %scan3A_222 : i32
      }
      %scan3A_212 = arith.constant 8 : i32
      scf.yield %scan3A_211 : i32
    }
    %scan3A_12 = arith.constant 128 : i32
    %mul3A = arith.constant 624 : i32
    %mul3A_13 = arith.muli %arg1, %mul3A : i32
    %add3A = arith.constant 0 : i32
    %add3A_14 = arith.addi %mul3A_13, %add3A : i32
    %dma_start3A = arith.constant 0 : i32
    %dma_start3A_15 = tpu.memref_slice %arg8[%add3A_14, %dma_start3A] : memref<10000x128xf32, #tpu.memory_space<vmem_shared>> -> memref<48x128xf32, #tpu.memory_space<vmem_shared>>
    %dma_start3A_16 = arith.constant 0 : i32
    %dma_start3A_17 = tpu.memref_slice %arg8[%add3A_14, %dma_start3A_16] : memref<10000x128xf32, #tpu.memory_space<vmem_shared>> -> memref<48x128xf32, #tpu.memory_space<vmem_shared>>
    tpu.enqueue_dma source(%arg7 : memref<48x128xf32, #tpu.memory_space<vmem>>) target(%dma_start3A_17 : memref<48x128xf32, #tpu.memory_space<vmem_shared>>) target_semaphore(%arg11 : memref<!tpu.dma_semaphore, #tpu.memory_space<semaphore_mem>>)
    %add3A_18 = arith.constant 48 : i32
    %add3A_19 = arith.addi %mul3A_13, %add3A_18 : i32
    %dma_start3A_20 = arith.constant 0 : i32
    %dma_start3A_21 = tpu.memref_slice %arg8[%add3A_19, %dma_start3A_20] : memref<10000x128xf32, #tpu.memory_space<vmem_shared>> -> memref<48x128xf32, #tpu.memory_space<vmem_shared>>
    %dma_start3A_22 = arith.constant 0 : i32
    %dma_start3A_23 = tpu.memref_slice %arg8[%add3A_19, %dma_start3A_22] : memref<10000x128xf32, #tpu.memory_space<vmem_shared>> -> memref<48x128xf32, #tpu.memory_space<vmem_shared>>
    tpu.enqueue_dma source(%arg7 : memref<48x128xf32, #tpu.memory_space<vmem>>) target(%dma_start3A_23 : memref<48x128xf32, #tpu.memory_space<vmem_shared>>) target_semaphore(%arg11 : memref<!tpu.dma_semaphore, #tpu.memory_space<semaphore_mem>>)
    %add3A_24 = arith.constant 96 : i32
    %add3A_25 = arith.addi %mul3A_13, %add3A_24 : i32
    %dma_start3A_26 = arith.constant 0 : i32
    %dma_start3A_27 = tpu.memref_slice %arg8[%add3A_25, %dma_start3A_26] : memref<10000x128xf32, #tpu.memory_space<vmem_shared>> -> memref<48x128xf32, #tpu.memory_space<vmem_shared>>
    %dma_start3A_28 = arith.constant 0 : i32
    %dma_start3A_29 = tpu.memref_slice %arg8[%add3A_25, %dma_start3A_28] : memref<10000x128xf32, #tpu.memory_space<vmem_shared>> -> memref<48x128xf32, #tpu.memory_space<vmem_shared>>
    tpu.enqueue_dma source(%arg7 : memref<48x128xf32, #tpu.memory_space<vmem>>) target(%dma_start3A_29 : memref<48x128xf32, #tpu.memory_space<vmem_shared>>) target_semaphore(%arg11 : memref<!tpu.dma_semaphore, #tpu.memory_space<semaphore_mem>>)
    %add3A_30 = arith.constant 144 : i32
    %add3A_31 = arith.addi %mul3A_13, %add3A_30 : i32
    %dma_start3A_32 = arith.constant 0 : i32
    %dma_start3A_33 = tpu.memref_slice %arg8[%add3A_31, %dma_start3A_32] : memref<10000x128xf32, #tpu.memory_space<vmem_shared>> -> memref<48x128xf32, #tpu.memory_space<vmem_shared>>
    %dma_start3A_34 = arith.constant 0 : i32
    %dma_start3A_35 = tpu.memref_slice %arg8[%add3A_31, %dma_start3A_34] : memref<10000x128xf32, #tpu.memory_space<vmem_shared>> -> memref<48x128xf32, #tpu.memory_space<vmem_shared>>
    tpu.enqueue_dma source(%arg7 : memref<48x128xf32, #tpu.memory_space<vmem>>) target(%dma_start3A_35 : memref<48x128xf32, #tpu.memory_space<vmem_shared>>) target_semaphore(%arg11 : memref<!tpu.dma_semaphore, #tpu.memory_space<semaphore_mem>>)
    %add3A_36 = arith.constant 192 : i32
    %add3A_37 = arith.addi %mul3A_13, %add3A_36 : i32
    %dma_start3A_38 = arith.constant 0 : i32
    %dma_start3A_39 = tpu.memref_slice %arg8[%add3A_37, %dma_start3A_38] : memref<10000x128xf32, #tpu.memory_space<vmem_shared>> -> memref<48x128xf32, #tpu.memory_space<vmem_shared>>
    %dma_start3A_40 = arith.constant 0 : i32
    %dma_start3A_41 = tpu.memref_slice %arg8[%add3A_37, %dma_start3A_40] : memref<10000x128xf32, #tpu.memory_space<vmem_shared>> -> memref<48x128xf32, #tpu.memory_space<vmem_shared>>
    tpu.enqueue_dma source(%arg7 : memref<48x128xf32, #tpu.memory_space<vmem>>) target(%dma_start3A_41 : memref<48x128xf32, #tpu.memory_space<vmem_shared>>) target_semaphore(%arg11 : memref<!tpu.dma_semaphore, #tpu.memory_space<semaphore_mem>>)
    %add3A_42 = arith.constant 240 : i32
    %add3A_43 = arith.addi %mul3A_13, %add3A_42 : i32
    %dma_start3A_44 = arith.constant 0 : i32
    %dma_start3A_45 = tpu.memref_slice %arg8[%add3A_43, %dma_start3A_44] : memref<10000x128xf32, #tpu.memory_space<vmem_shared>> -> memref<48x128xf32, #tpu.memory_space<vmem_shared>>
    %dma_start3A_46 = arith.constant 0 : i32
    %dma_start3A_47 = tpu.memref_slice %arg8[%add3A_43, %dma_start3A_46] : memref<10000x128xf32, #tpu.memory_space<vmem_shared>> -> memref<48x128xf32, #tpu.memory_space<vmem_shared>>
    tpu.enqueue_dma source(%arg7 : memref<48x128xf32, #tpu.memory_space<vmem>>) target(%dma_start3A_47 : memref<48x128xf32, #tpu.memory_space<vmem_shared>>) target_semaphore(%arg11 : memref<!tpu.dma_semaphore, #tpu.memory_space<semaphore_mem>>)
    %add3A_48 = arith.constant 288 : i32
    %add3A_49 = arith.addi %mul3A_13, %add3A_48 : i32
    %dma_start3A_50 = arith.constant 0 : i32
    %dma_start3A_51 = tpu.memref_slice %arg8[%add3A_49, %dma_start3A_50] : memref<10000x128xf32, #tpu.memory_space<vmem_shared>> -> memref<48x128xf32, #tpu.memory_space<vmem_shared>>
    %dma_start3A_52 = arith.constant 0 : i32
    %dma_start3A_53 = tpu.memref_slice %arg8[%add3A_49, %dma_start3A_52] : memref<10000x128xf32, #tpu.memory_space<vmem_shared>> -> memref<48x128xf32, #tpu.memory_space<vmem_shared>>
    tpu.enqueue_dma source(%arg7 : memref<48x128xf32, #tpu.memory_space<vmem>>) target(%dma_start3A_53 : memref<48x128xf32, #tpu.memory_space<vmem_shared>>) target_semaphore(%arg11 : memref<!tpu.dma_semaphore, #tpu.memory_space<semaphore_mem>>)
    %add3A_54 = arith.constant 336 : i32
    %add3A_55 = arith.addi %mul3A_13, %add3A_54 : i32
    %dma_start3A_56 = arith.constant 0 : i32
    %dma_start3A_57 = tpu.memref_slice %arg8[%add3A_55, %dma_start3A_56] : memref<10000x128xf32, #tpu.memory_space<vmem_shared>> -> memref<48x128xf32, #tpu.memory_space<vmem_shared>>
    %dma_start3A_58 = arith.constant 0 : i32
    %dma_start3A_59 = tpu.memref_slice %arg8[%add3A_55, %dma_start3A_58] : memref<10000x128xf32, #tpu.memory_space<vmem_shared>> -> memref<48x128xf32, #tpu.memory_space<vmem_shared>>
    tpu.enqueue_dma source(%arg7 : memref<48x128xf32, #tpu.memory_space<vmem>>) target(%dma_start3A_59 : memref<48x128xf32, #tpu.memory_space<vmem_shared>>) target_semaphore(%arg11 : memref<!tpu.dma_semaphore, #tpu.memory_space<semaphore_mem>>)
    %add3A_60 = arith.constant 384 : i32
    %add3A_61 = arith.addi %mul3A_13, %add3A_60 : i32
    %dma_start3A_62 = arith.constant 0 : i32
    %dma_start3A_63 = tpu.memref_slice %arg8[%add3A_61, %dma_start3A_62] : memref<10000x128xf32, #tpu.memory_space<vmem_shared>> -> memref<48x128xf32, #tpu.memory_space<vmem_shared>>
    %dma_start3A_64 = arith.constant 0 : i32
    %dma_start3A_65 = tpu.memref_slice %arg8[%add3A_61, %dma_start3A_64] : memref<10000x128xf32, #tpu.memory_space<vmem_shared>> -> memref<48x128xf32, #tpu.memory_space<vmem_shared>>
    tpu.enqueue_dma source(%arg7 : memref<48x128xf32, #tpu.memory_space<vmem>>) target(%dma_start3A_65 : memref<48x128xf32, #tpu.memory_space<vmem_shared>>) target_semaphore(%arg11 : memref<!tpu.dma_semaphore, #tpu.memory_space<semaphore_mem>>)
    %add3A_66 = arith.constant 432 : i32
    %add3A_67 = arith.addi %mul3A_13, %add3A_66 : i32
    %dma_start3A_68 = arith.constant 0 : i32
    %dma_start3A_69 = tpu.memref_slice %arg8[%add3A_67, %dma_start3A_68] : memref<10000x128xf32, #tpu.memory_space<vmem_shared>> -> memref<48x128xf32, #tpu.memory_space<vmem_shared>>
    %dma_start3A_70 = arith.constant 0 : i32
    %dma_start3A_71 = tpu.memref_slice %arg8[%add3A_67, %dma_start3A_70] : memref<10000x128xf32, #tpu.memory_space<vmem_shared>> -> memref<48x128xf32, #tpu.memory_space<vmem_shared>>
    tpu.enqueue_dma source(%arg7 : memref<48x128xf32, #tpu.memory_space<vmem>>) target(%dma_start3A_71 : memref<48x128xf32, #tpu.memory_space<vmem_shared>>) target_semaphore(%arg11 : memref<!tpu.dma_semaphore, #tpu.memory_space<semaphore_mem>>)
    %add3A_72 = arith.constant 480 : i32
    %add3A_73 = arith.addi %mul3A_13, %add3A_72 : i32
    %dma_start3A_74 = arith.constant 0 : i32
    %dma_start3A_75 = tpu.memref_slice %arg8[%add3A_73, %dma_start3A_74] : memref<10000x128xf32, #tpu.memory_space<vmem_shared>> -> memref<48x128xf32, #tpu.memory_space<vmem_shared>>
    %dma_start3A_76 = arith.constant 0 : i32
    %dma_start3A_77 = tpu.memref_slice %arg8[%add3A_73, %dma_start3A_76] : memref<10000x128xf32, #tpu.memory_space<vmem_shared>> -> memref<48x128xf32, #tpu.memory_space<vmem_shared>>
    tpu.enqueue_dma source(%arg7 : memref<48x128xf32, #tpu.memory_space<vmem>>) target(%dma_start3A_77 : memref<48x128xf32, #tpu.memory_space<vmem_shared>>) target_semaphore(%arg11 : memref<!tpu.dma_semaphore, #tpu.memory_space<semaphore_mem>>)
    %add3A_78 = arith.constant 528 : i32
    %add3A_79 = arith.addi %mul3A_13, %add3A_78 : i32
    %dma_start3A_80 = arith.constant 0 : i32
    %dma_start3A_81 = tpu.memref_slice %arg8[%add3A_79, %dma_start3A_80] : memref<10000x128xf32, #tpu.memory_space<vmem_shared>> -> memref<48x128xf32, #tpu.memory_space<vmem_shared>>
    %dma_start3A_82 = arith.constant 0 : i32
    %dma_start3A_83 = tpu.memref_slice %arg8[%add3A_79, %dma_start3A_82] : memref<10000x128xf32, #tpu.memory_space<vmem_shared>> -> memref<48x128xf32, #tpu.memory_space<vmem_shared>>
    tpu.enqueue_dma source(%arg7 : memref<48x128xf32, #tpu.memory_space<vmem>>) target(%dma_start3A_83 : memref<48x128xf32, #tpu.memory_space<vmem_shared>>) target_semaphore(%arg11 : memref<!tpu.dma_semaphore, #tpu.memory_space<semaphore_mem>>)
    %add3A_84 = arith.constant 576 : i32
    %add3A_85 = arith.addi %mul3A_13, %add3A_84 : i32
    %dma_start3A_86 = arith.constant 0 : i32
    %dma_start3A_87 = tpu.memref_slice %arg8[%add3A_85, %dma_start3A_86] : memref<10000x128xf32, #tpu.memory_space<vmem_shared>> -> memref<48x128xf32, #tpu.memory_space<vmem_shared>>
    %dma_start3A_88 = arith.constant 0 : i32
    %dma_start3A_89 = tpu.memref_slice %arg8[%add3A_85, %dma_start3A_88] : memref<10000x128xf32, #tpu.memory_space<vmem_shared>> -> memref<48x128xf32, #tpu.memory_space<vmem_shared>>
    tpu.enqueue_dma source(%arg7 : memref<48x128xf32, #tpu.memory_space<vmem>>) target(%dma_start3A_89 : memref<48x128xf32, #tpu.memory_space<vmem_shared>>) target_semaphore(%arg11 : memref<!tpu.dma_semaphore, #tpu.memory_space<semaphore_mem>>)
    %eq3A = arith.constant 15 : i32
    %eq3A_90 = arith.cmpi eq, %arg1, %eq3A : i32
    %convert_element_type3A = arith.extui %eq3A_90 : i1 to i32
    %cond3A = arith.constant 0 : i32
    %cond3A_91 = arith.cmpi ne, %convert_element_type3A, %cond3A : i32
    scf.if %cond3A_91 {
      %dma_start3A_204 = arith.constant 0 : i32
      %dma_start3A_205 = arith.constant 0 : i32
      %dma_start3A_206 = tpu.memref_slice %arg7[%dma_start3A_204, %dma_start3A_205] : memref<48x128xf32, #tpu.memory_space<vmem>> -> memref<16x128xf32, #tpu.memory_space<vmem>>
      %dma_start3A_207 = arith.constant 9984 : i32
      %dma_start3A_208 = arith.constant 0 : i32
      %dma_start3A_209 = tpu.memref_slice %arg8[%dma_start3A_207, %dma_start3A_208] : memref<10000x128xf32, #tpu.memory_space<vmem_shared>> -> memref<16x128xf32, #tpu.memory_space<vmem_shared>>
      %dma_start3A_210 = arith.constant 9984 : i32
      %dma_start3A_211 = arith.constant 0 : i32
      %dma_start3A_212 = tpu.memref_slice %arg8[%dma_start3A_210, %dma_start3A_211] : memref<10000x128xf32, #tpu.memory_space<vmem_shared>> -> memref<16x128xf32, #tpu.memory_space<vmem_shared>>
      %dma_start3A_213 = arith.constant 0 : i32
      %dma_start3A_214 = arith.constant 0 : i32
      %dma_start3A_215 = tpu.memref_slice %arg7[%dma_start3A_213, %dma_start3A_214] : memref<48x128xf32, #tpu.memory_space<vmem>> -> memref<16x128xf32, #tpu.memory_space<vmem>>
      tpu.enqueue_dma source(%dma_start3A_215 : memref<16x128xf32, #tpu.memory_space<vmem>>) target(%dma_start3A_212 : memref<16x128xf32, #tpu.memory_space<vmem_shared>>) target_semaphore(%arg11 : memref<!tpu.dma_semaphore, #tpu.memory_space<semaphore_mem>>)
    } else {
    }
    %mul3A_92 = arith.constant 16 : i32
    %mul3A_93 = arith.muli %arg0, %mul3A_92 : i32
    %add3A_94 = arith.addi %mul3A_93, %arg1 : i32
    %mul3A_95 = arith.constant 5000 : i32
    %mul3A_96 = arith.muli %add3A_94, %mul3A_95 : i32
    %add3A_97 = arith.constant 0 : i32
    %add3A_98 = arith.addi %mul3A_96, %add3A_97 : i32
    "tpu.region"() ({
      %run_scoped3A = tpu.sem_alloc : memref<!tpu.dma_semaphore, #tpu.memory_space<semaphore_mem>>
      %dma_start3A_204 = tpu.memref_slice %arg2[%add3A_98] : memref<160000xi32, #tpu.memory_space<hbm>> -> memref<128xi32, #tpu.memory_space<hbm>>
      %dma_start3A_205 = tpu.memref_slice %arg2[%add3A_98] : memref<160000xi32, #tpu.memory_space<hbm>> -> memref<128xi32, #tpu.memory_space<hbm>>
      tpu.enqueue_dma source(%dma_start3A_205 : memref<128xi32, #tpu.memory_space<hbm>>) target(%arg4 : memref<128xi32, #tpu.memory_space<vmem>>) target_semaphore(%run_scoped3A : memref<!tpu.dma_semaphore, #tpu.memory_space<semaphore_mem>>)
      %dma_wait3A_206 = tpu.memref_slice %arg2[%add3A_98] : memref<160000xi32, #tpu.memory_space<hbm>> -> memref<128xi32, #tpu.memory_space<hbm>>
      %dma_wait3A_207 = tpu.memref_slice %arg2[%add3A_98] : memref<160000xi32, #tpu.memory_space<hbm>> -> memref<128xi32, #tpu.memory_space<hbm>>
      tpu.wait_dma2 semaphore(%run_scoped3A : memref<!tpu.dma_semaphore, #tpu.memory_space<semaphore_mem>>) src(%dma_wait3A_207 : memref<128xi32, #tpu.memory_space<hbm>>) dst(%arg4 : memref<128xi32, #tpu.memory_space<vmem>>)
      tpu.yield
    }) : () -> ()
    %add3A_99 = arith.constant 0 : i32
    %add3A_100 = arith.addi %mul3A_13, %add3A_99 : i32
    %dma_wait3A = arith.constant 0 : i32
    %dma_wait3A_101 = tpu.memref_slice %arg8[%add3A_100, %dma_wait3A] : memref<10000x128xf32, #tpu.memory_space<vmem_shared>> -> memref<48x128xf32, #tpu.memory_space<vmem_shared>>
    %dma_wait3A_102 = arith.constant 0 : i32
    %dma_wait3A_103 = tpu.memref_slice %arg8[%add3A_100, %dma_wait3A_102] : memref<10000x128xf32, #tpu.memory_space<vmem_shared>> -> memref<48x128xf32, #tpu.memory_space<vmem_shared>>
    tpu.wait_dma2 semaphore(%arg11 : memref<!tpu.dma_semaphore, #tpu.memory_space<semaphore_mem>>) src(%arg7 : memref<48x128xf32, #tpu.memory_space<vmem>>) dst(%dma_wait3A_103 : memref<48x128xf32, #tpu.memory_space<vmem_shared>>)
    %add3A_104 = arith.constant 48 : i32
    %add3A_105 = arith.addi %mul3A_13, %add3A_104 : i32
    %dma_wait3A_106 = arith.constant 0 : i32
    %dma_wait3A_107 = tpu.memref_slice %arg8[%add3A_105, %dma_wait3A_106] : memref<10000x128xf32, #tpu.memory_space<vmem_shared>> -> memref<48x128xf32, #tpu.memory_space<vmem_shared>>
    %dma_wait3A_108 = arith.constant 0 : i32
    %dma_wait3A_109 = tpu.memref_slice %arg8[%add3A_105, %dma_wait3A_108] : memref<10000x128xf32, #tpu.memory_space<vmem_shared>> -> memref<48x128xf32, #tpu.memory_space<vmem_shared>>
    tpu.wait_dma2 semaphore(%arg11 : memref<!tpu.dma_semaphore, #tpu.memory_space<semaphore_mem>>) src(%arg7 : memref<48x128xf32, #tpu.memory_space<vmem>>) dst(%dma_wait3A_109 : memref<48x128xf32, #tpu.memory_space<vmem_shared>>)
    %add3A_110 = arith.constant 96 : i32
    %add3A_111 = arith.addi %mul3A_13, %add3A_110 : i32
    %dma_wait3A_112 = arith.constant 0 : i32
    %dma_wait3A_113 = tpu.memref_slice %arg8[%add3A_111, %dma_wait3A_112] : memref<10000x128xf32, #tpu.memory_space<vmem_shared>> -> memref<48x128xf32, #tpu.memory_space<vmem_shared>>
    %dma_wait3A_114 = arith.constant 0 : i32
    %dma_wait3A_115 = tpu.memref_slice %arg8[%add3A_111, %dma_wait3A_114] : memref<10000x128xf32, #tpu.memory_space<vmem_shared>> -> memref<48x128xf32, #tpu.memory_space<vmem_shared>>
    tpu.wait_dma2 semaphore(%arg11 : memref<!tpu.dma_semaphore, #tpu.memory_space<semaphore_mem>>) src(%arg7 : memref<48x128xf32, #tpu.memory_space<vmem>>) dst(%dma_wait3A_115 : memref<48x128xf32, #tpu.memory_space<vmem_shared>>)
    %add3A_116 = arith.constant 144 : i32
    %add3A_117 = arith.addi %mul3A_13, %add3A_116 : i32
    %dma_wait3A_118 = arith.constant 0 : i32
    %dma_wait3A_119 = tpu.memref_slice %arg8[%add3A_117, %dma_wait3A_118] : memref<10000x128xf32, #tpu.memory_space<vmem_shared>> -> memref<48x128xf32, #tpu.memory_space<vmem_shared>>
    %dma_wait3A_120 = arith.constant 0 : i32
    %dma_wait3A_121 = tpu.memref_slice %arg8[%add3A_117, %dma_wait3A_120] : memref<10000x128xf32, #tpu.memory_space<vmem_shared>> -> memref<48x128xf32, #tpu.memory_space<vmem_shared>>
    tpu.wait_dma2 semaphore(%arg11 : memref<!tpu.dma_semaphore, #tpu.memory_space<semaphore_mem>>) src(%arg7 : memref<48x128xf32, #tpu.memory_space<vmem>>) dst(%dma_wait3A_121 : memref<48x128xf32, #tpu.memory_space<vmem_shared>>)
    %add3A_122 = arith.constant 192 : i32
    %add3A_123 = arith.addi %mul3A_13, %add3A_122 : i32
    %dma_wait3A_124 = arith.constant 0 : i32
    %dma_wait3A_125 = tpu.memref_slice %arg8[%add3A_123, %dma_wait3A_124] : memref<10000x128xf32, #tpu.memory_space<vmem_shared>> -> memref<48x128xf32, #tpu.memory_space<vmem_shared>>
    %dma_wait3A_126 = arith.constant 0 : i32
    %dma_wait3A_127 = tpu.memref_slice %arg8[%add3A_123, %dma_wait3A_126] : memref<10000x128xf32, #tpu.memory_space<vmem_shared>> -> memref<48x128xf32, #tpu.memory_space<vmem_shared>>
    tpu.wait_dma2 semaphore(%arg11 : memref<!tpu.dma_semaphore, #tpu.memory_space<semaphore_mem>>) src(%arg7 : memref<48x128xf32, #tpu.memory_space<vmem>>) dst(%dma_wait3A_127 : memref<48x128xf32, #tpu.memory_space<vmem_shared>>)
    %add3A_128 = arith.constant 240 : i32
    %add3A_129 = arith.addi %mul3A_13, %add3A_128 : i32
    %dma_wait3A_130 = arith.constant 0 : i32
    %dma_wait3A_131 = tpu.memref_slice %arg8[%add3A_129, %dma_wait3A_130] : memref<10000x128xf32, #tpu.memory_space<vmem_shared>> -> memref<48x128xf32, #tpu.memory_space<vmem_shared>>
    %dma_wait3A_132 = arith.constant 0 : i32
    %dma_wait3A_133 = tpu.memref_slice %arg8[%add3A_129, %dma_wait3A_132] : memref<10000x128xf32, #tpu.memory_space<vmem_shared>> -> memref<48x128xf32, #tpu.memory_space<vmem_shared>>
    tpu.wait_dma2 semaphore(%arg11 : memref<!tpu.dma_semaphore, #tpu.memory_space<semaphore_mem>>) src(%arg7 : memref<48x128xf32, #tpu.memory_space<vmem>>) dst(%dma_wait3A_133 : memref<48x128xf32, #tpu.memory_space<vmem_shared>>)
    %add3A_134 = arith.constant 288 : i32
    %add3A_135 = arith.addi %mul3A_13, %add3A_134 : i32
    %dma_wait3A_136 = arith.constant 0 : i32
    %dma_wait3A_137 = tpu.memref_slice %arg8[%add3A_135, %dma_wait3A_136] : memref<10000x128xf32, #tpu.memory_space<vmem_shared>> -> memref<48x128xf32, #tpu.memory_space<vmem_shared>>
    %dma_wait3A_138 = arith.constant 0 : i32
    %dma_wait3A_139 = tpu.memref_slice %arg8[%add3A_135, %dma_wait3A_138] : memref<10000x128xf32, #tpu.memory_space<vmem_shared>> -> memref<48x128xf32, #tpu.memory_space<vmem_shared>>
    tpu.wait_dma2 semaphore(%arg11 : memref<!tpu.dma_semaphore, #tpu.memory_space<semaphore_mem>>) src(%arg7 : memref<48x128xf32, #tpu.memory_space<vmem>>) dst(%dma_wait3A_139 : memref<48x128xf32, #tpu.memory_space<vmem_shared>>)
    %add3A_140 = arith.constant 336 : i32
    %add3A_141 = arith.addi %mul3A_13, %add3A_140 : i32
    %dma_wait3A_142 = arith.constant 0 : i32
    %dma_wait3A_143 = tpu.memref_slice %arg8[%add3A_141, %dma_wait3A_142] : memref<10000x128xf32, #tpu.memory_space<vmem_shared>> -> memref<48x128xf32, #tpu.memory_space<vmem_shared>>
    %dma_wait3A_144 = arith.constant 0 : i32
    %dma_wait3A_145 = tpu.memref_slice %arg8[%add3A_141, %dma_wait3A_144] : memref<10000x128xf32, #tpu.memory_space<vmem_shared>> -> memref<48x128xf32, #tpu.memory_space<vmem_shared>>
    tpu.wait_dma2 semaphore(%arg11 : memref<!tpu.dma_semaphore, #tpu.memory_space<semaphore_mem>>) src(%arg7 : memref<48x128xf32, #tpu.memory_space<vmem>>) dst(%dma_wait3A_145 : memref<48x128xf32, #tpu.memory_space<vmem_shared>>)
    %add3A_146 = arith.constant 384 : i32
    %add3A_147 = arith.addi %mul3A_13, %add3A_146 : i32
    %dma_wait3A_148 = arith.constant 0 : i32
    %dma_wait3A_149 = tpu.memref_slice %arg8[%add3A_147, %dma_wait3A_148] : memref<10000x128xf32, #tpu.memory_space<vmem_shared>> -> memref<48x128xf32, #tpu.memory_space<vmem_shared>>
    %dma_wait3A_150 = arith.constant 0 : i32
    %dma_wait3A_151 = tpu.memref_slice %arg8[%add3A_147, %dma_wait3A_150] : memref<10000x128xf32, #tpu.memory_space<vmem_shared>> -> memref<48x128xf32, #tpu.memory_space<vmem_shared>>
    tpu.wait_dma2 semaphore(%arg11 : memref<!tpu.dma_semaphore, #tpu.memory_space<semaphore_mem>>) src(%arg7 : memref<48x128xf32, #tpu.memory_space<vmem>>) dst(%dma_wait3A_151 : memref<48x128xf32, #tpu.memory_space<vmem_shared>>)
    %add3A_152 = arith.constant 432 : i32
    %add3A_153 = arith.addi %mul3A_13, %add3A_152 : i32
    %dma_wait3A_154 = arith.constant 0 : i32
    %dma_wait3A_155 = tpu.memref_slice %arg8[%add3A_153, %dma_wait3A_154] : memref<10000x128xf32, #tpu.memory_space<vmem_shared>> -> memref<48x128xf32, #tpu.memory_space<vmem_shared>>
    %dma_wait3A_156 = arith.constant 0 : i32
    %dma_wait3A_157 = tpu.memref_slice %arg8[%add3A_153, %dma_wait3A_156] : memref<10000x128xf32, #tpu.memory_space<vmem_shared>> -> memref<48x128xf32, #tpu.memory_space<vmem_shared>>
    tpu.wait_dma2 semaphore(%arg11 : memref<!tpu.dma_semaphore, #tpu.memory_space<semaphore_mem>>) src(%arg7 : memref<48x128xf32, #tpu.memory_space<vmem>>) dst(%dma_wait3A_157 : memref<48x128xf32, #tpu.memory_space<vmem_shared>>)
    %add3A_158 = arith.constant 480 : i32
    %add3A_159 = arith.addi %mul3A_13, %add3A_158 : i32
    %dma_wait3A_160 = arith.constant 0 : i32
    %dma_wait3A_161 = tpu.memref_slice %arg8[%add3A_159, %dma_wait3A_160] : memref<10000x128xf32, #tpu.memory_space<vmem_shared>> -> memref<48x128xf32, #tpu.memory_space<vmem_shared>>
    %dma_wait3A_162 = arith.constant 0 : i32
    %dma_wait3A_163 = tpu.memref_slice %arg8[%add3A_159, %dma_wait3A_162] : memref<10000x128xf32, #tpu.memory_space<vmem_shared>> -> memref<48x128xf32, #tpu.memory_space<vmem_shared>>
    tpu.wait_dma2 semaphore(%arg11 : memref<!tpu.dma_semaphore, #tpu.memory_space<semaphore_mem>>) src(%arg7 : memref<48x128xf32, #tpu.memory_space<vmem>>) dst(%dma_wait3A_163 : memref<48x128xf32, #tpu.memory_space<vmem_shared>>)
    %add3A_164 = arith.constant 528 : i32
    %add3A_165 = arith.addi %mul3A_13, %add3A_164 : i32
    %dma_wait3A_166 = arith.constant 0 : i32
    %dma_wait3A_167 = tpu.memref_slice %arg8[%add3A_165, %dma_wait3A_166] : memref<10000x128xf32, #tpu.memory_space<vmem_shared>> -> memref<48x128xf32, #tpu.memory_space<vmem_shared>>
    %dma_wait3A_168 = arith.constant 0 : i32
    %dma_wait3A_169 = tpu.memref_slice %arg8[%add3A_165, %dma_wait3A_168] : memref<10000x128xf32, #tpu.memory_space<vmem_shared>> -> memref<48x128xf32, #tpu.memory_space<vmem_shared>>
    tpu.wait_dma2 semaphore(%arg11 : memref<!tpu.dma_semaphore, #tpu.memory_space<semaphore_mem>>) src(%arg7 : memref<48x128xf32, #tpu.memory_space<vmem>>) dst(%dma_wait3A_169 : memref<48x128xf32, #tpu.memory_space<vmem_shared>>)
    %add3A_170 = arith.constant 576 : i32
    %add3A_171 = arith.addi %mul3A_13, %add3A_170 : i32
    %dma_wait3A_172 = arith.constant 0 : i32
    %dma_wait3A_173 = tpu.memref_slice %arg8[%add3A_171, %dma_wait3A_172] : memref<10000x128xf32, #tpu.memory_space<vmem_shared>> -> memref<48x128xf32, #tpu.memory_space<vmem_shared>>
    %dma_wait3A_174 = arith.constant 0 : i32
    %dma_wait3A_175 = tpu.memref_slice %arg8[%add3A_171, %dma_wait3A_174] : memref<10000x128xf32, #tpu.memory_space<vmem_shared>> -> memref<48x128xf32, #tpu.memory_space<vmem_shared>>
    tpu.wait_dma2 semaphore(%arg11 : memref<!tpu.dma_semaphore, #tpu.memory_space<semaphore_mem>>) src(%arg7 : memref<48x128xf32, #tpu.memory_space<vmem>>) dst(%dma_wait3A_175 : memref<48x128xf32, #tpu.memory_space<vmem_shared>>)
    %eq3A_176 = arith.constant 15 : i32
    %eq3A_177 = arith.cmpi eq, %arg1, %eq3A_176 : i32
    %convert_element_type3A_178 = arith.extui %eq3A_177 : i1 to i32
    %cond3A_179 = arith.constant 0 : i32
    %cond3A_180 = arith.cmpi ne, %convert_element_type3A_178, %cond3A_179 : i32
    scf.if %cond3A_180 {
      %dma_wait3A_204 = arith.constant 0 : i32
      %dma_wait3A_205 = arith.constant 0 : i32
      %dma_wait3A_206 = tpu.memref_slice %arg7[%dma_wait3A_204, %dma_wait3A_205] : memref<48x128xf32, #tpu.memory_space<vmem>> -> memref<16x128xf32, #tpu.memory_space<vmem>>
      %dma_wait3A_207 = arith.constant 9984 : i32
      %dma_wait3A_208 = arith.constant 0 : i32
      %dma_wait3A_209 = tpu.memref_slice %arg8[%dma_wait3A_207, %dma_wait3A_208] : memref<10000x128xf32, #tpu.memory_space<vmem_shared>> -> memref<16x128xf32, #tpu.memory_space<vmem_shared>>
      %dma_wait3A_210 = arith.constant 9984 : i32
      %dma_wait3A_211 = arith.constant 0 : i32
      %dma_wait3A_212 = tpu.memref_slice %arg8[%dma_wait3A_210, %dma_wait3A_211] : memref<10000x128xf32, #tpu.memory_space<vmem_shared>> -> memref<16x128xf32, #tpu.memory_space<vmem_shared>>
      %dma_wait3A_213 = arith.constant 0 : i32
      %dma_wait3A_214 = arith.constant 0 : i32
      %dma_wait3A_215 = tpu.memref_slice %arg7[%dma_wait3A_213, %dma_wait3A_214] : memref<48x128xf32, #tpu.memory_space<vmem>> -> memref<16x128xf32, #tpu.memory_space<vmem>>
      tpu.wait_dma2 semaphore(%arg11 : memref<!tpu.dma_semaphore, #tpu.memory_space<semaphore_mem>>) src(%dma_wait3A_215 : memref<16x128xf32, #tpu.memory_space<vmem>>) dst(%dma_wait3A_212 : memref<16x128xf32, #tpu.memory_space<vmem_shared>>)
    } else {
    }
    %barrier3A = arith.constant 0 : index
    tpu.barrier barrier_id(%barrier3A)
    %dma_start3A_181 = arith.constant 0 : i32
    %dma_start3A_182 = arith.constant 0 : i32
    %dma_start3A_183 = tpu.memref_slice %arg8[%dma_start3A_181, %dma_start3A_182] : memref<10000x128xf32, #tpu.memory_space<vmem_shared>> -> memref<10000x128xf32, #tpu.memory_space<vmem_shared>>
    tpu.enqueue_indirect_dma source(%arg6 : memref<128x128xf32, #tpu.memory_space<vmem>>) target(%dma_start3A_183 : memref<10000x128xf32, #tpu.memory_space<vmem_shared>>) offsets(%arg4 : memref<128xi32, #tpu.memory_space<vmem>>) semaphore(%arg9 : memref<!tpu.dma_semaphore, #tpu.memory_space<semaphore_mem>>) {add = true}
    %add3A_184 = arith.constant 128 : i32
    %add3A_185 = arith.addi %mul3A_96, %add3A_184 : i32
    "tpu.region"() ({
      %run_scoped3A = tpu.sem_alloc : memref<!tpu.dma_semaphore, #tpu.memory_space<semaphore_mem>>
      %dma_start3A_204 = tpu.memref_slice %arg2[%add3A_185] : memref<160000xi32, #tpu.memory_space<hbm>> -> memref<128xi32, #tpu.memory_space<hbm>>
      %dma_start3A_205 = tpu.memref_slice %arg2[%add3A_185] : memref<160000xi32, #tpu.memory_space<hbm>> -> memref<128xi32, #tpu.memory_space<hbm>>
      tpu.enqueue_dma source(%dma_start3A_205 : memref<128xi32, #tpu.memory_space<hbm>>) target(%arg5 : memref<128xi32, #tpu.memory_space<vmem>>) target_semaphore(%run_scoped3A : memref<!tpu.dma_semaphore, #tpu.memory_space<semaphore_mem>>)
      %dma_wait3A_206 = tpu.memref_slice %arg2[%add3A_185] : memref<160000xi32, #tpu.memory_space<hbm>> -> memref<128xi32, #tpu.memory_space<hbm>>
      %dma_wait3A_207 = tpu.memref_slice %arg2[%add3A_185] : memref<160000xi32, #tpu.memory_space<hbm>> -> memref<128xi32, #tpu.memory_space<hbm>>
      tpu.wait_dma2 semaphore(%run_scoped3A : memref<!tpu.dma_semaphore, #tpu.memory_space<semaphore_mem>>) src(%dma_wait3A_207 : memref<128xi32, #tpu.memory_space<hbm>>) dst(%arg5 : memref<128xi32, #tpu.memory_space<vmem>>)
      tpu.yield
    }) : () -> ()
    %scan3A_186 = arith.constant 0 : i32
    %scan3A_187 = arith.constant 0 : i32
    %scan3A_188 = arith.constant 19 : i32
    %scan3A_189 = arith.addi %scan3A_187, %scan3A_188 : i32
    %scan3A_190 = arith.constant 1 : i32
    %scan3A_191 = scf.for %scan3A_204 = %scan3A_187 to %scan3A_189 step %scan3A_190 iter_args(%scan3A_205 = %scan3A_186) -> (i32)  : i32 {
      %mul3A_206 = arith.constant 2 : i32
      %mul3A_207 = arith.muli %mul3A_206, %scan3A_204 : i32
      %add3A_208 = arith.constant 1 : i32
      %add3A_209 = arith.addi %mul3A_207, %add3A_208 : i32
      %dma_wait3A_210 = arith.constant 0 : i32
      %dma_wait3A_211 = arith.constant 0 : i32
      %dma_wait3A_212 = tpu.memref_slice %arg8[%dma_wait3A_210, %dma_wait3A_211] : memref<10000x128xf32, #tpu.memory_space<vmem_shared>> -> memref<10000x128xf32, #tpu.memory_space<vmem_shared>>
      tpu.wait_indirect_dma semaphore(%arg9 : memref<!tpu.dma_semaphore, #tpu.memory_space<semaphore_mem>>) src(%arg6 : memref<128x128xf32, #tpu.memory_space<vmem>>) dst(%dma_wait3A_212 : memref<10000x128xf32, #tpu.memory_space<vmem_shared>>)
      %dma_start3A_213 = arith.constant 0 : i32
      %dma_start3A_214 = arith.constant 0 : i32
      %dma_start3A_215 = tpu.memref_slice %arg8[%dma_start3A_213, %dma_start3A_214] : memref<10000x128xf32, #tpu.memory_space<vmem_shared>> -> memref<10000x128xf32, #tpu.memory_space<vmem_shared>>
      tpu.enqueue_indirect_dma source(%arg6 : memref<128x128xf32, #tpu.memory_space<vmem>>) target(%dma_start3A_215 : memref<10000x128xf32, #tpu.memory_space<vmem_shared>>) offsets(%arg5 : memref<128xi32, #tpu.memory_space<vmem>>) semaphore(%arg10 : memref<!tpu.dma_semaphore, #tpu.memory_space<semaphore_mem>>) {add = true}
      %lt3A = arith.constant 38 : i32
      %lt3A_216 = arith.cmpi slt, %add3A_209, %lt3A : i32
      %convert_element_type3A_217 = arith.extui %lt3A_216 : i1 to i32
      %cond3A_218 = arith.constant 0 : i32
      %cond3A_219 = arith.cmpi ne, %convert_element_type3A_217, %cond3A_218 : i32
      scf.if %cond3A_219 {
        %add3A_236 = arith.constant 1 : i32
        %add3A_237 = arith.addi %add3A_209, %add3A_236 : i32
        %mul3A_238 = arith.constant 128 : i32
        %mul3A_239 = arith.muli %add3A_237, %mul3A_238 : i32
        %add3A_240 = arith.addi %mul3A_96, %mul3A_239 : i32
        "tpu.region"() ({
          %run_scoped3A = tpu.sem_alloc : memref<!tpu.dma_semaphore, #tpu.memory_space<semaphore_mem>>
          %dma_start3A_241 = tpu.memref_slice %arg2[%add3A_240] : memref<160000xi32, #tpu.memory_space<hbm>> -> memref<128xi32, #tpu.memory_space<hbm>>
          %dma_start3A_242 = tpu.memref_slice %arg2[%add3A_240] : memref<160000xi32, #tpu.memory_space<hbm>> -> memref<128xi32, #tpu.memory_space<hbm>>
          tpu.enqueue_dma source(%dma_start3A_242 : memref<128xi32, #tpu.memory_space<hbm>>) target(%arg4 : memref<128xi32, #tpu.memory_space<vmem>>) target_semaphore(%run_scoped3A : memref<!tpu.dma_semaphore, #tpu.memory_space<semaphore_mem>>)
          %dma_wait3A_243 = tpu.memref_slice %arg2[%add3A_240] : memref<160000xi32, #tpu.memory_space<hbm>> -> memref<128xi32, #tpu.memory_space<hbm>>
          %dma_wait3A_244 = tpu.memref_slice %arg2[%add3A_240] : memref<160000xi32, #tpu.memory_space<hbm>> -> memref<128xi32, #tpu.memory_space<hbm>>
          tpu.wait_dma2 semaphore(%run_scoped3A : memref<!tpu.dma_semaphore, #tpu.memory_space<semaphore_mem>>) src(%dma_wait3A_244 : memref<128xi32, #tpu.memory_space<hbm>>) dst(%arg4 : memref<128xi32, #tpu.memory_space<vmem>>)
          tpu.yield
        }) : () -> ()
      } else {
      }
      %mul3A_220 = arith.constant 2 : i32
      %mul3A_221 = arith.muli %mul3A_220, %scan3A_204 : i32
      %add3A_222 = arith.constant 2 : i32
      %add3A_223 = arith.addi %mul3A_221, %add3A_222 : i32
      %dma_wait3A_224 = arith.constant 0 : i32
      %dma_wait3A_225 = arith.constant 0 : i32
      %dma_wait3A_226 = tpu.memref_slice %arg8[%dma_wait3A_224, %dma_wait3A_225] : memref<10000x128xf32, #tpu.memory_space<vmem_shared>> -> memref<10000x128xf32, #tpu.memory_space<vmem_shared>>
      tpu.wait_indirect_dma semaphore(%arg10 : memref<!tpu.dma_semaphore, #tpu.memory_space<semaphore_mem>>) src(%arg6 : memref<128x128xf32, #tpu.memory_space<vmem>>) dst(%dma_wait3A_226 : memref<10000x128xf32, #tpu.memory_space<vmem_shared>>)
      %dma_start3A_227 = arith.constant 0 : i32
      %dma_start3A_228 = arith.constant 0 : i32
      %dma_start3A_229 = tpu.memref_slice %arg8[%dma_start3A_227, %dma_start3A_228] : memref<10000x128xf32, #tpu.memory_space<vmem_shared>> -> memref<10000x128xf32, #tpu.memory_space<vmem_shared>>
      tpu.enqueue_indirect_dma source(%arg6 : memref<128x128xf32, #tpu.memory_space<vmem>>) target(%dma_start3A_229 : memref<10000x128xf32, #tpu.memory_space<vmem_shared>>) offsets(%arg4 : memref<128xi32, #tpu.memory_space<vmem>>) semaphore(%arg9 : memref<!tpu.dma_semaphore, #tpu.memory_space<semaphore_mem>>) {add = true}
      %lt3A_230 = arith.constant 38 : i32
      %lt3A_231 = arith.cmpi slt, %add3A_223, %lt3A_230 : i32
      %convert_element_type3A_232 = arith.extui %lt3A_231 : i1 to i32
      %cond3A_233 = arith.constant 0 : i32
      %cond3A_234 = arith.cmpi ne, %convert_element_type3A_232, %cond3A_233 : i32
      scf.if %cond3A_234 {
        %add3A_236 = arith.constant 1 : i32
        %add3A_237 = arith.addi %add3A_223, %add3A_236 : i32
        %mul3A_238 = arith.constant 128 : i32
        %mul3A_239 = arith.muli %add3A_237, %mul3A_238 : i32
        %add3A_240 = arith.addi %mul3A_96, %mul3A_239 : i32
        "tpu.region"() ({
          %run_scoped3A = tpu.sem_alloc : memref<!tpu.dma_semaphore, #tpu.memory_space<semaphore_mem>>
          %dma_start3A_241 = tpu.memref_slice %arg2[%add3A_240] : memref<160000xi32, #tpu.memory_space<hbm>> -> memref<128xi32, #tpu.memory_space<hbm>>
          %dma_start3A_242 = tpu.memref_slice %arg2[%add3A_240] : memref<160000xi32, #tpu.memory_space<hbm>> -> memref<128xi32, #tpu.memory_space<hbm>>
          tpu.enqueue_dma source(%dma_start3A_242 : memref<128xi32, #tpu.memory_space<hbm>>) target(%arg5 : memref<128xi32, #tpu.memory_space<vmem>>) target_semaphore(%run_scoped3A : memref<!tpu.dma_semaphore, #tpu.memory_space<semaphore_mem>>)
          %dma_wait3A_243 = tpu.memref_slice %arg2[%add3A_240] : memref<160000xi32, #tpu.memory_space<hbm>> -> memref<128xi32, #tpu.memory_space<hbm>>
          %dma_wait3A_244 = tpu.memref_slice %arg2[%add3A_240] : memref<160000xi32, #tpu.memory_space<hbm>> -> memref<128xi32, #tpu.memory_space<hbm>>
          tpu.wait_dma2 semaphore(%run_scoped3A : memref<!tpu.dma_semaphore, #tpu.memory_space<semaphore_mem>>) src(%dma_wait3A_244 : memref<128xi32, #tpu.memory_space<hbm>>) dst(%arg5 : memref<128xi32, #tpu.memory_space<vmem>>)
          tpu.yield
        }) : () -> ()
      } else {
      }
      %scan3A_235 = arith.constant 0 : i32
      scf.yield %scan3A_235 : i32
    }
    %scan3A_192 = arith.constant 19 : i32
    %dma_wait3A_193 = arith.constant 0 : i32
    %dma_wait3A_194 = arith.constant 0 : i32
    %dma_wait3A_195 = tpu.memref_slice %arg8[%dma_wait3A_193, %dma_wait3A_194] : memref<10000x128xf32, #tpu.memory_space<vmem_shared>> -> memref<10000x128xf32, #tpu.memory_space<vmem_shared>>
    tpu.wait_indirect_dma semaphore(%arg9 : memref<!tpu.dma_semaphore, #tpu.memory_space<semaphore_mem>>) src(%arg6 : memref<128x128xf32, #tpu.memory_space<vmem>>) dst(%dma_wait3A_195 : memref<10000x128xf32, #tpu.memory_space<vmem_shared>>)
    %add3A_196 = arith.constant 4992 : i32
    %add3A_197 = arith.addi %mul3A_96, %add3A_196 : i32
    "tpu.region"() ({
      %run_scoped3A = tpu.sem_alloc : memref<!tpu.dma_semaphore, #tpu.memory_space<semaphore_mem>>
      %dma_start3A_204 = tpu.memref_slice %arg2[%add3A_197] : memref<160000xi32, #tpu.memory_space<hbm>> -> memref<8xi32, #tpu.memory_space<hbm>>
      %dma_start3A_205 = tpu.memref_slice %arg2[%add3A_197] : memref<160000xi32, #tpu.memory_space<hbm>> -> memref<8xi32, #tpu.memory_space<hbm>>
      tpu.enqueue_dma source(%dma_start3A_205 : memref<8xi32, #tpu.memory_space<hbm>>) target(%arg12 : memref<8xi32, #tpu.memory_space<vmem>>) target_semaphore(%run_scoped3A : memref<!tpu.dma_semaphore, #tpu.memory_space<semaphore_mem>>)
      %dma_wait3A_206 = tpu.memref_slice %arg2[%add3A_197] : memref<160000xi32, #tpu.memory_space<hbm>> -> memref<8xi32, #tpu.memory_space<hbm>>
      %dma_wait3A_207 = tpu.memref_slice %arg2[%add3A_197] : memref<160000xi32, #tpu.memory_space<hbm>> -> memref<8xi32, #tpu.memory_space<hbm>>
      tpu.wait_dma2 semaphore(%run_scoped3A : memref<!tpu.dma_semaphore, #tpu.memory_space<semaphore_mem>>) src(%dma_wait3A_207 : memref<8xi32, #tpu.memory_space<hbm>>) dst(%arg12 : memref<8xi32, #tpu.memory_space<vmem>>)
      tpu.yield
    }) : () -> ()
    "tpu.region"() ({
      %run_scoped3A = tpu.sem_alloc : memref<!tpu.dma_semaphore, #tpu.memory_space<semaphore_mem>>
      %dma_start3A_204 = arith.constant 0 : i32
      %dma_start3A_205 = arith.constant 0 : i32
      %dma_start3A_206 = tpu.memref_slice %arg6[%dma_start3A_204, %dma_start3A_205] : memref<128x128xf32, #tpu.memory_space<vmem>> -> memref<8x128xf32, #tpu.memory_space<vmem>>
      %dma_start3A_207 = arith.constant 0 : i32
      %dma_start3A_208 = arith.constant 0 : i32
      %dma_start3A_209 = tpu.memref_slice %arg8[%dma_start3A_207, %dma_start3A_208] : memref<10000x128xf32, #tpu.memory_space<vmem_shared>> -> memref<10000x128xf32, #tpu.memory_space<vmem_shared>>
      tpu.enqueue_indirect_dma source(%dma_start3A_206 : memref<8x128xf32, #tpu.memory_space<vmem>>) target(%dma_start3A_209 : memref<10000x128xf32, #tpu.memory_space<vmem_shared>>) offsets(%arg12 : memref<8xi32, #tpu.memory_space<vmem>>) semaphore(%run_scoped3A : memref<!tpu.dma_semaphore, #tpu.memory_space<semaphore_mem>>) {add = true}
      %dma_wait3A_210 = arith.constant 0 : i32
      %dma_wait3A_211 = arith.constant 0 : i32
      %dma_wait3A_212 = tpu.memref_slice %arg6[%dma_wait3A_210, %dma_wait3A_211] : memref<128x128xf32, #tpu.memory_space<vmem>> -> memref<8x128xf32, #tpu.memory_space<vmem>>
      %dma_wait3A_213 = arith.constant 0 : i32
      %dma_wait3A_214 = arith.constant 0 : i32
      %dma_wait3A_215 = tpu.memref_slice %arg8[%dma_wait3A_213, %dma_wait3A_214] : memref<10000x128xf32, #tpu.memory_space<vmem_shared>> -> memref<10000x128xf32, #tpu.memory_space<vmem_shared>>
      tpu.wait_indirect_dma semaphore(%run_scoped3A : memref<!tpu.dma_semaphore, #tpu.memory_space<semaphore_mem>>) src(%dma_wait3A_212 : memref<8x128xf32, #tpu.memory_space<vmem>>) dst(%dma_wait3A_215 : memref<10000x128xf32, #tpu.memory_space<vmem_shared>>)
      tpu.yield
    }) : () -> ()
    %barrier3A_198 = arith.constant 0 : index
    tpu.barrier barrier_id(%barrier3A_198)
    "tpu.region"() ({
      %run_scoped3A = tpu.sem_alloc : memref<!tpu.dma_semaphore, #tpu.memory_space<semaphore_mem>>
      %dma_start3A_204 = arith.constant 0 : i32
      %dma_start3A_205 = tpu.memref_slice %arg3[%arg0, %mul3A_13, %dma_start3A_204] : memref<2x10000x128xf32, #tpu.memory_space<hbm>> -> memref<1x624x128xf32, #tpu.memory_space<hbm>>
      %dma_start3A_206 = tpu.memref_squeeze %dma_start3A_205 : memref<1x624x128xf32, #tpu.memory_space<hbm>> -> memref<624x128xf32, #tpu.memory_space<hbm>>
      %dma_start3A_207 = arith.constant 0 : i32
      %dma_start3A_208 = tpu.memref_slice %arg8[%mul3A_13, %dma_start3A_207] : memref<10000x128xf32, #tpu.memory_space<vmem_shared>> -> memref<624x128xf32, #tpu.memory_space<vmem_shared>>
      tpu.enqueue_dma source(%dma_start3A_208 : memref<624x128xf32, #tpu.memory_space<vmem_shared>>) target(%dma_start3A_206 : memref<624x128xf32, #tpu.memory_space<hbm>>) target_semaphore(%run_scoped3A : memref<!tpu.dma_semaphore, #tpu.memory_space<semaphore_mem>>)
      %dma_wait3A_209 = arith.constant 0 : i32
      %dma_wait3A_210 = tpu.memref_slice %arg3[%arg0, %mul3A_13, %dma_wait3A_209] : memref<2x10000x128xf32, #tpu.memory_space<hbm>> -> memref<1x624x128xf32, #tpu.memory_space<hbm>>
      %dma_wait3A_211 = tpu.memref_squeeze %dma_wait3A_210 : memref<1x624x128xf32, #tpu.memory_space<hbm>> -> memref<624x128xf32, #tpu.memory_space<hbm>>
      %dma_wait3A_212 = arith.constant 0 : i32
      %dma_wait3A_213 = tpu.memref_slice %arg8[%mul3A_13, %dma_wait3A_212] : memref<10000x128xf32, #tpu.memory_space<vmem_shared>> -> memref<624x128xf32, #tpu.memory_space<vmem_shared>>
      tpu.wait_dma2 semaphore(%run_scoped3A : memref<!tpu.dma_semaphore, #tpu.memory_space<semaphore_mem>>) src(%dma_wait3A_213 : memref<624x128xf32, #tpu.memory_space<vmem_shared>>) dst(%dma_wait3A_211 : memref<624x128xf32, #tpu.memory_space<hbm>>)
      tpu.yield
    }) : () -> ()
    %eq3A_199 = arith.constant 15 : i32
    %eq3A_200 = arith.cmpi eq, %arg1, %eq3A_199 : i32
    %convert_element_type3A_201 = arith.extui %eq3A_200 : i1 to i32
    %cond3A_202 = arith.constant 0 : i32
    %cond3A_203 = arith.cmpi ne, %convert_element_type3A_201, %cond3A_202 : i32
    scf.if %cond3A_203 {
      "tpu.region"() ({
        %run_scoped3A = tpu.sem_alloc : memref<!tpu.dma_semaphore, #tpu.memory_space<semaphore_mem>>
        %dma_start3A_204 = arith.constant 9984 : i32
        %dma_start3A_205 = arith.constant 0 : i32
        %dma_start3A_206 = tpu.memref_slice %arg3[%arg0, %dma_start3A_204, %dma_start3A_205] : memref<2x10000x128xf32, #tpu.memory_space<hbm>> -> memref<1x16x128xf32, #tpu.memory_space<hbm>>
        %dma_start3A_207 = tpu.memref_squeeze %dma_start3A_206 : memref<1x16x128xf32, #tpu.memory_space<hbm>> -> memref<16x128xf32, #tpu.memory_space<hbm>>
        %dma_start3A_208 = arith.constant 9984 : i32
        %dma_start3A_209 = arith.constant 0 : i32
        %dma_start3A_210 = tpu.memref_slice %arg8[%dma_start3A_208, %dma_start3A_209] : memref<10000x128xf32, #tpu.memory_space<vmem_shared>> -> memref<16x128xf32, #tpu.memory_space<vmem_shared>>
        tpu.enqueue_dma source(%dma_start3A_210 : memref<16x128xf32, #tpu.memory_space<vmem_shared>>) target(%dma_start3A_207 : memref<16x128xf32, #tpu.memory_space<hbm>>) target_semaphore(%run_scoped3A : memref<!tpu.dma_semaphore, #tpu.memory_space<semaphore_mem>>)
        %dma_wait3A_211 = arith.constant 9984 : i32
        %dma_wait3A_212 = arith.constant 0 : i32
        %dma_wait3A_213 = tpu.memref_slice %arg3[%arg0, %dma_wait3A_211, %dma_wait3A_212] : memref<2x10000x128xf32, #tpu.memory_space<hbm>> -> memref<1x16x128xf32, #tpu.memory_space<hbm>>
        %dma_wait3A_214 = tpu.memref_squeeze %dma_wait3A_213 : memref<1x16x128xf32, #tpu.memory_space<hbm>> -> memref<16x128xf32, #tpu.memory_space<hbm>>
        %dma_wait3A_215 = arith.constant 9984 : i32
        %dma_wait3A_216 = arith.constant 0 : i32
        %dma_wait3A_217 = tpu.memref_slice %arg8[%dma_wait3A_215, %dma_wait3A_216] : memref<10000x128xf32, #tpu.memory_space<vmem_shared>> -> memref<16x128xf32, #tpu.memory_space<vmem_shared>>
        tpu.wait_dma2 semaphore(%run_scoped3A : memref<!tpu.dma_semaphore, #tpu.memory_space<semaphore_mem>>) src(%dma_wait3A_217 : memref<16x128xf32, #tpu.memory_space<vmem_shared>>) dst(%dma_wait3A_214 : memref<16x128xf32, #tpu.memory_space<hbm>>)
        tpu.yield
      }) : () -> ()
    } else {
    }
    return
  }
}

#map = affine_map<(d0, d1) -> (0)>
#map1 = affine_map<(d0, d1) -> (0, 0)>
#map2 = affine_map<(d0, d1) -> (0, 0, 0)>
module attributes {stable_mosaic.version = 14 : i64} {
  func.func @body(%arg0: i32, %arg1: i32, %arg2: memref<160000xi32, #tpu.memory_space<hbm>>, %arg3: memref<160000xi32, #tpu.memory_space<hbm>>, %arg4: memref<20000x128xf32, #tpu.memory_space<hbm>>, %arg5: memref<2x10000x128xf32, #tpu.memory_space<hbm>>, %arg6: memref<128xi32, #tpu.memory_space<vmem>>, %arg7: memref<128xi32, #tpu.memory_space<vmem>>, %arg8: memref<128xi32, #tpu.memory_space<vmem>>, %arg9: memref<128xi32, #tpu.memory_space<vmem>>, %arg10: memref<128x128xf32, #tpu.memory_space<vmem>>, %arg11: memref<128x128xf32, #tpu.memory_space<vmem>>, %arg12: memref<48x128xf32, #tpu.memory_space<vmem>>, %arg13: memref<10000x128xf32, #tpu.memory_space<vmem_shared>>, %arg14: memref<!tpu.dma_semaphore, #tpu.memory_space<semaphore_mem>>, %arg15: memref<!tpu.dma_semaphore, #tpu.memory_space<semaphore_mem>>, %arg16: memref<!tpu.dma_semaphore, #tpu.memory_space<semaphore_mem>>, %arg17: memref<!tpu.dma_semaphore, #tpu.memory_space<semaphore_mem>>, %arg18: memref<!tpu.dma_semaphore, #tpu.memory_space<semaphore_mem>>, %arg19: memref<!tpu.dma_semaphore, #tpu.memory_space<semaphore_mem>>, %arg20: memref<16xi32, #tpu.memory_space<vmem>>, %arg21: memref<16xi32, #tpu.memory_space<vmem>>, %arg22: memref<16x128xf32, #tpu.memory_space<vmem>>) attributes {dimension_semantics = [#tpu.dimension_semantics<core_parallel>, #tpu.dimension_semantics<subcore_parallel>], iteration_bounds = array<i64: 2, 16>, scalar_prefetch = 0 : i64, scratch_operands = 17 : i64, tpu.core_type = #tpu.core_type<sc_vector_subcore>, window_params = [{transform_indices = #map}, {transform_indices = #map}, {transform_indices = #map1}, {transform_indices = #map2}]} {
    %scan3A = arith.constant 0 : i32
    %scan3A_0 = arith.constant 0 : i32
    %scan3A_1 = arith.constant 48 : i32
    %scan3A_2 = arith.addi %scan3A_0, %scan3A_1 : i32
    %scan3A_3 = arith.constant 1 : i32
    %scan3A_4 = scf.for %scan3A_266 = %scan3A_0 to %scan3A_2 step %scan3A_3 iter_args(%scan3A_267 = %scan3A) -> (i32)  : i32 {
      %scan3A_268 = arith.constant 0 : i32
      %scan3A_269 = arith.constant 0 : i32
      %scan3A_270 = arith.constant 8 : i32
      %scan3A_271 = arith.addi %scan3A_269, %scan3A_270 : i32
      %scan3A_272 = arith.constant 1 : i32
      %scan3A_273 = scf.for %scan3A_275 = %scan3A_269 to %scan3A_271 step %scan3A_272 iter_args(%scan3A_276 = %scan3A_268) -> (i32)  : i32 {
        %broadcast_in_dim3A = arith.constant 0.000000e+00 : f32
        %broadcast_in_dim3A_277 = vector.broadcast %broadcast_in_dim3A : f32 to vector<16xf32>
        %mul3A_278 = arith.constant 16 : i32
        %mul3A_279 = arith.muli %scan3A_275, %mul3A_278 : i32
        %swap3A_280 = arith.index_cast %scan3A_266 : i32 to index
        %swap3A_281 = arith.index_cast %mul3A_279 : i32 to index
        %swap3A_282 = tpu.vector_load %arg12[%swap3A_280, %swap3A_281] {strides = array<i32>} : memref<48x128xf32, #tpu.memory_space<vmem>>, vector<1x16xf32>,
        %swap3A_283 = vector.shape_cast %swap3A_282 : vector<1x16xf32> to vector<16xf32>
        %swap3A_284 = vector.shape_cast %broadcast_in_dim3A_277 : vector<16xf32> to vector<1x16xf32>
        tpu.vector_store %arg12[%swap3A_280, %swap3A_281], %swap3A_284 {strides = array<i32>} : memref<48x128xf32, #tpu.memory_space<vmem>>, vector<1x16xf32>,
        %scan3A_285 = arith.constant 0 : i32
        scf.yield %scan3A_285 : i32
      }
      %scan3A_274 = arith.constant 8 : i32
      scf.yield %scan3A_273 : i32
    }
    %scan3A_5 = arith.constant 48 : i32
    %mul3A = arith.constant 624 : i32
    %mul3A_6 = arith.muli %arg1, %mul3A : i32
    %add3A = arith.constant 0 : i32
    %add3A_7 = arith.addi %mul3A_6, %add3A : i32
    %dma_start3A = arith.constant 0 : i32
    %dma_start3A_8 = tpu.memref_slice %arg13[%add3A_7, %dma_start3A] : memref<10000x128xf32, #tpu.memory_space<vmem_shared>> -> memref<48x128xf32, #tpu.memory_space<vmem_shared>>
    %dma_start3A_9 = arith.constant 0 : i32
    %dma_start3A_10 = tpu.memref_slice %arg13[%add3A_7, %dma_start3A_9] : memref<10000x128xf32, #tpu.memory_space<vmem_shared>> -> memref<48x128xf32, #tpu.memory_space<vmem_shared>>
    tpu.enqueue_dma source(%arg12 : memref<48x128xf32, #tpu.memory_space<vmem>>) target(%dma_start3A_10 : memref<48x128xf32, #tpu.memory_space<vmem_shared>>) target_semaphore(%arg19 : memref<!tpu.dma_semaphore, #tpu.memory_space<semaphore_mem>>)
    %add3A_11 = arith.constant 48 : i32
    %add3A_12 = arith.addi %mul3A_6, %add3A_11 : i32
    %dma_start3A_13 = arith.constant 0 : i32
    %dma_start3A_14 = tpu.memref_slice %arg13[%add3A_12, %dma_start3A_13] : memref<10000x128xf32, #tpu.memory_space<vmem_shared>> -> memref<48x128xf32, #tpu.memory_space<vmem_shared>>
    %dma_start3A_15 = arith.constant 0 : i32
    %dma_start3A_16 = tpu.memref_slice %arg13[%add3A_12, %dma_start3A_15] : memref<10000x128xf32, #tpu.memory_space<vmem_shared>> -> memref<48x128xf32, #tpu.memory_space<vmem_shared>>
    tpu.enqueue_dma source(%arg12 : memref<48x128xf32, #tpu.memory_space<vmem>>) target(%dma_start3A_16 : memref<48x128xf32, #tpu.memory_space<vmem_shared>>) target_semaphore(%arg19 : memref<!tpu.dma_semaphore, #tpu.memory_space<semaphore_mem>>)
    %add3A_17 = arith.constant 96 : i32
    %add3A_18 = arith.addi %mul3A_6, %add3A_17 : i32
    %dma_start3A_19 = arith.constant 0 : i32
    %dma_start3A_20 = tpu.memref_slice %arg13[%add3A_18, %dma_start3A_19] : memref<10000x128xf32, #tpu.memory_space<vmem_shared>> -> memref<48x128xf32, #tpu.memory_space<vmem_shared>>
    %dma_start3A_21 = arith.constant 0 : i32
    %dma_start3A_22 = tpu.memref_slice %arg13[%add3A_18, %dma_start3A_21] : memref<10000x128xf32, #tpu.memory_space<vmem_shared>> -> memref<48x128xf32, #tpu.memory_space<vmem_shared>>
    tpu.enqueue_dma source(%arg12 : memref<48x128xf32, #tpu.memory_space<vmem>>) target(%dma_start3A_22 : memref<48x128xf32, #tpu.memory_space<vmem_shared>>) target_semaphore(%arg19 : memref<!tpu.dma_semaphore, #tpu.memory_space<semaphore_mem>>)
    %add3A_23 = arith.constant 144 : i32
    %add3A_24 = arith.addi %mul3A_6, %add3A_23 : i32
    %dma_start3A_25 = arith.constant 0 : i32
    %dma_start3A_26 = tpu.memref_slice %arg13[%add3A_24, %dma_start3A_25] : memref<10000x128xf32, #tpu.memory_space<vmem_shared>> -> memref<48x128xf32, #tpu.memory_space<vmem_shared>>
    %dma_start3A_27 = arith.constant 0 : i32
    %dma_start3A_28 = tpu.memref_slice %arg13[%add3A_24, %dma_start3A_27] : memref<10000x128xf32, #tpu.memory_space<vmem_shared>> -> memref<48x128xf32, #tpu.memory_space<vmem_shared>>
    tpu.enqueue_dma source(%arg12 : memref<48x128xf32, #tpu.memory_space<vmem>>) target(%dma_start3A_28 : memref<48x128xf32, #tpu.memory_space<vmem_shared>>) target_semaphore(%arg19 : memref<!tpu.dma_semaphore, #tpu.memory_space<semaphore_mem>>)
    %add3A_29 = arith.constant 192 : i32
    %add3A_30 = arith.addi %mul3A_6, %add3A_29 : i32
    %dma_start3A_31 = arith.constant 0 : i32
    %dma_start3A_32 = tpu.memref_slice %arg13[%add3A_30, %dma_start3A_31] : memref<10000x128xf32, #tpu.memory_space<vmem_shared>> -> memref<48x128xf32, #tpu.memory_space<vmem_shared>>
    %dma_start3A_33 = arith.constant 0 : i32
    %dma_start3A_34 = tpu.memref_slice %arg13[%add3A_30, %dma_start3A_33] : memref<10000x128xf32, #tpu.memory_space<vmem_shared>> -> memref<48x128xf32, #tpu.memory_space<vmem_shared>>
    tpu.enqueue_dma source(%arg12 : memref<48x128xf32, #tpu.memory_space<vmem>>) target(%dma_start3A_34 : memref<48x128xf32, #tpu.memory_space<vmem_shared>>) target_semaphore(%arg19 : memref<!tpu.dma_semaphore, #tpu.memory_space<semaphore_mem>>)
    %add3A_35 = arith.constant 240 : i32
    %add3A_36 = arith.addi %mul3A_6, %add3A_35 : i32
    %dma_start3A_37 = arith.constant 0 : i32
    %dma_start3A_38 = tpu.memref_slice %arg13[%add3A_36, %dma_start3A_37] : memref<10000x128xf32, #tpu.memory_space<vmem_shared>> -> memref<48x128xf32, #tpu.memory_space<vmem_shared>>
    %dma_start3A_39 = arith.constant 0 : i32
    %dma_start3A_40 = tpu.memref_slice %arg13[%add3A_36, %dma_start3A_39] : memref<10000x128xf32, #tpu.memory_space<vmem_shared>> -> memref<48x128xf32, #tpu.memory_space<vmem_shared>>
    tpu.enqueue_dma source(%arg12 : memref<48x128xf32, #tpu.memory_space<vmem>>) target(%dma_start3A_40 : memref<48x128xf32, #tpu.memory_space<vmem_shared>>) target_semaphore(%arg19 : memref<!tpu.dma_semaphore, #tpu.memory_space<semaphore_mem>>)
    %add3A_41 = arith.constant 288 : i32
    %add3A_42 = arith.addi %mul3A_6, %add3A_41 : i32
    %dma_start3A_43 = arith.constant 0 : i32
    %dma_start3A_44 = tpu.memref_slice %arg13[%add3A_42, %dma_start3A_43] : memref<10000x128xf32, #tpu.memory_space<vmem_shared>> -> memref<48x128xf32, #tpu.memory_space<vmem_shared>>
    %dma_start3A_45 = arith.constant 0 : i32
    %dma_start3A_46 = tpu.memref_slice %arg13[%add3A_42, %dma_start3A_45] : memref<10000x128xf32, #tpu.memory_space<vmem_shared>> -> memref<48x128xf32, #tpu.memory_space<vmem_shared>>
    tpu.enqueue_dma source(%arg12 : memref<48x128xf32, #tpu.memory_space<vmem>>) target(%dma_start3A_46 : memref<48x128xf32, #tpu.memory_space<vmem_shared>>) target_semaphore(%arg19 : memref<!tpu.dma_semaphore, #tpu.memory_space<semaphore_mem>>)
    %add3A_47 = arith.constant 336 : i32
    %add3A_48 = arith.addi %mul3A_6, %add3A_47 : i32
    %dma_start3A_49 = arith.constant 0 : i32
    %dma_start3A_50 = tpu.memref_slice %arg13[%add3A_48, %dma_start3A_49] : memref<10000x128xf32, #tpu.memory_space<vmem_shared>> -> memref<48x128xf32, #tpu.memory_space<vmem_shared>>
    %dma_start3A_51 = arith.constant 0 : i32
    %dma_start3A_52 = tpu.memref_slice %arg13[%add3A_48, %dma_start3A_51] : memref<10000x128xf32, #tpu.memory_space<vmem_shared>> -> memref<48x128xf32, #tpu.memory_space<vmem_shared>>
    tpu.enqueue_dma source(%arg12 : memref<48x128xf32, #tpu.memory_space<vmem>>) target(%dma_start3A_52 : memref<48x128xf32, #tpu.memory_space<vmem_shared>>) target_semaphore(%arg19 : memref<!tpu.dma_semaphore, #tpu.memory_space<semaphore_mem>>)
    %add3A_53 = arith.constant 384 : i32
    %add3A_54 = arith.addi %mul3A_6, %add3A_53 : i32
    %dma_start3A_55 = arith.constant 0 : i32
    %dma_start3A_56 = tpu.memref_slice %arg13[%add3A_54, %dma_start3A_55] : memref<10000x128xf32, #tpu.memory_space<vmem_shared>> -> memref<48x128xf32, #tpu.memory_space<vmem_shared>>
    %dma_start3A_57 = arith.constant 0 : i32
    %dma_start3A_58 = tpu.memref_slice %arg13[%add3A_54, %dma_start3A_57] : memref<10000x128xf32, #tpu.memory_space<vmem_shared>> -> memref<48x128xf32, #tpu.memory_space<vmem_shared>>
    tpu.enqueue_dma source(%arg12 : memref<48x128xf32, #tpu.memory_space<vmem>>) target(%dma_start3A_58 : memref<48x128xf32, #tpu.memory_space<vmem_shared>>) target_semaphore(%arg19 : memref<!tpu.dma_semaphore, #tpu.memory_space<semaphore_mem>>)
    %add3A_59 = arith.constant 432 : i32
    %add3A_60 = arith.addi %mul3A_6, %add3A_59 : i32
    %dma_start3A_61 = arith.constant 0 : i32
    %dma_start3A_62 = tpu.memref_slice %arg13[%add3A_60, %dma_start3A_61] : memref<10000x128xf32, #tpu.memory_space<vmem_shared>> -> memref<48x128xf32, #tpu.memory_space<vmem_shared>>
    %dma_start3A_63 = arith.constant 0 : i32
    %dma_start3A_64 = tpu.memref_slice %arg13[%add3A_60, %dma_start3A_63] : memref<10000x128xf32, #tpu.memory_space<vmem_shared>> -> memref<48x128xf32, #tpu.memory_space<vmem_shared>>
    tpu.enqueue_dma source(%arg12 : memref<48x128xf32, #tpu.memory_space<vmem>>) target(%dma_start3A_64 : memref<48x128xf32, #tpu.memory_space<vmem_shared>>) target_semaphore(%arg19 : memref<!tpu.dma_semaphore, #tpu.memory_space<semaphore_mem>>)
    %add3A_65 = arith.constant 480 : i32
    %add3A_66 = arith.addi %mul3A_6, %add3A_65 : i32
    %dma_start3A_67 = arith.constant 0 : i32
    %dma_start3A_68 = tpu.memref_slice %arg13[%add3A_66, %dma_start3A_67] : memref<10000x128xf32, #tpu.memory_space<vmem_shared>> -> memref<48x128xf32, #tpu.memory_space<vmem_shared>>
    %dma_start3A_69 = arith.constant 0 : i32
    %dma_start3A_70 = tpu.memref_slice %arg13[%add3A_66, %dma_start3A_69] : memref<10000x128xf32, #tpu.memory_space<vmem_shared>> -> memref<48x128xf32, #tpu.memory_space<vmem_shared>>
    tpu.enqueue_dma source(%arg12 : memref<48x128xf32, #tpu.memory_space<vmem>>) target(%dma_start3A_70 : memref<48x128xf32, #tpu.memory_space<vmem_shared>>) target_semaphore(%arg19 : memref<!tpu.dma_semaphore, #tpu.memory_space<semaphore_mem>>)
    %add3A_71 = arith.constant 528 : i32
    %add3A_72 = arith.addi %mul3A_6, %add3A_71 : i32
    %dma_start3A_73 = arith.constant 0 : i32
    %dma_start3A_74 = tpu.memref_slice %arg13[%add3A_72, %dma_start3A_73] : memref<10000x128xf32, #tpu.memory_space<vmem_shared>> -> memref<48x128xf32, #tpu.memory_space<vmem_shared>>
    %dma_start3A_75 = arith.constant 0 : i32
    %dma_start3A_76 = tpu.memref_slice %arg13[%add3A_72, %dma_start3A_75] : memref<10000x128xf32, #tpu.memory_space<vmem_shared>> -> memref<48x128xf32, #tpu.memory_space<vmem_shared>>
    tpu.enqueue_dma source(%arg12 : memref<48x128xf32, #tpu.memory_space<vmem>>) target(%dma_start3A_76 : memref<48x128xf32, #tpu.memory_space<vmem_shared>>) target_semaphore(%arg19 : memref<!tpu.dma_semaphore, #tpu.memory_space<semaphore_mem>>)
    %add3A_77 = arith.constant 576 : i32
    %add3A_78 = arith.addi %mul3A_6, %add3A_77 : i32
    %dma_start3A_79 = arith.constant 0 : i32
    %dma_start3A_80 = tpu.memref_slice %arg13[%add3A_78, %dma_start3A_79] : memref<10000x128xf32, #tpu.memory_space<vmem_shared>> -> memref<48x128xf32, #tpu.memory_space<vmem_shared>>
    %dma_start3A_81 = arith.constant 0 : i32
    %dma_start3A_82 = tpu.memref_slice %arg13[%add3A_78, %dma_start3A_81] : memref<10000x128xf32, #tpu.memory_space<vmem_shared>> -> memref<48x128xf32, #tpu.memory_space<vmem_shared>>
    tpu.enqueue_dma source(%arg12 : memref<48x128xf32, #tpu.memory_space<vmem>>) target(%dma_start3A_82 : memref<48x128xf32, #tpu.memory_space<vmem_shared>>) target_semaphore(%arg19 : memref<!tpu.dma_semaphore, #tpu.memory_space<semaphore_mem>>)
    %eq3A = arith.constant 15 : i32
    %eq3A_83 = arith.cmpi eq, %arg1, %eq3A : i32
    %convert_element_type3A = arith.extui %eq3A_83 : i1 to i32
    %cond3A = arith.constant 0 : i32
    %cond3A_84 = arith.cmpi ne, %convert_element_type3A, %cond3A : i32
    scf.if %cond3A_84 {
      %dma_start3A_266 = arith.constant 0 : i32
      %dma_start3A_267 = arith.constant 0 : i32
      %dma_start3A_268 = tpu.memref_slice %arg12[%dma_start3A_266, %dma_start3A_267] : memref<48x128xf32, #tpu.memory_space<vmem>> -> memref<16x128xf32, #tpu.memory_space<vmem>>
      %dma_start3A_269 = arith.constant 9984 : i32
      %dma_start3A_270 = arith.constant 0 : i32
      %dma_start3A_271 = tpu.memref_slice %arg13[%dma_start3A_269, %dma_start3A_270] : memref<10000x128xf32, #tpu.memory_space<vmem_shared>> -> memref<16x128xf32, #tpu.memory_space<vmem_shared>>
      %dma_start3A_272 = arith.constant 9984 : i32
      %dma_start3A_273 = arith.constant 0 : i32
      %dma_start3A_274 = tpu.memref_slice %arg13[%dma_start3A_272, %dma_start3A_273] : memref<10000x128xf32, #tpu.memory_space<vmem_shared>> -> memref<16x128xf32, #tpu.memory_space<vmem_shared>>
      %dma_start3A_275 = arith.constant 0 : i32
      %dma_start3A_276 = arith.constant 0 : i32
      %dma_start3A_277 = tpu.memref_slice %arg12[%dma_start3A_275, %dma_start3A_276] : memref<48x128xf32, #tpu.memory_space<vmem>> -> memref<16x128xf32, #tpu.memory_space<vmem>>
      tpu.enqueue_dma source(%dma_start3A_277 : memref<16x128xf32, #tpu.memory_space<vmem>>) target(%dma_start3A_274 : memref<16x128xf32, #tpu.memory_space<vmem_shared>>) target_semaphore(%arg19 : memref<!tpu.dma_semaphore, #tpu.memory_space<semaphore_mem>>)
    } else {
    }
    %mul3A_85 = arith.constant 10000 : i32
    %mul3A_86 = arith.muli %arg1, %mul3A_85 : i32
    %add3A_87 = arith.constant 0 : i32
    %add3A_88 = arith.addi %mul3A_86, %add3A_87 : i32
    %dma_start3A_89 = tpu.memref_slice %arg2[%add3A_88] : memref<160000xi32, #tpu.memory_space<hbm>> -> memref<128xi32, #tpu.memory_space<hbm>>
    %dma_start3A_90 = tpu.memref_slice %arg2[%add3A_88] : memref<160000xi32, #tpu.memory_space<hbm>> -> memref<128xi32, #tpu.memory_space<hbm>>
    tpu.enqueue_dma source(%dma_start3A_90 : memref<128xi32, #tpu.memory_space<hbm>>) target(%arg6 : memref<128xi32, #tpu.memory_space<vmem>>) target_semaphore(%arg18 : memref<!tpu.dma_semaphore, #tpu.memory_space<semaphore_mem>>)
    %dma_start3A_91 = tpu.memref_slice %arg3[%add3A_88] : memref<160000xi32, #tpu.memory_space<hbm>> -> memref<128xi32, #tpu.memory_space<hbm>>
    %dma_start3A_92 = tpu.memref_slice %arg3[%add3A_88] : memref<160000xi32, #tpu.memory_space<hbm>> -> memref<128xi32, #tpu.memory_space<hbm>>
    tpu.enqueue_dma source(%dma_start3A_92 : memref<128xi32, #tpu.memory_space<hbm>>) target(%arg8 : memref<128xi32, #tpu.memory_space<vmem>>) target_semaphore(%arg18 : memref<!tpu.dma_semaphore, #tpu.memory_space<semaphore_mem>>)
    %dma_wait3A = tpu.memref_slice %arg2[%add3A_88] : memref<160000xi32, #tpu.memory_space<hbm>> -> memref<128xi32, #tpu.memory_space<hbm>>
    %dma_wait3A_93 = tpu.memref_slice %arg2[%add3A_88] : memref<160000xi32, #tpu.memory_space<hbm>> -> memref<128xi32, #tpu.memory_space<hbm>>
    tpu.wait_dma2 semaphore(%arg18 : memref<!tpu.dma_semaphore, #tpu.memory_space<semaphore_mem>>) src(%dma_wait3A_93 : memref<128xi32, #tpu.memory_space<hbm>>) dst(%arg6 : memref<128xi32, #tpu.memory_space<vmem>>)
    %dma_wait3A_94 = tpu.memref_slice %arg3[%add3A_88] : memref<160000xi32, #tpu.memory_space<hbm>> -> memref<128xi32, #tpu.memory_space<hbm>>
    %dma_wait3A_95 = tpu.memref_slice %arg3[%add3A_88] : memref<160000xi32, #tpu.memory_space<hbm>> -> memref<128xi32, #tpu.memory_space<hbm>>
    tpu.wait_dma2 semaphore(%arg18 : memref<!tpu.dma_semaphore, #tpu.memory_space<semaphore_mem>>) src(%dma_wait3A_95 : memref<128xi32, #tpu.memory_space<hbm>>) dst(%arg8 : memref<128xi32, #tpu.memory_space<vmem>>)
    %scan3A_96 = arith.constant 0 : i32
    %scan3A_97 = arith.constant 0 : i32
    %scan3A_98 = arith.constant 8 : i32
    %scan3A_99 = arith.addi %scan3A_97, %scan3A_98 : i32
    %scan3A_100 = arith.constant 1 : i32
    %scan3A_101 = scf.for %scan3A_266 = %scan3A_97 to %scan3A_99 step %scan3A_100 iter_args(%scan3A_267 = %scan3A_96) -> (i32)  : i32 {
      %mul3A_268 = arith.constant 16 : i32
      %mul3A_269 = arith.muli %scan3A_266, %mul3A_268 : i32
      %get3A_270 = arith.index_cast %mul3A_269 : i32 to index
      %get3A_271 = tpu.vector_load %arg6[%get3A_270] {strides = array<i32>} : memref<128xi32, #tpu.memory_space<vmem>>, vector<16xi32>,
      %get3A_272 = vector.shape_cast %get3A_271 : vector<16xi32> to vector<16xi32>
      %mul3A_273 = arith.constant 2 : i32
      %mul3A_274 = vector.broadcast %mul3A_273 : i32 to vector<16xi32>
      %mul3A_275 = arith.muli %get3A_272, %mul3A_274 : vector<16xi32>
      %add3A_276 = vector.broadcast %arg0 : i32 to vector<16xi32>
      %add3A_277 = arith.addi %mul3A_275, %add3A_276 : vector<16xi32>
      %mul3A_278 = arith.constant 16 : i32
      %mul3A_279 = arith.muli %scan3A_266, %mul3A_278 : i32
      %swap3A_280 = arith.index_cast %mul3A_279 : i32 to index
      %swap3A_281 = tpu.vector_load %arg6[%swap3A_280] {strides = array<i32>} : memref<128xi32, #tpu.memory_space<vmem>>, vector<16xi32>,
      %swap3A_282 = vector.shape_cast %swap3A_281 : vector<16xi32> to vector<16xi32>
      %swap3A_283 = vector.shape_cast %add3A_277 : vector<16xi32> to vector<16xi32>
      tpu.vector_store %arg6[%swap3A_280], %swap3A_283 {strides = array<i32>} : memref<128xi32, #tpu.memory_space<vmem>>, vector<16xi32>,
      %scan3A_284 = arith.constant 0 : i32
      scf.yield %scan3A_284 : i32
    }
    %scan3A_102 = arith.constant 8 : i32
    %dma_start3A_103 = arith.constant 0 : i32
    %dma_start3A_104 = arith.constant 0 : i32
    %dma_start3A_105 = tpu.memref_slice %arg4[%dma_start3A_103, %dma_start3A_104] : memref<20000x128xf32, #tpu.memory_space<hbm>> -> memref<20000x128xf32, #tpu.memory_space<hbm>>
    tpu.enqueue_indirect_dma source(%dma_start3A_105 : memref<20000x128xf32, #tpu.memory_space<hbm>>) target(%arg10 : memref<128x128xf32, #tpu.memory_space<vmem>>) offsets(%arg6 : memref<128xi32, #tpu.memory_space<vmem>>) semaphore(%arg14 : memref<!tpu.dma_semaphore, #tpu.memory_space<semaphore_mem>>)
    %add3A_106 = arith.constant 128 : i32
    %add3A_107 = arith.addi %mul3A_86, %add3A_106 : i32
    %dma_start3A_108 = tpu.memref_slice %arg2[%add3A_107] : memref<160000xi32, #tpu.memory_space<hbm>> -> memref<128xi32, #tpu.memory_space<hbm>>
    %dma_start3A_109 = tpu.memref_slice %arg2[%add3A_107] : memref<160000xi32, #tpu.memory_space<hbm>> -> memref<128xi32, #tpu.memory_space<hbm>>
    tpu.enqueue_dma source(%dma_start3A_109 : memref<128xi32, #tpu.memory_space<hbm>>) target(%arg7 : memref<128xi32, #tpu.memory_space<vmem>>) target_semaphore(%arg18 : memref<!tpu.dma_semaphore, #tpu.memory_space<semaphore_mem>>)
    %dma_start3A_110 = tpu.memref_slice %arg3[%add3A_107] : memref<160000xi32, #tpu.memory_space<hbm>> -> memref<128xi32, #tpu.memory_space<hbm>>
    %dma_start3A_111 = tpu.memref_slice %arg3[%add3A_107] : memref<160000xi32, #tpu.memory_space<hbm>> -> memref<128xi32, #tpu.memory_space<hbm>>
    tpu.enqueue_dma source(%dma_start3A_111 : memref<128xi32, #tpu.memory_space<hbm>>) target(%arg9 : memref<128xi32, #tpu.memory_space<vmem>>) target_semaphore(%arg18 : memref<!tpu.dma_semaphore, #tpu.memory_space<semaphore_mem>>)
    %dma_wait3A_112 = tpu.memref_slice %arg2[%add3A_107] : memref<160000xi32, #tpu.memory_space<hbm>> -> memref<128xi32, #tpu.memory_space<hbm>>
    %dma_wait3A_113 = tpu.memref_slice %arg2[%add3A_107] : memref<160000xi32, #tpu.memory_space<hbm>> -> memref<128xi32, #tpu.memory_space<hbm>>
    tpu.wait_dma2 semaphore(%arg18 : memref<!tpu.dma_semaphore, #tpu.memory_space<semaphore_mem>>) src(%dma_wait3A_113 : memref<128xi32, #tpu.memory_space<hbm>>) dst(%arg7 : memref<128xi32, #tpu.memory_space<vmem>>)
    %dma_wait3A_114 = tpu.memref_slice %arg3[%add3A_107] : memref<160000xi32, #tpu.memory_space<hbm>> -> memref<128xi32, #tpu.memory_space<hbm>>
    %dma_wait3A_115 = tpu.memref_slice %arg3[%add3A_107] : memref<160000xi32, #tpu.memory_space<hbm>> -> memref<128xi32, #tpu.memory_space<hbm>>
    tpu.wait_dma2 semaphore(%arg18 : memref<!tpu.dma_semaphore, #tpu.memory_space<semaphore_mem>>) src(%dma_wait3A_115 : memref<128xi32, #tpu.memory_space<hbm>>) dst(%arg9 : memref<128xi32, #tpu.memory_space<vmem>>)
    %scan3A_116 = arith.constant 0 : i32
    %scan3A_117 = arith.constant 0 : i32
    %scan3A_118 = arith.constant 8 : i32
    %scan3A_119 = arith.addi %scan3A_117, %scan3A_118 : i32
    %scan3A_120 = arith.constant 1 : i32
    %scan3A_121 = scf.for %scan3A_266 = %scan3A_117 to %scan3A_119 step %scan3A_120 iter_args(%scan3A_267 = %scan3A_116) -> (i32)  : i32 {
      %mul3A_268 = arith.constant 16 : i32
      %mul3A_269 = arith.muli %scan3A_266, %mul3A_268 : i32
      %get3A_270 = arith.index_cast %mul3A_269 : i32 to index
      %get3A_271 = tpu.vector_load %arg7[%get3A_270] {strides = array<i32>} : memref<128xi32, #tpu.memory_space<vmem>>, vector<16xi32>,
      %get3A_272 = vector.shape_cast %get3A_271 : vector<16xi32> to vector<16xi32>
      %mul3A_273 = arith.constant 2 : i32
      %mul3A_274 = vector.broadcast %mul3A_273 : i32 to vector<16xi32>
      %mul3A_275 = arith.muli %get3A_272, %mul3A_274 : vector<16xi32>
      %add3A_276 = vector.broadcast %arg0 : i32 to vector<16xi32>
      %add3A_277 = arith.addi %mul3A_275, %add3A_276 : vector<16xi32>
      %mul3A_278 = arith.constant 16 : i32
      %mul3A_279 = arith.muli %scan3A_266, %mul3A_278 : i32
      %swap3A_280 = arith.index_cast %mul3A_279 : i32 to index
      %swap3A_281 = tpu.vector_load %arg7[%swap3A_280] {strides = array<i32>} : memref<128xi32, #tpu.memory_space<vmem>>, vector<16xi32>,
      %swap3A_282 = vector.shape_cast %swap3A_281 : vector<16xi32> to vector<16xi32>
      %swap3A_283 = vector.shape_cast %add3A_277 : vector<16xi32> to vector<16xi32>
      tpu.vector_store %arg7[%swap3A_280], %swap3A_283 {strides = array<i32>} : memref<128xi32, #tpu.memory_space<vmem>>, vector<16xi32>,
      %scan3A_284 = arith.constant 0 : i32
      scf.yield %scan3A_284 : i32
    }
    %scan3A_122 = arith.constant 8 : i32
    %add3A_123 = arith.constant 0 : i32
    %add3A_124 = arith.addi %mul3A_6, %add3A_123 : i32
    %dma_wait3A_125 = arith.constant 0 : i32
    %dma_wait3A_126 = tpu.memref_slice %arg13[%add3A_124, %dma_wait3A_125] : memref<10000x128xf32, #tpu.memory_space<vmem_shared>> -> memref<48x128xf32, #tpu.memory_space<vmem_shared>>
    %dma_wait3A_127 = arith.constant 0 : i32
    %dma_wait3A_128 = tpu.memref_slice %arg13[%add3A_124, %dma_wait3A_127] : memref<10000x128xf32, #tpu.memory_space<vmem_shared>> -> memref<48x128xf32, #tpu.memory_space<vmem_shared>>
    tpu.wait_dma2 semaphore(%arg19 : memref<!tpu.dma_semaphore, #tpu.memory_space<semaphore_mem>>) src(%arg12 : memref<48x128xf32, #tpu.memory_space<vmem>>) dst(%dma_wait3A_128 : memref<48x128xf32, #tpu.memory_space<vmem_shared>>)
    %add3A_129 = arith.constant 48 : i32
    %add3A_130 = arith.addi %mul3A_6, %add3A_129 : i32
    %dma_wait3A_131 = arith.constant 0 : i32
    %dma_wait3A_132 = tpu.memref_slice %arg13[%add3A_130, %dma_wait3A_131] : memref<10000x128xf32, #tpu.memory_space<vmem_shared>> -> memref<48x128xf32, #tpu.memory_space<vmem_shared>>
    %dma_wait3A_133 = arith.constant 0 : i32
    %dma_wait3A_134 = tpu.memref_slice %arg13[%add3A_130, %dma_wait3A_133] : memref<10000x128xf32, #tpu.memory_space<vmem_shared>> -> memref<48x128xf32, #tpu.memory_space<vmem_shared>>
    tpu.wait_dma2 semaphore(%arg19 : memref<!tpu.dma_semaphore, #tpu.memory_space<semaphore_mem>>) src(%arg12 : memref<48x128xf32, #tpu.memory_space<vmem>>) dst(%dma_wait3A_134 : memref<48x128xf32, #tpu.memory_space<vmem_shared>>)
    %add3A_135 = arith.constant 96 : i32
    %add3A_136 = arith.addi %mul3A_6, %add3A_135 : i32
    %dma_wait3A_137 = arith.constant 0 : i32
    %dma_wait3A_138 = tpu.memref_slice %arg13[%add3A_136, %dma_wait3A_137] : memref<10000x128xf32, #tpu.memory_space<vmem_shared>> -> memref<48x128xf32, #tpu.memory_space<vmem_shared>>
    %dma_wait3A_139 = arith.constant 0 : i32
    %dma_wait3A_140 = tpu.memref_slice %arg13[%add3A_136, %dma_wait3A_139] : memref<10000x128xf32, #tpu.memory_space<vmem_shared>> -> memref<48x128xf32, #tpu.memory_space<vmem_shared>>
    tpu.wait_dma2 semaphore(%arg19 : memref<!tpu.dma_semaphore, #tpu.memory_space<semaphore_mem>>) src(%arg12 : memref<48x128xf32, #tpu.memory_space<vmem>>) dst(%dma_wait3A_140 : memref<48x128xf32, #tpu.memory_space<vmem_shared>>)
    %add3A_141 = arith.constant 144 : i32
    %add3A_142 = arith.addi %mul3A_6, %add3A_141 : i32
    %dma_wait3A_143 = arith.constant 0 : i32
    %dma_wait3A_144 = tpu.memref_slice %arg13[%add3A_142, %dma_wait3A_143] : memref<10000x128xf32, #tpu.memory_space<vmem_shared>> -> memref<48x128xf32, #tpu.memory_space<vmem_shared>>
    %dma_wait3A_145 = arith.constant 0 : i32
    %dma_wait3A_146 = tpu.memref_slice %arg13[%add3A_142, %dma_wait3A_145] : memref<10000x128xf32, #tpu.memory_space<vmem_shared>> -> memref<48x128xf32, #tpu.memory_space<vmem_shared>>
    tpu.wait_dma2 semaphore(%arg19 : memref<!tpu.dma_semaphore, #tpu.memory_space<semaphore_mem>>) src(%arg12 : memref<48x128xf32, #tpu.memory_space<vmem>>) dst(%dma_wait3A_146 : memref<48x128xf32, #tpu.memory_space<vmem_shared>>)
    %add3A_147 = arith.constant 192 : i32
    %add3A_148 = arith.addi %mul3A_6, %add3A_147 : i32
    %dma_wait3A_149 = arith.constant 0 : i32
    %dma_wait3A_150 = tpu.memref_slice %arg13[%add3A_148, %dma_wait3A_149] : memref<10000x128xf32, #tpu.memory_space<vmem_shared>> -> memref<48x128xf32, #tpu.memory_space<vmem_shared>>
    %dma_wait3A_151 = arith.constant 0 : i32
    %dma_wait3A_152 = tpu.memref_slice %arg13[%add3A_148, %dma_wait3A_151] : memref<10000x128xf32, #tpu.memory_space<vmem_shared>> -> memref<48x128xf32, #tpu.memory_space<vmem_shared>>
    tpu.wait_dma2 semaphore(%arg19 : memref<!tpu.dma_semaphore, #tpu.memory_space<semaphore_mem>>) src(%arg12 : memref<48x128xf32, #tpu.memory_space<vmem>>) dst(%dma_wait3A_152 : memref<48x128xf32, #tpu.memory_space<vmem_shared>>)
    %add3A_153 = arith.constant 240 : i32
    %add3A_154 = arith.addi %mul3A_6, %add3A_153 : i32
    %dma_wait3A_155 = arith.constant 0 : i32
    %dma_wait3A_156 = tpu.memref_slice %arg13[%add3A_154, %dma_wait3A_155] : memref<10000x128xf32, #tpu.memory_space<vmem_shared>> -> memref<48x128xf32, #tpu.memory_space<vmem_shared>>
    %dma_wait3A_157 = arith.constant 0 : i32
    %dma_wait3A_158 = tpu.memref_slice %arg13[%add3A_154, %dma_wait3A_157] : memref<10000x128xf32, #tpu.memory_space<vmem_shared>> -> memref<48x128xf32, #tpu.memory_space<vmem_shared>>
    tpu.wait_dma2 semaphore(%arg19 : memref<!tpu.dma_semaphore, #tpu.memory_space<semaphore_mem>>) src(%arg12 : memref<48x128xf32, #tpu.memory_space<vmem>>) dst(%dma_wait3A_158 : memref<48x128xf32, #tpu.memory_space<vmem_shared>>)
    %add3A_159 = arith.constant 288 : i32
    %add3A_160 = arith.addi %mul3A_6, %add3A_159 : i32
    %dma_wait3A_161 = arith.constant 0 : i32
    %dma_wait3A_162 = tpu.memref_slice %arg13[%add3A_160, %dma_wait3A_161] : memref<10000x128xf32, #tpu.memory_space<vmem_shared>> -> memref<48x128xf32, #tpu.memory_space<vmem_shared>>
    %dma_wait3A_163 = arith.constant 0 : i32
    %dma_wait3A_164 = tpu.memref_slice %arg13[%add3A_160, %dma_wait3A_163] : memref<10000x128xf32, #tpu.memory_space<vmem_shared>> -> memref<48x128xf32, #tpu.memory_space<vmem_shared>>
    tpu.wait_dma2 semaphore(%arg19 : memref<!tpu.dma_semaphore, #tpu.memory_space<semaphore_mem>>) src(%arg12 : memref<48x128xf32, #tpu.memory_space<vmem>>) dst(%dma_wait3A_164 : memref<48x128xf32, #tpu.memory_space<vmem_shared>>)
    %add3A_165 = arith.constant 336 : i32
    %add3A_166 = arith.addi %mul3A_6, %add3A_165 : i32
    %dma_wait3A_167 = arith.constant 0 : i32
    %dma_wait3A_168 = tpu.memref_slice %arg13[%add3A_166, %dma_wait3A_167] : memref<10000x128xf32, #tpu.memory_space<vmem_shared>> -> memref<48x128xf32, #tpu.memory_space<vmem_shared>>
    %dma_wait3A_169 = arith.constant 0 : i32
    %dma_wait3A_170 = tpu.memref_slice %arg13[%add3A_166, %dma_wait3A_169] : memref<10000x128xf32, #tpu.memory_space<vmem_shared>> -> memref<48x128xf32, #tpu.memory_space<vmem_shared>>
    tpu.wait_dma2 semaphore(%arg19 : memref<!tpu.dma_semaphore, #tpu.memory_space<semaphore_mem>>) src(%arg12 : memref<48x128xf32, #tpu.memory_space<vmem>>) dst(%dma_wait3A_170 : memref<48x128xf32, #tpu.memory_space<vmem_shared>>)
    %add3A_171 = arith.constant 384 : i32
    %add3A_172 = arith.addi %mul3A_6, %add3A_171 : i32
    %dma_wait3A_173 = arith.constant 0 : i32
    %dma_wait3A_174 = tpu.memref_slice %arg13[%add3A_172, %dma_wait3A_173] : memref<10000x128xf32, #tpu.memory_space<vmem_shared>> -> memref<48x128xf32, #tpu.memory_space<vmem_shared>>
    %dma_wait3A_175 = arith.constant 0 : i32
    %dma_wait3A_176 = tpu.memref_slice %arg13[%add3A_172, %dma_wait3A_175] : memref<10000x128xf32, #tpu.memory_space<vmem_shared>> -> memref<48x128xf32, #tpu.memory_space<vmem_shared>>
    tpu.wait_dma2 semaphore(%arg19 : memref<!tpu.dma_semaphore, #tpu.memory_space<semaphore_mem>>) src(%arg12 : memref<48x128xf32, #tpu.memory_space<vmem>>) dst(%dma_wait3A_176 : memref<48x128xf32, #tpu.memory_space<vmem_shared>>)
    %add3A_177 = arith.constant 432 : i32
    %add3A_178 = arith.addi %mul3A_6, %add3A_177 : i32
    %dma_wait3A_179 = arith.constant 0 : i32
    %dma_wait3A_180 = tpu.memref_slice %arg13[%add3A_178, %dma_wait3A_179] : memref<10000x128xf32, #tpu.memory_space<vmem_shared>> -> memref<48x128xf32, #tpu.memory_space<vmem_shared>>
    %dma_wait3A_181 = arith.constant 0 : i32
    %dma_wait3A_182 = tpu.memref_slice %arg13[%add3A_178, %dma_wait3A_181] : memref<10000x128xf32, #tpu.memory_space<vmem_shared>> -> memref<48x128xf32, #tpu.memory_space<vmem_shared>>
    tpu.wait_dma2 semaphore(%arg19 : memref<!tpu.dma_semaphore, #tpu.memory_space<semaphore_mem>>) src(%arg12 : memref<48x128xf32, #tpu.memory_space<vmem>>) dst(%dma_wait3A_182 : memref<48x128xf32, #tpu.memory_space<vmem_shared>>)
    %add3A_183 = arith.constant 480 : i32
    %add3A_184 = arith.addi %mul3A_6, %add3A_183 : i32
    %dma_wait3A_185 = arith.constant 0 : i32
    %dma_wait3A_186 = tpu.memref_slice %arg13[%add3A_184, %dma_wait3A_185] : memref<10000x128xf32, #tpu.memory_space<vmem_shared>> -> memref<48x128xf32, #tpu.memory_space<vmem_shared>>
    %dma_wait3A_187 = arith.constant 0 : i32
    %dma_wait3A_188 = tpu.memref_slice %arg13[%add3A_184, %dma_wait3A_187] : memref<10000x128xf32, #tpu.memory_space<vmem_shared>> -> memref<48x128xf32, #tpu.memory_space<vmem_shared>>
    tpu.wait_dma2 semaphore(%arg19 : memref<!tpu.dma_semaphore, #tpu.memory_space<semaphore_mem>>) src(%arg12 : memref<48x128xf32, #tpu.memory_space<vmem>>) dst(%dma_wait3A_188 : memref<48x128xf32, #tpu.memory_space<vmem_shared>>)
    %add3A_189 = arith.constant 528 : i32
    %add3A_190 = arith.addi %mul3A_6, %add3A_189 : i32
    %dma_wait3A_191 = arith.constant 0 : i32
    %dma_wait3A_192 = tpu.memref_slice %arg13[%add3A_190, %dma_wait3A_191] : memref<10000x128xf32, #tpu.memory_space<vmem_shared>> -> memref<48x128xf32, #tpu.memory_space<vmem_shared>>
    %dma_wait3A_193 = arith.constant 0 : i32
    %dma_wait3A_194 = tpu.memref_slice %arg13[%add3A_190, %dma_wait3A_193] : memref<10000x128xf32, #tpu.memory_space<vmem_shared>> -> memref<48x128xf32, #tpu.memory_space<vmem_shared>>
    tpu.wait_dma2 semaphore(%arg19 : memref<!tpu.dma_semaphore, #tpu.memory_space<semaphore_mem>>) src(%arg12 : memref<48x128xf32, #tpu.memory_space<vmem>>) dst(%dma_wait3A_194 : memref<48x128xf32, #tpu.memory_space<vmem_shared>>)
    %add3A_195 = arith.constant 576 : i32
    %add3A_196 = arith.addi %mul3A_6, %add3A_195 : i32
    %dma_wait3A_197 = arith.constant 0 : i32
    %dma_wait3A_198 = tpu.memref_slice %arg13[%add3A_196, %dma_wait3A_197] : memref<10000x128xf32, #tpu.memory_space<vmem_shared>> -> memref<48x128xf32, #tpu.memory_space<vmem_shared>>
    %dma_wait3A_199 = arith.constant 0 : i32
    %dma_wait3A_200 = tpu.memref_slice %arg13[%add3A_196, %dma_wait3A_199] : memref<10000x128xf32, #tpu.memory_space<vmem_shared>> -> memref<48x128xf32, #tpu.memory_space<vmem_shared>>
    tpu.wait_dma2 semaphore(%arg19 : memref<!tpu.dma_semaphore, #tpu.memory_space<semaphore_mem>>) src(%arg12 : memref<48x128xf32, #tpu.memory_space<vmem>>) dst(%dma_wait3A_200 : memref<48x128xf32, #tpu.memory_space<vmem_shared>>)
    %eq3A_201 = arith.constant 15 : i32
    %eq3A_202 = arith.cmpi eq, %arg1, %eq3A_201 : i32
    %convert_element_type3A_203 = arith.extui %eq3A_202 : i1 to i32
    %cond3A_204 = arith.constant 0 : i32
    %cond3A_205 = arith.cmpi ne, %convert_element_type3A_203, %cond3A_204 : i32
    scf.if %cond3A_205 {
      %dma_wait3A_266 = arith.constant 0 : i32
      %dma_wait3A_267 = arith.constant 0 : i32
      %dma_wait3A_268 = tpu.memref_slice %arg12[%dma_wait3A_266, %dma_wait3A_267] : memref<48x128xf32, #tpu.memory_space<vmem>> -> memref<16x128xf32, #tpu.memory_space<vmem>>
      %dma_wait3A_269 = arith.constant 9984 : i32
      %dma_wait3A_270 = arith.constant 0 : i32
      %dma_wait3A_271 = tpu.memref_slice %arg13[%dma_wait3A_269, %dma_wait3A_270] : memref<10000x128xf32, #tpu.memory_space<vmem_shared>> -> memref<16x128xf32, #tpu.memory_space<vmem_shared>>
      %dma_wait3A_272 = arith.constant 9984 : i32
      %dma_wait3A_273 = arith.constant 0 : i32
      %dma_wait3A_274 = tpu.memref_slice %arg13[%dma_wait3A_272, %dma_wait3A_273] : memref<10000x128xf32, #tpu.memory_space<vmem_shared>> -> memref<16x128xf32, #tpu.memory_space<vmem_shared>>
      %dma_wait3A_275 = arith.constant 0 : i32
      %dma_wait3A_276 = arith.constant 0 : i32
      %dma_wait3A_277 = tpu.memref_slice %arg12[%dma_wait3A_275, %dma_wait3A_276] : memref<48x128xf32, #tpu.memory_space<vmem>> -> memref<16x128xf32, #tpu.memory_space<vmem>>
      tpu.wait_dma2 semaphore(%arg19 : memref<!tpu.dma_semaphore, #tpu.memory_space<semaphore_mem>>) src(%dma_wait3A_277 : memref<16x128xf32, #tpu.memory_space<vmem>>) dst(%dma_wait3A_274 : memref<16x128xf32, #tpu.memory_space<vmem_shared>>)
    } else {
    }
    %barrier3A = arith.constant 0 : index
    tpu.barrier barrier_id(%barrier3A)
    %dma_wait3A_206 = arith.constant 0 : i32
    %dma_wait3A_207 = arith.constant 0 : i32
    %dma_wait3A_208 = tpu.memref_slice %arg4[%dma_wait3A_206, %dma_wait3A_207] : memref<20000x128xf32, #tpu.memory_space<hbm>> -> memref<20000x128xf32, #tpu.memory_space<hbm>>
    tpu.wait_indirect_dma semaphore(%arg14 : memref<!tpu.dma_semaphore, #tpu.memory_space<semaphore_mem>>) src(%dma_wait3A_208 : memref<20000x128xf32, #tpu.memory_space<hbm>>) dst(%arg10 : memref<128x128xf32, #tpu.memory_space<vmem>>)
    %dma_start3A_209 = arith.constant 0 : i32
    %dma_start3A_210 = arith.constant 0 : i32
    %dma_start3A_211 = tpu.memref_slice %arg4[%dma_start3A_209, %dma_start3A_210] : memref<20000x128xf32, #tpu.memory_space<hbm>> -> memref<20000x128xf32, #tpu.memory_space<hbm>>
    tpu.enqueue_indirect_dma source(%dma_start3A_211 : memref<20000x128xf32, #tpu.memory_space<hbm>>) target(%arg11 : memref<128x128xf32, #tpu.memory_space<vmem>>) offsets(%arg7 : memref<128xi32, #tpu.memory_space<vmem>>) semaphore(%arg15 : memref<!tpu.dma_semaphore, #tpu.memory_space<semaphore_mem>>)
    %dma_start3A_212 = arith.constant 0 : i32
    %dma_start3A_213 = arith.constant 0 : i32
    %dma_start3A_214 = tpu.memref_slice %arg13[%dma_start3A_212, %dma_start3A_213] : memref<10000x128xf32, #tpu.memory_space<vmem_shared>> -> memref<10000x128xf32, #tpu.memory_space<vmem_shared>>
    tpu.enqueue_indirect_dma source(%arg10 : memref<128x128xf32, #tpu.memory_space<vmem>>) target(%dma_start3A_214 : memref<10000x128xf32, #tpu.memory_space<vmem_shared>>) offsets(%arg8 : memref<128xi32, #tpu.memory_space<vmem>>) semaphore(%arg16 : memref<!tpu.dma_semaphore, #tpu.memory_space<semaphore_mem>>) {add = true}
    %scan3A_215 = arith.constant 0 : i32
    %scan3A_216 = arith.constant 0 : i32
    %scan3A_217 = arith.constant 38 : i32
    %scan3A_218 = arith.addi %scan3A_216, %scan3A_217 : i32
    %scan3A_219 = arith.constant 1 : i32
    %scan3A_220 = scf.for %scan3A_266 = %scan3A_216 to %scan3A_218 step %scan3A_219 iter_args(%scan3A_267 = %scan3A_215) -> (i32)  : i32 {
      %mul3A_268 = arith.constant 2 : i32
      %mul3A_269 = arith.muli %mul3A_268, %scan3A_266 : i32
      %add3A_270 = arith.constant 1 : i32
      %add3A_271 = arith.addi %mul3A_269, %add3A_270 : i32
      %dma_wait3A_272 = arith.constant 0 : i32
      %dma_wait3A_273 = arith.constant 0 : i32
      %dma_wait3A_274 = tpu.memref_slice %arg4[%dma_wait3A_272, %dma_wait3A_273] : memref<20000x128xf32, #tpu.memory_space<hbm>> -> memref<20000x128xf32, #tpu.memory_space<hbm>>
      tpu.wait_indirect_dma semaphore(%arg15 : memref<!tpu.dma_semaphore, #tpu.memory_space<semaphore_mem>>) src(%dma_wait3A_274 : memref<20000x128xf32, #tpu.memory_space<hbm>>) dst(%arg11 : memref<128x128xf32, #tpu.memory_space<vmem>>)
      %dma_wait3A_275 = arith.constant 0 : i32
      %dma_wait3A_276 = arith.constant 0 : i32
      %dma_wait3A_277 = tpu.memref_slice %arg13[%dma_wait3A_275, %dma_wait3A_276] : memref<10000x128xf32, #tpu.memory_space<vmem_shared>> -> memref<10000x128xf32, #tpu.memory_space<vmem_shared>>
      tpu.wait_indirect_dma semaphore(%arg16 : memref<!tpu.dma_semaphore, #tpu.memory_space<semaphore_mem>>) src(%arg10 : memref<128x128xf32, #tpu.memory_space<vmem>>) dst(%dma_wait3A_277 : memref<10000x128xf32, #tpu.memory_space<vmem_shared>>)
      %dma_start3A_278 = arith.constant 0 : i32
      %dma_start3A_279 = arith.constant 0 : i32
      %dma_start3A_280 = tpu.memref_slice %arg13[%dma_start3A_278, %dma_start3A_279] : memref<10000x128xf32, #tpu.memory_space<vmem_shared>> -> memref<10000x128xf32, #tpu.memory_space<vmem_shared>>
      tpu.enqueue_indirect_dma source(%arg11 : memref<128x128xf32, #tpu.memory_space<vmem>>) target(%dma_start3A_280 : memref<10000x128xf32, #tpu.memory_space<vmem_shared>>) offsets(%arg9 : memref<128xi32, #tpu.memory_space<vmem>>) semaphore(%arg17 : memref<!tpu.dma_semaphore, #tpu.memory_space<semaphore_mem>>) {add = true}
      %lt3A = arith.constant 77 : i32
      %lt3A_281 = arith.cmpi slt, %add3A_271, %lt3A : i32
      %convert_element_type3A_282 = arith.extui %lt3A_281 : i1 to i32
      %cond3A_283 = arith.constant 0 : i32
      %cond3A_284 = arith.cmpi ne, %convert_element_type3A_282, %cond3A_283 : i32
      scf.if %cond3A_284 {
        %add3A_304 = arith.constant 1 : i32
        %add3A_305 = arith.addi %add3A_271, %add3A_304 : i32
        %mul3A_306 = arith.constant 128 : i32
        %mul3A_307 = arith.muli %add3A_305, %mul3A_306 : i32
        %add3A_308 = arith.addi %mul3A_86, %mul3A_307 : i32
        %dma_start3A_309 = tpu.memref_slice %arg2[%add3A_308] : memref<160000xi32, #tpu.memory_space<hbm>> -> memref<128xi32, #tpu.memory_space<hbm>>
        %dma_start3A_310 = tpu.memref_slice %arg2[%add3A_308] : memref<160000xi32, #tpu.memory_space<hbm>> -> memref<128xi32, #tpu.memory_space<hbm>>
        tpu.enqueue_dma source(%dma_start3A_310 : memref<128xi32, #tpu.memory_space<hbm>>) target(%arg6 : memref<128xi32, #tpu.memory_space<vmem>>) target_semaphore(%arg18 : memref<!tpu.dma_semaphore, #tpu.memory_space<semaphore_mem>>)
        %dma_start3A_311 = tpu.memref_slice %arg3[%add3A_308] : memref<160000xi32, #tpu.memory_space<hbm>> -> memref<128xi32, #tpu.memory_space<hbm>>
        %dma_start3A_312 = tpu.memref_slice %arg3[%add3A_308] : memref<160000xi32, #tpu.memory_space<hbm>> -> memref<128xi32, #tpu.memory_space<hbm>>
        tpu.enqueue_dma source(%dma_start3A_312 : memref<128xi32, #tpu.memory_space<hbm>>) target(%arg8 : memref<128xi32, #tpu.memory_space<vmem>>) target_semaphore(%arg18 : memref<!tpu.dma_semaphore, #tpu.memory_space<semaphore_mem>>)
        %dma_wait3A_313 = tpu.memref_slice %arg2[%add3A_308] : memref<160000xi32, #tpu.memory_space<hbm>> -> memref<128xi32, #tpu.memory_space<hbm>>
        %dma_wait3A_314 = tpu.memref_slice %arg2[%add3A_308] : memref<160000xi32, #tpu.memory_space<hbm>> -> memref<128xi32, #tpu.memory_space<hbm>>
        tpu.wait_dma2 semaphore(%arg18 : memref<!tpu.dma_semaphore, #tpu.memory_space<semaphore_mem>>) src(%dma_wait3A_314 : memref<128xi32, #tpu.memory_space<hbm>>) dst(%arg6 : memref<128xi32, #tpu.memory_space<vmem>>)
        %dma_wait3A_315 = tpu.memref_slice %arg3[%add3A_308] : memref<160000xi32, #tpu.memory_space<hbm>> -> memref<128xi32, #tpu.memory_space<hbm>>
        %dma_wait3A_316 = tpu.memref_slice %arg3[%add3A_308] : memref<160000xi32, #tpu.memory_space<hbm>> -> memref<128xi32, #tpu.memory_space<hbm>>
        tpu.wait_dma2 semaphore(%arg18 : memref<!tpu.dma_semaphore, #tpu.memory_space<semaphore_mem>>) src(%dma_wait3A_316 : memref<128xi32, #tpu.memory_space<hbm>>) dst(%arg8 : memref<128xi32, #tpu.memory_space<vmem>>)
        %scan3A_317 = arith.constant 0 : i32
        %scan3A_318 = arith.constant 0 : i32
        %scan3A_319 = arith.constant 8 : i32
        %scan3A_320 = arith.addi %scan3A_318, %scan3A_319 : i32
        %scan3A_321 = arith.constant 1 : i32
        %scan3A_322 = scf.for %scan3A_327 = %scan3A_318 to %scan3A_320 step %scan3A_321 iter_args(%scan3A_328 = %scan3A_317) -> (i32)  : i32 {
          %mul3A_329 = arith.constant 16 : i32
          %mul3A_330 = arith.muli %scan3A_327, %mul3A_329 : i32
          %get3A_331 = arith.index_cast %mul3A_330 : i32 to index
          %get3A_332 = tpu.vector_load %arg6[%get3A_331] {strides = array<i32>} : memref<128xi32, #tpu.memory_space<vmem>>, vector<16xi32>,
          %get3A_333 = vector.shape_cast %get3A_332 : vector<16xi32> to vector<16xi32>
          %mul3A_334 = arith.constant 2 : i32
          %mul3A_335 = vector.broadcast %mul3A_334 : i32 to vector<16xi32>
          %mul3A_336 = arith.muli %get3A_333, %mul3A_335 : vector<16xi32>
          %add3A_337 = vector.broadcast %arg0 : i32 to vector<16xi32>
          %add3A_338 = arith.addi %mul3A_336, %add3A_337 : vector<16xi32>
          %mul3A_339 = arith.constant 16 : i32
          %mul3A_340 = arith.muli %scan3A_327, %mul3A_339 : i32
          %swap3A_341 = arith.index_cast %mul3A_340 : i32 to index
          %swap3A_342 = tpu.vector_load %arg6[%swap3A_341] {strides = array<i32>} : memref<128xi32, #tpu.memory_space<vmem>>, vector<16xi32>,
          %swap3A_343 = vector.shape_cast %swap3A_342 : vector<16xi32> to vector<16xi32>
          %swap3A_344 = vector.shape_cast %add3A_338 : vector<16xi32> to vector<16xi32>
          tpu.vector_store %arg6[%swap3A_341], %swap3A_344 {strides = array<i32>} : memref<128xi32, #tpu.memory_space<vmem>>, vector<16xi32>,
          %scan3A_345 = arith.constant 0 : i32
          scf.yield %scan3A_345 : i32
        }
        %scan3A_323 = arith.constant 8 : i32
        %dma_start3A_324 = arith.constant 0 : i32
        %dma_start3A_325 = arith.constant 0 : i32
        %dma_start3A_326 = tpu.memref_slice %arg4[%dma_start3A_324, %dma_start3A_325] : memref<20000x128xf32, #tpu.memory_space<hbm>> -> memref<20000x128xf32, #tpu.memory_space<hbm>>
        tpu.enqueue_indirect_dma source(%dma_start3A_326 : memref<20000x128xf32, #tpu.memory_space<hbm>>) target(%arg10 : memref<128x128xf32, #tpu.memory_space<vmem>>) offsets(%arg6 : memref<128xi32, #tpu.memory_space<vmem>>) semaphore(%arg14 : memref<!tpu.dma_semaphore, #tpu.memory_space<semaphore_mem>>)
      } else {
      }
      %mul3A_285 = arith.constant 2 : i32
      %mul3A_286 = arith.muli %mul3A_285, %scan3A_266 : i32
      %add3A_287 = arith.constant 2 : i32
      %add3A_288 = arith.addi %mul3A_286, %add3A_287 : i32
      %dma_wait3A_289 = arith.constant 0 : i32
      %dma_wait3A_290 = arith.constant 0 : i32
      %dma_wait3A_291 = tpu.memref_slice %arg4[%dma_wait3A_289, %dma_wait3A_290] : memref<20000x128xf32, #tpu.memory_space<hbm>> -> memref<20000x128xf32, #tpu.memory_space<hbm>>
      tpu.wait_indirect_dma semaphore(%arg14 : memref<!tpu.dma_semaphore, #tpu.memory_space<semaphore_mem>>) src(%dma_wait3A_291 : memref<20000x128xf32, #tpu.memory_space<hbm>>) dst(%arg10 : memref<128x128xf32, #tpu.memory_space<vmem>>)
      %dma_wait3A_292 = arith.constant 0 : i32
      %dma_wait3A_293 = arith.constant 0 : i32
      %dma_wait3A_294 = tpu.memref_slice %arg13[%dma_wait3A_292, %dma_wait3A_293] : memref<10000x128xf32, #tpu.memory_space<vmem_shared>> -> memref<10000x128xf32, #tpu.memory_space<vmem_shared>>
      tpu.wait_indirect_dma semaphore(%arg17 : memref<!tpu.dma_semaphore, #tpu.memory_space<semaphore_mem>>) src(%arg11 : memref<128x128xf32, #tpu.memory_space<vmem>>) dst(%dma_wait3A_294 : memref<10000x128xf32, #tpu.memory_space<vmem_shared>>)
      %dma_start3A_295 = arith.constant 0 : i32
      %dma_start3A_296 = arith.constant 0 : i32
      %dma_start3A_297 = tpu.memref_slice %arg13[%dma_start3A_295, %dma_start3A_296] : memref<10000x128xf32, #tpu.memory_space<vmem_shared>> -> memref<10000x128xf32, #tpu.memory_space<vmem_shared>>
      tpu.enqueue_indirect_dma source(%arg10 : memref<128x128xf32, #tpu.memory_space<vmem>>) target(%dma_start3A_297 : memref<10000x128xf32, #tpu.memory_space<vmem_shared>>) offsets(%arg8 : memref<128xi32, #tpu.memory_space<vmem>>) semaphore(%arg16 : memref<!tpu.dma_semaphore, #tpu.memory_space<semaphore_mem>>) {add = true}
      %lt3A_298 = arith.constant 77 : i32
      %lt3A_299 = arith.cmpi slt, %add3A_288, %lt3A_298 : i32
      %convert_element_type3A_300 = arith.extui %lt3A_299 : i1 to i32
      %cond3A_301 = arith.constant 0 : i32
      %cond3A_302 = arith.cmpi ne, %convert_element_type3A_300, %cond3A_301 : i32
      scf.if %cond3A_302 {
        %add3A_304 = arith.constant 1 : i32
        %add3A_305 = arith.addi %add3A_288, %add3A_304 : i32
        %mul3A_306 = arith.constant 128 : i32
        %mul3A_307 = arith.muli %add3A_305, %mul3A_306 : i32
        %add3A_308 = arith.addi %mul3A_86, %mul3A_307 : i32
        %dma_start3A_309 = tpu.memref_slice %arg2[%add3A_308] : memref<160000xi32, #tpu.memory_space<hbm>> -> memref<128xi32, #tpu.memory_space<hbm>>
        %dma_start3A_310 = tpu.memref_slice %arg2[%add3A_308] : memref<160000xi32, #tpu.memory_space<hbm>> -> memref<128xi32, #tpu.memory_space<hbm>>
        tpu.enqueue_dma source(%dma_start3A_310 : memref<128xi32, #tpu.memory_space<hbm>>) target(%arg7 : memref<128xi32, #tpu.memory_space<vmem>>) target_semaphore(%arg18 : memref<!tpu.dma_semaphore, #tpu.memory_space<semaphore_mem>>)
        %dma_start3A_311 = tpu.memref_slice %arg3[%add3A_308] : memref<160000xi32, #tpu.memory_space<hbm>> -> memref<128xi32, #tpu.memory_space<hbm>>
        %dma_start3A_312 = tpu.memref_slice %arg3[%add3A_308] : memref<160000xi32, #tpu.memory_space<hbm>> -> memref<128xi32, #tpu.memory_space<hbm>>
        tpu.enqueue_dma source(%dma_start3A_312 : memref<128xi32, #tpu.memory_space<hbm>>) target(%arg9 : memref<128xi32, #tpu.memory_space<vmem>>) target_semaphore(%arg18 : memref<!tpu.dma_semaphore, #tpu.memory_space<semaphore_mem>>)
        %dma_wait3A_313 = tpu.memref_slice %arg2[%add3A_308] : memref<160000xi32, #tpu.memory_space<hbm>> -> memref<128xi32, #tpu.memory_space<hbm>>
        %dma_wait3A_314 = tpu.memref_slice %arg2[%add3A_308] : memref<160000xi32, #tpu.memory_space<hbm>> -> memref<128xi32, #tpu.memory_space<hbm>>
        tpu.wait_dma2 semaphore(%arg18 : memref<!tpu.dma_semaphore, #tpu.memory_space<semaphore_mem>>) src(%dma_wait3A_314 : memref<128xi32, #tpu.memory_space<hbm>>) dst(%arg7 : memref<128xi32, #tpu.memory_space<vmem>>)
        %dma_wait3A_315 = tpu.memref_slice %arg3[%add3A_308] : memref<160000xi32, #tpu.memory_space<hbm>> -> memref<128xi32, #tpu.memory_space<hbm>>
        %dma_wait3A_316 = tpu.memref_slice %arg3[%add3A_308] : memref<160000xi32, #tpu.memory_space<hbm>> -> memref<128xi32, #tpu.memory_space<hbm>>
        tpu.wait_dma2 semaphore(%arg18 : memref<!tpu.dma_semaphore, #tpu.memory_space<semaphore_mem>>) src(%dma_wait3A_316 : memref<128xi32, #tpu.memory_space<hbm>>) dst(%arg9 : memref<128xi32, #tpu.memory_space<vmem>>)
        %scan3A_317 = arith.constant 0 : i32
        %scan3A_318 = arith.constant 0 : i32
        %scan3A_319 = arith.constant 8 : i32
        %scan3A_320 = arith.addi %scan3A_318, %scan3A_319 : i32
        %scan3A_321 = arith.constant 1 : i32
        %scan3A_322 = scf.for %scan3A_327 = %scan3A_318 to %scan3A_320 step %scan3A_321 iter_args(%scan3A_328 = %scan3A_317) -> (i32)  : i32 {
          %mul3A_329 = arith.constant 16 : i32
          %mul3A_330 = arith.muli %scan3A_327, %mul3A_329 : i32
          %get3A_331 = arith.index_cast %mul3A_330 : i32 to index
          %get3A_332 = tpu.vector_load %arg7[%get3A_331] {strides = array<i32>} : memref<128xi32, #tpu.memory_space<vmem>>, vector<16xi32>,
          %get3A_333 = vector.shape_cast %get3A_332 : vector<16xi32> to vector<16xi32>
          %mul3A_334 = arith.constant 2 : i32
          %mul3A_335 = vector.broadcast %mul3A_334 : i32 to vector<16xi32>
          %mul3A_336 = arith.muli %get3A_333, %mul3A_335 : vector<16xi32>
          %add3A_337 = vector.broadcast %arg0 : i32 to vector<16xi32>
          %add3A_338 = arith.addi %mul3A_336, %add3A_337 : vector<16xi32>
          %mul3A_339 = arith.constant 16 : i32
          %mul3A_340 = arith.muli %scan3A_327, %mul3A_339 : i32
          %swap3A_341 = arith.index_cast %mul3A_340 : i32 to index
          %swap3A_342 = tpu.vector_load %arg7[%swap3A_341] {strides = array<i32>} : memref<128xi32, #tpu.memory_space<vmem>>, vector<16xi32>,
          %swap3A_343 = vector.shape_cast %swap3A_342 : vector<16xi32> to vector<16xi32>
          %swap3A_344 = vector.shape_cast %add3A_338 : vector<16xi32> to vector<16xi32>
          tpu.vector_store %arg7[%swap3A_341], %swap3A_344 {strides = array<i32>} : memref<128xi32, #tpu.memory_space<vmem>>, vector<16xi32>,
          %scan3A_345 = arith.constant 0 : i32
          scf.yield %scan3A_345 : i32
        }
        %scan3A_323 = arith.constant 8 : i32
        %dma_start3A_324 = arith.constant 0 : i32
        %dma_start3A_325 = arith.constant 0 : i32
        %dma_start3A_326 = tpu.memref_slice %arg4[%dma_start3A_324, %dma_start3A_325] : memref<20000x128xf32, #tpu.memory_space<hbm>> -> memref<20000x128xf32, #tpu.memory_space<hbm>>
        tpu.enqueue_indirect_dma source(%dma_start3A_326 : memref<20000x128xf32, #tpu.memory_space<hbm>>) target(%arg11 : memref<128x128xf32, #tpu.memory_space<vmem>>) offsets(%arg7 : memref<128xi32, #tpu.memory_space<vmem>>) semaphore(%arg15 : memref<!tpu.dma_semaphore, #tpu.memory_space<semaphore_mem>>)
      } else {
      }
      %scan3A_303 = arith.constant 0 : i32
      scf.yield %scan3A_303 : i32
    }
    %scan3A_221 = arith.constant 38 : i32
    %dma_wait3A_222 = arith.constant 0 : i32
    %dma_wait3A_223 = arith.constant 0 : i32
    %dma_wait3A_224 = tpu.memref_slice %arg4[%dma_wait3A_222, %dma_wait3A_223] : memref<20000x128xf32, #tpu.memory_space<hbm>> -> memref<20000x128xf32, #tpu.memory_space<hbm>>
    tpu.wait_indirect_dma semaphore(%arg15 : memref<!tpu.dma_semaphore, #tpu.memory_space<semaphore_mem>>) src(%dma_wait3A_224 : memref<20000x128xf32, #tpu.memory_space<hbm>>) dst(%arg11 : memref<128x128xf32, #tpu.memory_space<vmem>>)
    %dma_wait3A_225 = arith.constant 0 : i32
    %dma_wait3A_226 = arith.constant 0 : i32
    %dma_wait3A_227 = tpu.memref_slice %arg13[%dma_wait3A_225, %dma_wait3A_226] : memref<10000x128xf32, #tpu.memory_space<vmem_shared>> -> memref<10000x128xf32, #tpu.memory_space<vmem_shared>>
    tpu.wait_indirect_dma semaphore(%arg16 : memref<!tpu.dma_semaphore, #tpu.memory_space<semaphore_mem>>) src(%arg10 : memref<128x128xf32, #tpu.memory_space<vmem>>) dst(%dma_wait3A_227 : memref<10000x128xf32, #tpu.memory_space<vmem_shared>>)
    %dma_start3A_228 = arith.constant 0 : i32
    %dma_start3A_229 = arith.constant 0 : i32
    %dma_start3A_230 = tpu.memref_slice %arg13[%dma_start3A_228, %dma_start3A_229] : memref<10000x128xf32, #tpu.memory_space<vmem_shared>> -> memref<10000x128xf32, #tpu.memory_space<vmem_shared>>
    tpu.enqueue_indirect_dma source(%arg11 : memref<128x128xf32, #tpu.memory_space<vmem>>) target(%dma_start3A_230 : memref<10000x128xf32, #tpu.memory_space<vmem_shared>>) offsets(%arg9 : memref<128xi32, #tpu.memory_space<vmem>>) semaphore(%arg17 : memref<!tpu.dma_semaphore, #tpu.memory_space<semaphore_mem>>) {add = true}
    %dma_wait3A_231 = arith.constant 0 : i32
    %dma_wait3A_232 = arith.constant 0 : i32
    %dma_wait3A_233 = tpu.memref_slice %arg13[%dma_wait3A_231, %dma_wait3A_232] : memref<10000x128xf32, #tpu.memory_space<vmem_shared>> -> memref<10000x128xf32, #tpu.memory_space<vmem_shared>>
    tpu.wait_indirect_dma semaphore(%arg17 : memref<!tpu.dma_semaphore, #tpu.memory_space<semaphore_mem>>) src(%arg11 : memref<128x128xf32, #tpu.memory_space<vmem>>) dst(%dma_wait3A_233 : memref<10000x128xf32, #tpu.memory_space<vmem_shared>>)
    %add3A_234 = arith.constant 9984 : i32
    %add3A_235 = arith.addi %mul3A_86, %add3A_234 : i32
    "tpu.region"() ({
      %run_scoped3A = tpu.sem_alloc : memref<!tpu.dma_semaphore, #tpu.memory_space<semaphore_mem>>
      %dma_start3A_266 = tpu.memref_slice %arg2[%add3A_235] : memref<160000xi32, #tpu.memory_space<hbm>> -> memref<16xi32, #tpu.memory_space<hbm>>
      %dma_start3A_267 = tpu.memref_slice %arg2[%add3A_235] : memref<160000xi32, #tpu.memory_space<hbm>> -> memref<16xi32, #tpu.memory_space<hbm>>
      tpu.enqueue_dma source(%dma_start3A_267 : memref<16xi32, #tpu.memory_space<hbm>>) target(%arg20 : memref<16xi32, #tpu.memory_space<vmem>>) target_semaphore(%run_scoped3A : memref<!tpu.dma_semaphore, #tpu.memory_space<semaphore_mem>>)
      %dma_wait3A_268 = tpu.memref_slice %arg2[%add3A_235] : memref<160000xi32, #tpu.memory_space<hbm>> -> memref<16xi32, #tpu.memory_space<hbm>>
      %dma_wait3A_269 = tpu.memref_slice %arg2[%add3A_235] : memref<160000xi32, #tpu.memory_space<hbm>> -> memref<16xi32, #tpu.memory_space<hbm>>
      tpu.wait_dma2 semaphore(%run_scoped3A : memref<!tpu.dma_semaphore, #tpu.memory_space<semaphore_mem>>) src(%dma_wait3A_269 : memref<16xi32, #tpu.memory_space<hbm>>) dst(%arg20 : memref<16xi32, #tpu.memory_space<vmem>>)
      tpu.yield
    }) : () -> ()
    "tpu.region"() ({
      %run_scoped3A = tpu.sem_alloc : memref<!tpu.dma_semaphore, #tpu.memory_space<semaphore_mem>>
      %dma_start3A_266 = tpu.memref_slice %arg3[%add3A_235] : memref<160000xi32, #tpu.memory_space<hbm>> -> memref<16xi32, #tpu.memory_space<hbm>>
      %dma_start3A_267 = tpu.memref_slice %arg3[%add3A_235] : memref<160000xi32, #tpu.memory_space<hbm>> -> memref<16xi32, #tpu.memory_space<hbm>>
      tpu.enqueue_dma source(%dma_start3A_267 : memref<16xi32, #tpu.memory_space<hbm>>) target(%arg21 : memref<16xi32, #tpu.memory_space<vmem>>) target_semaphore(%run_scoped3A : memref<!tpu.dma_semaphore, #tpu.memory_space<semaphore_mem>>)
      %dma_wait3A_268 = tpu.memref_slice %arg3[%add3A_235] : memref<160000xi32, #tpu.memory_space<hbm>> -> memref<16xi32, #tpu.memory_space<hbm>>
      %dma_wait3A_269 = tpu.memref_slice %arg3[%add3A_235] : memref<160000xi32, #tpu.memory_space<hbm>> -> memref<16xi32, #tpu.memory_space<hbm>>
      tpu.wait_dma2 semaphore(%run_scoped3A : memref<!tpu.dma_semaphore, #tpu.memory_space<semaphore_mem>>) src(%dma_wait3A_269 : memref<16xi32, #tpu.memory_space<hbm>>) dst(%arg21 : memref<16xi32, #tpu.memory_space<vmem>>)
      tpu.yield
    }) : () -> ()
    %scan3A_236 = arith.constant 0 : i32
    %scan3A_237 = arith.constant 0 : i32
    %mul3A_238 = arith.constant 16 : i32
    %mul3A_239 = arith.muli %scan3A_237, %mul3A_238 : i32
    %get3A = arith.index_cast %mul3A_239 : i32 to index
    %get3A_240 = tpu.vector_load %arg20[%get3A] {strides = array<i32>} : memref<16xi32, #tpu.memory_space<vmem>>, vector<16xi32>,
    %get3A_241 = vector.shape_cast %get3A_240 : vector<16xi32> to vector<16xi32>
    %mul3A_242 = arith.constant 2 : i32
    %mul3A_243 = vector.broadcast %mul3A_242 : i32 to vector<16xi32>
    %mul3A_244 = arith.muli %get3A_241, %mul3A_243 : vector<16xi32>
    %add3A_245 = vector.broadcast %arg0 : i32 to vector<16xi32>
    %add3A_246 = arith.addi %mul3A_244, %add3A_245 : vector<16xi32>
    %mul3A_247 = arith.constant 16 : i32
    %mul3A_248 = arith.muli %scan3A_237, %mul3A_247 : i32
    %swap3A = arith.index_cast %mul3A_248 : i32 to index
    %swap3A_249 = tpu.vector_load %arg20[%swap3A] {strides = array<i32>} : memref<16xi32, #tpu.memory_space<vmem>>, vector<16xi32>,
    %swap3A_250 = vector.shape_cast %swap3A_249 : vector<16xi32> to vector<16xi32>
    %swap3A_251 = vector.shape_cast %add3A_246 : vector<16xi32> to vector<16xi32>
    tpu.vector_store %arg20[%swap3A], %swap3A_251 {strides = array<i32>} : memref<16xi32, #tpu.memory_space<vmem>>, vector<16xi32>,
    %scan3A_252 = arith.constant 0 : i32
    %scan3A_253 = arith.constant 1 : i32
    %dma_start3A_254 = arith.constant 0 : i32
    %dma_start3A_255 = arith.constant 0 : i32
    %dma_start3A_256 = tpu.memref_slice %arg4[%dma_start3A_254, %dma_start3A_255] : memref<20000x128xf32, #tpu.memory_space<hbm>> -> memref<20000x128xf32, #tpu.memory_space<hbm>>
    tpu.enqueue_indirect_dma source(%dma_start3A_256 : memref<20000x128xf32, #tpu.memory_space<hbm>>) target(%arg22 : memref<16x128xf32, #tpu.memory_space<vmem>>) offsets(%arg20 : memref<16xi32, #tpu.memory_space<vmem>>) semaphore(%arg18 : memref<!tpu.dma_semaphore, #tpu.memory_space<semaphore_mem>>)
    %dma_wait3A_257 = arith.constant 0 : i32
    %dma_wait3A_258 = arith.constant 0 : i32
    %dma_wait3A_259 = tpu.memref_slice %arg4[%dma_wait3A_257, %dma_wait3A_258] : memref<20000x128xf32, #tpu.memory_space<hbm>> -> memref<20000x128xf32, #tpu.memory_space<hbm>>
    tpu.wait_indirect_dma semaphore(%arg18 : memref<!tpu.dma_semaphore, #tpu.memory_space<semaphore_mem>>) src(%dma_wait3A_259 : memref<20000x128xf32, #tpu.memory_space<hbm>>) dst(%arg22 : memref<16x128xf32, #tpu.memory_space<vmem>>)
    "tpu.region"() ({
      %run_scoped3A = tpu.sem_alloc : memref<!tpu.dma_semaphore, #tpu.memory_space<semaphore_mem>>
      %dma_start3A_266 = arith.constant 0 : i32
      %dma_start3A_267 = arith.constant 0 : i32
      %dma_start3A_268 = tpu.memref_slice %arg13[%dma_start3A_266, %dma_start3A_267] : memref<10000x128xf32, #tpu.memory_space<vmem_shared>> -> memref<10000x128xf32, #tpu.memory_space<vmem_shared>>
      tpu.enqueue_indirect_dma source(%arg22 : memref<16x128xf32, #tpu.memory_space<vmem>>) target(%dma_start3A_268 : memref<10000x128xf32, #tpu.memory_space<vmem_shared>>) offsets(%arg21 : memref<16xi32, #tpu.memory_space<vmem>>) semaphore(%run_scoped3A : memref<!tpu.dma_semaphore, #tpu.memory_space<semaphore_mem>>) {add = true}
      %dma_wait3A_269 = arith.constant 0 : i32
      %dma_wait3A_270 = arith.constant 0 : i32
      %dma_wait3A_271 = tpu.memref_slice %arg13[%dma_wait3A_269, %dma_wait3A_270] : memref<10000x128xf32, #tpu.memory_space<vmem_shared>> -> memref<10000x128xf32, #tpu.memory_space<vmem_shared>>
      tpu.wait_indirect_dma semaphore(%run_scoped3A : memref<!tpu.dma_semaphore, #tpu.memory_space<semaphore_mem>>) src(%arg22 : memref<16x128xf32, #tpu.memory_space<vmem>>) dst(%dma_wait3A_271 : memref<10000x128xf32, #tpu.memory_space<vmem_shared>>)
      tpu.yield
    }) : () -> ()
    %barrier3A_260 = arith.constant 0 : index
    tpu.barrier barrier_id(%barrier3A_260)
    "tpu.region"() ({
      %run_scoped3A = tpu.sem_alloc : memref<!tpu.dma_semaphore, #tpu.memory_space<semaphore_mem>>
      %dma_start3A_266 = arith.constant 0 : i32
      %dma_start3A_267 = tpu.memref_slice %arg5[%arg0, %mul3A_6, %dma_start3A_266] : memref<2x10000x128xf32, #tpu.memory_space<hbm>> -> memref<1x624x128xf32, #tpu.memory_space<hbm>>
      %dma_start3A_268 = tpu.memref_squeeze %dma_start3A_267 : memref<1x624x128xf32, #tpu.memory_space<hbm>> -> memref<624x128xf32, #tpu.memory_space<hbm>>
      %dma_start3A_269 = arith.constant 0 : i32
      %dma_start3A_270 = tpu.memref_slice %arg13[%mul3A_6, %dma_start3A_269] : memref<10000x128xf32, #tpu.memory_space<vmem_shared>> -> memref<624x128xf32, #tpu.memory_space<vmem_shared>>
      tpu.enqueue_dma source(%dma_start3A_270 : memref<624x128xf32, #tpu.memory_space<vmem_shared>>) target(%dma_start3A_268 : memref<624x128xf32, #tpu.memory_space<hbm>>) target_semaphore(%run_scoped3A : memref<!tpu.dma_semaphore, #tpu.memory_space<semaphore_mem>>)
      %dma_wait3A_271 = arith.constant 0 : i32
      %dma_wait3A_272 = tpu.memref_slice %arg5[%arg0, %mul3A_6, %dma_wait3A_271] : memref<2x10000x128xf32, #tpu.memory_space<hbm>> -> memref<1x624x128xf32, #tpu.memory_space<hbm>>
      %dma_wait3A_273 = tpu.memref_squeeze %dma_wait3A_272 : memref<1x624x128xf32, #tpu.memory_space<hbm>> -> memref<624x128xf32, #tpu.memory_space<hbm>>
      %dma_wait3A_274 = arith.constant 0 : i32
      %dma_wait3A_275 = tpu.memref_slice %arg13[%mul3A_6, %dma_wait3A_274] : memref<10000x128xf32, #tpu.memory_space<vmem_shared>> -> memref<624x128xf32, #tpu.memory_space<vmem_shared>>
      tpu.wait_dma2 semaphore(%run_scoped3A : memref<!tpu.dma_semaphore, #tpu.memory_space<semaphore_mem>>) src(%dma_wait3A_275 : memref<624x128xf32, #tpu.memory_space<vmem_shared>>) dst(%dma_wait3A_273 : memref<624x128xf32, #tpu.memory_space<hbm>>)
      tpu.yield
    }) : () -> ()
    %eq3A_261 = arith.constant 15 : i32
    %eq3A_262 = arith.cmpi eq, %arg1, %eq3A_261 : i32
    %convert_element_type3A_263 = arith.extui %eq3A_262 : i1 to i32
    %cond3A_264 = arith.constant 0 : i32
    %cond3A_265 = arith.cmpi ne, %convert_element_type3A_263, %cond3A_264 : i32
    scf.if %cond3A_265 {
      "tpu.region"() ({
        %run_scoped3A = tpu.sem_alloc : memref<!tpu.dma_semaphore, #tpu.memory_space<semaphore_mem>>
        %dma_start3A_266 = arith.constant 9984 : i32
        %dma_start3A_267 = arith.constant 0 : i32
        %dma_start3A_268 = tpu.memref_slice %arg5[%arg0, %dma_start3A_266, %dma_start3A_267] : memref<2x10000x128xf32, #tpu.memory_space<hbm>> -> memref<1x16x128xf32, #tpu.memory_space<hbm>>
        %dma_start3A_269 = tpu.memref_squeeze %dma_start3A_268 : memref<1x16x128xf32, #tpu.memory_space<hbm>> -> memref<16x128xf32, #tpu.memory_space<hbm>>
        %dma_start3A_270 = arith.constant 9984 : i32
        %dma_start3A_271 = arith.constant 0 : i32
        %dma_start3A_272 = tpu.memref_slice %arg13[%dma_start3A_270, %dma_start3A_271] : memref<10000x128xf32, #tpu.memory_space<vmem_shared>> -> memref<16x128xf32, #tpu.memory_space<vmem_shared>>
        tpu.enqueue_dma source(%dma_start3A_272 : memref<16x128xf32, #tpu.memory_space<vmem_shared>>) target(%dma_start3A_269 : memref<16x128xf32, #tpu.memory_space<hbm>>) target_semaphore(%run_scoped3A : memref<!tpu.dma_semaphore, #tpu.memory_space<semaphore_mem>>)
        %dma_wait3A_273 = arith.constant 9984 : i32
        %dma_wait3A_274 = arith.constant 0 : i32
        %dma_wait3A_275 = tpu.memref_slice %arg5[%arg0, %dma_wait3A_273, %dma_wait3A_274] : memref<2x10000x128xf32, #tpu.memory_space<hbm>> -> memref<1x16x128xf32, #tpu.memory_space<hbm>>
        %dma_wait3A_276 = tpu.memref_squeeze %dma_wait3A_275 : memref<1x16x128xf32, #tpu.memory_space<hbm>> -> memref<16x128xf32, #tpu.memory_space<hbm>>
        %dma_wait3A_277 = arith.constant 9984 : i32
        %dma_wait3A_278 = arith.constant 0 : i32
        %dma_wait3A_279 = tpu.memref_slice %arg13[%dma_wait3A_277, %dma_wait3A_278] : memref<10000x128xf32, #tpu.memory_space<vmem_shared>> -> memref<16x128xf32, #tpu.memory_space<vmem_shared>>
        tpu.wait_dma2 semaphore(%run_scoped3A : memref<!tpu.dma_semaphore, #tpu.memory_space<semaphore_mem>>) src(%dma_wait3A_279 : memref<16x128xf32, #tpu.memory_space<vmem_shared>>) dst(%dma_wait3A_276 : memref<16x128xf32, #tpu.memory_space<hbm>>)
        tpu.yield
      }) : () -> ()
    } else {
    }
    return
  }
}

#map = affine_map<(d0, d1) -> (0)>
#map1 = affine_map<(d0, d1) -> (0, 0)>
#map2 = affine_map<(d0, d1) -> (0, 0, 0)>
module attributes {stable_mosaic.version = 14 : i64} {
  func.func @body(%arg0: i32, %arg1: i32, %arg2: memref<160000xi32, #tpu.memory_space<hbm>>, %arg3: memref<160000xi32, #tpu.memory_space<hbm>>, %arg4: memref<20000x128xf32, #tpu.memory_space<hbm>>, %arg5: memref<2x10000x128xf32, #tpu.memory_space<hbm>>, %arg6: memref<128xi32, #tpu.memory_space<vmem>>, %arg7: memref<128xi32, #tpu.memory_space<vmem>>, %arg8: memref<128xi32, #tpu.memory_space<vmem>>, %arg9: memref<128xi32, #tpu.memory_space<vmem>>, %arg10: memref<128x128xf32, #tpu.memory_space<vmem>>, %arg11: memref<128x128xf32, #tpu.memory_space<vmem>>, %arg12: memref<48x128xf32, #tpu.memory_space<vmem>>, %arg13: memref<10000x128xf32, #tpu.memory_space<vmem_shared>>, %arg14: memref<!tpu.dma_semaphore, #tpu.memory_space<semaphore_mem>>, %arg15: memref<!tpu.dma_semaphore, #tpu.memory_space<semaphore_mem>>, %arg16: memref<!tpu.dma_semaphore, #tpu.memory_space<semaphore_mem>>, %arg17: memref<!tpu.dma_semaphore, #tpu.memory_space<semaphore_mem>>, %arg18: memref<!tpu.dma_semaphore, #tpu.memory_space<semaphore_mem>>, %arg19: memref<!tpu.dma_semaphore, #tpu.memory_space<semaphore_mem>>, %arg20: memref<16xi32, #tpu.memory_space<vmem>>, %arg21: memref<16xi32, #tpu.memory_space<vmem>>, %arg22: memref<16x128xf32, #tpu.memory_space<vmem>>) attributes {dimension_semantics = [#tpu.dimension_semantics<core_parallel>, #tpu.dimension_semantics<subcore_parallel>], iteration_bounds = array<i64: 2, 16>, scalar_prefetch = 0 : i64, scratch_operands = 17 : i64, tpu.core_type = #tpu.core_type<sc_vector_subcore>, window_params = [{transform_indices = #map}, {transform_indices = #map}, {transform_indices = #map1}, {transform_indices = #map2}]} {
    %scan3A = arith.constant 0 : i32
    %scan3A_0 = arith.constant 0 : i32
    %scan3A_1 = arith.constant 48 : i32
    %scan3A_2 = arith.addi %scan3A_0, %scan3A_1 : i32
    %scan3A_3 = arith.constant 1 : i32
    %scan3A_4 = scf.for %scan3A_266 = %scan3A_0 to %scan3A_2 step %scan3A_3 iter_args(%scan3A_267 = %scan3A) -> (i32)  : i32 {
      %scan3A_268 = arith.constant 0 : i32
      %scan3A_269 = arith.constant 0 : i32
      %scan3A_270 = arith.constant 8 : i32
      %scan3A_271 = arith.addi %scan3A_269, %scan3A_270 : i32
      %scan3A_272 = arith.constant 1 : i32
      %scan3A_273 = scf.for %scan3A_275 = %scan3A_269 to %scan3A_271 step %scan3A_272 iter_args(%scan3A_276 = %scan3A_268) -> (i32)  : i32 {
        %broadcast_in_dim3A = arith.constant 0.000000e+00 : f32
        %broadcast_in_dim3A_277 = vector.broadcast %broadcast_in_dim3A : f32 to vector<16xf32>
        %mul3A_278 = arith.constant 16 : i32
        %mul3A_279 = arith.muli %scan3A_275, %mul3A_278 : i32
        %swap3A_280 = arith.index_cast %scan3A_266 : i32 to index
        %swap3A_281 = arith.index_cast %mul3A_279 : i32 to index
        %swap3A_282 = tpu.vector_load %arg12[%swap3A_280, %swap3A_281] {strides = array<i32>} : memref<48x128xf32, #tpu.memory_space<vmem>>, vector<1x16xf32>,
        %swap3A_283 = vector.shape_cast %swap3A_282 : vector<1x16xf32> to vector<16xf32>
        %swap3A_284 = vector.shape_cast %broadcast_in_dim3A_277 : vector<16xf32> to vector<1x16xf32>
        tpu.vector_store %arg12[%swap3A_280, %swap3A_281], %swap3A_284 {strides = array<i32>} : memref<48x128xf32, #tpu.memory_space<vmem>>, vector<1x16xf32>,
        %scan3A_285 = arith.constant 0 : i32
        scf.yield %scan3A_285 : i32
      }
      %scan3A_274 = arith.constant 8 : i32
      scf.yield %scan3A_273 : i32
    }
    %scan3A_5 = arith.constant 48 : i32
    %mul3A = arith.constant 624 : i32
    %mul3A_6 = arith.muli %arg1, %mul3A : i32
    %add3A = arith.constant 0 : i32
    %add3A_7 = arith.addi %mul3A_6, %add3A : i32
    %dma_start3A = arith.constant 0 : i32
    %dma_start3A_8 = tpu.memref_slice %arg13[%add3A_7, %dma_start3A] : memref<10000x128xf32, #tpu.memory_space<vmem_shared>> -> memref<48x128xf32, #tpu.memory_space<vmem_shared>>
    %dma_start3A_9 = arith.constant 0 : i32
    %dma_start3A_10 = tpu.memref_slice %arg13[%add3A_7, %dma_start3A_9] : memref<10000x128xf32, #tpu.memory_space<vmem_shared>> -> memref<48x128xf32, #tpu.memory_space<vmem_shared>>
    tpu.enqueue_dma source(%arg12 : memref<48x128xf32, #tpu.memory_space<vmem>>) target(%dma_start3A_10 : memref<48x128xf32, #tpu.memory_space<vmem_shared>>) target_semaphore(%arg19 : memref<!tpu.dma_semaphore, #tpu.memory_space<semaphore_mem>>)
    %add3A_11 = arith.constant 48 : i32
    %add3A_12 = arith.addi %mul3A_6, %add3A_11 : i32
    %dma_start3A_13 = arith.constant 0 : i32
    %dma_start3A_14 = tpu.memref_slice %arg13[%add3A_12, %dma_start3A_13] : memref<10000x128xf32, #tpu.memory_space<vmem_shared>> -> memref<48x128xf32, #tpu.memory_space<vmem_shared>>
    %dma_start3A_15 = arith.constant 0 : i32
    %dma_start3A_16 = tpu.memref_slice %arg13[%add3A_12, %dma_start3A_15] : memref<10000x128xf32, #tpu.memory_space<vmem_shared>> -> memref<48x128xf32, #tpu.memory_space<vmem_shared>>
    tpu.enqueue_dma source(%arg12 : memref<48x128xf32, #tpu.memory_space<vmem>>) target(%dma_start3A_16 : memref<48x128xf32, #tpu.memory_space<vmem_shared>>) target_semaphore(%arg19 : memref<!tpu.dma_semaphore, #tpu.memory_space<semaphore_mem>>)
    %add3A_17 = arith.constant 96 : i32
    %add3A_18 = arith.addi %mul3A_6, %add3A_17 : i32
    %dma_start3A_19 = arith.constant 0 : i32
    %dma_start3A_20 = tpu.memref_slice %arg13[%add3A_18, %dma_start3A_19] : memref<10000x128xf32, #tpu.memory_space<vmem_shared>> -> memref<48x128xf32, #tpu.memory_space<vmem_shared>>
    %dma_start3A_21 = arith.constant 0 : i32
    %dma_start3A_22 = tpu.memref_slice %arg13[%add3A_18, %dma_start3A_21] : memref<10000x128xf32, #tpu.memory_space<vmem_shared>> -> memref<48x128xf32, #tpu.memory_space<vmem_shared>>
    tpu.enqueue_dma source(%arg12 : memref<48x128xf32, #tpu.memory_space<vmem>>) target(%dma_start3A_22 : memref<48x128xf32, #tpu.memory_space<vmem_shared>>) target_semaphore(%arg19 : memref<!tpu.dma_semaphore, #tpu.memory_space<semaphore_mem>>)
    %add3A_23 = arith.constant 144 : i32
    %add3A_24 = arith.addi %mul3A_6, %add3A_23 : i32
    %dma_start3A_25 = arith.constant 0 : i32
    %dma_start3A_26 = tpu.memref_slice %arg13[%add3A_24, %dma_start3A_25] : memref<10000x128xf32, #tpu.memory_space<vmem_shared>> -> memref<48x128xf32, #tpu.memory_space<vmem_shared>>
    %dma_start3A_27 = arith.constant 0 : i32
    %dma_start3A_28 = tpu.memref_slice %arg13[%add3A_24, %dma_start3A_27] : memref<10000x128xf32, #tpu.memory_space<vmem_shared>> -> memref<48x128xf32, #tpu.memory_space<vmem_shared>>
    tpu.enqueue_dma source(%arg12 : memref<48x128xf32, #tpu.memory_space<vmem>>) target(%dma_start3A_28 : memref<48x128xf32, #tpu.memory_space<vmem_shared>>) target_semaphore(%arg19 : memref<!tpu.dma_semaphore, #tpu.memory_space<semaphore_mem>>)
    %add3A_29 = arith.constant 192 : i32
    %add3A_30 = arith.addi %mul3A_6, %add3A_29 : i32
    %dma_start3A_31 = arith.constant 0 : i32
    %dma_start3A_32 = tpu.memref_slice %arg13[%add3A_30, %dma_start3A_31] : memref<10000x128xf32, #tpu.memory_space<vmem_shared>> -> memref<48x128xf32, #tpu.memory_space<vmem_shared>>
    %dma_start3A_33 = arith.constant 0 : i32
    %dma_start3A_34 = tpu.memref_slice %arg13[%add3A_30, %dma_start3A_33] : memref<10000x128xf32, #tpu.memory_space<vmem_shared>> -> memref<48x128xf32, #tpu.memory_space<vmem_shared>>
    tpu.enqueue_dma source(%arg12 : memref<48x128xf32, #tpu.memory_space<vmem>>) target(%dma_start3A_34 : memref<48x128xf32, #tpu.memory_space<vmem_shared>>) target_semaphore(%arg19 : memref<!tpu.dma_semaphore, #tpu.memory_space<semaphore_mem>>)
    %add3A_35 = arith.constant 240 : i32
    %add3A_36 = arith.addi %mul3A_6, %add3A_35 : i32
    %dma_start3A_37 = arith.constant 0 : i32
    %dma_start3A_38 = tpu.memref_slice %arg13[%add3A_36, %dma_start3A_37] : memref<10000x128xf32, #tpu.memory_space<vmem_shared>> -> memref<48x128xf32, #tpu.memory_space<vmem_shared>>
    %dma_start3A_39 = arith.constant 0 : i32
    %dma_start3A_40 = tpu.memref_slice %arg13[%add3A_36, %dma_start3A_39] : memref<10000x128xf32, #tpu.memory_space<vmem_shared>> -> memref<48x128xf32, #tpu.memory_space<vmem_shared>>
    tpu.enqueue_dma source(%arg12 : memref<48x128xf32, #tpu.memory_space<vmem>>) target(%dma_start3A_40 : memref<48x128xf32, #tpu.memory_space<vmem_shared>>) target_semaphore(%arg19 : memref<!tpu.dma_semaphore, #tpu.memory_space<semaphore_mem>>)
    %add3A_41 = arith.constant 288 : i32
    %add3A_42 = arith.addi %mul3A_6, %add3A_41 : i32
    %dma_start3A_43 = arith.constant 0 : i32
    %dma_start3A_44 = tpu.memref_slice %arg13[%add3A_42, %dma_start3A_43] : memref<10000x128xf32, #tpu.memory_space<vmem_shared>> -> memref<48x128xf32, #tpu.memory_space<vmem_shared>>
    %dma_start3A_45 = arith.constant 0 : i32
    %dma_start3A_46 = tpu.memref_slice %arg13[%add3A_42, %dma_start3A_45] : memref<10000x128xf32, #tpu.memory_space<vmem_shared>> -> memref<48x128xf32, #tpu.memory_space<vmem_shared>>
    tpu.enqueue_dma source(%arg12 : memref<48x128xf32, #tpu.memory_space<vmem>>) target(%dma_start3A_46 : memref<48x128xf32, #tpu.memory_space<vmem_shared>>) target_semaphore(%arg19 : memref<!tpu.dma_semaphore, #tpu.memory_space<semaphore_mem>>)
    %add3A_47 = arith.constant 336 : i32
    %add3A_48 = arith.addi %mul3A_6, %add3A_47 : i32
    %dma_start3A_49 = arith.constant 0 : i32
    %dma_start3A_50 = tpu.memref_slice %arg13[%add3A_48, %dma_start3A_49] : memref<10000x128xf32, #tpu.memory_space<vmem_shared>> -> memref<48x128xf32, #tpu.memory_space<vmem_shared>>
    %dma_start3A_51 = arith.constant 0 : i32
    %dma_start3A_52 = tpu.memref_slice %arg13[%add3A_48, %dma_start3A_51] : memref<10000x128xf32, #tpu.memory_space<vmem_shared>> -> memref<48x128xf32, #tpu.memory_space<vmem_shared>>
    tpu.enqueue_dma source(%arg12 : memref<48x128xf32, #tpu.memory_space<vmem>>) target(%dma_start3A_52 : memref<48x128xf32, #tpu.memory_space<vmem_shared>>) target_semaphore(%arg19 : memref<!tpu.dma_semaphore, #tpu.memory_space<semaphore_mem>>)
    %add3A_53 = arith.constant 384 : i32
    %add3A_54 = arith.addi %mul3A_6, %add3A_53 : i32
    %dma_start3A_55 = arith.constant 0 : i32
    %dma_start3A_56 = tpu.memref_slice %arg13[%add3A_54, %dma_start3A_55] : memref<10000x128xf32, #tpu.memory_space<vmem_shared>> -> memref<48x128xf32, #tpu.memory_space<vmem_shared>>
    %dma_start3A_57 = arith.constant 0 : i32
    %dma_start3A_58 = tpu.memref_slice %arg13[%add3A_54, %dma_start3A_57] : memref<10000x128xf32, #tpu.memory_space<vmem_shared>> -> memref<48x128xf32, #tpu.memory_space<vmem_shared>>
    tpu.enqueue_dma source(%arg12 : memref<48x128xf32, #tpu.memory_space<vmem>>) target(%dma_start3A_58 : memref<48x128xf32, #tpu.memory_space<vmem_shared>>) target_semaphore(%arg19 : memref<!tpu.dma_semaphore, #tpu.memory_space<semaphore_mem>>)
    %add3A_59 = arith.constant 432 : i32
    %add3A_60 = arith.addi %mul3A_6, %add3A_59 : i32
    %dma_start3A_61 = arith.constant 0 : i32
    %dma_start3A_62 = tpu.memref_slice %arg13[%add3A_60, %dma_start3A_61] : memref<10000x128xf32, #tpu.memory_space<vmem_shared>> -> memref<48x128xf32, #tpu.memory_space<vmem_shared>>
    %dma_start3A_63 = arith.constant 0 : i32
    %dma_start3A_64 = tpu.memref_slice %arg13[%add3A_60, %dma_start3A_63] : memref<10000x128xf32, #tpu.memory_space<vmem_shared>> -> memref<48x128xf32, #tpu.memory_space<vmem_shared>>
    tpu.enqueue_dma source(%arg12 : memref<48x128xf32, #tpu.memory_space<vmem>>) target(%dma_start3A_64 : memref<48x128xf32, #tpu.memory_space<vmem_shared>>) target_semaphore(%arg19 : memref<!tpu.dma_semaphore, #tpu.memory_space<semaphore_mem>>)
    %add3A_65 = arith.constant 480 : i32
    %add3A_66 = arith.addi %mul3A_6, %add3A_65 : i32
    %dma_start3A_67 = arith.constant 0 : i32
    %dma_start3A_68 = tpu.memref_slice %arg13[%add3A_66, %dma_start3A_67] : memref<10000x128xf32, #tpu.memory_space<vmem_shared>> -> memref<48x128xf32, #tpu.memory_space<vmem_shared>>
    %dma_start3A_69 = arith.constant 0 : i32
    %dma_start3A_70 = tpu.memref_slice %arg13[%add3A_66, %dma_start3A_69] : memref<10000x128xf32, #tpu.memory_space<vmem_shared>> -> memref<48x128xf32, #tpu.memory_space<vmem_shared>>
    tpu.enqueue_dma source(%arg12 : memref<48x128xf32, #tpu.memory_space<vmem>>) target(%dma_start3A_70 : memref<48x128xf32, #tpu.memory_space<vmem_shared>>) target_semaphore(%arg19 : memref<!tpu.dma_semaphore, #tpu.memory_space<semaphore_mem>>)
    %add3A_71 = arith.constant 528 : i32
    %add3A_72 = arith.addi %mul3A_6, %add3A_71 : i32
    %dma_start3A_73 = arith.constant 0 : i32
    %dma_start3A_74 = tpu.memref_slice %arg13[%add3A_72, %dma_start3A_73] : memref<10000x128xf32, #tpu.memory_space<vmem_shared>> -> memref<48x128xf32, #tpu.memory_space<vmem_shared>>
    %dma_start3A_75 = arith.constant 0 : i32
    %dma_start3A_76 = tpu.memref_slice %arg13[%add3A_72, %dma_start3A_75] : memref<10000x128xf32, #tpu.memory_space<vmem_shared>> -> memref<48x128xf32, #tpu.memory_space<vmem_shared>>
    tpu.enqueue_dma source(%arg12 : memref<48x128xf32, #tpu.memory_space<vmem>>) target(%dma_start3A_76 : memref<48x128xf32, #tpu.memory_space<vmem_shared>>) target_semaphore(%arg19 : memref<!tpu.dma_semaphore, #tpu.memory_space<semaphore_mem>>)
    %add3A_77 = arith.constant 576 : i32
    %add3A_78 = arith.addi %mul3A_6, %add3A_77 : i32
    %dma_start3A_79 = arith.constant 0 : i32
    %dma_start3A_80 = tpu.memref_slice %arg13[%add3A_78, %dma_start3A_79] : memref<10000x128xf32, #tpu.memory_space<vmem_shared>> -> memref<48x128xf32, #tpu.memory_space<vmem_shared>>
    %dma_start3A_81 = arith.constant 0 : i32
    %dma_start3A_82 = tpu.memref_slice %arg13[%add3A_78, %dma_start3A_81] : memref<10000x128xf32, #tpu.memory_space<vmem_shared>> -> memref<48x128xf32, #tpu.memory_space<vmem_shared>>
    tpu.enqueue_dma source(%arg12 : memref<48x128xf32, #tpu.memory_space<vmem>>) target(%dma_start3A_82 : memref<48x128xf32, #tpu.memory_space<vmem_shared>>) target_semaphore(%arg19 : memref<!tpu.dma_semaphore, #tpu.memory_space<semaphore_mem>>)
    %eq3A = arith.constant 15 : i32
    %eq3A_83 = arith.cmpi eq, %arg1, %eq3A : i32
    %convert_element_type3A = arith.extui %eq3A_83 : i1 to i32
    %cond3A = arith.constant 0 : i32
    %cond3A_84 = arith.cmpi ne, %convert_element_type3A, %cond3A : i32
    scf.if %cond3A_84 {
      %dma_start3A_266 = arith.constant 0 : i32
      %dma_start3A_267 = arith.constant 0 : i32
      %dma_start3A_268 = tpu.memref_slice %arg12[%dma_start3A_266, %dma_start3A_267] : memref<48x128xf32, #tpu.memory_space<vmem>> -> memref<16x128xf32, #tpu.memory_space<vmem>>
      %dma_start3A_269 = arith.constant 9984 : i32
      %dma_start3A_270 = arith.constant 0 : i32
      %dma_start3A_271 = tpu.memref_slice %arg13[%dma_start3A_269, %dma_start3A_270] : memref<10000x128xf32, #tpu.memory_space<vmem_shared>> -> memref<16x128xf32, #tpu.memory_space<vmem_shared>>
      %dma_start3A_272 = arith.constant 9984 : i32
      %dma_start3A_273 = arith.constant 0 : i32
      %dma_start3A_274 = tpu.memref_slice %arg13[%dma_start3A_272, %dma_start3A_273] : memref<10000x128xf32, #tpu.memory_space<vmem_shared>> -> memref<16x128xf32, #tpu.memory_space<vmem_shared>>
      %dma_start3A_275 = arith.constant 0 : i32
      %dma_start3A_276 = arith.constant 0 : i32
      %dma_start3A_277 = tpu.memref_slice %arg12[%dma_start3A_275, %dma_start3A_276] : memref<48x128xf32, #tpu.memory_space<vmem>> -> memref<16x128xf32, #tpu.memory_space<vmem>>
      tpu.enqueue_dma source(%dma_start3A_277 : memref<16x128xf32, #tpu.memory_space<vmem>>) target(%dma_start3A_274 : memref<16x128xf32, #tpu.memory_space<vmem_shared>>) target_semaphore(%arg19 : memref<!tpu.dma_semaphore, #tpu.memory_space<semaphore_mem>>)
    } else {
    }
    %mul3A_85 = arith.constant 10000 : i32
    %mul3A_86 = arith.muli %arg1, %mul3A_85 : i32
    %add3A_87 = arith.constant 0 : i32
    %add3A_88 = arith.addi %mul3A_86, %add3A_87 : i32
    %dma_start3A_89 = tpu.memref_slice %arg2[%add3A_88] : memref<160000xi32, #tpu.memory_space<hbm>> -> memref<128xi32, #tpu.memory_space<hbm>>
    %dma_start3A_90 = tpu.memref_slice %arg2[%add3A_88] : memref<160000xi32, #tpu.memory_space<hbm>> -> memref<128xi32, #tpu.memory_space<hbm>>
    tpu.enqueue_dma source(%dma_start3A_90 : memref<128xi32, #tpu.memory_space<hbm>>) target(%arg6 : memref<128xi32, #tpu.memory_space<vmem>>) target_semaphore(%arg18 : memref<!tpu.dma_semaphore, #tpu.memory_space<semaphore_mem>>)
    %dma_start3A_91 = tpu.memref_slice %arg3[%add3A_88] : memref<160000xi32, #tpu.memory_space<hbm>> -> memref<128xi32, #tpu.memory_space<hbm>>
    %dma_start3A_92 = tpu.memref_slice %arg3[%add3A_88] : memref<160000xi32, #tpu.memory_space<hbm>> -> memref<128xi32, #tpu.memory_space<hbm>>
    tpu.enqueue_dma source(%dma_start3A_92 : memref<128xi32, #tpu.memory_space<hbm>>) target(%arg8 : memref<128xi32, #tpu.memory_space<vmem>>) target_semaphore(%arg18 : memref<!tpu.dma_semaphore, #tpu.memory_space<semaphore_mem>>)
    %dma_wait3A = tpu.memref_slice %arg2[%add3A_88] : memref<160000xi32, #tpu.memory_space<hbm>> -> memref<128xi32, #tpu.memory_space<hbm>>
    %dma_wait3A_93 = tpu.memref_slice %arg2[%add3A_88] : memref<160000xi32, #tpu.memory_space<hbm>> -> memref<128xi32, #tpu.memory_space<hbm>>
    tpu.wait_dma2 semaphore(%arg18 : memref<!tpu.dma_semaphore, #tpu.memory_space<semaphore_mem>>) src(%dma_wait3A_93 : memref<128xi32, #tpu.memory_space<hbm>>) dst(%arg6 : memref<128xi32, #tpu.memory_space<vmem>>)
    %dma_wait3A_94 = tpu.memref_slice %arg3[%add3A_88] : memref<160000xi32, #tpu.memory_space<hbm>> -> memref<128xi32, #tpu.memory_space<hbm>>
    %dma_wait3A_95 = tpu.memref_slice %arg3[%add3A_88] : memref<160000xi32, #tpu.memory_space<hbm>> -> memref<128xi32, #tpu.memory_space<hbm>>
    tpu.wait_dma2 semaphore(%arg18 : memref<!tpu.dma_semaphore, #tpu.memory_space<semaphore_mem>>) src(%dma_wait3A_95 : memref<128xi32, #tpu.memory_space<hbm>>) dst(%arg8 : memref<128xi32, #tpu.memory_space<vmem>>)
    %scan3A_96 = arith.constant 0 : i32
    %scan3A_97 = arith.constant 0 : i32
    %scan3A_98 = arith.constant 8 : i32
    %scan3A_99 = arith.addi %scan3A_97, %scan3A_98 : i32
    %scan3A_100 = arith.constant 1 : i32
    %scan3A_101 = scf.for %scan3A_266 = %scan3A_97 to %scan3A_99 step %scan3A_100 iter_args(%scan3A_267 = %scan3A_96) -> (i32)  : i32 {
      %mul3A_268 = arith.constant 16 : i32
      %mul3A_269 = arith.muli %scan3A_266, %mul3A_268 : i32
      %get3A_270 = arith.index_cast %mul3A_269 : i32 to index
      %get3A_271 = tpu.vector_load %arg6[%get3A_270] {strides = array<i32>} : memref<128xi32, #tpu.memory_space<vmem>>, vector<16xi32>,
      %get3A_272 = vector.shape_cast %get3A_271 : vector<16xi32> to vector<16xi32>
      %mul3A_273 = arith.constant 2 : i32
      %mul3A_274 = vector.broadcast %mul3A_273 : i32 to vector<16xi32>
      %mul3A_275 = arith.muli %get3A_272, %mul3A_274 : vector<16xi32>
      %add3A_276 = vector.broadcast %arg0 : i32 to vector<16xi32>
      %add3A_277 = arith.addi %mul3A_275, %add3A_276 : vector<16xi32>
      %mul3A_278 = arith.constant 16 : i32
      %mul3A_279 = arith.muli %scan3A_266, %mul3A_278 : i32
      %swap3A_280 = arith.index_cast %mul3A_279 : i32 to index
      %swap3A_281 = tpu.vector_load %arg6[%swap3A_280] {strides = array<i32>} : memref<128xi32, #tpu.memory_space<vmem>>, vector<16xi32>,
      %swap3A_282 = vector.shape_cast %swap3A_281 : vector<16xi32> to vector<16xi32>
      %swap3A_283 = vector.shape_cast %add3A_277 : vector<16xi32> to vector<16xi32>
      tpu.vector_store %arg6[%swap3A_280], %swap3A_283 {strides = array<i32>} : memref<128xi32, #tpu.memory_space<vmem>>, vector<16xi32>,
      %scan3A_284 = arith.constant 0 : i32
      scf.yield %scan3A_284 : i32
    }
    %scan3A_102 = arith.constant 8 : i32
    %dma_start3A_103 = arith.constant 0 : i32
    %dma_start3A_104 = arith.constant 0 : i32
    %dma_start3A_105 = tpu.memref_slice %arg4[%dma_start3A_103, %dma_start3A_104] : memref<20000x128xf32, #tpu.memory_space<hbm>> -> memref<20000x128xf32, #tpu.memory_space<hbm>>
    tpu.enqueue_indirect_dma source(%dma_start3A_105 : memref<20000x128xf32, #tpu.memory_space<hbm>>) target(%arg10 : memref<128x128xf32, #tpu.memory_space<vmem>>) offsets(%arg6 : memref<128xi32, #tpu.memory_space<vmem>>) semaphore(%arg14 : memref<!tpu.dma_semaphore, #tpu.memory_space<semaphore_mem>>)
    %add3A_106 = arith.constant 128 : i32
    %add3A_107 = arith.addi %mul3A_86, %add3A_106 : i32
    %dma_start3A_108 = tpu.memref_slice %arg2[%add3A_107] : memref<160000xi32, #tpu.memory_space<hbm>> -> memref<128xi32, #tpu.memory_space<hbm>>
    %dma_start3A_109 = tpu.memref_slice %arg2[%add3A_107] : memref<160000xi32, #tpu.memory_space<hbm>> -> memref<128xi32, #tpu.memory_space<hbm>>
    tpu.enqueue_dma source(%dma_start3A_109 : memref<128xi32, #tpu.memory_space<hbm>>) target(%arg7 : memref<128xi32, #tpu.memory_space<vmem>>) target_semaphore(%arg18 : memref<!tpu.dma_semaphore, #tpu.memory_space<semaphore_mem>>)
    %dma_start3A_110 = tpu.memref_slice %arg3[%add3A_107] : memref<160000xi32, #tpu.memory_space<hbm>> -> memref<128xi32, #tpu.memory_space<hbm>>
    %dma_start3A_111 = tpu.memref_slice %arg3[%add3A_107] : memref<160000xi32, #tpu.memory_space<hbm>> -> memref<128xi32, #tpu.memory_space<hbm>>
    tpu.enqueue_dma source(%dma_start3A_111 : memref<128xi32, #tpu.memory_space<hbm>>) target(%arg9 : memref<128xi32, #tpu.memory_space<vmem>>) target_semaphore(%arg18 : memref<!tpu.dma_semaphore, #tpu.memory_space<semaphore_mem>>)
    %dma_wait3A_112 = tpu.memref_slice %arg2[%add3A_107] : memref<160000xi32, #tpu.memory_space<hbm>> -> memref<128xi32, #tpu.memory_space<hbm>>
    %dma_wait3A_113 = tpu.memref_slice %arg2[%add3A_107] : memref<160000xi32, #tpu.memory_space<hbm>> -> memref<128xi32, #tpu.memory_space<hbm>>
    tpu.wait_dma2 semaphore(%arg18 : memref<!tpu.dma_semaphore, #tpu.memory_space<semaphore_mem>>) src(%dma_wait3A_113 : memref<128xi32, #tpu.memory_space<hbm>>) dst(%arg7 : memref<128xi32, #tpu.memory_space<vmem>>)
    %dma_wait3A_114 = tpu.memref_slice %arg3[%add3A_107] : memref<160000xi32, #tpu.memory_space<hbm>> -> memref<128xi32, #tpu.memory_space<hbm>>
    %dma_wait3A_115 = tpu.memref_slice %arg3[%add3A_107] : memref<160000xi32, #tpu.memory_space<hbm>> -> memref<128xi32, #tpu.memory_space<hbm>>
    tpu.wait_dma2 semaphore(%arg18 : memref<!tpu.dma_semaphore, #tpu.memory_space<semaphore_mem>>) src(%dma_wait3A_115 : memref<128xi32, #tpu.memory_space<hbm>>) dst(%arg9 : memref<128xi32, #tpu.memory_space<vmem>>)
    %scan3A_116 = arith.constant 0 : i32
    %scan3A_117 = arith.constant 0 : i32
    %scan3A_118 = arith.constant 8 : i32
    %scan3A_119 = arith.addi %scan3A_117, %scan3A_118 : i32
    %scan3A_120 = arith.constant 1 : i32
    %scan3A_121 = scf.for %scan3A_266 = %scan3A_117 to %scan3A_119 step %scan3A_120 iter_args(%scan3A_267 = %scan3A_116) -> (i32)  : i32 {
      %mul3A_268 = arith.constant 16 : i32
      %mul3A_269 = arith.muli %scan3A_266, %mul3A_268 : i32
      %get3A_270 = arith.index_cast %mul3A_269 : i32 to index
      %get3A_271 = tpu.vector_load %arg7[%get3A_270] {strides = array<i32>} : memref<128xi32, #tpu.memory_space<vmem>>, vector<16xi32>,
      %get3A_272 = vector.shape_cast %get3A_271 : vector<16xi32> to vector<16xi32>
      %mul3A_273 = arith.constant 2 : i32
      %mul3A_274 = vector.broadcast %mul3A_273 : i32 to vector<16xi32>
      %mul3A_275 = arith.muli %get3A_272, %mul3A_274 : vector<16xi32>
      %add3A_276 = vector.broadcast %arg0 : i32 to vector<16xi32>
      %add3A_277 = arith.addi %mul3A_275, %add3A_276 : vector<16xi32>
      %mul3A_278 = arith.constant 16 : i32
      %mul3A_279 = arith.muli %scan3A_266, %mul3A_278 : i32
      %swap3A_280 = arith.index_cast %mul3A_279 : i32 to index
      %swap3A_281 = tpu.vector_load %arg7[%swap3A_280] {strides = array<i32>} : memref<128xi32, #tpu.memory_space<vmem>>, vector<16xi32>,
      %swap3A_282 = vector.shape_cast %swap3A_281 : vector<16xi32> to vector<16xi32>
      %swap3A_283 = vector.shape_cast %add3A_277 : vector<16xi32> to vector<16xi32>
      tpu.vector_store %arg7[%swap3A_280], %swap3A_283 {strides = array<i32>} : memref<128xi32, #tpu.memory_space<vmem>>, vector<16xi32>,
      %scan3A_284 = arith.constant 0 : i32
      scf.yield %scan3A_284 : i32
    }
    %scan3A_122 = arith.constant 8 : i32
    %add3A_123 = arith.constant 0 : i32
    %add3A_124 = arith.addi %mul3A_6, %add3A_123 : i32
    %dma_wait3A_125 = arith.constant 0 : i32
    %dma_wait3A_126 = tpu.memref_slice %arg13[%add3A_124, %dma_wait3A_125] : memref<10000x128xf32, #tpu.memory_space<vmem_shared>> -> memref<48x128xf32, #tpu.memory_space<vmem_shared>>
    %dma_wait3A_127 = arith.constant 0 : i32
    %dma_wait3A_128 = tpu.memref_slice %arg13[%add3A_124, %dma_wait3A_127] : memref<10000x128xf32, #tpu.memory_space<vmem_shared>> -> memref<48x128xf32, #tpu.memory_space<vmem_shared>>
    tpu.wait_dma2 semaphore(%arg19 : memref<!tpu.dma_semaphore, #tpu.memory_space<semaphore_mem>>) src(%arg12 : memref<48x128xf32, #tpu.memory_space<vmem>>) dst(%dma_wait3A_128 : memref<48x128xf32, #tpu.memory_space<vmem_shared>>)
    %add3A_129 = arith.constant 48 : i32
    %add3A_130 = arith.addi %mul3A_6, %add3A_129 : i32
    %dma_wait3A_131 = arith.constant 0 : i32
    %dma_wait3A_132 = tpu.memref_slice %arg13[%add3A_130, %dma_wait3A_131] : memref<10000x128xf32, #tpu.memory_space<vmem_shared>> -> memref<48x128xf32, #tpu.memory_space<vmem_shared>>
    %dma_wait3A_133 = arith.constant 0 : i32
    %dma_wait3A_134 = tpu.memref_slice %arg13[%add3A_130, %dma_wait3A_133] : memref<10000x128xf32, #tpu.memory_space<vmem_shared>> -> memref<48x128xf32, #tpu.memory_space<vmem_shared>>
    tpu.wait_dma2 semaphore(%arg19 : memref<!tpu.dma_semaphore, #tpu.memory_space<semaphore_mem>>) src(%arg12 : memref<48x128xf32, #tpu.memory_space<vmem>>) dst(%dma_wait3A_134 : memref<48x128xf32, #tpu.memory_space<vmem_shared>>)
    %add3A_135 = arith.constant 96 : i32
    %add3A_136 = arith.addi %mul3A_6, %add3A_135 : i32
    %dma_wait3A_137 = arith.constant 0 : i32
    %dma_wait3A_138 = tpu.memref_slice %arg13[%add3A_136, %dma_wait3A_137] : memref<10000x128xf32, #tpu.memory_space<vmem_shared>> -> memref<48x128xf32, #tpu.memory_space<vmem_shared>>
    %dma_wait3A_139 = arith.constant 0 : i32
    %dma_wait3A_140 = tpu.memref_slice %arg13[%add3A_136, %dma_wait3A_139] : memref<10000x128xf32, #tpu.memory_space<vmem_shared>> -> memref<48x128xf32, #tpu.memory_space<vmem_shared>>
    tpu.wait_dma2 semaphore(%arg19 : memref<!tpu.dma_semaphore, #tpu.memory_space<semaphore_mem>>) src(%arg12 : memref<48x128xf32, #tpu.memory_space<vmem>>) dst(%dma_wait3A_140 : memref<48x128xf32, #tpu.memory_space<vmem_shared>>)
    %add3A_141 = arith.constant 144 : i32
    %add3A_142 = arith.addi %mul3A_6, %add3A_141 : i32
    %dma_wait3A_143 = arith.constant 0 : i32
    %dma_wait3A_144 = tpu.memref_slice %arg13[%add3A_142, %dma_wait3A_143] : memref<10000x128xf32, #tpu.memory_space<vmem_shared>> -> memref<48x128xf32, #tpu.memory_space<vmem_shared>>
    %dma_wait3A_145 = arith.constant 0 : i32
    %dma_wait3A_146 = tpu.memref_slice %arg13[%add3A_142, %dma_wait3A_145] : memref<10000x128xf32, #tpu.memory_space<vmem_shared>> -> memref<48x128xf32, #tpu.memory_space<vmem_shared>>
    tpu.wait_dma2 semaphore(%arg19 : memref<!tpu.dma_semaphore, #tpu.memory_space<semaphore_mem>>) src(%arg12 : memref<48x128xf32, #tpu.memory_space<vmem>>) dst(%dma_wait3A_146 : memref<48x128xf32, #tpu.memory_space<vmem_shared>>)
    %add3A_147 = arith.constant 192 : i32
    %add3A_148 = arith.addi %mul3A_6, %add3A_147 : i32
    %dma_wait3A_149 = arith.constant 0 : i32
    %dma_wait3A_150 = tpu.memref_slice %arg13[%add3A_148, %dma_wait3A_149] : memref<10000x128xf32, #tpu.memory_space<vmem_shared>> -> memref<48x128xf32, #tpu.memory_space<vmem_shared>>
    %dma_wait3A_151 = arith.constant 0 : i32
    %dma_wait3A_152 = tpu.memref_slice %arg13[%add3A_148, %dma_wait3A_151] : memref<10000x128xf32, #tpu.memory_space<vmem_shared>> -> memref<48x128xf32, #tpu.memory_space<vmem_shared>>
    tpu.wait_dma2 semaphore(%arg19 : memref<!tpu.dma_semaphore, #tpu.memory_space<semaphore_mem>>) src(%arg12 : memref<48x128xf32, #tpu.memory_space<vmem>>) dst(%dma_wait3A_152 : memref<48x128xf32, #tpu.memory_space<vmem_shared>>)
    %add3A_153 = arith.constant 240 : i32
    %add3A_154 = arith.addi %mul3A_6, %add3A_153 : i32
    %dma_wait3A_155 = arith.constant 0 : i32
    %dma_wait3A_156 = tpu.memref_slice %arg13[%add3A_154, %dma_wait3A_155] : memref<10000x128xf32, #tpu.memory_space<vmem_shared>> -> memref<48x128xf32, #tpu.memory_space<vmem_shared>>
    %dma_wait3A_157 = arith.constant 0 : i32
    %dma_wait3A_158 = tpu.memref_slice %arg13[%add3A_154, %dma_wait3A_157] : memref<10000x128xf32, #tpu.memory_space<vmem_shared>> -> memref<48x128xf32, #tpu.memory_space<vmem_shared>>
    tpu.wait_dma2 semaphore(%arg19 : memref<!tpu.dma_semaphore, #tpu.memory_space<semaphore_mem>>) src(%arg12 : memref<48x128xf32, #tpu.memory_space<vmem>>) dst(%dma_wait3A_158 : memref<48x128xf32, #tpu.memory_space<vmem_shared>>)
    %add3A_159 = arith.constant 288 : i32
    %add3A_160 = arith.addi %mul3A_6, %add3A_159 : i32
    %dma_wait3A_161 = arith.constant 0 : i32
    %dma_wait3A_162 = tpu.memref_slice %arg13[%add3A_160, %dma_wait3A_161] : memref<10000x128xf32, #tpu.memory_space<vmem_shared>> -> memref<48x128xf32, #tpu.memory_space<vmem_shared>>
    %dma_wait3A_163 = arith.constant 0 : i32
    %dma_wait3A_164 = tpu.memref_slice %arg13[%add3A_160, %dma_wait3A_163] : memref<10000x128xf32, #tpu.memory_space<vmem_shared>> -> memref<48x128xf32, #tpu.memory_space<vmem_shared>>
    tpu.wait_dma2 semaphore(%arg19 : memref<!tpu.dma_semaphore, #tpu.memory_space<semaphore_mem>>) src(%arg12 : memref<48x128xf32, #tpu.memory_space<vmem>>) dst(%dma_wait3A_164 : memref<48x128xf32, #tpu.memory_space<vmem_shared>>)
    %add3A_165 = arith.constant 336 : i32
    %add3A_166 = arith.addi %mul3A_6, %add3A_165 : i32
    %dma_wait3A_167 = arith.constant 0 : i32
    %dma_wait3A_168 = tpu.memref_slice %arg13[%add3A_166, %dma_wait3A_167] : memref<10000x128xf32, #tpu.memory_space<vmem_shared>> -> memref<48x128xf32, #tpu.memory_space<vmem_shared>>
    %dma_wait3A_169 = arith.constant 0 : i32
    %dma_wait3A_170 = tpu.memref_slice %arg13[%add3A_166, %dma_wait3A_169] : memref<10000x128xf32, #tpu.memory_space<vmem_shared>> -> memref<48x128xf32, #tpu.memory_space<vmem_shared>>
    tpu.wait_dma2 semaphore(%arg19 : memref<!tpu.dma_semaphore, #tpu.memory_space<semaphore_mem>>) src(%arg12 : memref<48x128xf32, #tpu.memory_space<vmem>>) dst(%dma_wait3A_170 : memref<48x128xf32, #tpu.memory_space<vmem_shared>>)
    %add3A_171 = arith.constant 384 : i32
    %add3A_172 = arith.addi %mul3A_6, %add3A_171 : i32
    %dma_wait3A_173 = arith.constant 0 : i32
    %dma_wait3A_174 = tpu.memref_slice %arg13[%add3A_172, %dma_wait3A_173] : memref<10000x128xf32, #tpu.memory_space<vmem_shared>> -> memref<48x128xf32, #tpu.memory_space<vmem_shared>>
    %dma_wait3A_175 = arith.constant 0 : i32
    %dma_wait3A_176 = tpu.memref_slice %arg13[%add3A_172, %dma_wait3A_175] : memref<10000x128xf32, #tpu.memory_space<vmem_shared>> -> memref<48x128xf32, #tpu.memory_space<vmem_shared>>
    tpu.wait_dma2 semaphore(%arg19 : memref<!tpu.dma_semaphore, #tpu.memory_space<semaphore_mem>>) src(%arg12 : memref<48x128xf32, #tpu.memory_space<vmem>>) dst(%dma_wait3A_176 : memref<48x128xf32, #tpu.memory_space<vmem_shared>>)
    %add3A_177 = arith.constant 432 : i32
    %add3A_178 = arith.addi %mul3A_6, %add3A_177 : i32
    %dma_wait3A_179 = arith.constant 0 : i32
    %dma_wait3A_180 = tpu.memref_slice %arg13[%add3A_178, %dma_wait3A_179] : memref<10000x128xf32, #tpu.memory_space<vmem_shared>> -> memref<48x128xf32, #tpu.memory_space<vmem_shared>>
    %dma_wait3A_181 = arith.constant 0 : i32
    %dma_wait3A_182 = tpu.memref_slice %arg13[%add3A_178, %dma_wait3A_181] : memref<10000x128xf32, #tpu.memory_space<vmem_shared>> -> memref<48x128xf32, #tpu.memory_space<vmem_shared>>
    tpu.wait_dma2 semaphore(%arg19 : memref<!tpu.dma_semaphore, #tpu.memory_space<semaphore_mem>>) src(%arg12 : memref<48x128xf32, #tpu.memory_space<vmem>>) dst(%dma_wait3A_182 : memref<48x128xf32, #tpu.memory_space<vmem_shared>>)
    %add3A_183 = arith.constant 480 : i32
    %add3A_184 = arith.addi %mul3A_6, %add3A_183 : i32
    %dma_wait3A_185 = arith.constant 0 : i32
    %dma_wait3A_186 = tpu.memref_slice %arg13[%add3A_184, %dma_wait3A_185] : memref<10000x128xf32, #tpu.memory_space<vmem_shared>> -> memref<48x128xf32, #tpu.memory_space<vmem_shared>>
    %dma_wait3A_187 = arith.constant 0 : i32
    %dma_wait3A_188 = tpu.memref_slice %arg13[%add3A_184, %dma_wait3A_187] : memref<10000x128xf32, #tpu.memory_space<vmem_shared>> -> memref<48x128xf32, #tpu.memory_space<vmem_shared>>
    tpu.wait_dma2 semaphore(%arg19 : memref<!tpu.dma_semaphore, #tpu.memory_space<semaphore_mem>>) src(%arg12 : memref<48x128xf32, #tpu.memory_space<vmem>>) dst(%dma_wait3A_188 : memref<48x128xf32, #tpu.memory_space<vmem_shared>>)
    %add3A_189 = arith.constant 528 : i32
    %add3A_190 = arith.addi %mul3A_6, %add3A_189 : i32
    %dma_wait3A_191 = arith.constant 0 : i32
    %dma_wait3A_192 = tpu.memref_slice %arg13[%add3A_190, %dma_wait3A_191] : memref<10000x128xf32, #tpu.memory_space<vmem_shared>> -> memref<48x128xf32, #tpu.memory_space<vmem_shared>>
    %dma_wait3A_193 = arith.constant 0 : i32
    %dma_wait3A_194 = tpu.memref_slice %arg13[%add3A_190, %dma_wait3A_193] : memref<10000x128xf32, #tpu.memory_space<vmem_shared>> -> memref<48x128xf32, #tpu.memory_space<vmem_shared>>
    tpu.wait_dma2 semaphore(%arg19 : memref<!tpu.dma_semaphore, #tpu.memory_space<semaphore_mem>>) src(%arg12 : memref<48x128xf32, #tpu.memory_space<vmem>>) dst(%dma_wait3A_194 : memref<48x128xf32, #tpu.memory_space<vmem_shared>>)
    %add3A_195 = arith.constant 576 : i32
    %add3A_196 = arith.addi %mul3A_6, %add3A_195 : i32
    %dma_wait3A_197 = arith.constant 0 : i32
    %dma_wait3A_198 = tpu.memref_slice %arg13[%add3A_196, %dma_wait3A_197] : memref<10000x128xf32, #tpu.memory_space<vmem_shared>> -> memref<48x128xf32, #tpu.memory_space<vmem_shared>>
    %dma_wait3A_199 = arith.constant 0 : i32
    %dma_wait3A_200 = tpu.memref_slice %arg13[%add3A_196, %dma_wait3A_199] : memref<10000x128xf32, #tpu.memory_space<vmem_shared>> -> memref<48x128xf32, #tpu.memory_space<vmem_shared>>
    tpu.wait_dma2 semaphore(%arg19 : memref<!tpu.dma_semaphore, #tpu.memory_space<semaphore_mem>>) src(%arg12 : memref<48x128xf32, #tpu.memory_space<vmem>>) dst(%dma_wait3A_200 : memref<48x128xf32, #tpu.memory_space<vmem_shared>>)
    %eq3A_201 = arith.constant 15 : i32
    %eq3A_202 = arith.cmpi eq, %arg1, %eq3A_201 : i32
    %convert_element_type3A_203 = arith.extui %eq3A_202 : i1 to i32
    %cond3A_204 = arith.constant 0 : i32
    %cond3A_205 = arith.cmpi ne, %convert_element_type3A_203, %cond3A_204 : i32
    scf.if %cond3A_205 {
      %dma_wait3A_266 = arith.constant 0 : i32
      %dma_wait3A_267 = arith.constant 0 : i32
      %dma_wait3A_268 = tpu.memref_slice %arg12[%dma_wait3A_266, %dma_wait3A_267] : memref<48x128xf32, #tpu.memory_space<vmem>> -> memref<16x128xf32, #tpu.memory_space<vmem>>
      %dma_wait3A_269 = arith.constant 9984 : i32
      %dma_wait3A_270 = arith.constant 0 : i32
      %dma_wait3A_271 = tpu.memref_slice %arg13[%dma_wait3A_269, %dma_wait3A_270] : memref<10000x128xf32, #tpu.memory_space<vmem_shared>> -> memref<16x128xf32, #tpu.memory_space<vmem_shared>>
      %dma_wait3A_272 = arith.constant 9984 : i32
      %dma_wait3A_273 = arith.constant 0 : i32
      %dma_wait3A_274 = tpu.memref_slice %arg13[%dma_wait3A_272, %dma_wait3A_273] : memref<10000x128xf32, #tpu.memory_space<vmem_shared>> -> memref<16x128xf32, #tpu.memory_space<vmem_shared>>
      %dma_wait3A_275 = arith.constant 0 : i32
      %dma_wait3A_276 = arith.constant 0 : i32
      %dma_wait3A_277 = tpu.memref_slice %arg12[%dma_wait3A_275, %dma_wait3A_276] : memref<48x128xf32, #tpu.memory_space<vmem>> -> memref<16x128xf32, #tpu.memory_space<vmem>>
      tpu.wait_dma2 semaphore(%arg19 : memref<!tpu.dma_semaphore, #tpu.memory_space<semaphore_mem>>) src(%dma_wait3A_277 : memref<16x128xf32, #tpu.memory_space<vmem>>) dst(%dma_wait3A_274 : memref<16x128xf32, #tpu.memory_space<vmem_shared>>)
    } else {
    }
    %barrier3A = arith.constant 0 : index
    tpu.barrier barrier_id(%barrier3A)
    %dma_wait3A_206 = arith.constant 0 : i32
    %dma_wait3A_207 = arith.constant 0 : i32
    %dma_wait3A_208 = tpu.memref_slice %arg4[%dma_wait3A_206, %dma_wait3A_207] : memref<20000x128xf32, #tpu.memory_space<hbm>> -> memref<20000x128xf32, #tpu.memory_space<hbm>>
    tpu.wait_indirect_dma semaphore(%arg14 : memref<!tpu.dma_semaphore, #tpu.memory_space<semaphore_mem>>) src(%dma_wait3A_208 : memref<20000x128xf32, #tpu.memory_space<hbm>>) dst(%arg10 : memref<128x128xf32, #tpu.memory_space<vmem>>)
    %dma_start3A_209 = arith.constant 0 : i32
    %dma_start3A_210 = arith.constant 0 : i32
    %dma_start3A_211 = tpu.memref_slice %arg4[%dma_start3A_209, %dma_start3A_210] : memref<20000x128xf32, #tpu.memory_space<hbm>> -> memref<20000x128xf32, #tpu.memory_space<hbm>>
    tpu.enqueue_indirect_dma source(%dma_start3A_211 : memref<20000x128xf32, #tpu.memory_space<hbm>>) target(%arg11 : memref<128x128xf32, #tpu.memory_space<vmem>>) offsets(%arg7 : memref<128xi32, #tpu.memory_space<vmem>>) semaphore(%arg15 : memref<!tpu.dma_semaphore, #tpu.memory_space<semaphore_mem>>)
    %dma_start3A_212 = arith.constant 0 : i32
    %dma_start3A_213 = arith.constant 0 : i32
    %dma_start3A_214 = tpu.memref_slice %arg13[%dma_start3A_212, %dma_start3A_213] : memref<10000x128xf32, #tpu.memory_space<vmem_shared>> -> memref<10000x128xf32, #tpu.memory_space<vmem_shared>>
    tpu.enqueue_indirect_dma source(%arg10 : memref<128x128xf32, #tpu.memory_space<vmem>>) target(%dma_start3A_214 : memref<10000x128xf32, #tpu.memory_space<vmem_shared>>) offsets(%arg8 : memref<128xi32, #tpu.memory_space<vmem>>) semaphore(%arg16 : memref<!tpu.dma_semaphore, #tpu.memory_space<semaphore_mem>>) {add = true}
    %scan3A_215 = arith.constant 0 : i32
    %scan3A_216 = arith.constant 0 : i32
    %scan3A_217 = arith.constant 38 : i32
    %scan3A_218 = arith.addi %scan3A_216, %scan3A_217 : i32
    %scan3A_219 = arith.constant 1 : i32
    %scan3A_220 = scf.for %scan3A_266 = %scan3A_216 to %scan3A_218 step %scan3A_219 iter_args(%scan3A_267 = %scan3A_215) -> (i32)  : i32 {
      %mul3A_268 = arith.constant 2 : i32
      %mul3A_269 = arith.muli %mul3A_268, %scan3A_266 : i32
      %add3A_270 = arith.constant 1 : i32
      %add3A_271 = arith.addi %mul3A_269, %add3A_270 : i32
      %dma_wait3A_272 = arith.constant 0 : i32
      %dma_wait3A_273 = arith.constant 0 : i32
      %dma_wait3A_274 = tpu.memref_slice %arg4[%dma_wait3A_272, %dma_wait3A_273] : memref<20000x128xf32, #tpu.memory_space<hbm>> -> memref<20000x128xf32, #tpu.memory_space<hbm>>
      tpu.wait_indirect_dma semaphore(%arg15 : memref<!tpu.dma_semaphore, #tpu.memory_space<semaphore_mem>>) src(%dma_wait3A_274 : memref<20000x128xf32, #tpu.memory_space<hbm>>) dst(%arg11 : memref<128x128xf32, #tpu.memory_space<vmem>>)
      %dma_wait3A_275 = arith.constant 0 : i32
      %dma_wait3A_276 = arith.constant 0 : i32
      %dma_wait3A_277 = tpu.memref_slice %arg13[%dma_wait3A_275, %dma_wait3A_276] : memref<10000x128xf32, #tpu.memory_space<vmem_shared>> -> memref<10000x128xf32, #tpu.memory_space<vmem_shared>>
      tpu.wait_indirect_dma semaphore(%arg16 : memref<!tpu.dma_semaphore, #tpu.memory_space<semaphore_mem>>) src(%arg10 : memref<128x128xf32, #tpu.memory_space<vmem>>) dst(%dma_wait3A_277 : memref<10000x128xf32, #tpu.memory_space<vmem_shared>>)
      %dma_start3A_278 = arith.constant 0 : i32
      %dma_start3A_279 = arith.constant 0 : i32
      %dma_start3A_280 = tpu.memref_slice %arg13[%dma_start3A_278, %dma_start3A_279] : memref<10000x128xf32, #tpu.memory_space<vmem_shared>> -> memref<10000x128xf32, #tpu.memory_space<vmem_shared>>
      tpu.enqueue_indirect_dma source(%arg11 : memref<128x128xf32, #tpu.memory_space<vmem>>) target(%dma_start3A_280 : memref<10000x128xf32, #tpu.memory_space<vmem_shared>>) offsets(%arg9 : memref<128xi32, #tpu.memory_space<vmem>>) semaphore(%arg17 : memref<!tpu.dma_semaphore, #tpu.memory_space<semaphore_mem>>) {add = true}
      %lt3A = arith.constant 77 : i32
      %lt3A_281 = arith.cmpi slt, %add3A_271, %lt3A : i32
      %convert_element_type3A_282 = arith.extui %lt3A_281 : i1 to i32
      %cond3A_283 = arith.constant 0 : i32
      %cond3A_284 = arith.cmpi ne, %convert_element_type3A_282, %cond3A_283 : i32
      scf.if %cond3A_284 {
        %add3A_304 = arith.constant 1 : i32
        %add3A_305 = arith.addi %add3A_271, %add3A_304 : i32
        %mul3A_306 = arith.constant 128 : i32
        %mul3A_307 = arith.muli %add3A_305, %mul3A_306 : i32
        %add3A_308 = arith.addi %mul3A_86, %mul3A_307 : i32
        %dma_start3A_309 = tpu.memref_slice %arg2[%add3A_308] : memref<160000xi32, #tpu.memory_space<hbm>> -> memref<128xi32, #tpu.memory_space<hbm>>
        %dma_start3A_310 = tpu.memref_slice %arg2[%add3A_308] : memref<160000xi32, #tpu.memory_space<hbm>> -> memref<128xi32, #tpu.memory_space<hbm>>
        tpu.enqueue_dma source(%dma_start3A_310 : memref<128xi32, #tpu.memory_space<hbm>>) target(%arg6 : memref<128xi32, #tpu.memory_space<vmem>>) target_semaphore(%arg18 : memref<!tpu.dma_semaphore, #tpu.memory_space<semaphore_mem>>)
        %dma_start3A_311 = tpu.memref_slice %arg3[%add3A_308] : memref<160000xi32, #tpu.memory_space<hbm>> -> memref<128xi32, #tpu.memory_space<hbm>>
        %dma_start3A_312 = tpu.memref_slice %arg3[%add3A_308] : memref<160000xi32, #tpu.memory_space<hbm>> -> memref<128xi32, #tpu.memory_space<hbm>>
        tpu.enqueue_dma source(%dma_start3A_312 : memref<128xi32, #tpu.memory_space<hbm>>) target(%arg8 : memref<128xi32, #tpu.memory_space<vmem>>) target_semaphore(%arg18 : memref<!tpu.dma_semaphore, #tpu.memory_space<semaphore_mem>>)
        %dma_wait3A_313 = tpu.memref_slice %arg2[%add3A_308] : memref<160000xi32, #tpu.memory_space<hbm>> -> memref<128xi32, #tpu.memory_space<hbm>>
        %dma_wait3A_314 = tpu.memref_slice %arg2[%add3A_308] : memref<160000xi32, #tpu.memory_space<hbm>> -> memref<128xi32, #tpu.memory_space<hbm>>
        tpu.wait_dma2 semaphore(%arg18 : memref<!tpu.dma_semaphore, #tpu.memory_space<semaphore_mem>>) src(%dma_wait3A_314 : memref<128xi32, #tpu.memory_space<hbm>>) dst(%arg6 : memref<128xi32, #tpu.memory_space<vmem>>)
        %dma_wait3A_315 = tpu.memref_slice %arg3[%add3A_308] : memref<160000xi32, #tpu.memory_space<hbm>> -> memref<128xi32, #tpu.memory_space<hbm>>
        %dma_wait3A_316 = tpu.memref_slice %arg3[%add3A_308] : memref<160000xi32, #tpu.memory_space<hbm>> -> memref<128xi32, #tpu.memory_space<hbm>>
        tpu.wait_dma2 semaphore(%arg18 : memref<!tpu.dma_semaphore, #tpu.memory_space<semaphore_mem>>) src(%dma_wait3A_316 : memref<128xi32, #tpu.memory_space<hbm>>) dst(%arg8 : memref<128xi32, #tpu.memory_space<vmem>>)
        %scan3A_317 = arith.constant 0 : i32
        %scan3A_318 = arith.constant 0 : i32
        %scan3A_319 = arith.constant 8 : i32
        %scan3A_320 = arith.addi %scan3A_318, %scan3A_319 : i32
        %scan3A_321 = arith.constant 1 : i32
        %scan3A_322 = scf.for %scan3A_327 = %scan3A_318 to %scan3A_320 step %scan3A_321 iter_args(%scan3A_328 = %scan3A_317) -> (i32)  : i32 {
          %mul3A_329 = arith.constant 16 : i32
          %mul3A_330 = arith.muli %scan3A_327, %mul3A_329 : i32
          %get3A_331 = arith.index_cast %mul3A_330 : i32 to index
          %get3A_332 = tpu.vector_load %arg6[%get3A_331] {strides = array<i32>} : memref<128xi32, #tpu.memory_space<vmem>>, vector<16xi32>,
          %get3A_333 = vector.shape_cast %get3A_332 : vector<16xi32> to vector<16xi32>
          %mul3A_334 = arith.constant 2 : i32
          %mul3A_335 = vector.broadcast %mul3A_334 : i32 to vector<16xi32>
          %mul3A_336 = arith.muli %get3A_333, %mul3A_335 : vector<16xi32>
          %add3A_337 = vector.broadcast %arg0 : i32 to vector<16xi32>
          %add3A_338 = arith.addi %mul3A_336, %add3A_337 : vector<16xi32>
          %mul3A_339 = arith.constant 16 : i32
          %mul3A_340 = arith.muli %scan3A_327, %mul3A_339 : i32
          %swap3A_341 = arith.index_cast %mul3A_340 : i32 to index
          %swap3A_342 = tpu.vector_load %arg6[%swap3A_341] {strides = array<i32>} : memref<128xi32, #tpu.memory_space<vmem>>, vector<16xi32>,
          %swap3A_343 = vector.shape_cast %swap3A_342 : vector<16xi32> to vector<16xi32>
          %swap3A_344 = vector.shape_cast %add3A_338 : vector<16xi32> to vector<16xi32>
          tpu.vector_store %arg6[%swap3A_341], %swap3A_344 {strides = array<i32>} : memref<128xi32, #tpu.memory_space<vmem>>, vector<16xi32>,
          %scan3A_345 = arith.constant 0 : i32
          scf.yield %scan3A_345 : i32
        }
        %scan3A_323 = arith.constant 8 : i32
        %dma_start3A_324 = arith.constant 0 : i32
        %dma_start3A_325 = arith.constant 0 : i32
        %dma_start3A_326 = tpu.memref_slice %arg4[%dma_start3A_324, %dma_start3A_325] : memref<20000x128xf32, #tpu.memory_space<hbm>> -> memref<20000x128xf32, #tpu.memory_space<hbm>>
        tpu.enqueue_indirect_dma source(%dma_start3A_326 : memref<20000x128xf32, #tpu.memory_space<hbm>>) target(%arg10 : memref<128x128xf32, #tpu.memory_space<vmem>>) offsets(%arg6 : memref<128xi32, #tpu.memory_space<vmem>>) semaphore(%arg14 : memref<!tpu.dma_semaphore, #tpu.memory_space<semaphore_mem>>)
      } else {
      }
      %mul3A_285 = arith.constant 2 : i32
      %mul3A_286 = arith.muli %mul3A_285, %scan3A_266 : i32
      %add3A_287 = arith.constant 2 : i32
      %add3A_288 = arith.addi %mul3A_286, %add3A_287 : i32
      %dma_wait3A_289 = arith.constant 0 : i32
      %dma_wait3A_290 = arith.constant 0 : i32
      %dma_wait3A_291 = tpu.memref_slice %arg4[%dma_wait3A_289, %dma_wait3A_290] : memref<20000x128xf32, #tpu.memory_space<hbm>> -> memref<20000x128xf32, #tpu.memory_space<hbm>>
      tpu.wait_indirect_dma semaphore(%arg14 : memref<!tpu.dma_semaphore, #tpu.memory_space<semaphore_mem>>) src(%dma_wait3A_291 : memref<20000x128xf32, #tpu.memory_space<hbm>>) dst(%arg10 : memref<128x128xf32, #tpu.memory_space<vmem>>)
      %dma_wait3A_292 = arith.constant 0 : i32
      %dma_wait3A_293 = arith.constant 0 : i32
      %dma_wait3A_294 = tpu.memref_slice %arg13[%dma_wait3A_292, %dma_wait3A_293] : memref<10000x128xf32, #tpu.memory_space<vmem_shared>> -> memref<10000x128xf32, #tpu.memory_space<vmem_shared>>
      tpu.wait_indirect_dma semaphore(%arg17 : memref<!tpu.dma_semaphore, #tpu.memory_space<semaphore_mem>>) src(%arg11 : memref<128x128xf32, #tpu.memory_space<vmem>>) dst(%dma_wait3A_294 : memref<10000x128xf32, #tpu.memory_space<vmem_shared>>)
      %dma_start3A_295 = arith.constant 0 : i32
      %dma_start3A_296 = arith.constant 0 : i32
      %dma_start3A_297 = tpu.memref_slice %arg13[%dma_start3A_295, %dma_start3A_296] : memref<10000x128xf32, #tpu.memory_space<vmem_shared>> -> memref<10000x128xf32, #tpu.memory_space<vmem_shared>>
      tpu.enqueue_indirect_dma source(%arg10 : memref<128x128xf32, #tpu.memory_space<vmem>>) target(%dma_start3A_297 : memref<10000x128xf32, #tpu.memory_space<vmem_shared>>) offsets(%arg8 : memref<128xi32, #tpu.memory_space<vmem>>) semaphore(%arg16 : memref<!tpu.dma_semaphore, #tpu.memory_space<semaphore_mem>>) {add = true}
      %lt3A_298 = arith.constant 77 : i32
      %lt3A_299 = arith.cmpi slt, %add3A_288, %lt3A_298 : i32
      %convert_element_type3A_300 = arith.extui %lt3A_299 : i1 to i32
      %cond3A_301 = arith.constant 0 : i32
      %cond3A_302 = arith.cmpi ne, %convert_element_type3A_300, %cond3A_301 : i32
      scf.if %cond3A_302 {
        %add3A_304 = arith.constant 1 : i32
        %add3A_305 = arith.addi %add3A_288, %add3A_304 : i32
        %mul3A_306 = arith.constant 128 : i32
        %mul3A_307 = arith.muli %add3A_305, %mul3A_306 : i32
        %add3A_308 = arith.addi %mul3A_86, %mul3A_307 : i32
        %dma_start3A_309 = tpu.memref_slice %arg2[%add3A_308] : memref<160000xi32, #tpu.memory_space<hbm>> -> memref<128xi32, #tpu.memory_space<hbm>>
        %dma_start3A_310 = tpu.memref_slice %arg2[%add3A_308] : memref<160000xi32, #tpu.memory_space<hbm>> -> memref<128xi32, #tpu.memory_space<hbm>>
        tpu.enqueue_dma source(%dma_start3A_310 : memref<128xi32, #tpu.memory_space<hbm>>) target(%arg7 : memref<128xi32, #tpu.memory_space<vmem>>) target_semaphore(%arg18 : memref<!tpu.dma_semaphore, #tpu.memory_space<semaphore_mem>>)
        %dma_start3A_311 = tpu.memref_slice %arg3[%add3A_308] : memref<160000xi32, #tpu.memory_space<hbm>> -> memref<128xi32, #tpu.memory_space<hbm>>
        %dma_start3A_312 = tpu.memref_slice %arg3[%add3A_308] : memref<160000xi32, #tpu.memory_space<hbm>> -> memref<128xi32, #tpu.memory_space<hbm>>
        tpu.enqueue_dma source(%dma_start3A_312 : memref<128xi32, #tpu.memory_space<hbm>>) target(%arg9 : memref<128xi32, #tpu.memory_space<vmem>>) target_semaphore(%arg18 : memref<!tpu.dma_semaphore, #tpu.memory_space<semaphore_mem>>)
        %dma_wait3A_313 = tpu.memref_slice %arg2[%add3A_308] : memref<160000xi32, #tpu.memory_space<hbm>> -> memref<128xi32, #tpu.memory_space<hbm>>
        %dma_wait3A_314 = tpu.memref_slice %arg2[%add3A_308] : memref<160000xi32, #tpu.memory_space<hbm>> -> memref<128xi32, #tpu.memory_space<hbm>>
        tpu.wait_dma2 semaphore(%arg18 : memref<!tpu.dma_semaphore, #tpu.memory_space<semaphore_mem>>) src(%dma_wait3A_314 : memref<128xi32, #tpu.memory_space<hbm>>) dst(%arg7 : memref<128xi32, #tpu.memory_space<vmem>>)
        %dma_wait3A_315 = tpu.memref_slice %arg3[%add3A_308] : memref<160000xi32, #tpu.memory_space<hbm>> -> memref<128xi32, #tpu.memory_space<hbm>>
        %dma_wait3A_316 = tpu.memref_slice %arg3[%add3A_308] : memref<160000xi32, #tpu.memory_space<hbm>> -> memref<128xi32, #tpu.memory_space<hbm>>
        tpu.wait_dma2 semaphore(%arg18 : memref<!tpu.dma_semaphore, #tpu.memory_space<semaphore_mem>>) src(%dma_wait3A_316 : memref<128xi32, #tpu.memory_space<hbm>>) dst(%arg9 : memref<128xi32, #tpu.memory_space<vmem>>)
        %scan3A_317 = arith.constant 0 : i32
        %scan3A_318 = arith.constant 0 : i32
        %scan3A_319 = arith.constant 8 : i32
        %scan3A_320 = arith.addi %scan3A_318, %scan3A_319 : i32
        %scan3A_321 = arith.constant 1 : i32
        %scan3A_322 = scf.for %scan3A_327 = %scan3A_318 to %scan3A_320 step %scan3A_321 iter_args(%scan3A_328 = %scan3A_317) -> (i32)  : i32 {
          %mul3A_329 = arith.constant 16 : i32
          %mul3A_330 = arith.muli %scan3A_327, %mul3A_329 : i32
          %get3A_331 = arith.index_cast %mul3A_330 : i32 to index
          %get3A_332 = tpu.vector_load %arg7[%get3A_331] {strides = array<i32>} : memref<128xi32, #tpu.memory_space<vmem>>, vector<16xi32>,
          %get3A_333 = vector.shape_cast %get3A_332 : vector<16xi32> to vector<16xi32>
          %mul3A_334 = arith.constant 2 : i32
          %mul3A_335 = vector.broadcast %mul3A_334 : i32 to vector<16xi32>
          %mul3A_336 = arith.muli %get3A_333, %mul3A_335 : vector<16xi32>
          %add3A_337 = vector.broadcast %arg0 : i32 to vector<16xi32>
          %add3A_338 = arith.addi %mul3A_336, %add3A_337 : vector<16xi32>
          %mul3A_339 = arith.constant 16 : i32
          %mul3A_340 = arith.muli %scan3A_327, %mul3A_339 : i32
          %swap3A_341 = arith.index_cast %mul3A_340 : i32 to index
          %swap3A_342 = tpu.vector_load %arg7[%swap3A_341] {strides = array<i32>} : memref<128xi32, #tpu.memory_space<vmem>>, vector<16xi32>,
          %swap3A_343 = vector.shape_cast %swap3A_342 : vector<16xi32> to vector<16xi32>
          %swap3A_344 = vector.shape_cast %add3A_338 : vector<16xi32> to vector<16xi32>
          tpu.vector_store %arg7[%swap3A_341], %swap3A_344 {strides = array<i32>} : memref<128xi32, #tpu.memory_space<vmem>>, vector<16xi32>,
          %scan3A_345 = arith.constant 0 : i32
          scf.yield %scan3A_345 : i32
        }
        %scan3A_323 = arith.constant 8 : i32
        %dma_start3A_324 = arith.constant 0 : i32
        %dma_start3A_325 = arith.constant 0 : i32
        %dma_start3A_326 = tpu.memref_slice %arg4[%dma_start3A_324, %dma_start3A_325] : memref<20000x128xf32, #tpu.memory_space<hbm>> -> memref<20000x128xf32, #tpu.memory_space<hbm>>
        tpu.enqueue_indirect_dma source(%dma_start3A_326 : memref<20000x128xf32, #tpu.memory_space<hbm>>) target(%arg11 : memref<128x128xf32, #tpu.memory_space<vmem>>) offsets(%arg7 : memref<128xi32, #tpu.memory_space<vmem>>) semaphore(%arg15 : memref<!tpu.dma_semaphore, #tpu.memory_space<semaphore_mem>>)
      } else {
      }
      %scan3A_303 = arith.constant 0 : i32
      scf.yield %scan3A_303 : i32
    }
    %scan3A_221 = arith.constant 38 : i32
    %dma_wait3A_222 = arith.constant 0 : i32
    %dma_wait3A_223 = arith.constant 0 : i32
    %dma_wait3A_224 = tpu.memref_slice %arg4[%dma_wait3A_222, %dma_wait3A_223] : memref<20000x128xf32, #tpu.memory_space<hbm>> -> memref<20000x128xf32, #tpu.memory_space<hbm>>
    tpu.wait_indirect_dma semaphore(%arg15 : memref<!tpu.dma_semaphore, #tpu.memory_space<semaphore_mem>>) src(%dma_wait3A_224 : memref<20000x128xf32, #tpu.memory_space<hbm>>) dst(%arg11 : memref<128x128xf32, #tpu.memory_space<vmem>>)
    %dma_wait3A_225 = arith.constant 0 : i32
    %dma_wait3A_226 = arith.constant 0 : i32
    %dma_wait3A_227 = tpu.memref_slice %arg13[%dma_wait3A_225, %dma_wait3A_226] : memref<10000x128xf32, #tpu.memory_space<vmem_shared>> -> memref<10000x128xf32, #tpu.memory_space<vmem_shared>>
    tpu.wait_indirect_dma semaphore(%arg16 : memref<!tpu.dma_semaphore, #tpu.memory_space<semaphore_mem>>) src(%arg10 : memref<128x128xf32, #tpu.memory_space<vmem>>) dst(%dma_wait3A_227 : memref<10000x128xf32, #tpu.memory_space<vmem_shared>>)
    %dma_start3A_228 = arith.constant 0 : i32
    %dma_start3A_229 = arith.constant 0 : i32
    %dma_start3A_230 = tpu.memref_slice %arg13[%dma_start3A_228, %dma_start3A_229] : memref<10000x128xf32, #tpu.memory_space<vmem_shared>> -> memref<10000x128xf32, #tpu.memory_space<vmem_shared>>
    tpu.enqueue_indirect_dma source(%arg11 : memref<128x128xf32, #tpu.memory_space<vmem>>) target(%dma_start3A_230 : memref<10000x128xf32, #tpu.memory_space<vmem_shared>>) offsets(%arg9 : memref<128xi32, #tpu.memory_space<vmem>>) semaphore(%arg17 : memref<!tpu.dma_semaphore, #tpu.memory_space<semaphore_mem>>) {add = true}
    %dma_wait3A_231 = arith.constant 0 : i32
    %dma_wait3A_232 = arith.constant 0 : i32
    %dma_wait3A_233 = tpu.memref_slice %arg13[%dma_wait3A_231, %dma_wait3A_232] : memref<10000x128xf32, #tpu.memory_space<vmem_shared>> -> memref<10000x128xf32, #tpu.memory_space<vmem_shared>>
    tpu.wait_indirect_dma semaphore(%arg17 : memref<!tpu.dma_semaphore, #tpu.memory_space<semaphore_mem>>) src(%arg11 : memref<128x128xf32, #tpu.memory_space<vmem>>) dst(%dma_wait3A_233 : memref<10000x128xf32, #tpu.memory_space<vmem_shared>>)
    %add3A_234 = arith.constant 9984 : i32
    %add3A_235 = arith.addi %mul3A_86, %add3A_234 : i32
    "tpu.region"() ({
      %run_scoped3A = tpu.sem_alloc : memref<!tpu.dma_semaphore, #tpu.memory_space<semaphore_mem>>
      %dma_start3A_266 = tpu.memref_slice %arg2[%add3A_235] : memref<160000xi32, #tpu.memory_space<hbm>> -> memref<16xi32, #tpu.memory_space<hbm>>
      %dma_start3A_267 = tpu.memref_slice %arg2[%add3A_235] : memref<160000xi32, #tpu.memory_space<hbm>> -> memref<16xi32, #tpu.memory_space<hbm>>
      tpu.enqueue_dma source(%dma_start3A_267 : memref<16xi32, #tpu.memory_space<hbm>>) target(%arg20 : memref<16xi32, #tpu.memory_space<vmem>>) target_semaphore(%run_scoped3A : memref<!tpu.dma_semaphore, #tpu.memory_space<semaphore_mem>>)
      %dma_wait3A_268 = tpu.memref_slice %arg2[%add3A_235] : memref<160000xi32, #tpu.memory_space<hbm>> -> memref<16xi32, #tpu.memory_space<hbm>>
      %dma_wait3A_269 = tpu.memref_slice %arg2[%add3A_235] : memref<160000xi32, #tpu.memory_space<hbm>> -> memref<16xi32, #tpu.memory_space<hbm>>
      tpu.wait_dma2 semaphore(%run_scoped3A : memref<!tpu.dma_semaphore, #tpu.memory_space<semaphore_mem>>) src(%dma_wait3A_269 : memref<16xi32, #tpu.memory_space<hbm>>) dst(%arg20 : memref<16xi32, #tpu.memory_space<vmem>>)
      tpu.yield
    }) : () -> ()
    "tpu.region"() ({
      %run_scoped3A = tpu.sem_alloc : memref<!tpu.dma_semaphore, #tpu.memory_space<semaphore_mem>>
      %dma_start3A_266 = tpu.memref_slice %arg3[%add3A_235] : memref<160000xi32, #tpu.memory_space<hbm>> -> memref<16xi32, #tpu.memory_space<hbm>>
      %dma_start3A_267 = tpu.memref_slice %arg3[%add3A_235] : memref<160000xi32, #tpu.memory_space<hbm>> -> memref<16xi32, #tpu.memory_space<hbm>>
      tpu.enqueue_dma source(%dma_start3A_267 : memref<16xi32, #tpu.memory_space<hbm>>) target(%arg21 : memref<16xi32, #tpu.memory_space<vmem>>) target_semaphore(%run_scoped3A : memref<!tpu.dma_semaphore, #tpu.memory_space<semaphore_mem>>)
      %dma_wait3A_268 = tpu.memref_slice %arg3[%add3A_235] : memref<160000xi32, #tpu.memory_space<hbm>> -> memref<16xi32, #tpu.memory_space<hbm>>
      %dma_wait3A_269 = tpu.memref_slice %arg3[%add3A_235] : memref<160000xi32, #tpu.memory_space<hbm>> -> memref<16xi32, #tpu.memory_space<hbm>>
      tpu.wait_dma2 semaphore(%run_scoped3A : memref<!tpu.dma_semaphore, #tpu.memory_space<semaphore_mem>>) src(%dma_wait3A_269 : memref<16xi32, #tpu.memory_space<hbm>>) dst(%arg21 : memref<16xi32, #tpu.memory_space<vmem>>)
      tpu.yield
    }) : () -> ()
    %scan3A_236 = arith.constant 0 : i32
    %scan3A_237 = arith.constant 0 : i32
    %mul3A_238 = arith.constant 16 : i32
    %mul3A_239 = arith.muli %scan3A_237, %mul3A_238 : i32
    %get3A = arith.index_cast %mul3A_239 : i32 to index
    %get3A_240 = tpu.vector_load %arg20[%get3A] {strides = array<i32>} : memref<16xi32, #tpu.memory_space<vmem>>, vector<16xi32>,
    %get3A_241 = vector.shape_cast %get3A_240 : vector<16xi32> to vector<16xi32>
    %mul3A_242 = arith.constant 2 : i32
    %mul3A_243 = vector.broadcast %mul3A_242 : i32 to vector<16xi32>
    %mul3A_244 = arith.muli %get3A_241, %mul3A_243 : vector<16xi32>
    %add3A_245 = vector.broadcast %arg0 : i32 to vector<16xi32>
    %add3A_246 = arith.addi %mul3A_244, %add3A_245 : vector<16xi32>
    %mul3A_247 = arith.constant 16 : i32
    %mul3A_248 = arith.muli %scan3A_237, %mul3A_247 : i32
    %swap3A = arith.index_cast %mul3A_248 : i32 to index
    %swap3A_249 = tpu.vector_load %arg20[%swap3A] {strides = array<i32>} : memref<16xi32, #tpu.memory_space<vmem>>, vector<16xi32>,
    %swap3A_250 = vector.shape_cast %swap3A_249 : vector<16xi32> to vector<16xi32>
    %swap3A_251 = vector.shape_cast %add3A_246 : vector<16xi32> to vector<16xi32>
    tpu.vector_store %arg20[%swap3A], %swap3A_251 {strides = array<i32>} : memref<16xi32, #tpu.memory_space<vmem>>, vector<16xi32>,
    %scan3A_252 = arith.constant 0 : i32
    %scan3A_253 = arith.constant 1 : i32
    %dma_start3A_254 = arith.constant 0 : i32
    %dma_start3A_255 = arith.constant 0 : i32
    %dma_start3A_256 = tpu.memref_slice %arg4[%dma_start3A_254, %dma_start3A_255] : memref<20000x128xf32, #tpu.memory_space<hbm>> -> memref<20000x128xf32, #tpu.memory_space<hbm>>
    tpu.enqueue_indirect_dma source(%dma_start3A_256 : memref<20000x128xf32, #tpu.memory_space<hbm>>) target(%arg22 : memref<16x128xf32, #tpu.memory_space<vmem>>) offsets(%arg20 : memref<16xi32, #tpu.memory_space<vmem>>) semaphore(%arg18 : memref<!tpu.dma_semaphore, #tpu.memory_space<semaphore_mem>>)
    %dma_wait3A_257 = arith.constant 0 : i32
    %dma_wait3A_258 = arith.constant 0 : i32
    %dma_wait3A_259 = tpu.memref_slice %arg4[%dma_wait3A_257, %dma_wait3A_258] : memref<20000x128xf32, #tpu.memory_space<hbm>> -> memref<20000x128xf32, #tpu.memory_space<hbm>>
    tpu.wait_indirect_dma semaphore(%arg18 : memref<!tpu.dma_semaphore, #tpu.memory_space<semaphore_mem>>) src(%dma_wait3A_259 : memref<20000x128xf32, #tpu.memory_space<hbm>>) dst(%arg22 : memref<16x128xf32, #tpu.memory_space<vmem>>)
    "tpu.region"() ({
      %run_scoped3A = tpu.sem_alloc : memref<!tpu.dma_semaphore, #tpu.memory_space<semaphore_mem>>
      %dma_start3A_266 = arith.constant 0 : i32
      %dma_start3A_267 = arith.constant 0 : i32
      %dma_start3A_268 = tpu.memref_slice %arg13[%dma_start3A_266, %dma_start3A_267] : memref<10000x128xf32, #tpu.memory_space<vmem_shared>> -> memref<10000x128xf32, #tpu.memory_space<vmem_shared>>
      tpu.enqueue_indirect_dma source(%arg22 : memref<16x128xf32, #tpu.memory_space<vmem>>) target(%dma_start3A_268 : memref<10000x128xf32, #tpu.memory_space<vmem_shared>>) offsets(%arg21 : memref<16xi32, #tpu.memory_space<vmem>>) semaphore(%run_scoped3A : memref<!tpu.dma_semaphore, #tpu.memory_space<semaphore_mem>>) {add = true}
      %dma_wait3A_269 = arith.constant 0 : i32
      %dma_wait3A_270 = arith.constant 0 : i32
      %dma_wait3A_271 = tpu.memref_slice %arg13[%dma_wait3A_269, %dma_wait3A_270] : memref<10000x128xf32, #tpu.memory_space<vmem_shared>> -> memref<10000x128xf32, #tpu.memory_space<vmem_shared>>
      tpu.wait_indirect_dma semaphore(%run_scoped3A : memref<!tpu.dma_semaphore, #tpu.memory_space<semaphore_mem>>) src(%arg22 : memref<16x128xf32, #tpu.memory_space<vmem>>) dst(%dma_wait3A_271 : memref<10000x128xf32, #tpu.memory_space<vmem_shared>>)
      tpu.yield
    }) : () -> ()
    %barrier3A_260 = arith.constant 0 : index
    tpu.barrier barrier_id(%barrier3A_260)
    "tpu.region"() ({
      %run_scoped3A = tpu.sem_alloc : memref<!tpu.dma_semaphore, #tpu.memory_space<semaphore_mem>>
      %dma_start3A_266 = arith.constant 0 : i32
      %dma_start3A_267 = tpu.memref_slice %arg5[%arg0, %mul3A_6, %dma_start3A_266] : memref<2x10000x128xf32, #tpu.memory_space<hbm>> -> memref<1x624x128xf32, #tpu.memory_space<hbm>>
      %dma_start3A_268 = tpu.memref_squeeze %dma_start3A_267 : memref<1x624x128xf32, #tpu.memory_space<hbm>> -> memref<624x128xf32, #tpu.memory_space<hbm>>
      %dma_start3A_269 = arith.constant 0 : i32
      %dma_start3A_270 = tpu.memref_slice %arg13[%mul3A_6, %dma_start3A_269] : memref<10000x128xf32, #tpu.memory_space<vmem_shared>> -> memref<624x128xf32, #tpu.memory_space<vmem_shared>>
      tpu.enqueue_dma source(%dma_start3A_270 : memref<624x128xf32, #tpu.memory_space<vmem_shared>>) target(%dma_start3A_268 : memref<624x128xf32, #tpu.memory_space<hbm>>) target_semaphore(%run_scoped3A : memref<!tpu.dma_semaphore, #tpu.memory_space<semaphore_mem>>)
      %dma_wait3A_271 = arith.constant 0 : i32
      %dma_wait3A_272 = tpu.memref_slice %arg5[%arg0, %mul3A_6, %dma_wait3A_271] : memref<2x10000x128xf32, #tpu.memory_space<hbm>> -> memref<1x624x128xf32, #tpu.memory_space<hbm>>
      %dma_wait3A_273 = tpu.memref_squeeze %dma_wait3A_272 : memref<1x624x128xf32, #tpu.memory_space<hbm>> -> memref<624x128xf32, #tpu.memory_space<hbm>>
      %dma_wait3A_274 = arith.constant 0 : i32
      %dma_wait3A_275 = tpu.memref_slice %arg13[%mul3A_6, %dma_wait3A_274] : memref<10000x128xf32, #tpu.memory_space<vmem_shared>> -> memref<624x128xf32, #tpu.memory_space<vmem_shared>>
      tpu.wait_dma2 semaphore(%run_scoped3A : memref<!tpu.dma_semaphore, #tpu.memory_space<semaphore_mem>>) src(%dma_wait3A_275 : memref<624x128xf32, #tpu.memory_space<vmem_shared>>) dst(%dma_wait3A_273 : memref<624x128xf32, #tpu.memory_space<hbm>>)
      tpu.yield
    }) : () -> ()
    %eq3A_261 = arith.constant 15 : i32
    %eq3A_262 = arith.cmpi eq, %arg1, %eq3A_261 : i32
    %convert_element_type3A_263 = arith.extui %eq3A_262 : i1 to i32
    %cond3A_264 = arith.constant 0 : i32
    %cond3A_265 = arith.cmpi ne, %convert_element_type3A_263, %cond3A_264 : i32
    scf.if %cond3A_265 {
      "tpu.region"() ({
        %run_scoped3A = tpu.sem_alloc : memref<!tpu.dma_semaphore, #tpu.memory_space<semaphore_mem>>
        %dma_start3A_266 = arith.constant 9984 : i32
        %dma_start3A_267 = arith.constant 0 : i32
        %dma_start3A_268 = tpu.memref_slice %arg5[%arg0, %dma_start3A_266, %dma_start3A_267] : memref<2x10000x128xf32, #tpu.memory_space<hbm>> -> memref<1x16x128xf32, #tpu.memory_space<hbm>>
        %dma_start3A_269 = tpu.memref_squeeze %dma_start3A_268 : memref<1x16x128xf32, #tpu.memory_space<hbm>> -> memref<16x128xf32, #tpu.memory_space<hbm>>
        %dma_start3A_270 = arith.constant 9984 : i32
        %dma_start3A_271 = arith.constant 0 : i32
        %dma_start3A_272 = tpu.memref_slice %arg13[%dma_start3A_270, %dma_start3A_271] : memref<10000x128xf32, #tpu.memory_space<vmem_shared>> -> memref<16x128xf32, #tpu.memory_space<vmem_shared>>
        tpu.enqueue_dma source(%dma_start3A_272 : memref<16x128xf32, #tpu.memory_space<vmem_shared>>) target(%dma_start3A_269 : memref<16x128xf32, #tpu.memory_space<hbm>>) target_semaphore(%run_scoped3A : memref<!tpu.dma_semaphore, #tpu.memory_space<semaphore_mem>>)
        %dma_wait3A_273 = arith.constant 9984 : i32
        %dma_wait3A_274 = arith.constant 0 : i32
        %dma_wait3A_275 = tpu.memref_slice %arg5[%arg0, %dma_wait3A_273, %dma_wait3A_274] : memref<2x10000x128xf32, #tpu.memory_space<hbm>> -> memref<1x16x128xf32, #tpu.memory_space<hbm>>
        %dma_wait3A_276 = tpu.memref_squeeze %dma_wait3A_275 : memref<1x16x128xf32, #tpu.memory_space<hbm>> -> memref<16x128xf32, #tpu.memory_space<hbm>>
        %dma_wait3A_277 = arith.constant 9984 : i32
        %dma_wait3A_278 = arith.constant 0 : i32
        %dma_wait3A_279 = tpu.memref_slice %arg13[%dma_wait3A_277, %dma_wait3A_278] : memref<10000x128xf32, #tpu.memory_space<vmem_shared>> -> memref<16x128xf32, #tpu.memory_space<vmem_shared>>
        tpu.wait_dma2 semaphore(%run_scoped3A : memref<!tpu.dma_semaphore, #tpu.memory_space<semaphore_mem>>) src(%dma_wait3A_279 : memref<16x128xf32, #tpu.memory_space<vmem_shared>>) dst(%dma_wait3A_276 : memref<16x128xf32, #tpu.memory_space<hbm>>)
        tpu.yield
      }) : () -> ()
    } else {
    }
    return
  }
}

module attributes {stable_mosaic.version = 14 : i64} {
  func.func @_mm_body(%arg0: i32, %arg1: memref<2x1000x128xf32, #tpu.memory_space<vmem>>, %arg2: memref<2x1000x128xf32, #tpu.memory_space<vmem>>, %arg3: memref<1000x256xf32, #tpu.memory_space<vmem>>, %arg4: memref<256x256xf32, #tpu.memory_space<vmem>>, %arg5: memref<1x256xf32, #tpu.memory_space<vmem>>, %arg6: memref<256x256xf32, #tpu.memory_space<vmem>>, %arg7: memref<1000x256xf32, #tpu.memory_space<vmem>>) attributes {dimension_semantics = [#tpu.dimension_semantics<arbitrary>], iteration_bounds = array<i64: 10>, scalar_prefetch = 0 : i64, scratch_operands = 0 : i64, tpu.core_type = #tpu.core_type<tc>, window_params = [{transform_indices = @transform_0, window_bounds = array<i64: 2, 1000, 128>}, {transform_indices = @transform_1, window_bounds = array<i64: 2, 1000, 128>}, {transform_indices = @transform_2, window_bounds = array<i64: 1000, 256>}, {pipeline_mode = #tpu.pipeline_mode<synchronous>, transform_indices = @transform_3, window_bounds = array<i64: 256, 256>}, {pipeline_mode = #tpu.pipeline_mode<synchronous>, transform_indices = @transform_4, window_bounds = array<i64: 1, 256>}, {pipeline_mode = #tpu.pipeline_mode<synchronous>, transform_indices = @transform_5, window_bounds = array<i64: 256, 256>}, {transform_indices = @transform_6, window_bounds = array<i64: 1000, 256>}]} {
    %get3A = arith.constant 0 : index
    %get3A_0 = arith.constant 0 : index
    %get3A_1 = arith.constant 0 : index
    %get3A_2 = vector.load %arg1[%get3A, %get3A_0, %get3A_1] : memref<2x1000x128xf32, #tpu.memory_space<vmem>>, vector<1x1000x128xf32>
    %get3A_3 = vector.shape_cast %get3A_2 : vector<1x1000x128xf32> to vector<1000x128xf32>
    %get3A_4 = arith.constant 1 : index
    %get3A_5 = arith.constant 0 : index
    %get3A_6 = arith.constant 0 : index
    %get3A_7 = vector.load %arg1[%get3A_4, %get3A_5, %get3A_6] : memref<2x1000x128xf32, #tpu.memory_space<vmem>>, vector<1x1000x128xf32>
    %get3A_8 = vector.shape_cast %get3A_7 : vector<1x1000x128xf32> to vector<1000x128xf32>
    %concatenate3A = tpu.concatenate %get3A_3, %get3A_8 in 1 : vector<1000x128xf32>, vector<1000x128xf32> -> vector<1000x256xf32>
    %get3A_9 = arith.constant 0 : index
    %get3A_10 = arith.constant 0 : index
    %get3A_11 = arith.constant 0 : index
    %get3A_12 = vector.load %arg2[%get3A_9, %get3A_10, %get3A_11] : memref<2x1000x128xf32, #tpu.memory_space<vmem>>, vector<1x1000x128xf32>
    %get3A_13 = vector.shape_cast %get3A_12 : vector<1x1000x128xf32> to vector<1000x128xf32>
    %slice3A = vector.extract_strided_slice %get3A_13 {offsets = [0, 0], sizes = [1000, 1], strides = [1, 1]} : vector<1000x128xf32> to vector<1000x1xf32>
    %get3A_14 = arith.constant 1 : index
    %get3A_15 = arith.constant 0 : index
    %get3A_16 = arith.constant 0 : index
    %get3A_17 = vector.load %arg2[%get3A_14, %get3A_15, %get3A_16] : memref<2x1000x128xf32, #tpu.memory_space<vmem>>, vector<1x1000x128xf32>
    %get3A_18 = vector.shape_cast %get3A_17 : vector<1x1000x128xf32> to vector<1000x128xf32>
    %slice3A_19 = vector.extract_strided_slice %get3A_18 {offsets = [0, 0], sizes = [1000, 1], strides = [1, 1]} : vector<1000x128xf32> to vector<1000x1xf32>
    %add3A = arith.addf %slice3A, %slice3A_19 : vector<1000x1xf32>
    %max3A = arith.constant 1.000000e+00 : f32
    %max3A_20 = vector.broadcast %max3A : f32 to vector<1000x1xf32>
    %max3A_21 = arith.maximumf %add3A, %max3A_20 : vector<1000x1xf32>
    %div3A = vector.broadcast %max3A_21 : vector<1000x1xf32> to vector<1000x256xf32>
    %div3A_22 = arith.divf %concatenate3A, %div3A : vector<1000x256xf32>
    %get3A_23 = arith.constant 0 : index
    %get3A_24 = arith.constant 0 : index
    %get3A_25 = vector.load %arg4[%get3A_23, %get3A_24] : memref<256x256xf32, #tpu.memory_space<vmem>>, vector<256x256xf32>
    %dot_general3A = arith.constant dense<0.000000e+00> : vector<1000x256xf32>
    %dot_general3A_26 = tpu.matmul %div3A_22, %get3A_25, %dot_general3A {dimension_numbers = #tpu.dot_dimension_numbers<[1], [1], [0], [0], [0, 0, 1, 0], [], []>, transpose_lhs_hint = false} : vector<1000x256xf32>, vector<256x256xf32>, vector<1000x256xf32> -> vector<1000x256xf32>
    %get3A_27 = arith.constant 0 : index
    %get3A_28 = arith.constant 0 : index
    %get3A_29 = vector.load %arg3[%get3A_27, %get3A_28] : memref<1000x256xf32, #tpu.memory_space<vmem>>, vector<1000x256xf32>
    %get3A_30 = arith.constant 0 : index
    %get3A_31 = arith.constant 0 : index
    %get3A_32 = vector.load %arg6[%get3A_30, %get3A_31] : memref<256x256xf32, #tpu.memory_space<vmem>>, vector<256x256xf32>
    %dot_general3A_33 = arith.constant dense<0.000000e+00> : vector<1000x256xf32>
    %dot_general3A_34 = tpu.matmul %get3A_29, %get3A_32, %dot_general3A_33 {dimension_numbers = #tpu.dot_dimension_numbers<[1], [1], [0], [0], [0, 0, 1, 0], [], []>, transpose_lhs_hint = false} : vector<1000x256xf32>, vector<256x256xf32>, vector<1000x256xf32> -> vector<1000x256xf32>
    %add3A_35 = arith.addf %dot_general3A_26, %dot_general3A_34 : vector<1000x256xf32>
    %get3A_36 = arith.constant 0 : index
    %get3A_37 = arith.constant 0 : index
    %get3A_38 = vector.load %arg5[%get3A_36, %get3A_37] : memref<1x256xf32, #tpu.memory_space<vmem>>, vector<1x256xf32>
    %add3A_39 = vector.broadcast %get3A_38 : vector<1x256xf32> to vector<1000x256xf32>
    %add3A_40 = arith.addf %add3A_35, %add3A_39 : vector<1000x256xf32>
    %max3A_41 = arith.constant 0.000000e+00 : f32
    %max3A_42 = vector.broadcast %max3A_41 : f32 to vector<1000x256xf32>
    %max3A_43 = arith.maximumf %add3A_40, %max3A_42 : vector<1000x256xf32>
    %swap3A = arith.constant 0 : index
    %swap3A_44 = arith.constant 0 : index
    %swap3A_45 = vector.load %arg7[%swap3A, %swap3A_44] : memref<1000x256xf32, #tpu.memory_space<vmem>>, vector<1000x256xf32>
    tpu.vector_store %arg7[%swap3A, %swap3A_44], %max3A_43 {strides = array<i32>} : memref<1000x256xf32, #tpu.memory_space<vmem>>, vector<1000x256xf32>,
    return
  }
  func.func @transform_0(%arg0: i32) -> (i32, i32, i32) {
    %c0_i32 = arith.constant 0 : i32
    %c0_i32_0 = arith.constant 0 : i32
    %c0_i32_1 = arith.constant 0 : i32
    return %c0_i32, %arg0, %c0_i32_0 : i32, i32, i32
  }
  func.func @transform_1(%arg0: i32) -> (i32, i32, i32) {
    %c0_i32 = arith.constant 0 : i32
    %c0_i32_0 = arith.constant 0 : i32
    %c0_i32_1 = arith.constant 0 : i32
    return %c0_i32, %arg0, %c0_i32_0 : i32, i32, i32
  }
  func.func @transform_2(%arg0: i32) -> (i32, i32) {
    %c0_i32 = arith.constant 0 : i32
    %c0_i32_0 = arith.constant 0 : i32
    return %arg0, %c0_i32 : i32, i32
  }
  func.func @transform_3(%arg0: i32) -> (i32, i32) {
    %c0_i32 = arith.constant 0 : i32
    %c0_i32_0 = arith.constant 0 : i32
    %c0_i32_1 = arith.constant 0 : i32
    return %c0_i32, %c0_i32_0 : i32, i32
  }
  func.func @transform_4(%arg0: i32) -> (i32, i32) {
    %c0_i32 = arith.constant 0 : i32
    %c0_i32_0 = arith.constant 0 : i32
    %c0_i32_1 = arith.constant 0 : i32
    return %c0_i32, %c0_i32_0 : i32, i32
  }
  func.func @transform_5(%arg0: i32) -> (i32, i32) {
    %c0_i32 = arith.constant 0 : i32
    %c0_i32_0 = arith.constant 0 : i32
    %c0_i32_1 = arith.constant 0 : i32
    return %c0_i32, %c0_i32_0 : i32, i32
  }
  func.func @transform_6(%arg0: i32) -> (i32, i32) {
    %c0_i32 = arith.constant 0 : i32
    %c0_i32_0 = arith.constant 0 : i32
    return %arg0, %c0_i32 : i32, i32
  }
}

module attributes {stable_mosaic.version = 14 : i64} {
  func.func @_mm_body(%arg0: i32, %arg1: memref<2x1000x128xf32, #tpu.memory_space<vmem>>, %arg2: memref<2x1000x128xf32, #tpu.memory_space<vmem>>, %arg3: memref<1000x256xf32, #tpu.memory_space<vmem>>, %arg4: memref<256x256xf32, #tpu.memory_space<vmem>>, %arg5: memref<1x256xf32, #tpu.memory_space<vmem>>, %arg6: memref<256x256xf32, #tpu.memory_space<vmem>>, %arg7: memref<1000x256xf32, #tpu.memory_space<vmem>>) attributes {dimension_semantics = [#tpu.dimension_semantics<arbitrary>], iteration_bounds = array<i64: 10>, scalar_prefetch = 0 : i64, scratch_operands = 0 : i64, tpu.core_type = #tpu.core_type<tc>, window_params = [{transform_indices = @transform_0, window_bounds = array<i64: 2, 1000, 128>}, {transform_indices = @transform_1, window_bounds = array<i64: 2, 1000, 128>}, {transform_indices = @transform_2, window_bounds = array<i64: 1000, 256>}, {pipeline_mode = #tpu.pipeline_mode<synchronous>, transform_indices = @transform_3, window_bounds = array<i64: 256, 256>}, {pipeline_mode = #tpu.pipeline_mode<synchronous>, transform_indices = @transform_4, window_bounds = array<i64: 1, 256>}, {pipeline_mode = #tpu.pipeline_mode<synchronous>, transform_indices = @transform_5, window_bounds = array<i64: 256, 256>}, {transform_indices = @transform_6, window_bounds = array<i64: 1000, 256>}]} {
    %get3A = arith.constant 0 : index
    %get3A_0 = arith.constant 0 : index
    %get3A_1 = arith.constant 0 : index
    %get3A_2 = vector.load %arg1[%get3A, %get3A_0, %get3A_1] : memref<2x1000x128xf32, #tpu.memory_space<vmem>>, vector<1x1000x128xf32>
    %get3A_3 = vector.shape_cast %get3A_2 : vector<1x1000x128xf32> to vector<1000x128xf32>
    %get3A_4 = arith.constant 1 : index
    %get3A_5 = arith.constant 0 : index
    %get3A_6 = arith.constant 0 : index
    %get3A_7 = vector.load %arg1[%get3A_4, %get3A_5, %get3A_6] : memref<2x1000x128xf32, #tpu.memory_space<vmem>>, vector<1x1000x128xf32>
    %get3A_8 = vector.shape_cast %get3A_7 : vector<1x1000x128xf32> to vector<1000x128xf32>
    %concatenate3A = tpu.concatenate %get3A_3, %get3A_8 in 1 : vector<1000x128xf32>, vector<1000x128xf32> -> vector<1000x256xf32>
    %get3A_9 = arith.constant 0 : index
    %get3A_10 = arith.constant 0 : index
    %get3A_11 = arith.constant 0 : index
    %get3A_12 = vector.load %arg2[%get3A_9, %get3A_10, %get3A_11] : memref<2x1000x128xf32, #tpu.memory_space<vmem>>, vector<1x1000x128xf32>
    %get3A_13 = vector.shape_cast %get3A_12 : vector<1x1000x128xf32> to vector<1000x128xf32>
    %slice3A = vector.extract_strided_slice %get3A_13 {offsets = [0, 0], sizes = [1000, 1], strides = [1, 1]} : vector<1000x128xf32> to vector<1000x1xf32>
    %get3A_14 = arith.constant 1 : index
    %get3A_15 = arith.constant 0 : index
    %get3A_16 = arith.constant 0 : index
    %get3A_17 = vector.load %arg2[%get3A_14, %get3A_15, %get3A_16] : memref<2x1000x128xf32, #tpu.memory_space<vmem>>, vector<1x1000x128xf32>
    %get3A_18 = vector.shape_cast %get3A_17 : vector<1x1000x128xf32> to vector<1000x128xf32>
    %slice3A_19 = vector.extract_strided_slice %get3A_18 {offsets = [0, 0], sizes = [1000, 1], strides = [1, 1]} : vector<1000x128xf32> to vector<1000x1xf32>
    %add3A = arith.addf %slice3A, %slice3A_19 : vector<1000x1xf32>
    %max3A = arith.constant 1.000000e+00 : f32
    %max3A_20 = vector.broadcast %max3A : f32 to vector<1000x1xf32>
    %max3A_21 = arith.maximumf %add3A, %max3A_20 : vector<1000x1xf32>
    %div3A = vector.broadcast %max3A_21 : vector<1000x1xf32> to vector<1000x256xf32>
    %div3A_22 = arith.divf %concatenate3A, %div3A : vector<1000x256xf32>
    %get3A_23 = arith.constant 0 : index
    %get3A_24 = arith.constant 0 : index
    %get3A_25 = vector.load %arg4[%get3A_23, %get3A_24] : memref<256x256xf32, #tpu.memory_space<vmem>>, vector<256x256xf32>
    %dot_general3A = arith.constant dense<0.000000e+00> : vector<1000x256xf32>
    %dot_general3A_26 = tpu.matmul %div3A_22, %get3A_25, %dot_general3A {dimension_numbers = #tpu.dot_dimension_numbers<[1], [1], [0], [0], [0, 0, 1, 0], [], []>, transpose_lhs_hint = false} : vector<1000x256xf32>, vector<256x256xf32>, vector<1000x256xf32> -> vector<1000x256xf32>
    %get3A_27 = arith.constant 0 : index
    %get3A_28 = arith.constant 0 : index
    %get3A_29 = vector.load %arg3[%get3A_27, %get3A_28] : memref<1000x256xf32, #tpu.memory_space<vmem>>, vector<1000x256xf32>
    %get3A_30 = arith.constant 0 : index
    %get3A_31 = arith.constant 0 : index
    %get3A_32 = vector.load %arg6[%get3A_30, %get3A_31] : memref<256x256xf32, #tpu.memory_space<vmem>>, vector<256x256xf32>
    %dot_general3A_33 = arith.constant dense<0.000000e+00> : vector<1000x256xf32>
    %dot_general3A_34 = tpu.matmul %get3A_29, %get3A_32, %dot_general3A_33 {dimension_numbers = #tpu.dot_dimension_numbers<[1], [1], [0], [0], [0, 0, 1, 0], [], []>, transpose_lhs_hint = false} : vector<1000x256xf32>, vector<256x256xf32>, vector<1000x256xf32> -> vector<1000x256xf32>
    %add3A_35 = arith.addf %dot_general3A_26, %dot_general3A_34 : vector<1000x256xf32>
    %get3A_36 = arith.constant 0 : index
    %get3A_37 = arith.constant 0 : index
    %get3A_38 = vector.load %arg5[%get3A_36, %get3A_37] : memref<1x256xf32, #tpu.memory_space<vmem>>, vector<1x256xf32>
    %add3A_39 = vector.broadcast %get3A_38 : vector<1x256xf32> to vector<1000x256xf32>
    %add3A_40 = arith.addf %add3A_35, %add3A_39 : vector<1000x256xf32>
    %max3A_41 = arith.constant 0.000000e+00 : f32
    %max3A_42 = vector.broadcast %max3A_41 : f32 to vector<1000x256xf32>
    %max3A_43 = arith.maximumf %add3A_40, %max3A_42 : vector<1000x256xf32>
    %swap3A = arith.constant 0 : index
    %swap3A_44 = arith.constant 0 : index
    %swap3A_45 = vector.load %arg7[%swap3A, %swap3A_44] : memref<1000x256xf32, #tpu.memory_space<vmem>>, vector<1000x256xf32>
    tpu.vector_store %arg7[%swap3A, %swap3A_44], %max3A_43 {strides = array<i32>} : memref<1000x256xf32, #tpu.memory_space<vmem>>, vector<1000x256xf32>,
    return
  }
  func.func @transform_0(%arg0: i32) -> (i32, i32, i32) {
    %c0_i32 = arith.constant 0 : i32
    %c0_i32_0 = arith.constant 0 : i32
    %c0_i32_1 = arith.constant 0 : i32
    return %c0_i32, %arg0, %c0_i32_0 : i32, i32, i32
  }
  func.func @transform_1(%arg0: i32) -> (i32, i32, i32) {
    %c0_i32 = arith.constant 0 : i32
    %c0_i32_0 = arith.constant 0 : i32
    %c0_i32_1 = arith.constant 0 : i32
    return %c0_i32, %arg0, %c0_i32_0 : i32, i32, i32
  }
  func.func @transform_2(%arg0: i32) -> (i32, i32) {
    %c0_i32 = arith.constant 0 : i32
    %c0_i32_0 = arith.constant 0 : i32
    return %arg0, %c0_i32 : i32, i32
  }
  func.func @transform_3(%arg0: i32) -> (i32, i32) {
    %c0_i32 = arith.constant 0 : i32
    %c0_i32_0 = arith.constant 0 : i32
    %c0_i32_1 = arith.constant 0 : i32
    return %c0_i32, %c0_i32_0 : i32, i32
  }
  func.func @transform_4(%arg0: i32) -> (i32, i32) {
    %c0_i32 = arith.constant 0 : i32
    %c0_i32_0 = arith.constant 0 : i32
    %c0_i32_1 = arith.constant 0 : i32
    return %c0_i32, %c0_i32_0 : i32, i32
  }
  func.func @transform_5(%arg0: i32) -> (i32, i32) {
    %c0_i32 = arith.constant 0 : i32
    %c0_i32_0 = arith.constant 0 : i32
    %c0_i32_1 = arith.constant 0 : i32
    return %c0_i32, %c0_i32_0 : i32, i32
  }
  func.func @transform_6(%arg0: i32) -> (i32, i32) {
    %c0_i32 = arith.constant 0 : i32
    %c0_i32_0 = arith.constant 0 : i32
    return %arg0, %c0_i32 : i32, i32
  }
}

</mosaic_0001>

<sc_bundles>
// kernel: kernel.10.cloned.1.call-start
scs
__scs_entry_jumppad:
0x0: {  	(pc) =	sbr.rel $0x88, $3  }
0x1: {  	(tag) =	ssettag $0x0;
	lr =	simm.s32 $0x1  }
0x2: {  	[smem:$0x3F99] =	sst lr;
	_ =	strace $0xD0000000  }
0x3: {  	_ = 	snop  }
0x4: {  	_ = 	snop  }
0x5: {  	_ = 	snop  }
0x6: {  	_ = 	snop  }
0x7: {  	_ = 	snop  }
__scs_overlays_trampoline_lowered:
0x8: {  	[smem:$0x3FA8] =	sst s0  }
0x9: {  	[smem:$0x3FA9] =	sst s1  }
0xa: {  	[smem:$0x3FAA] =	sst s2  }
0xb: {  	[smem:$0x3FAB] =	sst s3  }
0xc: {  	[smem:$0x3FAC] =	sst s4  }
0xd: {  	[smem:$0x3FAD] =	sst s5  }
0xe: {  	[smem:$0x3FAE] =	sst s6  }
0xf: {  	[smem:$0x3FAF] =	sst s7  }
0x10: {  	[smem:$0x3FB0] =	sst s8  }
0x11: {  	[smem:$0x3FB1] =	sst s9;
	s0 =	simm.s32 @!p0 $0x0  }
0x12: {  	s1 =	sld [smem:$0x3F97];
	s0 =	simm.s32 @p0 $0x1  }
0x13: {  	[smem:$0x3FB2] =	sst s0;
	s0 =	simm.s32 @!p1 $0x0  }
0x14: {  	s2 =	sld [smem:$0x3F96];
	s0 =	simm.s32 @p1 $0x1  }
0x15: {  	[smem:$0x3FB3] =	sst s0;
	s0 =	simm.s32 @!p2 $0x0  }
0x16: {  	s3 =	sld [smem:$0x3FDB];
	s0 =	simm.s32 @p2 $0x1  }
0x17: {  	s4 =	simm.s32 $0x1BF5;
	[smem:$0x3FB5] =	sst s0  }
0x18: {  	s0 =	sld [smem:$0x3F98];
	_ =	swait.ge [sflag:s4], $0x0  }
0x19: {  	s7 =	sld [smem:$0x3F99]  }
0x1a: {  	s8 =	sadd.s32 $0xFFFFE003, lr  }
0x1b: {  	s9 =	sadd.s32 $0xFFFFFEF7, lr;
	s5 =	simm.s32 $0xFFFFFFFF;
	p2 =	slt.u32 s8, $0xFFFFF086  }
0x1c: {  	p1 =	slt.u32 s9, $0xF7A;
	s5 =	simm.s32 @!p2 $0x0  }
0x1d: {  	s5 =	simm.s32 @p1 $0x1;
	p0 =	seq.s32 s7, s2  }
0x1e: {  	s7 =	smul.u32 @!p0 $0xF7A, s2;
	p2 =	seq.s32 @!p0 s5, $0x0  }
0x1f: {  	s9 =	smul.u32 $0xF7A, s1;
	s8 =	simm.s32 @!p0 $0x1BF5;
	p2 =	por !p2, p0  }
0x20: {  	[sflag:s8] =	ssyncset.s32 @!p0 $0xFFFFF086;
	s6 =	sadd.s32 @!p0 s3, s7;
	s7 =	simm.s32 @!p0 $0x108  }
0x21: {  	s3 =	sadd.s32 s3, s9;
	s6 =	sadd.s32 @!p0 $0x88, s6;
	s7 =	simm.s32 @p2 $0x1082  }
0x22: {  	[simem:s7], [sflag:s8] =	dma.local @!p0 [hbm:s6], $0xF7A  }
0x23: {  	s9 =	sor.u32 $0xD0000000, s2;
	s6 =	simm.s32 $0x108;
	_ =	swait.ge @!p0 [sflag:s8], $0x0  }
0x24: {  	s3 =	sadd.s32 $0x88, s3;
	s6 =	simm.s32 @!p1 $0x1082;
	[sflag:s4] =	ssyncset.s32 $0xFFFFF086  }
0x25: {  	[simem:s6], [sflag:s4] =	dma.local [hbm:s3], $0xF7A  }
0x26: {  	[smem:$0x3F99] =	sst s1;
	(tag) =	ssettag s2;
	_ =	strace s9  }
0x27: {  	s1 =	sld [smem:$0x3FA9]  }
0x28: {  	s2 =	sld [smem:$0x3FAA]  }
0x29: {  	s4 =	sld [smem:$0x3FAC]  }
0x2a: {  	p0 =	seq.s32 s5, $0x0;
	s5 =	sld [smem:$0x3FAD]  }
0x2b: {  	s6 =	sld [smem:$0x3FAE]  }
0x2c: {  	s7 =	sld [smem:$0x3FAF]  }
0x2d: {  	s3 =	simm.s32 $0x108;
	s8 =	sld [smem:$0x3FB0]  }
0x2e: {  	s3 =	simm.s32 @!p0 $0x1082;
	s9 =	sld [smem:$0x3FB1]  }
0x2f: {  	lr =	sadd.s32 s0, s3;
	s0 =	sld [smem:$0x3FA8]  }
0x30: {  	s3 =	sld [smem:$0x3FAB]  }
0x31: {  	[smem:$0x3FB4] =	sst s10  }
0x32: {  	s10 =	sld [smem:$0x3FB2];
	_ =	sdelay $0x3  }
0x33: {  	p0 =	seq.s32 s10, $0x1;
	s10 =	sld [smem:$0x3FB4];
	_ =	sdelay $0x3  }
0x34: {  	[smem:$0x3FB4] =	sst s10  }
0x35: {  	s10 =	sld [smem:$0x3FB3];
	_ =	sdelay $0x3  }
0x36: {  	p1 =	seq.s32 s10, $0x1;
	s10 =	sld [smem:$0x3FB4];
	_ =	sdelay $0x3  }
0x37: {  	[smem:$0x3FB4] =	sst s10  }
0x38: {  	s10 =	sld [smem:$0x3FB5]  }
0x39: {  	_ = 	snop;
	(pc) =	sbr.ind lr, $3  }
0x3a: {  	_ = 	snop  }
0x3b: {  	_ = 	snop  }
0x3c: {  	p2 =	seq.s32 s10, $0x1;
	s10 =	sld [smem:$0x3FB4]  }
0x3d: {  	_ =	shalt  }
0x3e: {  	_ =	shalt  }
0x3f: {  	_ =	shalt  }
0x40: {  	_ =	shalt  }
0x41: {  	_ =	shalt  }
0x42: {  	_ =	shalt  }
0x43: {  	_ =	shalt  }
0x44: {  	_ =	shalt  }
0x45: {  	_ =	shalt  }
0x46: {  	_ =	shalt  }
0x47: {  	_ =	shalt  }
0x48: {  	_ =	shalt  }
0x49: {  	_ =	shalt  }
0x4a: {  	_ =	shalt  }
0x4b: {  	_ =	shalt  }
0x4c: {  	_ =	shalt  }
0x4d: {  	_ =	shalt  }
0x4e: {  	_ =	shalt  }
0x4f: {  	_ =	shalt  }
0x50: {  	_ =	shalt  }
0x51: {  	_ =	shalt  }
0x52: {  	_ =	shalt  }
0x53: {  	_ =	shalt  }
0x54: {  	_ =	shalt  }
0x55: {  	_ =	shalt  }
0x56: {  	_ =	shalt  }
0x57: {  	_ =	shalt  }
0x58: {  	_ =	shalt  }
0x59: {  	_ =	shalt  }
0x5a: {  	_ =	shalt  }
0x5b: {  	_ =	shalt  }
0x5c: {  	_ =	shalt  }
0x5d: {  	_ =	shalt  }
0x5e: {  	_ =	shalt  }
0x5f: {  	_ =	shalt  }
0x60: {  	_ =	shalt  }
0x61: {  	_ =	shalt  }
0x62: {  	_ =	shalt  }
0x63: {  	_ =	shalt  }
0x64: {  	_ =	shalt  }
0x65: {  	_ =	shalt  }
0x66: {  	_ =	shalt  }
0x67: {  	_ =	shalt  }
0x68: {  	_ =	shalt  }
0x69: {  	_ =	shalt  }
0x6a: {  	_ =	shalt  }
0x6b: {  	_ =	shalt  }
0x6c: {  	_ =	shalt  }
0x6d: {  	_ =	shalt  }
0x6e: {  	_ =	shalt  }
0x6f: {  	_ =	shalt  }
0x70: {  	_ =	shalt  }
0x71: {  	_ =	shalt  }
0x72: {  	_ =	shalt  }
0x73: {  	_ =	shalt  }
0x74: {  	_ =	shalt  }
0x75: {  	_ =	shalt  }
0x76: {  	_ =	shalt  }
0x77: {  	_ =	shalt  }
0x78: {  	_ =	shalt  }
0x79: {  	_ =	shalt  }
0x7a: {  	_ =	shalt  }
0x7b: {  	_ =	shalt  }
0x7c: {  	_ =	shalt  }
0x7d: {  	_ =	shalt  }
0x7e: {  	_ =	shalt  }
0x7f: {  	_ =	shalt  }
0x80: {  	_ =	shalt  }
0x81: {  	_ =	shalt  }
0x82: {  	_ =	shalt  }
0x83: {  	_ =	shalt  }
0x84: {  	_ =	shalt  }
0x85: {  	_ =	shalt  }
0x86: {  	_ =	shalt  }
0x87: {  	_ =	shalt  }
.Lfunc_end0:
.L_simem_size_0:
called_computation.1_lowered:
.L_overlay_start_0:
0x88: {  	s2 =	sld [smem:$0x3FD9]  }
0x89: {  	s3 =	sld [smem:$0x3FFE];
	_ =	sdelay $0x1  }
0x8a: {  	s1 =	srdreg.scid  }
0x8b: {  	s0 =	sand.u32 $0x1, s1  }
0x8c: {  	s17 =	sshll.u32 s0, $0xA;
	s2 =	sadd.s32 s3, s2  }
0x8d: {  	s2 =	sadd.s32 s2, s17  }
0x8e: {  	[smem:$0x3FC0] =	sst s2  }
0x8f: {  	_ = 	snop  }
0x90: {  	s2 =	sld [smem:$0x3FD0];
	(tm) =	ssettm $0x1  }
0x91: {  	s18 =	sld [smem:$0x3FFB];
	_ =	sdelay $0x3  }
0x92: {  	_ =	strace s18  }
0x93: {  	s3 =	sld [smem:$0x3FFC];
	_ =	sdelay $0x3  }
0x94: {  	_ =	strace s3  }
0x95: {  	s3 =	sld [smem:$0x3FFD];
	_ =	sdelay $0x3  }
0x96: {  	_ =	strace s3  }
0x97: {  	_ =	strace $0x8FFFFFFF  }
0x98: {  	s19 =	sld [smem:$0x3FDB];
	_ =	sdelay $0x1  }
0x99: {  	s4 =	simm.s32 $_scs_section_size  }
0x9a: {  	s5 =	simm.s32 $_size__tile_overlayer_lowered;
	s6 =	simm.s32 $_tile_overlayer_lowered  }
0x9b: {  	s22 =	simm.s32 $0x1BFF;
	s21 =	sshll.u32 s6, $0x1;
	s3 =	sadd.s32 s4, s19  }
0x9c: {  	s7 =	simm.s32 $0x0;
	s20 =	sshll.u32 s5, $0x1;
	s5 =	sadd.s32 s21, s3  }
0x9d: {  	[timem:s7], [sflag:s22] =	dma.local [hbm:s5], s20  }
0x9e: {  	_ =	swait.ge [sflag:s22], s20  }
0x9f: {  	s4 =	ssub.s32 $0x0, s20;
	[sflag:s22] =	ssyncset.done $0x0  }
0xa0: {  	[sflag:s22] =	ssyncadd.s32 s4;
	_ =	sdelay $0x1  }
0xa1: {  	s23 =	simm.s32 $0x1B8B  }
0xa2: {  	_ =	swait.ge [sflag:s23], $0x1  }
0xa3: {  	[sflag:s23] =	ssyncset.done $0x0  }
0xa4: {  	s25 =	simm.s32 $0x1B8E;
	s24 =	sld [smem:$0x3FFE];
	[sflag:s23] =	ssyncadd.s32 $0xFFFFFFFF  }
0xa5: {  	s26 =	simm.s32 $execute0_lowered;
	[smem:$0x3FD2] =	sst s25  }
0xa6: {  	s5 =	sshll.u32 s26, $0x1;
	_ =	strace $0x80000046;
	[dreg:$0x1] =	wrdreg $0xFFFFFFFF  }
0xa7: {  	s28 =	simm.s32 $_size_execute0_lowered;
	s3 =	sadd.s32 s3, s5;
	[dreg:$0x0] =	wrdreg $0x0  }
0xa8: {  	s5 =	sshll.u32 s28, $0x1;
	[dreg:$0x2] =	wrdreg s3  }
0xa9: {  	[dreg:$0x3] =	wrdreg s5  }
0xaa: {  	[dreg:$0x4] =	wrdreg $0xC0  }
0xab: {  	_ =	task [dreg:s7], $0x5FFFF  }
0xac: {  	[dreg:$0x1] =	wrdreg $0xFFFFFFFF  }
0xad: {  	[dreg:$0x0] =	wrdreg $0x60  }
0xae: {  	[dreg:$0x2] =	wrdreg s24  }
0xaf: {  	[dreg:$0x3] =	wrdreg s2  }
0xb0: {  	[dreg:$0x4] =	wrdreg $0x9A000  }
0xb1: {  	[dreg:$0x5] =	wrdreg $0xA  }
0xb2: {  	_ =	task.clear_ibuf [dreg:s7], $0x6FFFF;
	_ =	strace $0x90000046  }
0xb3: {  	s29 =	simm.s32 $0xA;
	_ =	strace $0x80000048  }
0xb4: {  	_ =	swait.ge [sflag:s29], $0x1  }
0xb5: {  	[sflag:s29] =	ssyncadd.s32 $0xFFFFFFFF  }
0xb6: {  	_ =	strace $0x90000048  }
0xb7: {  	_ =	sfence  }
0xb8: {  	s30 =	sld [smem:$0x0];
	_ =	sdelay $0x2  }
0xb9: {  	s31 =	sshll.u32 s1, $0xD;
	s1 =	sshrl.u32 s1, $0x2  }
0xba: {  	s3 =	sand.u32 $0x4000, s31;
	s1 =	sadd.s32 s1, s30  }
0xbb: {  	s0 =	sor.u32 s3, s0;
	s1 =	sshll.u32 s1, $0x11  }
0xbc: {  	s0 =	sor.u32 s1, s0  }
0xbd: {  	s0 =	sadd.s32 $0x8F2B, s0  }
0xbe: {  	[sflag:s0] =	ssyncadd.remote.s32 $0x1  }
0xbf: {  	_ =	sfence.sel $0xFFFF  }
0xc0: {  	[dreg:$0x0] =	wrdreg $0xFFFFFFFF;
	(pc) =	sbr.abs _section_cstart, $3  }
0xc1: {  	[dreg:$0x1] =	wrdreg $0xFFFFFFFF  }
0xc2: {  	_ =	task.clear_ibuf [dreg:s7], $0x2FFFF;
	_ =	strace $0x9FFFFFFF  }
0xc3: {  	(tm) =	ssettm $0x7FFFFFFF  }
tec
execute0_lowered:
.L_overlay_start_1:
0x0: {  	(tag) =	ssettag $0x1  }
0x1: {  	s0 =	rddreg [dreg:$0x0]  }
0x2: {  	s2 =	srdreg.scid;
	s12 =	stileid.u32  }
0x3: {  	s1 =	rddreg [dreg:$0x1];
	s18 =	sand.u32 $0x1, s2;
	s29 =	smul.u32 $0x4E000, s12  }
0x4: {  	s3 =	rddreg [dreg:$0x2];
	s4 =	simm.s32 $0x0;
	s5 =	ssub.s32 $0x2, s18  }
0x5: {  	s31 =	simm.s32 $0x8200;
	s8 =	sshrl.u32 s5, $0x1;
	s2 =	sshrl.u32 s29, $0x2  }
0x6: {  	[smem:$0x7FF] =	sst s4;
	s8 =	ssub.s32 s5, s8;
	s5 =	sadd.s32 s2, s3  }
0x7: {  	s6 =	sadd.s32 $0x7200, s0;
	s7 =	sadd.s32 $0x2200, s0;
	s2 =	sadd.s32 $0x1800, s5  }
0x8: {  	_ =	strace $0x80000047;
	s9 =	sadd.s32 $0x3000, s5;
	[dreg:$0x4] =	wrdreg s2  }
0x9: {  	s0 =	sadd.s32 $0xC200, s0;
	s11 =	sadd.s32 $0x6000, s5;
	[dreg:$0x5] =	wrdreg s9  }
0xa: {  	s10 =	smul.u32 $0x2710, s12;
	s13 =	sadd.s32 $0x7800, s5;
	[dreg:$0x7] =	wrdreg s11  }
0xb: {  	s21 =	smul.u32 $0x4E2, s12;
	s14 =	sadd.s32 $0x9000, s5;
	[dreg:$0x8] =	wrdreg s13  }
0xc: {  	p0 =	sne.s32 s12, $0xF;
	s23 =	sadd.s32 $0xC000, s5;
	[dreg:$0x9] =	wrdreg s14  }
0xd: {  	s30 =	sadd.s32 $0x138000, s3;
	s24 =	smax.u32 s8, $0x1;
	[dreg:$0x12] =	wrdreg s23  }
0xe: {  	s15 =	smul.u32 $0x138800, s18;
	s25 =	sadd.s32 $0xD800, s5;
	[dreg:$0x14] =	wrdreg s24  }
0xf: {  	v0 =	vmov s18;
	s18 =	simm.s32 $0x10;
	s26 =	sadd.s32 $0xF000, s5;
	[dreg:$0x15] =	wrdreg s25  }
0x10: {  	s28 =	sadd.s32 $0x10800, s5;
	s29 =	sadd.s32 $0x12000, s5;
	[dreg:$0x16] =	wrdreg s26  }
0x11: {  	s8 =	simm.s32 $0x180;
	s9 =	sadd.s32 $0x4800, s5;
	[dreg:$0x17] =	wrdreg s28  }
0x12: {  	s2 =	sshrl.u32 s10, $0x3;
	s10 =	sadd.s32 $0xA800, s5;
	[dreg:$0x18] =	wrdreg s29  }
0x13: {  	s11 =	smul.u32 $0x13800, s12;
	s12 =	simm.s32 $0x2;
	[dreg:$0x6] =	wrdreg s9  }
0x14: {  	s14 =	simm.s32 $0x4;
	[dreg:$0xa] =	wrdreg s10;
	s13 =	sadd.s32 s6, s2  }
0x15: {  	s16 =	sadd.s32 $0x10, s2;
	s17 =	sadd.s32 s7, s2;
	[dreg:$0xb] =	wrdreg s13  }
0x16: {  	s2 =	sadd.s32 $0x4E0, s2;
	s9 =	sshrl.u32 s15, $0x3;
	[dreg:$0xc] =	wrdreg s17  }
0x17: {  	s19 =	sadd.s32 s6, s16;
	s10 =	sadd.s32 s7, s16;
	s20 =	sadd.s32 s11, s15  }
0x18: {  	s22 =	sadd.s32 s6, s2;
	s2 =	sadd.s32 s7, s2;
	[dreg:$0xd] =	wrdreg s19  }
0x19: {  	s11 =	simm.s32 $0x4200;
	s13 =	simm.s32 $0x3;
	[dreg:$0xe] =	wrdreg s10  }
0x1a: {  	s15 =	simm.s32 $0x1D280;
	s16 =	simm.s32 $0x7;
	[dreg:$0x10] =	wrdreg s22  }
0x1b: {  	s17 =	simm.s32 $0x1D300;
	s10 =	sshrl.u32 s20, $0x3;
	[dreg:$0x11] =	wrdreg s2  }
0x1c: {  	s20 =	sadd.s32 s21, s7;
	s21 =	sadd.s32 s21, s6;
	s2 =	simm.s32 $0x5  }
0x1d: {  	s6 =	simm.s32 $0x80;
	s7 =	simm.s32 $0x200;
	s19 =	simm.s32 $0x1D380  }
0x1e: {  	s22 =	simm.s32 $0x0;
	s10 =	sadd.s32 s0, s10;
	s0 =	sadd.s32 s0, s9  }
0x1f: {  	s9 =	simm.s32 $0x6;
	[dreg:$0xf] =	wrdreg s10;
	s0 =	sadd.s32 $0x27000, s0  }
0x20: {  	v1 =	vimm.f32 $0.0e+00;
	s10 =	simm.s32 $0x1;
	[dreg:$0x13] =	wrdreg s0;
	s0 =	simm.s32 $0x100  }
.LBB2_1:
0x21: {  	s23 =	simm.s32 $0x70;
	s24 =	simm.s32 $0x3C0  }
.LBB2_2:
0x22: {  	p1 =	sne.s32 s24, $0x5FC0;
	[tilespmem:s23+$0x8200] =	vst v1  }
0x23: {  	[tilespmem:s23+$0x8190] =	vst v1  }
0x24: {  	[tilespmem:s23+$0x81A0] =	vst v1  }
.Ltmp0:
0x25: {  	[tilespmem:s23+$0x81B0] =	vst v1;
	(pc) =	sbr.rel @p1 .LBB2_2-.Ltmp0, $4  }
0x26: {  	[tilespmem:s23+$0x81C0] =	vst v1  }
0x27: {  	[tilespmem:s23+$0x81D0] =	vst v1  }
0x28: {  	[tilespmem:s23+$0x81E0] =	vst v1  }
0x29: {  	[tilespmem:s23+$0x81F0] =	vst v1;
	s23 =	sshra.s32 s24, $0x2;
	s24 =	sadd.s32 $0x200, s24  }
0x2a: {  	[tilespmem:s23+$0x8200] =	vst v1  }
0x2b: {  	[tilespmem:s23+$0x8190] =	vst v1  }
0x2c: {  	[tilespmem:s23+$0x81A0] =	vst v1  }
0x2d: {  	[tilespmem:s23+$0x81B0] =	vst v1  }
0x2e: {  	[tilespmem:s23+$0x81C0] =	vst v1  }
0x2f: {  	[tilespmem:s23+$0x81D0] =	vst v1  }
0x30: {  	[tilespmem:s23+$0x81E0] =	vst v1  }
0x31: {  	[tilespmem:s23+$0x81F0] =	vst v1  }
0x32: {  	[spmem:s5] =	stream.linear.scatter [tilespmem:s31], [sflag:$0x6], $0x1800, $0x38;
	[tilespmem:$0x1DB80] =	vst v63  }
0x33: {  	s25 =	rddreg [dreg:$0x4]  }
0x34: {  	[spmem:s25] =	stream.linear.scatter [tilespmem:s31], [sflag:$0x6], $0x1800, $0x38;
	[tilespmem:$0x1DB80] =	vst v63  }
0x35: {  	s26 =	rddreg [dreg:$0x5]  }
0x36: {  	[spmem:s26] =	stream.linear.scatter [tilespmem:s31], [sflag:$0x6], $0x1800, $0x38;
	[tilespmem:$0x1DB80] =	vst v63  }
0x37: {  	s28 =	rddreg [dreg:$0x6]  }
0x38: {  	[spmem:s28] =	stream.linear.scatter [tilespmem:s31], [sflag:$0x6], $0x1800, $0x38;
	[tilespmem:$0x1DB80] =	vst v63  }
0x39: {  	s29 =	rddreg [dreg:$0x7]  }
0x3a: {  	[spmem:s29] =	stream.linear.scatter [tilespmem:s31], [sflag:$0x6], $0x1800, $0x38;
	[tilespmem:$0x1DB80] =	vst v63  }
0x3b: {  	s24 =	rddreg [dreg:$0x8]  }
0x3c: {  	[spmem:s24] =	stream.linear.scatter [tilespmem:s31], [sflag:$0x6], $0x1800, $0x38;
	[tilespmem:$0x1DB80] =	vst v63  }
0x3d: {  	s25 =	rddreg [dreg:$0x9]  }
0x3e: {  	[spmem:s25] =	stream.linear.scatter [tilespmem:s31], [sflag:$0x6], $0x1800, $0x38;
	[tilespmem:$0x1DB80] =	vst v63  }
0x3f: {  	s26 =	rddreg [dreg:$0xa]  }
0x40: {  	[spmem:s26] =	stream.linear.scatter [tilespmem:s31], [sflag:$0x6], $0x1800, $0x38;
	[tilespmem:$0x1DB80] =	vst v63  }
0x41: {  	s28 =	rddreg [dreg:$0x12]  }
0x42: {  	[spmem:s28] =	stream.linear.scatter [tilespmem:s31], [sflag:$0x6], $0x1800, $0x38;
	[tilespmem:$0x1DB80] =	vst v63  }
0x43: {  	s29 =	rddreg [dreg:$0x15]  }
0x44: {  	[spmem:s29] =	stream.linear.scatter [tilespmem:s31], [sflag:$0x6], $0x1800, $0x38;
	[tilespmem:$0x1DB80] =	vst v63  }
0x45: {  	s24 =	rddreg [dreg:$0x16]  }
0x46: {  	[spmem:s24] =	stream.linear.scatter [tilespmem:s31], [sflag:$0x6], $0x1800, $0x38;
	[tilespmem:$0x1DB80] =	vst v63  }
0x47: {  	s25 =	rddreg [dreg:$0x17]  }
0x48: {  	[spmem:s25] =	stream.linear.scatter [tilespmem:s31], [sflag:$0x6], $0x1800, $0x38;
	[tilespmem:$0x1DB80] =	vst v63  }
0x49: {  	s26 =	rddreg [dreg:$0x18]  }
0x4a: {  	[spmem:s26] =	stream.linear.scatter [tilespmem:s31], [sflag:$0x6], $0x1800, $0x38;
	[tilespmem:$0x1DB80] =	vst v63  }
0x4b: {  	s23 =	simm.s32 @!p0 $0x8200  }
0x4c: {  	[spmem:s30] =	stream.linear.scatter @!p0 [tilespmem:s23], [sflag:$0x6], $0x800, $0x38;
	[tilespmem:$0x1DB80] =	vst v63  }
0x4d: {  	s28 =	rddreg [dreg:$0xb]  }
0x4e: {  	[tilespmem:s4], [sflag:$0x5] =	stream.linear.gather [hbm4b:s28+s4], $0x80, $0x38;
	[tilespmem:$0x1DB80] =	vst v63  }
0x4f: {  	s29 =	rddreg [dreg:$0xc]  }
0x50: {  	[tilespmem:s0], [sflag:$0x5] =	stream.linear.gather [hbm4b:s29+s4], $0x80, $0x38;
	[tilespmem:$0x1DB80] =	vst v63  }
0x51: {  	_ =	swait.ge [sflag:s2], $0x80  }
0x52: {  	[sflag:s2] =	ssyncset.done $0x0  }
0x53: {  	[sflag:s2] =	ssyncadd.s32 $0xFFFFFF80  }
0x54: {  	_ =	swait.ge [sflag:s2], $0x80  }
0x55: {  	[sflag:s2] =	ssyncset.done $0x0  }
0x56: {  	[sflag:s2] =	ssyncadd.s32 $0xFFFFFF80  }
0x57: {  	v2 =	vld [tilespmem:$0x0]  }
0x58: {  	v3 =	vld [tilespmem:$0x10]  }
0x59: {  	v4 =	vld [tilespmem:$0x20]  }
0x5a: {  	v5 =	vld [tilespmem:$0x30]  }
0x5b: {  	v6 =	vld [tilespmem:$0x40]  }
0x5c: {  	v7 =	vld [tilespmem:$0x50];
	v2 =	vshll.u32 v2, $0x1  }
0x5d: {  	v8 =	vld [tilespmem:$0x60];
	v3 =	vshll.u32 v3, $0x1;
	v2 =	vor.u32 v0, v2  }
0x5e: {  	v43 =	vld [tilespmem:$0x70];
	[tilespmem:$0x0] =	vst v2;
	v2 =	vor.u32 v0, v3;
	v3 =	vshll.u32 v4, $0x1  }
0x5f: {  	[tilespmem:$0x10] =	vst v2;
	v2 =	vor.u32 v0, v3;
	v3 =	vshll.u32 v5, $0x1  }
0x60: {  	[tilespmem:$0x20] =	vst v2;
	v2 =	vor.u32 v0, v3;
	v3 =	vshll.u32 v6, $0x1  }
0x61: {  	[tilespmem:$0x30] =	vst v2;
	v2 =	vor.u32 v0, v3;
	v3 =	vshll.u32 v7, $0x1  }
0x62: {  	[tilespmem:$0x40] =	vst v2;
	v2 =	vor.u32 v0, v3;
	v3 =	vshll.u32 v8, $0x1  }
0x63: {  	[tilespmem:$0x50] =	vst v2;
	v2 =	vor.u32 v0, v3;
	v3 =	vshll.u32 v43, $0x1  }
0x64: {  	[tilespmem:$0x60] =	vst v2;
	v2 =	vor.u32 v0, v3  }
0x65: {  	[tilespmem:$0x70] =	vst v2  }
0x66: {  	[tilespmem:s7], [sflag:$0x1] =	stream.indirect.gather [hbm4b:s1+s6], $0x80, s4, s6, $0xb8;
	[tilespmem:$0x1DB80] =	vst v63  }
0x67: {  	s24 =	rddreg [dreg:$0xd]  }
0x68: {  	[tilespmem:s6], [sflag:$0x5] =	stream.linear.gather [hbm4b:s24+s4], $0x80, $0x38;
	[tilespmem:$0x1DB80] =	vst v63  }
0x69: {  	s25 =	rddreg [dreg:$0xe]  }
0x6a: {  	[tilespmem:s8], [sflag:$0x5] =	stream.linear.gather [hbm4b:s25+s4], $0x80, $0x38;
	[tilespmem:$0x1DB80] =	vst v63  }
0x6b: {  	_ =	swait.ge [sflag:s2], $0x80  }
0x6c: {  	[sflag:s2] =	ssyncset.done $0x0  }
0x6d: {  	[sflag:s2] =	ssyncadd.s32 $0xFFFFFF80  }
0x6e: {  	_ =	swait.ge [sflag:s2], $0x80  }
0x6f: {  	[sflag:s2] =	ssyncset.done $0x0  }
0x70: {  	[sflag:s2] =	ssyncadd.s32 $0xFFFFFF80  }
0x71: {  	v2 =	vld [tilespmem:$0x80]  }
0x72: {  	v3 =	vld [tilespmem:$0x90]  }
0x73: {  	v44 =	vld [tilespmem:$0xA0]  }
0x74: {  	v45 =	vld [tilespmem:$0xB0]  }
0x75: {  	v46 =	vld [tilespmem:$0xC0]  }
0x76: {  	v47 =	vld [tilespmem:$0xD0];
	v2 =	vshll.u32 v2, $0x1  }
0x77: {  	v48 =	vld [tilespmem:$0xE0];
	v3 =	vshll.u32 v3, $0x1;
	v2 =	vor.u32 v0, v2  }
0x78: {  	v49 =	vld [tilespmem:$0xF0];
	[tilespmem:$0x80] =	vst v2;
	v2 =	vor.u32 v0, v3;
	v3 =	vshll.u32 v44, $0x1  }
0x79: {  	[tilespmem:$0x90] =	vst v2;
	v2 =	vor.u32 v0, v3;
	v3 =	vshll.u32 v45, $0x1  }
0x7a: {  	[tilespmem:$0xA0] =	vst v2;
	v2 =	vor.u32 v0, v3;
	v3 =	vshll.u32 v46, $0x1  }
0x7b: {  	[tilespmem:$0xB0] =	vst v2;
	v2 =	vor.u32 v0, v3;
	v3 =	vshll.u32 v47, $0x1  }
0x7c: {  	[tilespmem:$0xC0] =	vst v2;
	v2 =	vor.u32 v0, v3;
	v3 =	vshll.u32 v48, $0x1  }
0x7d: {  	[tilespmem:$0xD0] =	vst v2;
	v2 =	vor.u32 v0, v3;
	v3 =	vshll.u32 v49, $0x1  }
0x7e: {  	[tilespmem:$0xE0] =	vst v2;
	v2 =	vor.u32 v0, v3  }
0x7f: {  	[tilespmem:$0xF0] =	vst v2  }
0x80: {  	_ =	swait.ge [sflag:s9], $0x1800  }
0x81: {  	[sflag:s9] =	ssyncset.done $0x0  }
0x82: {  	[sflag:s9] =	ssyncadd.s32 $0xFFFFE800  }
0x83: {  	_ =	swait.ge [sflag:s9], $0x1800  }
0x84: {  	[sflag:s9] =	ssyncset.done $0x0  }
0x85: {  	[sflag:s9] =	ssyncadd.s32 $0xFFFFE800  }
0x86: {  	_ =	swait.ge [sflag:s9], $0x1800  }
0x87: {  	[sflag:s9] =	ssyncset.done $0x0  }
0x88: {  	[sflag:s9] =	ssyncadd.s32 $0xFFFFE800  }
0x89: {  	_ =	swait.ge [sflag:s9], $0x1800  }
0x8a: {  	[sflag:s9] =	ssyncset.done $0x0  }
0x8b: {  	[sflag:s9] =	ssyncadd.s32 $0xFFFFE800  }
0x8c: {  	_ =	swait.ge [sflag:s9], $0x1800  }
0x8d: {  	[sflag:s9] =	ssyncset.done $0x0  }
0x8e: {  	[sflag:s9] =	ssyncadd.s32 $0xFFFFE800  }
0x8f: {  	_ =	swait.ge [sflag:s9], $0x1800  }
0x90: {  	[sflag:s9] =	ssyncset.done $0x0  }
0x91: {  	[sflag:s9] =	ssyncadd.s32 $0xFFFFE800  }
0x92: {  	_ =	swait.ge [sflag:s9], $0x1800  }
0x93: {  	[sflag:s9] =	ssyncset.done $0x0  }
0x94: {  	[sflag:s9] =	ssyncadd.s32 $0xFFFFE800  }
0x95: {  	_ =	swait.ge [sflag:s9], $0x1800  }
0x96: {  	[sflag:s9] =	ssyncset.done $0x0  }
0x97: {  	[sflag:s9] =	ssyncadd.s32 $0xFFFFE800  }
0x98: {  	_ =	swait.ge [sflag:s9], $0x1800  }
0x99: {  	[sflag:s9] =	ssyncset.done $0x0  }
0x9a: {  	[sflag:s9] =	ssyncadd.s32 $0xFFFFE800  }
0x9b: {  	_ =	swait.ge [sflag:s9], $0x1800  }
0x9c: {  	[sflag:s9] =	ssyncset.done $0x0  }
0x9d: {  	[sflag:s9] =	ssyncadd.s32 $0xFFFFE800  }
0x9e: {  	_ =	swait.ge [sflag:s9], $0x1800  }
0x9f: {  	[sflag:s9] =	ssyncset.done $0x0  }
0xa0: {  	[sflag:s9] =	ssyncadd.s32 $0xFFFFE800  }
0xa1: {  	_ =	swait.ge [sflag:s9], $0x1800  }
0xa2: {  	[sflag:s9] =	ssyncset.done $0x0  }
0xa3: {  	[sflag:s9] =	ssyncadd.s32 $0xFFFFE800  }
0xa4: {  	_ =	swait.ge [sflag:s9], $0x1800  }
0xa5: {  	[sflag:s9] =	ssyncset.done $0x0  }
0xa6: {  	s23 =	simm.s32 @!p0 $0x6;
	[sflag:s9] =	ssyncadd.s32 $0xFFFFE800  }
0xa7: {  	_ =	swait.ge @!p0 [sflag:s23], $0x800  }
0xa8: {  	[sflag:s23] =	ssyncset.done @!p0 $0x0  }
0xa9: {  	[sflag:s23] =	ssyncadd.s32 @!p0 $0xFFFFF800  }
0xaa: {  	[bflag:$0x0] =	sbarrier.arrive $0xFFFF  }
0xab: {  	_ =	swait.ge [sflag:s10], $0x4000  }
0xac: {  	[sflag:s10] =	ssyncset.done $0x0  }
0xad: {  	[sflag:s10] =	ssyncadd.s32 $0xFFFFC000  }
0xae: {  	[tilespmem:s11], [sflag:$0x2] =	stream.indirect.gather [hbm4b:s1+s6], $0x80, s6, s6, $0xb8;
	[tilespmem:$0x1DB80] =	vst v63  }
0xaf: {  	_ = 	snop  }
0xb0: {  	[spmem:s3] =	stream.indirect.scatter.add.f32 [tilespmem:s7], [sflag:$0x3], $0x80, s0, s6, $0xb8;
	[tilespmem:$0x1DB80] =	vst v63  }
0xb1: {  	_ =	swait.ge [sflag:s12], $0x4000  }
0xb2: {  	[sflag:s12] =	ssyncset.done $0x0  }
0xb3: {  	[sflag:s12] =	ssyncadd.s32 $0xFFFFC000  }
0xb4: {  	_ =	swait.ge [sflag:s13], $0x4000  }
0xb5: {  	[sflag:s13] =	ssyncset.done $0x0  }
0xb6: {  	s26 =	sadd.s32 $0xFFFFFB40, s21;
	[sflag:s13] =	ssyncadd.s32 $0xFFFFC000  }
0xb7: {  	[spmem:s3] =	stream.indirect.scatter.add.f32 [tilespmem:s11], [sflag:$0x4], $0x80, s8, s6, $0xb8;
	[tilespmem:$0x1DB80] =	vst v63  }
0xb8: {  	s24 =	sadd.s32 $0x4E0, s26;
	s25 =	sadd.s32 $0xFFFFFB40, s20  }
0xb9: {  	[tilespmem:s4], [sflag:$0x5] =	stream.linear.gather [hbm4b:s24+s4], $0x80, $0x38;
	[tilespmem:$0x1DB80] =	vst v63  }
0xba: {  	s28 =	sadd.s32 $0x4E0, s25  }
0xbb: {  	[tilespmem:s0], [sflag:$0x5] =	stream.linear.gather [hbm4b:s28+s4], $0x80, $0x38;
	[tilespmem:$0x1DB80] =	vst v63  }
0xbc: {  	_ =	swait.ge [sflag:s2], $0x80  }
0xbd: {  	[sflag:s2] =	ssyncset.done $0x0  }
0xbe: {  	[sflag:s2] =	ssyncadd.s32 $0xFFFFFF80  }
0xbf: {  	_ =	swait.ge [sflag:s2], $0x80  }
0xc0: {  	[sflag:s2] =	ssyncset.done $0x0  }
0xc1: {  	[sflag:s2] =	ssyncadd.s32 $0xFFFFFF80  }
0xc2: {  	v2 =	vld [tilespmem:$0x70]  }
0xc3: {  	v3 =	vld [tilespmem:$0x30]  }
0xc4: {  	v50 =	vld [tilespmem:$0x60]  }
0xc5: {  	v52 =	vld [tilespmem:$0x40]  }
0xc6: {  	v51 =	vld [tilespmem:$0x50]  }
0xc7: {  	v53 =	vld [tilespmem:$0x20];
	v2 =	vshll.u32 v2, $0x1  }
0xc8: {  	v54 =	vld [tilespmem:$0x0];
	v3 =	vshll.u32 v3, $0x1;
	v2 =	vor.u32 v0, v2  }
0xc9: {  	v9 =	vld [tilespmem:$0x10];
	v4 =	vshll.u32 v50, $0x1;
	v3 =	vor.u32 v0, v3;
	[tilespmem:$0x70] =	vst v2  }
0xca: {  	v55 =	vshll.u32 v52, $0x1;
	[tilespmem:$0x30] =	vst v3;
	v3 =	vor.u32 v0, v4  }
0xcb: {  	v2 =	vshll.u32 v51, $0x1;
	v4 =	vor.u32 v0, v55;
	[tilespmem:$0x60] =	vst v3  }
0xcc: {  	v2 =	vor.u32 v0, v2;
	v3 =	vshll.u32 v53, $0x1;
	[tilespmem:$0x40] =	vst v4  }
0xcd: {  	[tilespmem:$0x50] =	vst v2;
	v2 =	vshll.u32 v54, $0x1;
	v3 =	vor.u32 v0, v3  }
0xce: {  	v56 =	vshll.u32 v9, $0x1;
	v2 =	vor.u32 v0, v2;
	[tilespmem:$0x20] =	vst v3  }
0xcf: {  	[tilespmem:$0x0] =	vst v2;
	v2 =	vor.u32 v0, v56  }
0xd0: {  	[tilespmem:$0x10] =	vst v2  }
0xd1: {  	[tilespmem:s7], [sflag:$0x1] =	stream.indirect.gather [hbm4b:s1+s6], $0x80, s4, s6, $0xb8;
	[tilespmem:$0x1DB80] =	vst v63  }
0xd2: {  	_ =	swait.ge [sflag:s10], $0x4000  }
0xd3: {  	[sflag:s10] =	ssyncset.done $0x0  }
0xd4: {  	[sflag:s10] =	ssyncadd.s32 $0xFFFFC000  }
0xd5: {  	_ =	swait.ge [sflag:s14], $0x4000  }
0xd6: {  	[sflag:s14] =	ssyncset.done $0x0  }
0xd7: {  	[sflag:s14] =	ssyncadd.s32 $0xFFFFC000  }
0xd8: {  	[spmem:s3] =	stream.indirect.scatter.add.f32 [tilespmem:s7], [sflag:$0x3], $0x80, s0, s6, $0xb8;
	[tilespmem:$0x1DB80] =	vst v63  }
0xd9: {  	s23 =	sadd.s32 $0x4F0, s26  }
0xda: {  	[tilespmem:s6], [sflag:$0x5] =	stream.linear.gather [hbm4b:s23+s4], $0x80, $0x38;
	[tilespmem:$0x1DB80] =	vst v63  }
0xdb: {  	s29 =	sadd.s32 $0x4F0, s25  }
0xdc: {  	[tilespmem:s8], [sflag:$0x5] =	stream.linear.gather [hbm4b:s29+s4], $0x80, $0x38;
	[tilespmem:$0x1DB80] =	vst v63  }
0xdd: {  	_ =	swait.ge [sflag:s2], $0x80  }
0xde: {  	[sflag:s2] =	ssyncset.done $0x0  }
0xdf: {  	[sflag:s2] =	ssyncadd.s32 $0xFFFFFF80  }
0xe0: {  	_ =	swait.ge [sflag:s2], $0x80  }
0xe1: {  	[sflag:s2] =	ssyncset.done $0x0  }
0xe2: {  	[sflag:s2] =	ssyncadd.s32 $0xFFFFFF80  }
0xe3: {  	v2 =	vld [tilespmem:$0x80]  }
0xe4: {  	v3 =	vld [tilespmem:$0x90]  }
0xe5: {  	v57 =	vld [tilespmem:$0xB0]  }
0xe6: {  	v58 =	vld [tilespmem:$0xC0]  }
0xe7: {  	v59 =	vld [tilespmem:$0xD0]  }
0xe8: {  	v60 =	vld [tilespmem:$0xE0];
	v2 =	vshll.u32 v2, $0x1  }
0xe9: {  	v61 =	vld [tilespmem:$0xA0];
	v3 =	vshll.u32 v3, $0x1;
	v2 =	vor.u32 v0, v2  }
0xea: {  	v62 =	vld [tilespmem:$0xF0];
	[tilespmem:$0x80] =	vst v2;
	v2 =	vor.u32 v0, v3;
	v3 =	vshll.u32 v57, $0x1  }
0xeb: {  	[tilespmem:$0x90] =	vst v2;
	v2 =	vor.u32 v0, v3;
	v3 =	vshll.u32 v58, $0x1  }
0xec: {  	[tilespmem:$0xB0] =	vst v2;
	v2 =	vor.u32 v0, v3;
	v3 =	vshll.u32 v59, $0x1  }
0xed: {  	[tilespmem:$0xC0] =	vst v2;
	v2 =	vor.u32 v0, v3;
	v3 =	vshll.u32 v60, $0x1  }
0xee: {  	v63 =	vshll.u32 v61, $0x1;
	[tilespmem:$0xD0] =	vst v2;
	v2 =	vor.u32 v0, v3  }
0xef: {  	v3 =	vor.u32 v0, v63;
	[tilespmem:$0xE0] =	vst v2;
	v2 =	vshll.u32 v62, $0x1  }
0xf0: {  	s24 =	simm.s32 $0xFFFFFB80;
	s23 =	simm.s32 $0xFFFFFB60;
	[tilespmem:$0xA0] =	vst v3;
	v2 =	vor.u32 v0, v2  }
.LBB2_4:
0xf1: {  	p1 =	sne.s32 s24, $0xFFFFFFE0;
	[tilespmem:$0xF0] =	vst v2;
	s28 =	smov.u32 s24;
	s24 =	sadd.s32 $0x20, s24  }
0xf2: {  	[tilespmem:s11], [sflag:$0x2] =	stream.indirect.gather [hbm4b:s1+s6], $0x80, s6, s6, $0xb8;
	[tilespmem:$0x1DB80] =	vst v63  }
0xf3: {  	_ =	swait.ge [sflag:s12], $0x4000  }
0xf4: {  	[sflag:s12] =	ssyncset.done $0x0  }
0xf5: {  	[sflag:s12] =	ssyncadd.s32 $0xFFFFC000  }
0xf6: {  	_ =	swait.ge [sflag:s13], $0x4000  }
0xf7: {  	[sflag:s13] =	ssyncset.done $0x0  }
0xf8: {  	s25 =	sadd.s32 s23, s21;
	[sflag:s13] =	ssyncadd.s32 $0xFFFFC000  }
0xf9: {  	[spmem:s3] =	stream.indirect.scatter.add.f32 [tilespmem:s11], [sflag:$0x4], $0x80, s8, s6, $0xb8;
	[tilespmem:$0x1DB80] =	vst v63  }
0xfa: {  	s26 =	sadd.s32 s23, s20;
	s29 =	sadd.s32 $0x4E0, s25;
	s23 =	smov.u32 s28  }
0xfb: {  	[tilespmem:s4], [sflag:$0x5] =	stream.linear.gather [hbm4b:s29+s4], $0x80, $0x38;
	[tilespmem:$0x1DB80] =	vst v63  }
0xfc: {  	s28 =	sadd.s32 $0x4E0, s26  }
0xfd: {  	[tilespmem:s0], [sflag:$0x5] =	stream.linear.gather [hbm4b:s28+s4], $0x80, $0x38;
	[tilespmem:$0x1DB80] =	vst v63  }
0xfe: {  	_ =	swait.ge [sflag:s2], $0x80  }
0xff: {  	[sflag:s2] =	ssyncset.done $0x0  }
0x100: {  	[sflag:s2] =	ssyncadd.s32 $0xFFFFFF80  }
0x101: {  	_ =	swait.ge [sflag:s2], $0x80  }
0x102: {  	[sflag:s2] =	ssyncset.done $0x0  }
0x103: {  	[sflag:s2] =	ssyncadd.s32 $0xFFFFFF80  }
0x104: {  	v2 =	vld [tilespmem:$0x70]  }
0x105: {  	v3 =	vld [tilespmem:$0x30]  }
0x106: {  	v4 =	vld [tilespmem:$0x60]  }
0x107: {  	v5 =	vld [tilespmem:$0x50]  }
0x108: {  	v6 =	vld [tilespmem:$0x40]  }
0x109: {  	v7 =	vld [tilespmem:$0x20];
	v2 =	vshll.u32 v2, $0x1  }
0x10a: {  	v8 =	vld [tilespmem:$0x0];
	v3 =	vshll.u32 v3, $0x1;
	v2 =	vor.u32 v0, v2  }
0x10b: {  	v9 =	vld [tilespmem:$0x10];
	v3 =	vor.u32 v0, v3;
	v4 =	vshll.u32 v4, $0x1;
	[tilespmem:$0x70] =	vst v2  }
0x10c: {  	[tilespmem:$0x30] =	vst v3;
	v2 =	vshll.u32 v5, $0x1;
	v3 =	vor.u32 v0, v4  }
0x10d: {  	v4 =	vshll.u32 v6, $0x1;
	v2 =	vor.u32 v0, v2;
	[tilespmem:$0x60] =	vst v3  }
0x10e: {  	v3 =	vshll.u32 v7, $0x1;
	v4 =	vor.u32 v0, v4;
	[tilespmem:$0x50] =	vst v2  }
0x10f: {  	v2 =	vshll.u32 v8, $0x1;
	v3 =	vor.u32 v0, v3;
	[tilespmem:$0x40] =	vst v4  }
0x110: {  	v2 =	vor.u32 v0, v2;
	v4 =	vshll.u32 v9, $0x1;
	[tilespmem:$0x20] =	vst v3  }
0x111: {  	[tilespmem:$0x0] =	vst v2;
	v2 =	vor.u32 v0, v4  }
0x112: {  	[tilespmem:$0x10] =	vst v2  }
0x113: {  	[tilespmem:s7], [sflag:$0x1] =	stream.indirect.gather [hbm4b:s1+s6], $0x80, s4, s6, $0xb8;
	[tilespmem:$0x1DB80] =	vst v63  }
0x114: {  	_ =	swait.ge [sflag:s10], $0x4000  }
0x115: {  	[sflag:s10] =	ssyncset.done $0x0  }
0x116: {  	[sflag:s10] =	ssyncadd.s32 $0xFFFFC000  }
0x117: {  	_ =	swait.ge [sflag:s14], $0x4000  }
0x118: {  	[sflag:s14] =	ssyncset.done $0x0  }
0x119: {  	[sflag:s14] =	ssyncadd.s32 $0xFFFFC000  }
0x11a: {  	[spmem:s3] =	stream.indirect.scatter.add.f32 [tilespmem:s7], [sflag:$0x3], $0x80, s0, s6, $0xb8;
	[tilespmem:$0x1DB80] =	vst v63  }
0x11b: {  	s25 =	sadd.s32 $0x4F0, s25  }
0x11c: {  	[tilespmem:s6], [sflag:$0x5] =	stream.linear.gather [hbm4b:s25+s4], $0x80, $0x38;
	[tilespmem:$0x1DB80] =	vst v63  }
0x11d: {  	s25 =	sadd.s32 $0x4F0, s26  }
0x11e: {  	[tilespmem:s8], [sflag:$0x5] =	stream.linear.gather [hbm4b:s25+s4], $0x80, $0x38;
	[tilespmem:$0x1DB80] =	vst v63  }
0x11f: {  	_ =	swait.ge [sflag:s2], $0x80  }
0x120: {  	[sflag:s2] =	ssyncset.done $0x0  }
0x121: {  	[sflag:s2] =	ssyncadd.s32 $0xFFFFFF80  }
0x122: {  	_ =	swait.ge [sflag:s2], $0x80  }
0x123: {  	[sflag:s2] =	ssyncset.done $0x0  }
0x124: {  	[sflag:s2] =	ssyncadd.s32 $0xFFFFFF80  }
0x125: {  	v2 =	vld [tilespmem:$0x80]  }
0x126: {  	v3 =	vld [tilespmem:$0x90]  }
0x127: {  	v4 =	vld [tilespmem:$0xB0]  }
0x128: {  	v5 =	vld [tilespmem:$0xC0]  }
0x129: {  	v6 =	vld [tilespmem:$0xD0]  }
0x12a: {  	v2 =	vshll.u32 v2, $0x1;
	v7 =	vld [tilespmem:$0xE0]  }
0x12b: {  	v2 =	vor.u32 v0, v2;
	v3 =	vshll.u32 v3, $0x1;
	v8 =	vld [tilespmem:$0xA0]  }
0x12c: {  	[tilespmem:$0x80] =	vst v2;
	v2 =	vor.u32 v0, v3;
	v3 =	vshll.u32 v4, $0x1;
	v4 =	vld [tilespmem:$0xF0]  }
0x12d: {  	[tilespmem:$0x90] =	vst v2;
	v2 =	vor.u32 v0, v3;
	v3 =	vshll.u32 v5, $0x1  }
.Ltmp1:
0x12e: {  	[tilespmem:$0xB0] =	vst v2;
	v2 =	vor.u32 v0, v3;
	v3 =	vshll.u32 v6, $0x1;
	(pc) =	sbr.rel @p1 .LBB2_4-.Ltmp1, $4  }
0x12f: {  	[tilespmem:$0xC0] =	vst v2;
	v2 =	vor.u32 v0, v3;
	v3 =	vshll.u32 v7, $0x1  }
0x130: {  	v5 =	vshll.u32 v8, $0x1;
	[tilespmem:$0xD0] =	vst v2;
	v2 =	vor.u32 v0, v3  }
0x131: {  	v3 =	vor.u32 v0, v5;
	[tilespmem:$0xE0] =	vst v2;
	v2 =	vshll.u32 v4, $0x1  }
0x132: {  	[tilespmem:$0xA0] =	vst v3;
	v2 =	vor.u32 v0, v2  }
0x133: {  	[tilespmem:$0xF0] =	vst v2  }
0x134: {  	[tilespmem:s11], [sflag:$0x2] =	stream.indirect.gather [hbm4b:s1+s6], $0x80, s6, s6, $0xb8;
	[tilespmem:$0x1DB80] =	vst v63  }
0x135: {  	_ =	swait.ge [sflag:s12], $0x4000  }
0x136: {  	[sflag:s12] =	ssyncset.done $0x0  }
0x137: {  	[sflag:s12] =	ssyncadd.s32 $0xFFFFC000  }
0x138: {  	_ =	swait.ge [sflag:s13], $0x4000  }
0x139: {  	[sflag:s13] =	ssyncset.done $0x0  }
0x13a: {  	s24 =	sadd.s32 s23, s21;
	[sflag:s13] =	ssyncadd.s32 $0xFFFFC000  }
0x13b: {  	[spmem:s3] =	stream.indirect.scatter.add.f32 [tilespmem:s11], [sflag:$0x4], $0x80, s8, s6, $0xb8;
	[tilespmem:$0x1DB80] =	vst v63  }
0x13c: {  	s26 =	sadd.s32 s23, s20;
	s25 =	sadd.s32 $0x4E0, s24  }
0x13d: {  	[tilespmem:s4], [sflag:$0x5] =	stream.linear.gather [hbm4b:s25+s4], $0x80, $0x38;
	[tilespmem:$0x1DB80] =	vst v63  }
0x13e: {  	s28 =	sadd.s32 $0x4E0, s26  }
0x13f: {  	[tilespmem:s0], [sflag:$0x5] =	stream.linear.gather [hbm4b:s28+s4], $0x80, $0x38;
	[tilespmem:$0x1DB80] =	vst v63  }
0x140: {  	_ =	swait.ge [sflag:s2], $0x80  }
0x141: {  	[sflag:s2] =	ssyncset.done $0x0  }
0x142: {  	[sflag:s2] =	ssyncadd.s32 $0xFFFFFF80  }
0x143: {  	_ =	swait.ge [sflag:s2], $0x80  }
0x144: {  	[sflag:s2] =	ssyncset.done $0x0  }
0x145: {  	[sflag:s2] =	ssyncadd.s32 $0xFFFFFF80  }
0x146: {  	v2 =	vld [tilespmem:$0x70]  }
0x147: {  	v3 =	vld [tilespmem:$0x30]  }
0x148: {  	v4 =	vld [tilespmem:$0x60]  }
0x149: {  	v6 =	vld [tilespmem:$0x40]  }
0x14a: {  	v5 =	vld [tilespmem:$0x50]  }
0x14b: {  	v7 =	vld [tilespmem:$0x20];
	v2 =	vshll.u32 v2, $0x1  }
0x14c: {  	v8 =	vld [tilespmem:$0x0];
	v3 =	vshll.u32 v3, $0x1;
	v2 =	vor.u32 v0, v2  }
0x14d: {  	v9 =	vld [tilespmem:$0x10];
	v4 =	vshll.u32 v4, $0x1;
	v3 =	vor.u32 v0, v3;
	[tilespmem:$0x70] =	vst v2  }
0x14e: {  	v55 =	vshll.u32 v6, $0x1;
	[tilespmem:$0x30] =	vst v3;
	v3 =	vor.u32 v0, v4  }
0x14f: {  	v2 =	vshll.u32 v5, $0x1;
	v4 =	vor.u32 v0, v55;
	[tilespmem:$0x60] =	vst v3  }
0x150: {  	v2 =	vor.u32 v0, v2;
	v3 =	vshll.u32 v7, $0x1;
	[tilespmem:$0x40] =	vst v4  }
0x151: {  	[tilespmem:$0x50] =	vst v2;
	v2 =	vshll.u32 v8, $0x1;
	v3 =	vor.u32 v0, v3  }
0x152: {  	v56 =	vshll.u32 v9, $0x1;
	v2 =	vor.u32 v0, v2;
	[tilespmem:$0x20] =	vst v3  }
0x153: {  	[tilespmem:$0x0] =	vst v2;
	v2 =	vor.u32 v0, v56  }
0x154: {  	[tilespmem:$0x10] =	vst v2  }
0x155: {  	[tilespmem:s7], [sflag:$0x1] =	stream.indirect.gather [hbm4b:s1+s6], $0x80, s4, s6, $0xb8;
	[tilespmem:$0x1DB80] =	vst v63  }
0x156: {  	_ =	swait.ge [sflag:s10], $0x4000  }
0x157: {  	[sflag:s10] =	ssyncset.done $0x0  }
0x158: {  	[sflag:s10] =	ssyncadd.s32 $0xFFFFC000  }
0x159: {  	_ =	swait.ge [sflag:s14], $0x4000  }
0x15a: {  	[sflag:s14] =	ssyncset.done $0x0  }
0x15b: {  	[sflag:s14] =	ssyncadd.s32 $0xFFFFC000  }
0x15c: {  	[spmem:s3] =	stream.indirect.scatter.add.f32 [tilespmem:s7], [sflag:$0x3], $0x80, s0, s6, $0xb8;
	[tilespmem:$0x1DB80] =	vst v63  }
0x15d: {  	s24 =	sadd.s32 $0x4F0, s24  }
0x15e: {  	[tilespmem:s6], [sflag:$0x5] =	stream.linear.gather [hbm4b:s24+s4], $0x80, $0x38;
	[tilespmem:$0x1DB80] =	vst v63  }
0x15f: {  	s23 =	sadd.s32 $0x4F0, s26  }
0x160: {  	[tilespmem:s8], [sflag:$0x5] =	stream.linear.gather [hbm4b:s23+s4], $0x80, $0x38;
	[tilespmem:$0x1DB80] =	vst v63  }
0x161: {  	_ =	swait.ge [sflag:s2], $0x80  }
0x162: {  	[sflag:s2] =	ssyncset.done $0x0  }
0x163: {  	[sflag:s2] =	ssyncadd.s32 $0xFFFFFF80  }
0x164: {  	_ =	swait.ge [sflag:s2], $0x80  }
0x165: {  	[sflag:s2] =	ssyncset.done $0x0  }
0x166: {  	[sflag:s2] =	ssyncadd.s32 $0xFFFFFF80  }
0x167: {  	v2 =	vld [tilespmem:$0x80]  }
0x168: {  	v3 =	vld [tilespmem:$0x90]  }
0x169: {  	v57 =	vld [tilespmem:$0xB0]  }
0x16a: {  	v58 =	vld [tilespmem:$0xC0]  }
0x16b: {  	v59 =	vld [tilespmem:$0xD0]  }
0x16c: {  	v60 =	vld [tilespmem:$0xE0];
	v2 =	vshll.u32 v2, $0x1  }
0x16d: {  	v61 =	vld [tilespmem:$0xA0];
	v3 =	vshll.u32 v3, $0x1;
	v2 =	vor.u32 v0, v2  }
0x16e: {  	v62 =	vld [tilespmem:$0xF0];
	[tilespmem:$0x80] =	vst v2;
	v2 =	vor.u32 v0, v3;
	v3 =	vshll.u32 v57, $0x1  }
0x16f: {  	[tilespmem:$0x90] =	vst v2;
	v2 =	vor.u32 v0, v3;
	v3 =	vshll.u32 v58, $0x1  }
0x170: {  	[tilespmem:$0xB0] =	vst v2;
	v2 =	vor.u32 v0, v3;
	v3 =	vshll.u32 v59, $0x1  }
0x171: {  	[tilespmem:$0xC0] =	vst v2;
	v2 =	vor.u32 v0, v3;
	v3 =	vshll.u32 v60, $0x1  }
0x172: {  	v63 =	vshll.u32 v61, $0x1;
	[tilespmem:$0xD0] =	vst v2;
	v2 =	vor.u32 v0, v3  }
0x173: {  	v3 =	vor.u32 v0, v63;
	[tilespmem:$0xE0] =	vst v2;
	v2 =	vshll.u32 v62, $0x1  }
0x174: {  	[tilespmem:$0xA0] =	vst v3;
	v2 =	vor.u32 v0, v2  }
0x175: {  	[tilespmem:$0xF0] =	vst v2  }
0x176: {  	[tilespmem:s11], [sflag:$0x2] =	stream.indirect.gather [hbm4b:s1+s6], $0x80, s6, s6, $0xb8;
	[tilespmem:$0x1DB80] =	vst v63  }
0x177: {  	_ =	swait.ge [sflag:s12], $0x4000  }
0x178: {  	[sflag:s12] =	ssyncset.done $0x0  }
0x179: {  	[sflag:s12] =	ssyncadd.s32 $0xFFFFC000  }
0x17a: {  	_ =	swait.ge [sflag:s13], $0x4000  }
0x17b: {  	[sflag:s13] =	ssyncset.done $0x0  }
0x17c: {  	[sflag:s13] =	ssyncadd.s32 $0xFFFFC000  }
0x17d: {  	[spmem:s3] =	stream.indirect.scatter.add.f32 [tilespmem:s11], [sflag:$0x4], $0x80, s8, s6, $0xb8;
	[tilespmem:$0x1DB80] =	vst v63  }
0x17e: {  	_ =	swait.ge [sflag:s14], $0x4000  }
0x17f: {  	[sflag:s14] =	ssyncset.done $0x0  }
0x180: {  	s29 =	rddreg [dreg:$0x10];
	[sflag:s14] =	ssyncadd.s32 $0xFFFFC000  }
0x181: {  	[tilespmem:s15], [sflag:$0x7] =	stream.linear.gather [hbm4b:s29+s4], $0x10, $0x38;
	[tilespmem:$0x1DB80] =	vst v63  }
0x182: {  	_ =	swait.ge [sflag:s16], $0x10  }
0x183: {  	[sflag:s16] =	ssyncset.done $0x0  }
0x184: {  	s24 =	rddreg [dreg:$0x11];
	[sflag:s16] =	ssyncadd.s32 $0xFFFFFFF0  }
0x185: {  	[tilespmem:s17], [sflag:$0x7] =	stream.linear.gather [hbm4b:s24+s4], $0x10, $0x38;
	[tilespmem:$0x1DB80] =	vst v63  }
0x186: {  	_ =	swait.ge [sflag:s16], $0x10  }
0x187: {  	[sflag:s16] =	ssyncset.done $0x0  }
0x188: {  	[sflag:s16] =	ssyncadd.s32 $0xFFFFFFF0  }
0x189: {  	v2 =	vld [tilespmem:$0x1D280];
	_ =	sdelay $0x4  }
0x18a: {  	v2 =	vshll.u32 v2, $0x1  }
0x18b: {  	v2 =	vor.u32 v0, v2  }
0x18c: {  	[tilespmem:$0x1D280] =	vst v2  }
0x18d: {  	[tilespmem:s19], [sflag:$0x5] =	stream.indirect.gather [hbm4b:s1+s18], $0x80, s15, s18, $0xb8;
	[tilespmem:$0x1DB80] =	vst v63  }
0x18e: {  	_ =	swait.ge [sflag:s2], $0x800  }
0x18f: {  	[sflag:s2] =	ssyncset.done $0x0  }
0x190: {  	[sflag:s2] =	ssyncadd.s32 $0xFFFFF800  }
0x191: {  	[spmem:s3] =	stream.indirect.scatter.add.f32 [tilespmem:s19], [sflag:$0x7], $0x80, s17, s18, $0xb8;
	[tilespmem:$0x1DB80] =	vst v63  }
0x192: {  	_ =	swait.ge [sflag:s16], $0x800  }
0x193: {  	[sflag:s16] =	ssyncset.done $0x0  }
0x194: {  	s25 =	stileid.u32;
	[sflag:s16] =	ssyncadd.s32 $0xFFFFF800  }
0x195: {  	s23 =	sshll.u32 s25, $0x6;
	[bflag:$0x0] =	sbarrier.arrive $0xFFFF  }
0x196: {  	s26 =	sshrl.u32 s5, $0x3;
	s23 =	sor.u32 $0x1C07, s23;
	s28 =	rddreg [dreg:$0xf]  }
0x197: {  	[hbm:s28], [sflag:s23] =	dma.local [spmem:s26], $0x2700  }
0x198: {  	_ =	swait.ge [sflag:s16], $0x2700  }
0x199: {  	[sflag:s16] =	ssyncset.done $0x0  }
0x19a: {  	s24 =	sshrl.u32 @!p0 s30, $0x3;
	s25 =	rddreg [dreg:$0x13];
	[sflag:s16] =	ssyncadd.s32 $0xFFFFD900  }
0x19b: {  	[hbm:s25], [sflag:s23] =	dma.local @!p0 [spmem:s24], $0x100  }
0x19c: {  	s23 =	simm.s32 @!p0 $0x7  }
0x19d: {  	_ =	swait.ge @!p0 [sflag:s23], $0x100  }
0x19e: {  	s22 =	sadd.s32 $0x1, s22;
	s29 =	rddreg [dreg:$0x14]  }
0x19f: {  	p1 =	sne.s32 s22, s29  }
.Ltmp2:
0x1a0: {  	_ = 	snop;
	(pc) =	sbr.rel @p1 .LBB2_1-.Ltmp2, $3  }
0x1a1: {  	_ =	sdelay $0x1  }
0x1a2: {  	[sflag:s23] =	ssyncset.done @!p0 $0x0  }
0x1a3: {  	[sflag:s23] =	ssyncadd.s32 @!p0 $0xFFFFFF00  }
0x1a4: {  	_ =	sfence.sel $0x180000  }
0x1a5: {  	[bflag:$0x0] =	sbarrier.arrive $0xFFFF  }
0x1a6: {  	_ =	strace $0x90000047  }
0x1a7: {  	s0 =	stileid.u32;
	[bflag:$0x2] =	sbarrier.arrive $0xFFFF  }
0x1a8: {  	p0 =	sne.s32 s0, $0x0;
	s0 =	rddreg [dreg:$0x3]  }
0x1a9: {  	s0 =	sadd.s32 @!p0 $0x100000, s0  }
0x1aa: {  	[sflag:s0] =	ssyncadd.tile.s32 @!p0 $0x1;
	_ =	shalt  }
.Lfunc_end2:
_tile_overlayer_lowered:
.L_overlay_start_2:
0x1ab: {  	(tag) =	ssettag $0x2  }
0x1ac: {  	s0 =	rddreg [dreg:$0x0];
	s2 =	stileid.u32  }
0x1ad: {  	s1 =	rddreg [dreg:$0x1];
	p0 =	sne.s32 s2, $0x0  }
0x1ae: {  	s3 =	rddreg [dreg:$0x2];
	[bflag:$0x3] =	sbarrier.arrive $0xFFFF;
	s2 =	simm.s32 @!p0 $0x1C07  }
0x1af: {  	[timem:s3], [sflag:s2] =	dma.local @!p0 [hbm:s0], s1  }
0x1b0: {  	s0 =	simm.s32 @!p0 $0x7  }
0x1b1: {  	_ =	swait.ge @!p0 [sflag:s0], s1  }
0x1b2: {  	s1 =	ssub.s32 @!p0 $0x0, s1;
	[sflag:s0] =	ssyncset.done @!p0 $0x0  }
0x1b3: {  	[sflag:s0] =	ssyncadd.s32 @!p0 s1  }
0x1b4: {  	[bflag:$0x3] =	sbarrier.arrive $0xFFFF  }
0x1b5: {  	_ =	shalt  }

// kernel: kernel.13.cloned.1.call-start
scs
__scs_entry_jumppad:
0x0: {  	(pc) =	sbr.rel $0x88, $3  }
0x1: {  	(tag) =	ssettag $0x0;
	lr =	simm.s32 $0x1  }
0x2: {  	[smem:$0x3F99] =	sst lr;
	_ =	strace $0xD0000000  }
0x3: {  	_ = 	snop  }
0x4: {  	_ = 	snop  }
0x5: {  	_ = 	snop  }
0x6: {  	_ = 	snop  }
0x7: {  	_ = 	snop  }
__scs_overlays_trampoline_lowered:
0x8: {  	[smem:$0x3FA8] =	sst s0  }
0x9: {  	[smem:$0x3FA9] =	sst s1  }
0xa: {  	[smem:$0x3FAA] =	sst s2  }
0xb: {  	[smem:$0x3FAB] =	sst s3  }
0xc: {  	[smem:$0x3FAC] =	sst s4  }
0xd: {  	[smem:$0x3FAD] =	sst s5  }
0xe: {  	[smem:$0x3FAE] =	sst s6  }
0xf: {  	[smem:$0x3FAF] =	sst s7  }
0x10: {  	[smem:$0x3FB0] =	sst s8  }
0x11: {  	[smem:$0x3FB1] =	sst s9;
	s0 =	simm.s32 @!p0 $0x0  }
0x12: {  	s1 =	sld [smem:$0x3F97];
	s0 =	simm.s32 @p0 $0x1  }
0x13: {  	[smem:$0x3FB2] =	sst s0;
	s0 =	simm.s32 @!p1 $0x0  }
0x14: {  	s2 =	sld [smem:$0x3F96];
	s0 =	simm.s32 @p1 $0x1  }
0x15: {  	[smem:$0x3FB3] =	sst s0;
	s0 =	simm.s32 @!p2 $0x0  }
0x16: {  	s3 =	sld [smem:$0x3FDB];
	s0 =	simm.s32 @p2 $0x1  }
0x17: {  	s4 =	simm.s32 $0x1BF5;
	[smem:$0x3FB5] =	sst s0  }
0x18: {  	s0 =	sld [smem:$0x3F98];
	_ =	swait.ge [sflag:s4], $0x0  }
0x19: {  	s7 =	sld [smem:$0x3F99]  }
0x1a: {  	s8 =	sadd.s32 $0xFFFFE003, lr  }
0x1b: {  	s9 =	sadd.s32 $0xFFFFFEF7, lr;
	s5 =	simm.s32 $0xFFFFFFFF;
	p2 =	slt.u32 s8, $0xFFFFF086  }
0x1c: {  	p1 =	slt.u32 s9, $0xF7A;
	s5 =	simm.s32 @!p2 $0x0  }
0x1d: {  	s5 =	simm.s32 @p1 $0x1;
	p0 =	seq.s32 s7, s2  }
0x1e: {  	s7 =	smul.u32 @!p0 $0xF7A, s2;
	p2 =	seq.s32 @!p0 s5, $0x0  }
0x1f: {  	s9 =	smul.u32 $0xF7A, s1;
	s8 =	simm.s32 @!p0 $0x1BF5;
	p2 =	por !p2, p0  }
0x20: {  	[sflag:s8] =	ssyncset.s32 @!p0 $0xFFFFF086;
	s6 =	sadd.s32 @!p0 s3, s7;
	s7 =	simm.s32 @!p0 $0x108  }
0x21: {  	s3 =	sadd.s32 s3, s9;
	s6 =	sadd.s32 @!p0 $0x88, s6;
	s7 =	simm.s32 @p2 $0x1082  }
0x22: {  	[simem:s7], [sflag:s8] =	dma.local @!p0 [hbm:s6], $0xF7A  }
0x23: {  	s9 =	sor.u32 $0xD0000000, s2;
	s6 =	simm.s32 $0x108;
	_ =	swait.ge @!p0 [sflag:s8], $0x0  }
0x24: {  	s3 =	sadd.s32 $0x88, s3;
	s6 =	simm.s32 @!p1 $0x1082;
	[sflag:s4] =	ssyncset.s32 $0xFFFFF086  }
0x25: {  	[simem:s6], [sflag:s4] =	dma.local [hbm:s3], $0xF7A  }
0x26: {  	[smem:$0x3F99] =	sst s1;
	(tag) =	ssettag s2;
	_ =	strace s9  }
0x27: {  	s1 =	sld [smem:$0x3FA9]  }
0x28: {  	s2 =	sld [smem:$0x3FAA]  }
0x29: {  	s4 =	sld [smem:$0x3FAC]  }
0x2a: {  	p0 =	seq.s32 s5, $0x0;
	s5 =	sld [smem:$0x3FAD]  }
0x2b: {  	s6 =	sld [smem:$0x3FAE]  }
0x2c: {  	s7 =	sld [smem:$0x3FAF]  }
0x2d: {  	s3 =	simm.s32 $0x108;
	s8 =	sld [smem:$0x3FB0]  }
0x2e: {  	s3 =	simm.s32 @!p0 $0x1082;
	s9 =	sld [smem:$0x3FB1]  }
0x2f: {  	lr =	sadd.s32 s0, s3;
	s0 =	sld [smem:$0x3FA8]  }
0x30: {  	s3 =	sld [smem:$0x3FAB]  }
0x31: {  	[smem:$0x3FB4] =	sst s10  }
0x32: {  	s10 =	sld [smem:$0x3FB2];
	_ =	sdelay $0x3  }
0x33: {  	p0 =	seq.s32 s10, $0x1;
	s10 =	sld [smem:$0x3FB4];
	_ =	sdelay $0x3  }
0x34: {  	[smem:$0x3FB4] =	sst s10  }
0x35: {  	s10 =	sld [smem:$0x3FB3];
	_ =	sdelay $0x3  }
0x36: {  	p1 =	seq.s32 s10, $0x1;
	s10 =	sld [smem:$0x3FB4];
	_ =	sdelay $0x3  }
0x37: {  	[smem:$0x3FB4] =	sst s10  }
0x38: {  	s10 =	sld [smem:$0x3FB5]  }
0x39: {  	_ = 	snop;
	(pc) =	sbr.ind lr, $3  }
0x3a: {  	_ = 	snop  }
0x3b: {  	_ = 	snop  }
0x3c: {  	p2 =	seq.s32 s10, $0x1;
	s10 =	sld [smem:$0x3FB4]  }
0x3d: {  	_ =	shalt  }
0x3e: {  	_ =	shalt  }
0x3f: {  	_ =	shalt  }
0x40: {  	_ =	shalt  }
0x41: {  	_ =	shalt  }
0x42: {  	_ =	shalt  }
0x43: {  	_ =	shalt  }
0x44: {  	_ =	shalt  }
0x45: {  	_ =	shalt  }
0x46: {  	_ =	shalt  }
0x47: {  	_ =	shalt  }
0x48: {  	_ =	shalt  }
0x49: {  	_ =	shalt  }
0x4a: {  	_ =	shalt  }
0x4b: {  	_ =	shalt  }
0x4c: {  	_ =	shalt  }
0x4d: {  	_ =	shalt  }
0x4e: {  	_ =	shalt  }
0x4f: {  	_ =	shalt  }
0x50: {  	_ =	shalt  }
0x51: {  	_ =	shalt  }
0x52: {  	_ =	shalt  }
0x53: {  	_ =	shalt  }
0x54: {  	_ =	shalt  }
0x55: {  	_ =	shalt  }
0x56: {  	_ =	shalt  }
0x57: {  	_ =	shalt  }
0x58: {  	_ =	shalt  }
0x59: {  	_ =	shalt  }
0x5a: {  	_ =	shalt  }
0x5b: {  	_ =	shalt  }
0x5c: {  	_ =	shalt  }
0x5d: {  	_ =	shalt  }
0x5e: {  	_ =	shalt  }
0x5f: {  	_ =	shalt  }
0x60: {  	_ =	shalt  }
0x61: {  	_ =	shalt  }
0x62: {  	_ =	shalt  }
0x63: {  	_ =	shalt  }
0x64: {  	_ =	shalt  }
0x65: {  	_ =	shalt  }
0x66: {  	_ =	shalt  }
0x67: {  	_ =	shalt  }
0x68: {  	_ =	shalt  }
0x69: {  	_ =	shalt  }
0x6a: {  	_ =	shalt  }
0x6b: {  	_ =	shalt  }
0x6c: {  	_ =	shalt  }
0x6d: {  	_ =	shalt  }
0x6e: {  	_ =	shalt  }
0x6f: {  	_ =	shalt  }
0x70: {  	_ =	shalt  }
0x71: {  	_ =	shalt  }
0x72: {  	_ =	shalt  }
0x73: {  	_ =	shalt  }
0x74: {  	_ =	shalt  }
0x75: {  	_ =	shalt  }
0x76: {  	_ =	shalt  }
0x77: {  	_ =	shalt  }
0x78: {  	_ =	shalt  }
0x79: {  	_ =	shalt  }
0x7a: {  	_ =	shalt  }
0x7b: {  	_ =	shalt  }
0x7c: {  	_ =	shalt  }
0x7d: {  	_ =	shalt  }
0x7e: {  	_ =	shalt  }
0x7f: {  	_ =	shalt  }
0x80: {  	_ =	shalt  }
0x81: {  	_ =	shalt  }
0x82: {  	_ =	shalt  }
0x83: {  	_ =	shalt  }
0x84: {  	_ =	shalt  }
0x85: {  	_ =	shalt  }
0x86: {  	_ =	shalt  }
0x87: {  	_ =	shalt  }
.Lfunc_end0:
.L_simem_size_0:
called_computation.2_lowered:
.L_overlay_start_0:
0x88: {  	s2 =	sld [smem:$0x3FD9]  }
0x89: {  	s3 =	sld [smem:$0x3FFE];
	_ =	sdelay $0x1  }
0x8a: {  	s1 =	srdreg.scid  }
0x8b: {  	s0 =	sand.u32 $0x1, s1  }
0x8c: {  	s17 =	sshll.u32 s0, $0xA;
	s2 =	sadd.s32 s3, s2  }
0x8d: {  	s2 =	sadd.s32 s2, s17  }
0x8e: {  	[smem:$0x3FC0] =	sst s2  }
0x8f: {  	_ = 	snop  }
0x90: {  	s2 =	sld [smem:$0x3FD0];
	(tm) =	ssettm $0x1  }
0x91: {  	s18 =	sld [smem:$0x3FFB];
	_ =	sdelay $0x3  }
0x92: {  	_ =	strace s18  }
0x93: {  	s3 =	sld [smem:$0x3FFC];
	_ =	sdelay $0x3  }
0x94: {  	_ =	strace s3  }
0x95: {  	s3 =	sld [smem:$0x3FFD];
	_ =	sdelay $0x3  }
0x96: {  	_ =	strace s3  }
0x97: {  	_ =	strace $0x8FFFFFFF  }
0x98: {  	s19 =	sld [smem:$0x3FDB];
	_ =	sdelay $0x1  }
0x99: {  	s4 =	simm.s32 $_scs_section_size  }
0x9a: {  	s5 =	simm.s32 $_size__tile_overlayer_lowered;
	s6 =	simm.s32 $_tile_overlayer_lowered  }
0x9b: {  	s22 =	simm.s32 $0x1BFF;
	s21 =	sshll.u32 s6, $0x1;
	s3 =	sadd.s32 s4, s19  }
0x9c: {  	s7 =	simm.s32 $0x0;
	s20 =	sshll.u32 s5, $0x1;
	s5 =	sadd.s32 s21, s3  }
0x9d: {  	[timem:s7], [sflag:s22] =	dma.local [hbm:s5], s20  }
0x9e: {  	_ =	swait.ge [sflag:s22], s20  }
0x9f: {  	s4 =	ssub.s32 $0x0, s20;
	[sflag:s22] =	ssyncset.done $0x0  }
0xa0: {  	[sflag:s22] =	ssyncadd.s32 s4;
	_ =	sdelay $0x1  }
0xa1: {  	s23 =	simm.s32 $0x1B8B  }
0xa2: {  	_ =	swait.ge [sflag:s23], $0x1  }
0xa3: {  	[sflag:s23] =	ssyncset.done $0x0  }
0xa4: {  	s25 =	simm.s32 $0x1B8E;
	s24 =	sld [smem:$0x3FFE];
	[sflag:s23] =	ssyncadd.s32 $0xFFFFFFFF  }
0xa5: {  	s26 =	simm.s32 $execute0_lowered;
	[smem:$0x3FD2] =	sst s25  }
0xa6: {  	s5 =	sshll.u32 s26, $0x1;
	_ =	strace $0x8000004C;
	[dreg:$0x1] =	wrdreg $0xFFFFFFFF  }
0xa7: {  	s28 =	simm.s32 $_size_execute0_lowered;
	s3 =	sadd.s32 s3, s5;
	[dreg:$0x0] =	wrdreg $0x0  }
0xa8: {  	s5 =	sshll.u32 s28, $0x1;
	[dreg:$0x2] =	wrdreg s3  }
0xa9: {  	[dreg:$0x3] =	wrdreg s5  }
0xaa: {  	[dreg:$0x4] =	wrdreg $0xC0  }
0xab: {  	_ =	task [dreg:s7], $0x5FFFF  }
0xac: {  	[dreg:$0x1] =	wrdreg $0xFFFFFFFF  }
0xad: {  	[dreg:$0x0] =	wrdreg $0x60  }
0xae: {  	[dreg:$0x2] =	wrdreg s24  }
0xaf: {  	[dreg:$0x3] =	wrdreg s2  }
0xb0: {  	[dreg:$0x4] =	wrdreg $0x9A000  }
0xb1: {  	[dreg:$0x5] =	wrdreg $0x9  }
0xb2: {  	_ =	task.clear_ibuf [dreg:s7], $0x6FFFF;
	_ =	strace $0x9000004C  }
0xb3: {  	s29 =	simm.s32 $0x9;
	_ =	strace $0x8000004E  }
0xb4: {  	_ =	swait.ge [sflag:s29], $0x1  }
0xb5: {  	[sflag:s29] =	ssyncadd.s32 $0xFFFFFFFF  }
0xb6: {  	_ =	strace $0x9000004E  }
0xb7: {  	_ =	sfence  }
0xb8: {  	s30 =	sld [smem:$0x0];
	_ =	sdelay $0x2  }
0xb9: {  	s31 =	sshll.u32 s1, $0xD;
	s1 =	sshrl.u32 s1, $0x2  }
0xba: {  	s3 =	sand.u32 $0x4000, s31;
	s1 =	sadd.s32 s1, s30  }
0xbb: {  	s0 =	sor.u32 s3, s0;
	s1 =	sshll.u32 s1, $0x11  }
0xbc: {  	s0 =	sor.u32 s1, s0  }
0xbd: {  	s0 =	sadd.s32 $0x8F2B, s0  }
0xbe: {  	[sflag:s0] =	ssyncadd.remote.s32 $0x1  }
0xbf: {  	_ =	sfence.sel $0xFFFF  }
0xc0: {  	[dreg:$0x0] =	wrdreg $0xFFFFFFFF;
	(pc) =	sbr.abs _section_cstart, $3  }
0xc1: {  	[dreg:$0x1] =	wrdreg $0xFFFFFFFF  }
0xc2: {  	_ =	task.clear_ibuf [dreg:s7], $0x2FFFF;
	_ =	strace $0x9FFFFFFF  }
0xc3: {  	(tm) =	ssettm $0x7FFFFFFF  }
tec
execute0_lowered:
.L_overlay_start_1:
0x0: {  	(tag) =	ssettag $0x1  }
0x1: {  	s0 =	rddreg [dreg:$0x0]  }
0x2: {  	s2 =	srdreg.scid;
	s12 =	stileid.u32  }
0x3: {  	s1 =	rddreg [dreg:$0x1];
	s18 =	sand.u32 $0x1, s2;
	s29 =	smul.u32 $0x4E000, s12  }
0x4: {  	s3 =	rddreg [dreg:$0x2];
	s4 =	simm.s32 $0x0;
	s5 =	ssub.s32 $0x2, s18  }
0x5: {  	s31 =	simm.s32 $0x8200;
	s8 =	sshrl.u32 s5, $0x1;
	s2 =	sshrl.u32 s29, $0x2  }
0x6: {  	[smem:$0x7FF] =	sst s4;
	s8 =	ssub.s32 s5, s8;
	s5 =	sadd.s32 s2, s3  }
0x7: {  	s6 =	sadd.s32 $0x7200, s0;
	s7 =	sadd.s32 $0x2200, s0;
	s2 =	sadd.s32 $0x1800, s5  }
0x8: {  	_ =	strace $0x8000004D;
	s9 =	sadd.s32 $0x3000, s5;
	[dreg:$0x4] =	wrdreg s2  }
0x9: {  	s0 =	sadd.s32 $0xA8600, s0;
	s11 =	sadd.s32 $0x6000, s5;
	[dreg:$0x5] =	wrdreg s9  }
0xa: {  	s10 =	smul.u32 $0x2710, s12;
	s13 =	sadd.s32 $0x7800, s5;
	[dreg:$0x7] =	wrdreg s11  }
0xb: {  	s21 =	smul.u32 $0x4E2, s12;
	s14 =	sadd.s32 $0x9000, s5;
	[dreg:$0x8] =	wrdreg s13  }
0xc: {  	p0 =	sne.s32 s12, $0xF;
	s23 =	sadd.s32 $0xC000, s5;
	[dreg:$0x9] =	wrdreg s14  }
0xd: {  	s30 =	sadd.s32 $0x138000, s3;
	s24 =	smax.u32 s8, $0x1;
	[dreg:$0x12] =	wrdreg s23  }
0xe: {  	s15 =	smul.u32 $0x138800, s18;
	s25 =	sadd.s32 $0xD800, s5;
	[dreg:$0x14] =	wrdreg s24  }
0xf: {  	v0 =	vmov s18;
	s18 =	simm.s32 $0x10;
	s26 =	sadd.s32 $0xF000, s5;
	[dreg:$0x15] =	wrdreg s25  }
0x10: {  	s28 =	sadd.s32 $0x10800, s5;
	s29 =	sadd.s32 $0x12000, s5;
	[dreg:$0x16] =	wrdreg s26  }
0x11: {  	s8 =	simm.s32 $0x180;
	s9 =	sadd.s32 $0x4800, s5;
	[dreg:$0x17] =	wrdreg s28  }
0x12: {  	s2 =	sshrl.u32 s10, $0x3;
	s10 =	sadd.s32 $0xA800, s5;
	[dreg:$0x18] =	wrdreg s29  }
0x13: {  	s11 =	smul.u32 $0x13800, s12;
	s12 =	simm.s32 $0x2;
	[dreg:$0x6] =	wrdreg s9  }
0x14: {  	s14 =	simm.s32 $0x4;
	[dreg:$0xa] =	wrdreg s10;
	s13 =	sadd.s32 s6, s2  }
0x15: {  	s16 =	sadd.s32 $0x10, s2;
	s17 =	sadd.s32 s7, s2;
	[dreg:$0xb] =	wrdreg s13  }
0x16: {  	s2 =	sadd.s32 $0x4E0, s2;
	s9 =	sshrl.u32 s15, $0x3;
	[dreg:$0xc] =	wrdreg s17  }
0x17: {  	s19 =	sadd.s32 s6, s16;
	s10 =	sadd.s32 s7, s16;
	s20 =	sadd.s32 s11, s15  }
0x18: {  	s22 =	sadd.s32 s6, s2;
	s2 =	sadd.s32 s7, s2;
	[dreg:$0xd] =	wrdreg s19  }
0x19: {  	s11 =	simm.s32 $0x4200;
	s13 =	simm.s32 $0x3;
	[dreg:$0xe] =	wrdreg s10  }
0x1a: {  	s15 =	simm.s32 $0x1D280;
	s16 =	simm.s32 $0x7;
	[dreg:$0x10] =	wrdreg s22  }
0x1b: {  	s17 =	simm.s32 $0x1D300;
	s10 =	sshrl.u32 s20, $0x3;
	[dreg:$0x11] =	wrdreg s2  }
0x1c: {  	s20 =	sadd.s32 s21, s7;
	s21 =	sadd.s32 s21, s6;
	s2 =	simm.s32 $0x5  }
0x1d: {  	s6 =	simm.s32 $0x80;
	s7 =	simm.s32 $0x200;
	s19 =	simm.s32 $0x1D380  }
0x1e: {  	s22 =	simm.s32 $0x0;
	s10 =	sadd.s32 s0, s10;
	s0 =	sadd.s32 s0, s9  }
0x1f: {  	s9 =	simm.s32 $0x6;
	[dreg:$0xf] =	wrdreg s10;
	s0 =	sadd.s32 $0x27000, s0  }
0x20: {  	v1 =	vimm.f32 $0.0e+00;
	s10 =	simm.s32 $0x1;
	[dreg:$0x13] =	wrdreg s0;
	s0 =	simm.s32 $0x100  }
.LBB2_1:
0x21: {  	s23 =	simm.s32 $0x70;
	s24 =	simm.s32 $0x3C0  }
.LBB2_2:
0x22: {  	p1 =	sne.s32 s24, $0x5FC0;
	[tilespmem:s23+$0x8200] =	vst v1  }
0x23: {  	[tilespmem:s23+$0x8190] =	vst v1  }
0x24: {  	[tilespmem:s23+$0x81A0] =	vst v1  }
.Ltmp0:
0x25: {  	[tilespmem:s23+$0x81B0] =	vst v1;
	(pc) =	sbr.rel @p1 .LBB2_2-.Ltmp0, $4  }
0x26: {  	[tilespmem:s23+$0x81C0] =	vst v1  }
0x27: {  	[tilespmem:s23+$0x81D0] =	vst v1  }
0x28: {  	[tilespmem:s23+$0x81E0] =	vst v1  }
0x29: {  	[tilespmem:s23+$0x81F0] =	vst v1;
	s23 =	sshra.s32 s24, $0x2;
	s24 =	sadd.s32 $0x200, s24  }
0x2a: {  	[tilespmem:s23+$0x8200] =	vst v1  }
0x2b: {  	[tilespmem:s23+$0x8190] =	vst v1  }
0x2c: {  	[tilespmem:s23+$0x81A0] =	vst v1  }
0x2d: {  	[tilespmem:s23+$0x81B0] =	vst v1  }
0x2e: {  	[tilespmem:s23+$0x81C0] =	vst v1  }
0x2f: {  	[tilespmem:s23+$0x81D0] =	vst v1  }
0x30: {  	[tilespmem:s23+$0x81E0] =	vst v1  }
0x31: {  	[tilespmem:s23+$0x81F0] =	vst v1  }
0x32: {  	[spmem:s5] =	stream.linear.scatter [tilespmem:s31], [sflag:$0x6], $0x1800, $0x38;
	[tilespmem:$0x1DB80] =	vst v63  }
0x33: {  	s25 =	rddreg [dreg:$0x4]  }
0x34: {  	[spmem:s25] =	stream.linear.scatter [tilespmem:s31], [sflag:$0x6], $0x1800, $0x38;
	[tilespmem:$0x1DB80] =	vst v63  }
0x35: {  	s26 =	rddreg [dreg:$0x5]  }
0x36: {  	[spmem:s26] =	stream.linear.scatter [tilespmem:s31], [sflag:$0x6], $0x1800, $0x38;
	[tilespmem:$0x1DB80] =	vst v63  }
0x37: {  	s28 =	rddreg [dreg:$0x6]  }
0x38: {  	[spmem:s28] =	stream.linear.scatter [tilespmem:s31], [sflag:$0x6], $0x1800, $0x38;
	[tilespmem:$0x1DB80] =	vst v63  }
0x39: {  	s29 =	rddreg [dreg:$0x7]  }
0x3a: {  	[spmem:s29] =	stream.linear.scatter [tilespmem:s31], [sflag:$0x6], $0x1800, $0x38;
	[tilespmem:$0x1DB80] =	vst v63  }
0x3b: {  	s24 =	rddreg [dreg:$0x8]  }
0x3c: {  	[spmem:s24] =	stream.linear.scatter [tilespmem:s31], [sflag:$0x6], $0x1800, $0x38;
	[tilespmem:$0x1DB80] =	vst v63  }
0x3d: {  	s25 =	rddreg [dreg:$0x9]  }
0x3e: {  	[spmem:s25] =	stream.linear.scatter [tilespmem:s31], [sflag:$0x6], $0x1800, $0x38;
	[tilespmem:$0x1DB80] =	vst v63  }
0x3f: {  	s26 =	rddreg [dreg:$0xa]  }
0x40: {  	[spmem:s26] =	stream.linear.scatter [tilespmem:s31], [sflag:$0x6], $0x1800, $0x38;
	[tilespmem:$0x1DB80] =	vst v63  }
0x41: {  	s28 =	rddreg [dreg:$0x12]  }
0x42: {  	[spmem:s28] =	stream.linear.scatter [tilespmem:s31], [sflag:$0x6], $0x1800, $0x38;
	[tilespmem:$0x1DB80] =	vst v63  }
0x43: {  	s29 =	rddreg [dreg:$0x15]  }
0x44: {  	[spmem:s29] =	stream.linear.scatter [tilespmem:s31], [sflag:$0x6], $0x1800, $0x38;
	[tilespmem:$0x1DB80] =	vst v63  }
0x45: {  	s24 =	rddreg [dreg:$0x16]  }
0x46: {  	[spmem:s24] =	stream.linear.scatter [tilespmem:s31], [sflag:$0x6], $0x1800, $0x38;
	[tilespmem:$0x1DB80] =	vst v63  }
0x47: {  	s25 =	rddreg [dreg:$0x17]  }
0x48: {  	[spmem:s25] =	stream.linear.scatter [tilespmem:s31], [sflag:$0x6], $0x1800, $0x38;
	[tilespmem:$0x1DB80] =	vst v63  }
0x49: {  	s26 =	rddreg [dreg:$0x18]  }
0x4a: {  	[spmem:s26] =	stream.linear.scatter [tilespmem:s31], [sflag:$0x6], $0x1800, $0x38;
	[tilespmem:$0x1DB80] =	vst v63  }
0x4b: {  	s23 =	simm.s32 @!p0 $0x8200  }
0x4c: {  	[spmem:s30] =	stream.linear.scatter @!p0 [tilespmem:s23], [sflag:$0x6], $0x800, $0x38;
	[tilespmem:$0x1DB80] =	vst v63  }
0x4d: {  	s28 =	rddreg [dreg:$0xb]  }
0x4e: {  	[tilespmem:s4], [sflag:$0x5] =	stream.linear.gather [hbm4b:s28+s4], $0x80, $0x38;
	[tilespmem:$0x1DB80] =	vst v63  }
0x4f: {  	s29 =	rddreg [dreg:$0xc]  }
0x50: {  	[tilespmem:s0], [sflag:$0x5] =	stream.linear.gather [hbm4b:s29+s4], $0x80, $0x38;
	[tilespmem:$0x1DB80] =	vst v63  }
0x51: {  	_ =	swait.ge [sflag:s2], $0x80  }
0x52: {  	[sflag:s2] =	ssyncset.done $0x0  }
0x53: {  	[sflag:s2] =	ssyncadd.s32 $0xFFFFFF80  }
0x54: {  	_ =	swait.ge [sflag:s2], $0x80  }
0x55: {  	[sflag:s2] =	ssyncset.done $0x0  }
0x56: {  	[sflag:s2] =	ssyncadd.s32 $0xFFFFFF80  }
0x57: {  	v2 =	vld [tilespmem:$0x0]  }
0x58: {  	v3 =	vld [tilespmem:$0x10]  }
0x59: {  	v4 =	vld [tilespmem:$0x20]  }
0x5a: {  	v5 =	vld [tilespmem:$0x30]  }
0x5b: {  	v6 =	vld [tilespmem:$0x40]  }
0x5c: {  	v7 =	vld [tilespmem:$0x50];
	v2 =	vshll.u32 v2, $0x1  }
0x5d: {  	v8 =	vld [tilespmem:$0x60];
	v3 =	vshll.u32 v3, $0x1;
	v2 =	vor.u32 v0, v2  }
0x5e: {  	v43 =	vld [tilespmem:$0x70];
	[tilespmem:$0x0] =	vst v2;
	v2 =	vor.u32 v0, v3;
	v3 =	vshll.u32 v4, $0x1  }
0x5f: {  	[tilespmem:$0x10] =	vst v2;
	v2 =	vor.u32 v0, v3;
	v3 =	vshll.u32 v5, $0x1  }
0x60: {  	[tilespmem:$0x20] =	vst v2;
	v2 =	vor.u32 v0, v3;
	v3 =	vshll.u32 v6, $0x1  }
0x61: {  	[tilespmem:$0x30] =	vst v2;
	v2 =	vor.u32 v0, v3;
	v3 =	vshll.u32 v7, $0x1  }
0x62: {  	[tilespmem:$0x40] =	vst v2;
	v2 =	vor.u32 v0, v3;
	v3 =	vshll.u32 v8, $0x1  }
0x63: {  	[tilespmem:$0x50] =	vst v2;
	v2 =	vor.u32 v0, v3;
	v3 =	vshll.u32 v43, $0x1  }
0x64: {  	[tilespmem:$0x60] =	vst v2;
	v2 =	vor.u32 v0, v3  }
0x65: {  	[tilespmem:$0x70] =	vst v2  }
0x66: {  	[tilespmem:s7], [sflag:$0x1] =	stream.indirect.gather [hbm4b:s1+s6], $0x80, s4, s6, $0xb8;
	[tilespmem:$0x1DB80] =	vst v63  }
0x67: {  	s24 =	rddreg [dreg:$0xd]  }
0x68: {  	[tilespmem:s6], [sflag:$0x5] =	stream.linear.gather [hbm4b:s24+s4], $0x80, $0x38;
	[tilespmem:$0x1DB80] =	vst v63  }
0x69: {  	s25 =	rddreg [dreg:$0xe]  }
0x6a: {  	[tilespmem:s8], [sflag:$0x5] =	stream.linear.gather [hbm4b:s25+s4], $0x80, $0x38;
	[tilespmem:$0x1DB80] =	vst v63  }
0x6b: {  	_ =	swait.ge [sflag:s2], $0x80  }
0x6c: {  	[sflag:s2] =	ssyncset.done $0x0  }
0x6d: {  	[sflag:s2] =	ssyncadd.s32 $0xFFFFFF80  }
0x6e: {  	_ =	swait.ge [sflag:s2], $0x80  }
0x6f: {  	[sflag:s2] =	ssyncset.done $0x0  }
0x70: {  	[sflag:s2] =	ssyncadd.s32 $0xFFFFFF80  }
0x71: {  	v2 =	vld [tilespmem:$0x80]  }
0x72: {  	v3 =	vld [tilespmem:$0x90]  }
0x73: {  	v44 =	vld [tilespmem:$0xA0]  }
0x74: {  	v45 =	vld [tilespmem:$0xB0]  }
0x75: {  	v46 =	vld [tilespmem:$0xC0]  }
0x76: {  	v47 =	vld [tilespmem:$0xD0];
	v2 =	vshll.u32 v2, $0x1  }
0x77: {  	v48 =	vld [tilespmem:$0xE0];
	v3 =	vshll.u32 v3, $0x1;
	v2 =	vor.u32 v0, v2  }
0x78: {  	v49 =	vld [tilespmem:$0xF0];
	[tilespmem:$0x80] =	vst v2;
	v2 =	vor.u32 v0, v3;
	v3 =	vshll.u32 v44, $0x1  }
0x79: {  	[tilespmem:$0x90] =	vst v2;
	v2 =	vor.u32 v0, v3;
	v3 =	vshll.u32 v45, $0x1  }
0x7a: {  	[tilespmem:$0xA0] =	vst v2;
	v2 =	vor.u32 v0, v3;
	v3 =	vshll.u32 v46, $0x1  }
0x7b: {  	[tilespmem:$0xB0] =	vst v2;
	v2 =	vor.u32 v0, v3;
	v3 =	vshll.u32 v47, $0x1  }
0x7c: {  	[tilespmem:$0xC0] =	vst v2;
	v2 =	vor.u32 v0, v3;
	v3 =	vshll.u32 v48, $0x1  }
0x7d: {  	[tilespmem:$0xD0] =	vst v2;
	v2 =	vor.u32 v0, v3;
	v3 =	vshll.u32 v49, $0x1  }
0x7e: {  	[tilespmem:$0xE0] =	vst v2;
	v2 =	vor.u32 v0, v3  }
0x7f: {  	[tilespmem:$0xF0] =	vst v2  }
0x80: {  	_ =	swait.ge [sflag:s9], $0x1800  }
0x81: {  	[sflag:s9] =	ssyncset.done $0x0  }
0x82: {  	[sflag:s9] =	ssyncadd.s32 $0xFFFFE800  }
0x83: {  	_ =	swait.ge [sflag:s9], $0x1800  }
0x84: {  	[sflag:s9] =	ssyncset.done $0x0  }
0x85: {  	[sflag:s9] =	ssyncadd.s32 $0xFFFFE800  }
0x86: {  	_ =	swait.ge [sflag:s9], $0x1800  }
0x87: {  	[sflag:s9] =	ssyncset.done $0x0  }
0x88: {  	[sflag:s9] =	ssyncadd.s32 $0xFFFFE800  }
0x89: {  	_ =	swait.ge [sflag:s9], $0x1800  }
0x8a: {  	[sflag:s9] =	ssyncset.done $0x0  }
0x8b: {  	[sflag:s9] =	ssyncadd.s32 $0xFFFFE800  }
0x8c: {  	_ =	swait.ge [sflag:s9], $0x1800  }
0x8d: {  	[sflag:s9] =	ssyncset.done $0x0  }
0x8e: {  	[sflag:s9] =	ssyncadd.s32 $0xFFFFE800  }
0x8f: {  	_ =	swait.ge [sflag:s9], $0x1800  }
0x90: {  	[sflag:s9] =	ssyncset.done $0x0  }
0x91: {  	[sflag:s9] =	ssyncadd.s32 $0xFFFFE800  }
0x92: {  	_ =	swait.ge [sflag:s9], $0x1800  }
0x93: {  	[sflag:s9] =	ssyncset.done $0x0  }
0x94: {  	[sflag:s9] =	ssyncadd.s32 $0xFFFFE800  }
0x95: {  	_ =	swait.ge [sflag:s9], $0x1800  }
0x96: {  	[sflag:s9] =	ssyncset.done $0x0  }
0x97: {  	[sflag:s9] =	ssyncadd.s32 $0xFFFFE800  }
0x98: {  	_ =	swait.ge [sflag:s9], $0x1800  }
0x99: {  	[sflag:s9] =	ssyncset.done $0x0  }
0x9a: {  	[sflag:s9] =	ssyncadd.s32 $0xFFFFE800  }
0x9b: {  	_ =	swait.ge [sflag:s9], $0x1800  }
0x9c: {  	[sflag:s9] =	ssyncset.done $0x0  }
0x9d: {  	[sflag:s9] =	ssyncadd.s32 $0xFFFFE800  }
0x9e: {  	_ =	swait.ge [sflag:s9], $0x1800  }
0x9f: {  	[sflag:s9] =	ssyncset.done $0x0  }
0xa0: {  	[sflag:s9] =	ssyncadd.s32 $0xFFFFE800  }
0xa1: {  	_ =	swait.ge [sflag:s9], $0x1800  }
0xa2: {  	[sflag:s9] =	ssyncset.done $0x0  }
0xa3: {  	[sflag:s9] =	ssyncadd.s32 $0xFFFFE800  }
0xa4: {  	_ =	swait.ge [sflag:s9], $0x1800  }
0xa5: {  	[sflag:s9] =	ssyncset.done $0x0  }
0xa6: {  	s23 =	simm.s32 @!p0 $0x6;
	[sflag:s9] =	ssyncadd.s32 $0xFFFFE800  }
0xa7: {  	_ =	swait.ge @!p0 [sflag:s23], $0x800  }
0xa8: {  	[sflag:s23] =	ssyncset.done @!p0 $0x0  }
0xa9: {  	[sflag:s23] =	ssyncadd.s32 @!p0 $0xFFFFF800  }
0xaa: {  	[bflag:$0x0] =	sbarrier.arrive $0xFFFF  }
0xab: {  	_ =	swait.ge [sflag:s10], $0x4000  }
0xac: {  	[sflag:s10] =	ssyncset.done $0x0  }
0xad: {  	[sflag:s10] =	ssyncadd.s32 $0xFFFFC000  }
0xae: {  	[tilespmem:s11], [sflag:$0x2] =	stream.indirect.gather [hbm4b:s1+s6], $0x80, s6, s6, $0xb8;
	[tilespmem:$0x1DB80] =	vst v63  }
0xaf: {  	_ = 	snop  }
0xb0: {  	[spmem:s3] =	stream.indirect.scatter.add.f32 [tilespmem:s7], [sflag:$0x3], $0x80, s0, s6, $0xb8;
	[tilespmem:$0x1DB80] =	vst v63  }
0xb1: {  	_ =	swait.ge [sflag:s12], $0x4000  }
0xb2: {  	[sflag:s12] =	ssyncset.done $0x0  }
0xb3: {  	[sflag:s12] =	ssyncadd.s32 $0xFFFFC000  }
0xb4: {  	_ =	swait.ge [sflag:s13], $0x4000  }
0xb5: {  	[sflag:s13] =	ssyncset.done $0x0  }
0xb6: {  	s26 =	sadd.s32 $0xFFFFFB40, s21;
	[sflag:s13] =	ssyncadd.s32 $0xFFFFC000  }
0xb7: {  	[spmem:s3] =	stream.indirect.scatter.add.f32 [tilespmem:s11], [sflag:$0x4], $0x80, s8, s6, $0xb8;
	[tilespmem:$0x1DB80] =	vst v63  }
0xb8: {  	s24 =	sadd.s32 $0x4E0, s26;
	s25 =	sadd.s32 $0xFFFFFB40, s20  }
0xb9: {  	[tilespmem:s4], [sflag:$0x5] =	stream.linear.gather [hbm4b:s24+s4], $0x80, $0x38;
	[tilespmem:$0x1DB80] =	vst v63  }
0xba: {  	s28 =	sadd.s32 $0x4E0, s25  }
0xbb: {  	[tilespmem:s0], [sflag:$0x5] =	stream.linear.gather [hbm4b:s28+s4], $0x80, $0x38;
	[tilespmem:$0x1DB80] =	vst v63  }
0xbc: {  	_ =	swait.ge [sflag:s2], $0x80  }
0xbd: {  	[sflag:s2] =	ssyncset.done $0x0  }
0xbe: {  	[sflag:s2] =	ssyncadd.s32 $0xFFFFFF80  }
0xbf: {  	_ =	swait.ge [sflag:s2], $0x80  }
0xc0: {  	[sflag:s2] =	ssyncset.done $0x0  }
0xc1: {  	[sflag:s2] =	ssyncadd.s32 $0xFFFFFF80  }
0xc2: {  	v2 =	vld [tilespmem:$0x70]  }
0xc3: {  	v3 =	vld [tilespmem:$0x30]  }
0xc4: {  	v50 =	vld [tilespmem:$0x60]  }
0xc5: {  	v52 =	vld [tilespmem:$0x40]  }
0xc6: {  	v51 =	vld [tilespmem:$0x50]  }
0xc7: {  	v53 =	vld [tilespmem:$0x20];
	v2 =	vshll.u32 v2, $0x1  }
0xc8: {  	v54 =	vld [tilespmem:$0x0];
	v3 =	vshll.u32 v3, $0x1;
	v2 =	vor.u32 v0, v2  }
0xc9: {  	v9 =	vld [tilespmem:$0x10];
	v4 =	vshll.u32 v50, $0x1;
	v3 =	vor.u32 v0, v3;
	[tilespmem:$0x70] =	vst v2  }
0xca: {  	v55 =	vshll.u32 v52, $0x1;
	[tilespmem:$0x30] =	vst v3;
	v3 =	vor.u32 v0, v4  }
0xcb: {  	v2 =	vshll.u32 v51, $0x1;
	v4 =	vor.u32 v0, v55;
	[tilespmem:$0x60] =	vst v3  }
0xcc: {  	v2 =	vor.u32 v0, v2;
	v3 =	vshll.u32 v53, $0x1;
	[tilespmem:$0x40] =	vst v4  }
0xcd: {  	[tilespmem:$0x50] =	vst v2;
	v2 =	vshll.u32 v54, $0x1;
	v3 =	vor.u32 v0, v3  }
0xce: {  	v56 =	vshll.u32 v9, $0x1;
	v2 =	vor.u32 v0, v2;
	[tilespmem:$0x20] =	vst v3  }
0xcf: {  	[tilespmem:$0x0] =	vst v2;
	v2 =	vor.u32 v0, v56  }
0xd0: {  	[tilespmem:$0x10] =	vst v2  }
0xd1: {  	[tilespmem:s7], [sflag:$0x1] =	stream.indirect.gather [hbm4b:s1+s6], $0x80, s4, s6, $0xb8;
	[tilespmem:$0x1DB80] =	vst v63  }
0xd2: {  	_ =	swait.ge [sflag:s10], $0x4000  }
0xd3: {  	[sflag:s10] =	ssyncset.done $0x0  }
0xd4: {  	[sflag:s10] =	ssyncadd.s32 $0xFFFFC000  }
0xd5: {  	_ =	swait.ge [sflag:s14], $0x4000  }
0xd6: {  	[sflag:s14] =	ssyncset.done $0x0  }
0xd7: {  	[sflag:s14] =	ssyncadd.s32 $0xFFFFC000  }
0xd8: {  	[spmem:s3] =	stream.indirect.scatter.add.f32 [tilespmem:s7], [sflag:$0x3], $0x80, s0, s6, $0xb8;
	[tilespmem:$0x1DB80] =	vst v63  }
0xd9: {  	s23 =	sadd.s32 $0x4F0, s26  }
0xda: {  	[tilespmem:s6], [sflag:$0x5] =	stream.linear.gather [hbm4b:s23+s4], $0x80, $0x38;
	[tilespmem:$0x1DB80] =	vst v63  }
0xdb: {  	s29 =	sadd.s32 $0x4F0, s25  }
0xdc: {  	[tilespmem:s8], [sflag:$0x5] =	stream.linear.gather [hbm4b:s29+s4], $0x80, $0x38;
	[tilespmem:$0x1DB80] =	vst v63  }
0xdd: {  	_ =	swait.ge [sflag:s2], $0x80  }
0xde: {  	[sflag:s2] =	ssyncset.done $0x0  }
0xdf: {  	[sflag:s2] =	ssyncadd.s32 $0xFFFFFF80  }
0xe0: {  	_ =	swait.ge [sflag:s2], $0x80  }
0xe1: {  	[sflag:s2] =	ssyncset.done $0x0  }
0xe2: {  	[sflag:s2] =	ssyncadd.s32 $0xFFFFFF80  }
0xe3: {  	v2 =	vld [tilespmem:$0x80]  }
0xe4: {  	v3 =	vld [tilespmem:$0x90]  }
0xe5: {  	v57 =	vld [tilespmem:$0xB0]  }
0xe6: {  	v58 =	vld [tilespmem:$0xC0]  }
0xe7: {  	v59 =	vld [tilespmem:$0xD0]  }
0xe8: {  	v60 =	vld [tilespmem:$0xE0];
	v2 =	vshll.u32 v2, $0x1  }
0xe9: {  	v61 =	vld [tilespmem:$0xA0];
	v3 =	vshll.u32 v3, $0x1;
	v2 =	vor.u32 v0, v2  }
0xea: {  	v62 =	vld [tilespmem:$0xF0];
	[tilespmem:$0x80] =	vst v2;
	v2 =	vor.u32 v0, v3;
	v3 =	vshll.u32 v57, $0x1  }
0xeb: {  	[tilespmem:$0x90] =	vst v2;
	v2 =	vor.u32 v0, v3;
	v3 =	vshll.u32 v58, $0x1  }
0xec: {  	[tilespmem:$0xB0] =	vst v2;
	v2 =	vor.u32 v0, v3;
	v3 =	vshll.u32 v59, $0x1  }
0xed: {  	[tilespmem:$0xC0] =	vst v2;
	v2 =	vor.u32 v0, v3;
	v3 =	vshll.u32 v60, $0x1  }
0xee: {  	v63 =	vshll.u32 v61, $0x1;
	[tilespmem:$0xD0] =	vst v2;
	v2 =	vor.u32 v0, v3  }
0xef: {  	v3 =	vor.u32 v0, v63;
	[tilespmem:$0xE0] =	vst v2;
	v2 =	vshll.u32 v62, $0x1  }
0xf0: {  	s24 =	simm.s32 $0xFFFFFB80;
	s23 =	simm.s32 $0xFFFFFB60;
	[tilespmem:$0xA0] =	vst v3;
	v2 =	vor.u32 v0, v2  }
.LBB2_4:
0xf1: {  	p1 =	sne.s32 s24, $0xFFFFFFE0;
	[tilespmem:$0xF0] =	vst v2;
	s28 =	smov.u32 s24;
	s24 =	sadd.s32 $0x20, s24  }
0xf2: {  	[tilespmem:s11], [sflag:$0x2] =	stream.indirect.gather [hbm4b:s1+s6], $0x80, s6, s6, $0xb8;
	[tilespmem:$0x1DB80] =	vst v63  }
0xf3: {  	_ =	swait.ge [sflag:s12], $0x4000  }
0xf4: {  	[sflag:s12] =	ssyncset.done $0x0  }
0xf5: {  	[sflag:s12] =	ssyncadd.s32 $0xFFFFC000  }
0xf6: {  	_ =	swait.ge [sflag:s13], $0x4000  }
0xf7: {  	[sflag:s13] =	ssyncset.done $0x0  }
0xf8: {  	s25 =	sadd.s32 s23, s21;
	[sflag:s13] =	ssyncadd.s32 $0xFFFFC000  }
0xf9: {  	[spmem:s3] =	stream.indirect.scatter.add.f32 [tilespmem:s11], [sflag:$0x4], $0x80, s8, s6, $0xb8;
	[tilespmem:$0x1DB80] =	vst v63  }
0xfa: {  	s26 =	sadd.s32 s23, s20;
	s29 =	sadd.s32 $0x4E0, s25;
	s23 =	smov.u32 s28  }
0xfb: {  	[tilespmem:s4], [sflag:$0x5] =	stream.linear.gather [hbm4b:s29+s4], $0x80, $0x38;
	[tilespmem:$0x1DB80] =	vst v63  }
0xfc: {  	s28 =	sadd.s32 $0x4E0, s26  }
0xfd: {  	[tilespmem:s0], [sflag:$0x5] =	stream.linear.gather [hbm4b:s28+s4], $0x80, $0x38;
	[tilespmem:$0x1DB80] =	vst v63  }
0xfe: {  	_ =	swait.ge [sflag:s2], $0x80  }
0xff: {  	[sflag:s2] =	ssyncset.done $0x0  }
0x100: {  	[sflag:s2] =	ssyncadd.s32 $0xFFFFFF80  }
0x101: {  	_ =	swait.ge [sflag:s2], $0x80  }
0x102: {  	[sflag:s2] =	ssyncset.done $0x0  }
0x103: {  	[sflag:s2] =	ssyncadd.s32 $0xFFFFFF80  }
0x104: {  	v2 =	vld [tilespmem:$0x70]  }
0x105: {  	v3 =	vld [tilespmem:$0x30]  }
0x106: {  	v4 =	vld [tilespmem:$0x60]  }
0x107: {  	v5 =	vld [tilespmem:$0x50]  }
0x108: {  	v6 =	vld [tilespmem:$0x40]  }
0x109: {  	v7 =	vld [tilespmem:$0x20];
	v2 =	vshll.u32 v2, $0x1  }
0x10a: {  	v8 =	vld [tilespmem:$0x0];
	v3 =	vshll.u32 v3, $0x1;
	v2 =	vor.u32 v0, v2  }
0x10b: {  	v9 =	vld [tilespmem:$0x10];
	v3 =	vor.u32 v0, v3;
	v4 =	vshll.u32 v4, $0x1;
	[tilespmem:$0x70] =	vst v2  }
0x10c: {  	[tilespmem:$0x30] =	vst v3;
	v2 =	vshll.u32 v5, $0x1;
	v3 =	vor.u32 v0, v4  }
0x10d: {  	v4 =	vshll.u32 v6, $0x1;
	v2 =	vor.u32 v0, v2;
	[tilespmem:$0x60] =	vst v3  }
0x10e: {  	v3 =	vshll.u32 v7, $0x1;
	v4 =	vor.u32 v0, v4;
	[tilespmem:$0x50] =	vst v2  }
0x10f: {  	v2 =	vshll.u32 v8, $0x1;
	v3 =	vor.u32 v0, v3;
	[tilespmem:$0x40] =	vst v4  }
0x110: {  	v2 =	vor.u32 v0, v2;
	v4 =	vshll.u32 v9, $0x1;
	[tilespmem:$0x20] =	vst v3  }
0x111: {  	[tilespmem:$0x0] =	vst v2;
	v2 =	vor.u32 v0, v4  }
0x112: {  	[tilespmem:$0x10] =	vst v2  }
0x113: {  	[tilespmem:s7], [sflag:$0x1] =	stream.indirect.gather [hbm4b:s1+s6], $0x80, s4, s6, $0xb8;
	[tilespmem:$0x1DB80] =	vst v63  }
0x114: {  	_ =	swait.ge [sflag:s10], $0x4000  }
0x115: {  	[sflag:s10] =	ssyncset.done $0x0  }
0x116: {  	[sflag:s10] =	ssyncadd.s32 $0xFFFFC000  }
0x117: {  	_ =	swait.ge [sflag:s14], $0x4000  }
0x118: {  	[sflag:s14] =	ssyncset.done $0x0  }
0x119: {  	[sflag:s14] =	ssyncadd.s32 $0xFFFFC000  }
0x11a: {  	[spmem:s3] =	stream.indirect.scatter.add.f32 [tilespmem:s7], [sflag:$0x3], $0x80, s0, s6, $0xb8;
	[tilespmem:$0x1DB80] =	vst v63  }
0x11b: {  	s25 =	sadd.s32 $0x4F0, s25  }
0x11c: {  	[tilespmem:s6], [sflag:$0x5] =	stream.linear.gather [hbm4b:s25+s4], $0x80, $0x38;
	[tilespmem:$0x1DB80] =	vst v63  }
0x11d: {  	s25 =	sadd.s32 $0x4F0, s26  }
0x11e: {  	[tilespmem:s8], [sflag:$0x5] =	stream.linear.gather [hbm4b:s25+s4], $0x80, $0x38;
	[tilespmem:$0x1DB80] =	vst v63  }
0x11f: {  	_ =	swait.ge [sflag:s2], $0x80  }
0x120: {  	[sflag:s2] =	ssyncset.done $0x0  }
0x121: {  	[sflag:s2] =	ssyncadd.s32 $0xFFFFFF80  }
0x122: {  	_ =	swait.ge [sflag:s2], $0x80  }
0x123: {  	[sflag:s2] =	ssyncset.done $0x0  }
0x124: {  	[sflag:s2] =	ssyncadd.s32 $0xFFFFFF80  }
0x125: {  	v2 =	vld [tilespmem:$0x80]  }
0x126: {  	v3 =	vld [tilespmem:$0x90]  }
0x127: {  	v4 =	vld [tilespmem:$0xB0]  }
0x128: {  	v5 =	vld [tilespmem:$0xC0]  }
0x129: {  	v6 =	vld [tilespmem:$0xD0]  }
0x12a: {  	v2 =	vshll.u32 v2, $0x1;
	v7 =	vld [tilespmem:$0xE0]  }
0x12b: {  	v2 =	vor.u32 v0, v2;
	v3 =	vshll.u32 v3, $0x1;
	v8 =	vld [tilespmem:$0xA0]  }
0x12c: {  	[tilespmem:$0x80] =	vst v2;
	v2 =	vor.u32 v0, v3;
	v3 =	vshll.u32 v4, $0x1;
	v4 =	vld [tilespmem:$0xF0]  }
0x12d: {  	[tilespmem:$0x90] =	vst v2;
	v2 =	vor.u32 v0, v3;
	v3 =	vshll.u32 v5, $0x1  }
.Ltmp1:
0x12e: {  	[tilespmem:$0xB0] =	vst v2;
	v2 =	vor.u32 v0, v3;
	v3 =	vshll.u32 v6, $0x1;
	(pc) =	sbr.rel @p1 .LBB2_4-.Ltmp1, $4  }
0x12f: {  	[tilespmem:$0xC0] =	vst v2;
	v2 =	vor.u32 v0, v3;
	v3 =	vshll.u32 v7, $0x1  }
0x130: {  	v5 =	vshll.u32 v8, $0x1;
	[tilespmem:$0xD0] =	vst v2;
	v2 =	vor.u32 v0, v3  }
0x131: {  	v3 =	vor.u32 v0, v5;
	[tilespmem:$0xE0] =	vst v2;
	v2 =	vshll.u32 v4, $0x1  }
0x132: {  	[tilespmem:$0xA0] =	vst v3;
	v2 =	vor.u32 v0, v2  }
0x133: {  	[tilespmem:$0xF0] =	vst v2  }
0x134: {  	[tilespmem:s11], [sflag:$0x2] =	stream.indirect.gather [hbm4b:s1+s6], $0x80, s6, s6, $0xb8;
	[tilespmem:$0x1DB80] =	vst v63  }
0x135: {  	_ =	swait.ge [sflag:s12], $0x4000  }
0x136: {  	[sflag:s12] =	ssyncset.done $0x0  }
0x137: {  	[sflag:s12] =	ssyncadd.s32 $0xFFFFC000  }
0x138: {  	_ =	swait.ge [sflag:s13], $0x4000  }
0x139: {  	[sflag:s13] =	ssyncset.done $0x0  }
0x13a: {  	s24 =	sadd.s32 s23, s21;
	[sflag:s13] =	ssyncadd.s32 $0xFFFFC000  }
0x13b: {  	[spmem:s3] =	stream.indirect.scatter.add.f32 [tilespmem:s11], [sflag:$0x4], $0x80, s8, s6, $0xb8;
	[tilespmem:$0x1DB80] =	vst v63  }
0x13c: {  	s26 =	sadd.s32 s23, s20;
	s25 =	sadd.s32 $0x4E0, s24  }
0x13d: {  	[tilespmem:s4], [sflag:$0x5] =	stream.linear.gather [hbm4b:s25+s4], $0x80, $0x38;
	[tilespmem:$0x1DB80] =	vst v63  }
0x13e: {  	s28 =	sadd.s32 $0x4E0, s26  }
0x13f: {  	[tilespmem:s0], [sflag:$0x5] =	stream.linear.gather [hbm4b:s28+s4], $0x80, $0x38;
	[tilespmem:$0x1DB80] =	vst v63  }
0x140: {  	_ =	swait.ge [sflag:s2], $0x80  }
0x141: {  	[sflag:s2] =	ssyncset.done $0x0  }
0x142: {  	[sflag:s2] =	ssyncadd.s32 $0xFFFFFF80  }
0x143: {  	_ =	swait.ge [sflag:s2], $0x80  }
0x144: {  	[sflag:s2] =	ssyncset.done $0x0  }
0x145: {  	[sflag:s2] =	ssyncadd.s32 $0xFFFFFF80  }
0x146: {  	v2 =	vld [tilespmem:$0x70]  }
0x147: {  	v3 =	vld [tilespmem:$0x30]  }
0x148: {  	v4 =	vld [tilespmem:$0x60]  }
0x149: {  	v6 =	vld [tilespmem:$0x40]  }
0x14a: {  	v5 =	vld [tilespmem:$0x50]  }
0x14b: {  	v7 =	vld [tilespmem:$0x20];
	v2 =	vshll.u32 v2, $0x1  }
0x14c: {  	v8 =	vld [tilespmem:$0x0];
	v3 =	vshll.u32 v3, $0x1;
	v2 =	vor.u32 v0, v2  }
0x14d: {  	v9 =	vld [tilespmem:$0x10];
	v4 =	vshll.u32 v4, $0x1;
	v3 =	vor.u32 v0, v3;
	[tilespmem:$0x70] =	vst v2  }
0x14e: {  	v55 =	vshll.u32 v6, $0x1;
	[tilespmem:$0x30] =	vst v3;
	v3 =	vor.u32 v0, v4  }
0x14f: {  	v2 =	vshll.u32 v5, $0x1;
	v4 =	vor.u32 v0, v55;
	[tilespmem:$0x60] =	vst v3  }
0x150: {  	v2 =	vor.u32 v0, v2;
	v3 =	vshll.u32 v7, $0x1;
	[tilespmem:$0x40] =	vst v4  }
0x151: {  	[tilespmem:$0x50] =	vst v2;
	v2 =	vshll.u32 v8, $0x1;
	v3 =	vor.u32 v0, v3  }
0x152: {  	v56 =	vshll.u32 v9, $0x1;
	v2 =	vor.u32 v0, v2;
	[tilespmem:$0x20] =	vst v3  }
0x153: {  	[tilespmem:$0x0] =	vst v2;
	v2 =	vor.u32 v0, v56  }
0x154: {  	[tilespmem:$0x10] =	vst v2  }
0x155: {  	[tilespmem:s7], [sflag:$0x1] =	stream.indirect.gather [hbm4b:s1+s6], $0x80, s4, s6, $0xb8;
	[tilespmem:$0x1DB80] =	vst v63  }
0x156: {  	_ =	swait.ge [sflag:s10], $0x4000  }
0x157: {  	[sflag:s10] =	ssyncset.done $0x0  }
0x158: {  	[sflag:s10] =	ssyncadd.s32 $0xFFFFC000  }
0x159: {  	_ =	swait.ge [sflag:s14], $0x4000  }
0x15a: {  	[sflag:s14] =	ssyncset.done $0x0  }
0x15b: {  	[sflag:s14] =	ssyncadd.s32 $0xFFFFC000  }
0x15c: {  	[spmem:s3] =	stream.indirect.scatter.add.f32 [tilespmem:s7], [sflag:$0x3], $0x80, s0, s6, $0xb8;
	[tilespmem:$0x1DB80] =	vst v63  }
0x15d: {  	s24 =	sadd.s32 $0x4F0, s24  }
0x15e: {  	[tilespmem:s6], [sflag:$0x5] =	stream.linear.gather [hbm4b:s24+s4], $0x80, $0x38;
	[tilespmem:$0x1DB80] =	vst v63  }
0x15f: {  	s23 =	sadd.s32 $0x4F0, s26  }
0x160: {  	[tilespmem:s8], [sflag:$0x5] =	stream.linear.gather [hbm4b:s23+s4], $0x80, $0x38;
	[tilespmem:$0x1DB80] =	vst v63  }
0x161: {  	_ =	swait.ge [sflag:s2], $0x80  }
0x162: {  	[sflag:s2] =	ssyncset.done $0x0  }
0x163: {  	[sflag:s2] =	ssyncadd.s32 $0xFFFFFF80  }
0x164: {  	_ =	swait.ge [sflag:s2], $0x80  }
0x165: {  	[sflag:s2] =	ssyncset.done $0x0  }
0x166: {  	[sflag:s2] =	ssyncadd.s32 $0xFFFFFF80  }
0x167: {  	v2 =	vld [tilespmem:$0x80]  }
0x168: {  	v3 =	vld [tilespmem:$0x90]  }
0x169: {  	v57 =	vld [tilespmem:$0xB0]  }
0x16a: {  	v58 =	vld [tilespmem:$0xC0]  }
0x16b: {  	v59 =	vld [tilespmem:$0xD0]  }
0x16c: {  	v60 =	vld [tilespmem:$0xE0];
	v2 =	vshll.u32 v2, $0x1  }
0x16d: {  	v61 =	vld [tilespmem:$0xA0];
	v3 =	vshll.u32 v3, $0x1;
	v2 =	vor.u32 v0, v2  }
0x16e: {  	v62 =	vld [tilespmem:$0xF0];
	[tilespmem:$0x80] =	vst v2;
	v2 =	vor.u32 v0, v3;
	v3 =	vshll.u32 v57, $0x1  }
0x16f: {  	[tilespmem:$0x90] =	vst v2;
	v2 =	vor.u32 v0, v3;
	v3 =	vshll.u32 v58, $0x1  }
0x170: {  	[tilespmem:$0xB0] =	vst v2;
	v2 =	vor.u32 v0, v3;
	v3 =	vshll.u32 v59, $0x1  }
0x171: {  	[tilespmem:$0xC0] =	vst v2;
	v2 =	vor.u32 v0, v3;
	v3 =	vshll.u32 v60, $0x1  }
0x172: {  	v63 =	vshll.u32 v61, $0x1;
	[tilespmem:$0xD0] =	vst v2;
	v2 =	vor.u32 v0, v3  }
0x173: {  	v3 =	vor.u32 v0, v63;
	[tilespmem:$0xE0] =	vst v2;
	v2 =	vshll.u32 v62, $0x1  }
0x174: {  	[tilespmem:$0xA0] =	vst v3;
	v2 =	vor.u32 v0, v2  }
0x175: {  	[tilespmem:$0xF0] =	vst v2  }
0x176: {  	[tilespmem:s11], [sflag:$0x2] =	stream.indirect.gather [hbm4b:s1+s6], $0x80, s6, s6, $0xb8;
	[tilespmem:$0x1DB80] =	vst v63  }
0x177: {  	_ =	swait.ge [sflag:s12], $0x4000  }
0x178: {  	[sflag:s12] =	ssyncset.done $0x0  }
0x179: {  	[sflag:s12] =	ssyncadd.s32 $0xFFFFC000  }
0x17a: {  	_ =	swait.ge [sflag:s13], $0x4000  }
0x17b: {  	[sflag:s13] =	ssyncset.done $0x0  }
0x17c: {  	[sflag:s13] =	ssyncadd.s32 $0xFFFFC000  }
0x17d: {  	[spmem:s3] =	stream.indirect.scatter.add.f32 [tilespmem:s11], [sflag:$0x4], $0x80, s8, s6, $0xb8;
	[tilespmem:$0x1DB80] =	vst v63  }
0x17e: {  	_ =	swait.ge [sflag:s14], $0x4000  }
0x17f: {  	[sflag:s14] =	ssyncset.done $0x0  }
0x180: {  	s29 =	rddreg [dreg:$0x10];
	[sflag:s14] =	ssyncadd.s32 $0xFFFFC000  }
0x181: {  	[tilespmem:s15], [sflag:$0x7] =	stream.linear.gather [hbm4b:s29+s4], $0x10, $0x38;
	[tilespmem:$0x1DB80] =	vst v63  }
0x182: {  	_ =	swait.ge [sflag:s16], $0x10  }
0x183: {  	[sflag:s16] =	ssyncset.done $0x0  }
0x184: {  	s24 =	rddreg [dreg:$0x11];
	[sflag:s16] =	ssyncadd.s32 $0xFFFFFFF0  }
0x185: {  	[tilespmem:s17], [sflag:$0x7] =	stream.linear.gather [hbm4b:s24+s4], $0x10, $0x38;
	[tilespmem:$0x1DB80] =	vst v63  }
0x186: {  	_ =	swait.ge [sflag:s16], $0x10  }
0x187: {  	[sflag:s16] =	ssyncset.done $0x0  }
0x188: {  	[sflag:s16] =	ssyncadd.s32 $0xFFFFFFF0  }
0x189: {  	v2 =	vld [tilespmem:$0x1D280];
	_ =	sdelay $0x4  }
0x18a: {  	v2 =	vshll.u32 v2, $0x1  }
0x18b: {  	v2 =	vor.u32 v0, v2  }
0x18c: {  	[tilespmem:$0x1D280] =	vst v2  }
0x18d: {  	[tilespmem:s19], [sflag:$0x5] =	stream.indirect.gather [hbm4b:s1+s18], $0x80, s15, s18, $0xb8;
	[tilespmem:$0x1DB80] =	vst v63  }
0x18e: {  	_ =	swait.ge [sflag:s2], $0x800  }
0x18f: {  	[sflag:s2] =	ssyncset.done $0x0  }
0x190: {  	[sflag:s2] =	ssyncadd.s32 $0xFFFFF800  }
0x191: {  	[spmem:s3] =	stream.indirect.scatter.add.f32 [tilespmem:s19], [sflag:$0x7], $0x80, s17, s18, $0xb8;
	[tilespmem:$0x1DB80] =	vst v63  }
0x192: {  	_ =	swait.ge [sflag:s16], $0x800  }
0x193: {  	[sflag:s16] =	ssyncset.done $0x0  }
0x194: {  	s25 =	stileid.u32;
	[sflag:s16] =	ssyncadd.s32 $0xFFFFF800  }
0x195: {  	s23 =	sshll.u32 s25, $0x6;
	[bflag:$0x0] =	sbarrier.arrive $0xFFFF  }
0x196: {  	s26 =	sshrl.u32 s5, $0x3;
	s23 =	sor.u32 $0x1C07, s23;
	s28 =	rddreg [dreg:$0xf]  }
0x197: {  	[hbm:s28], [sflag:s23] =	dma.local [spmem:s26], $0x2700  }
0x198: {  	_ =	swait.ge [sflag:s16], $0x2700  }
0x199: {  	[sflag:s16] =	ssyncset.done $0x0  }
0x19a: {  	s24 =	sshrl.u32 @!p0 s30, $0x3;
	s25 =	rddreg [dreg:$0x13];
	[sflag:s16] =	ssyncadd.s32 $0xFFFFD900  }
0x19b: {  	[hbm:s25], [sflag:s23] =	dma.local @!p0 [spmem:s24], $0x100  }
0x19c: {  	s23 =	simm.s32 @!p0 $0x7  }
0x19d: {  	_ =	swait.ge @!p0 [sflag:s23], $0x100  }
0x19e: {  	s22 =	sadd.s32 $0x1, s22;
	s29 =	rddreg [dreg:$0x14]  }
0x19f: {  	p1 =	sne.s32 s22, s29  }
.Ltmp2:
0x1a0: {  	_ = 	snop;
	(pc) =	sbr.rel @p1 .LBB2_1-.Ltmp2, $3  }
0x1a1: {  	_ =	sdelay $0x1  }
0x1a2: {  	[sflag:s23] =	ssyncset.done @!p0 $0x0  }
0x1a3: {  	[sflag:s23] =	ssyncadd.s32 @!p0 $0xFFFFFF00  }
0x1a4: {  	_ =	sfence.sel $0x180000  }
0x1a5: {  	[bflag:$0x0] =	sbarrier.arrive $0xFFFF  }
0x1a6: {  	_ =	strace $0x9000004D  }
0x1a7: {  	s0 =	stileid.u32;
	[bflag:$0x2] =	sbarrier.arrive $0xFFFF  }
0x1a8: {  	p0 =	sne.s32 s0, $0x0;
	s0 =	rddreg [dreg:$0x3]  }
0x1a9: {  	s0 =	sadd.s32 @!p0 $0x100000, s0  }
0x1aa: {  	[sflag:s0] =	ssyncadd.tile.s32 @!p0 $0x1;
	_ =	shalt  }
.Lfunc_end2:
_tile_overlayer_lowered:
.L_overlay_start_2:
0x1ab: {  	(tag) =	ssettag $0x2  }
0x1ac: {  	s0 =	rddreg [dreg:$0x0];
	s2 =	stileid.u32  }
0x1ad: {  	s1 =	rddreg [dreg:$0x1];
	p0 =	sne.s32 s2, $0x0  }
0x1ae: {  	s3 =	rddreg [dreg:$0x2];
	[bflag:$0x3] =	sbarrier.arrive $0xFFFF;
	s2 =	simm.s32 @!p0 $0x1C07  }
0x1af: {  	[timem:s3], [sflag:s2] =	dma.local @!p0 [hbm:s0], s1  }
0x1b0: {  	s0 =	simm.s32 @!p0 $0x7  }
0x1b1: {  	_ =	swait.ge @!p0 [sflag:s0], s1  }
0x1b2: {  	s1 =	ssub.s32 @!p0 $0x0, s1;
	[sflag:s0] =	ssyncset.done @!p0 $0x0  }
0x1b3: {  	[sflag:s0] =	ssyncadd.s32 @!p0 s1  }
0x1b4: {  	[bflag:$0x3] =	sbarrier.arrive $0xFFFF  }
0x1b5: {  	_ =	shalt  }

// kernel: kernel.7.cloned.1.call-start
scs
__scs_entry_jumppad:
0x0: {  	(pc) =	sbr.rel $0x88, $3  }
0x1: {  	(tag) =	ssettag $0x0;
	lr =	simm.s32 $0x1  }
0x2: {  	[smem:$0x3F99] =	sst lr;
	_ =	strace $0xD0000000  }
0x3: {  	_ = 	snop  }
0x4: {  	_ = 	snop  }
0x5: {  	_ = 	snop  }
0x6: {  	_ = 	snop  }
0x7: {  	_ = 	snop  }
__scs_overlays_trampoline_lowered:
0x8: {  	[smem:$0x3FA8] =	sst s0  }
0x9: {  	[smem:$0x3FA9] =	sst s1  }
0xa: {  	[smem:$0x3FAA] =	sst s2  }
0xb: {  	[smem:$0x3FAB] =	sst s3  }
0xc: {  	[smem:$0x3FAC] =	sst s4  }
0xd: {  	[smem:$0x3FAD] =	sst s5  }
0xe: {  	[smem:$0x3FAE] =	sst s6  }
0xf: {  	[smem:$0x3FAF] =	sst s7  }
0x10: {  	[smem:$0x3FB0] =	sst s8  }
0x11: {  	[smem:$0x3FB1] =	sst s9;
	s0 =	simm.s32 @!p0 $0x0  }
0x12: {  	s1 =	sld [smem:$0x3F97];
	s0 =	simm.s32 @p0 $0x1  }
0x13: {  	[smem:$0x3FB2] =	sst s0;
	s0 =	simm.s32 @!p1 $0x0  }
0x14: {  	s2 =	sld [smem:$0x3F96];
	s0 =	simm.s32 @p1 $0x1  }
0x15: {  	[smem:$0x3FB3] =	sst s0;
	s0 =	simm.s32 @!p2 $0x0  }
0x16: {  	s3 =	sld [smem:$0x3FDB];
	s0 =	simm.s32 @p2 $0x1  }
0x17: {  	s4 =	simm.s32 $0x1BF5;
	[smem:$0x3FB5] =	sst s0  }
0x18: {  	s0 =	sld [smem:$0x3F98];
	_ =	swait.ge [sflag:s4], $0x0  }
0x19: {  	s7 =	sld [smem:$0x3F99]  }
0x1a: {  	s8 =	sadd.s32 $0xFFFFE003, lr  }
0x1b: {  	s9 =	sadd.s32 $0xFFFFFEF7, lr;
	s5 =	simm.s32 $0xFFFFFFFF;
	p2 =	slt.u32 s8, $0xFFFFF086  }
0x1c: {  	p1 =	slt.u32 s9, $0xF7A;
	s5 =	simm.s32 @!p2 $0x0  }
0x1d: {  	s5 =	simm.s32 @p1 $0x1;
	p0 =	seq.s32 s7, s2  }
0x1e: {  	s7 =	smul.u32 @!p0 $0xF7A, s2;
	p2 =	seq.s32 @!p0 s5, $0x0  }
0x1f: {  	s9 =	smul.u32 $0xF7A, s1;
	s8 =	simm.s32 @!p0 $0x1BF5;
	p2 =	por !p2, p0  }
0x20: {  	[sflag:s8] =	ssyncset.s32 @!p0 $0xFFFFF086;
	s6 =	sadd.s32 @!p0 s3, s7;
	s7 =	simm.s32 @!p0 $0x108  }
0x21: {  	s3 =	sadd.s32 s3, s9;
	s6 =	sadd.s32 @!p0 $0x88, s6;
	s7 =	simm.s32 @p2 $0x1082  }
0x22: {  	[simem:s7], [sflag:s8] =	dma.local @!p0 [hbm:s6], $0xF7A  }
0x23: {  	s9 =	sor.u32 $0xD0000000, s2;
	s6 =	simm.s32 $0x108;
	_ =	swait.ge @!p0 [sflag:s8], $0x0  }
0x24: {  	s3 =	sadd.s32 $0x88, s3;
	s6 =	simm.s32 @!p1 $0x1082;
	[sflag:s4] =	ssyncset.s32 $0xFFFFF086  }
0x25: {  	[simem:s6], [sflag:s4] =	dma.local [hbm:s3], $0xF7A  }
0x26: {  	[smem:$0x3F99] =	sst s1;
	(tag) =	ssettag s2;
	_ =	strace s9  }
0x27: {  	s1 =	sld [smem:$0x3FA9]  }
0x28: {  	s2 =	sld [smem:$0x3FAA]  }
0x29: {  	s4 =	sld [smem:$0x3FAC]  }
0x2a: {  	p0 =	seq.s32 s5, $0x0;
	s5 =	sld [smem:$0x3FAD]  }
0x2b: {  	s6 =	sld [smem:$0x3FAE]  }
0x2c: {  	s7 =	sld [smem:$0x3FAF]  }
0x2d: {  	s3 =	simm.s32 $0x108;
	s8 =	sld [smem:$0x3FB0]  }
0x2e: {  	s3 =	simm.s32 @!p0 $0x1082;
	s9 =	sld [smem:$0x3FB1]  }
0x2f: {  	lr =	sadd.s32 s0, s3;
	s0 =	sld [smem:$0x3FA8]  }
0x30: {  	s3 =	sld [smem:$0x3FAB]  }
0x31: {  	[smem:$0x3FB4] =	sst s10  }
0x32: {  	s10 =	sld [smem:$0x3FB2];
	_ =	sdelay $0x3  }
0x33: {  	p0 =	seq.s32 s10, $0x1;
	s10 =	sld [smem:$0x3FB4];
	_ =	sdelay $0x3  }
0x34: {  	[smem:$0x3FB4] =	sst s10  }
0x35: {  	s10 =	sld [smem:$0x3FB3];
	_ =	sdelay $0x3  }
0x36: {  	p1 =	seq.s32 s10, $0x1;
	s10 =	sld [smem:$0x3FB4];
	_ =	sdelay $0x3  }
0x37: {  	[smem:$0x3FB4] =	sst s10  }
0x38: {  	s10 =	sld [smem:$0x3FB5]  }
0x39: {  	_ = 	snop;
	(pc) =	sbr.ind lr, $3  }
0x3a: {  	_ = 	snop  }
0x3b: {  	_ = 	snop  }
0x3c: {  	p2 =	seq.s32 s10, $0x1;
	s10 =	sld [smem:$0x3FB4]  }
0x3d: {  	_ =	shalt  }
0x3e: {  	_ =	shalt  }
0x3f: {  	_ =	shalt  }
0x40: {  	_ =	shalt  }
0x41: {  	_ =	shalt  }
0x42: {  	_ =	shalt  }
0x43: {  	_ =	shalt  }
0x44: {  	_ =	shalt  }
0x45: {  	_ =	shalt  }
0x46: {  	_ =	shalt  }
0x47: {  	_ =	shalt  }
0x48: {  	_ =	shalt  }
0x49: {  	_ =	shalt  }
0x4a: {  	_ =	shalt  }
0x4b: {  	_ =	shalt  }
0x4c: {  	_ =	shalt  }
0x4d: {  	_ =	shalt  }
0x4e: {  	_ =	shalt  }
0x4f: {  	_ =	shalt  }
0x50: {  	_ =	shalt  }
0x51: {  	_ =	shalt  }
0x52: {  	_ =	shalt  }
0x53: {  	_ =	shalt  }
0x54: {  	_ =	shalt  }
0x55: {  	_ =	shalt  }
0x56: {  	_ =	shalt  }
0x57: {  	_ =	shalt  }
0x58: {  	_ =	shalt  }
0x59: {  	_ =	shalt  }
0x5a: {  	_ =	shalt  }
0x5b: {  	_ =	shalt  }
0x5c: {  	_ =	shalt  }
0x5d: {  	_ =	shalt  }
0x5e: {  	_ =	shalt  }
0x5f: {  	_ =	shalt  }
0x60: {  	_ =	shalt  }
0x61: {  	_ =	shalt  }
0x62: {  	_ =	shalt  }
0x63: {  	_ =	shalt  }
0x64: {  	_ =	shalt  }
0x65: {  	_ =	shalt  }
0x66: {  	_ =	shalt  }
0x67: {  	_ =	shalt  }
0x68: {  	_ =	shalt  }
0x69: {  	_ =	shalt  }
0x6a: {  	_ =	shalt  }
0x6b: {  	_ =	shalt  }
0x6c: {  	_ =	shalt  }
0x6d: {  	_ =	shalt  }
0x6e: {  	_ =	shalt  }
0x6f: {  	_ =	shalt  }
0x70: {  	_ =	shalt  }
0x71: {  	_ =	shalt  }
0x72: {  	_ =	shalt  }
0x73: {  	_ =	shalt  }
0x74: {  	_ =	shalt  }
0x75: {  	_ =	shalt  }
0x76: {  	_ =	shalt  }
0x77: {  	_ =	shalt  }
0x78: {  	_ =	shalt  }
0x79: {  	_ =	shalt  }
0x7a: {  	_ =	shalt  }
0x7b: {  	_ =	shalt  }
0x7c: {  	_ =	shalt  }
0x7d: {  	_ =	shalt  }
0x7e: {  	_ =	shalt  }
0x7f: {  	_ =	shalt  }
0x80: {  	_ =	shalt  }
0x81: {  	_ =	shalt  }
0x82: {  	_ =	shalt  }
0x83: {  	_ =	shalt  }
0x84: {  	_ =	shalt  }
0x85: {  	_ =	shalt  }
0x86: {  	_ =	shalt  }
0x87: {  	_ =	shalt  }
.Lfunc_end0:
.L_simem_size_0:
called_computation_lowered:
.L_overlay_start_0:
0x88: {  	s2 =	sld [smem:$0x3FD9]  }
0x89: {  	s3 =	sld [smem:$0x3FFE];
	_ =	sdelay $0x1  }
0x8a: {  	s1 =	srdreg.scid  }
0x8b: {  	s0 =	sand.u32 $0x1, s1  }
0x8c: {  	s17 =	sshll.u32 s0, $0xA;
	s2 =	sadd.s32 s3, s2  }
0x8d: {  	s2 =	sadd.s32 s2, s17  }
0x8e: {  	[smem:$0x3FC0] =	sst s2  }
0x8f: {  	_ = 	snop  }
0x90: {  	(tm) =	ssettm $0x1  }
0x91: {  	s18 =	sld [smem:$0x3FFB];
	_ =	sdelay $0x3  }
0x92: {  	_ =	strace s18  }
0x93: {  	s2 =	sld [smem:$0x3FFC];
	_ =	sdelay $0x3  }
0x94: {  	_ =	strace s2  }
0x95: {  	s2 =	sld [smem:$0x3FFD];
	_ =	sdelay $0x3  }
0x96: {  	_ =	strace s2  }
0x97: {  	_ =	strace $0x8FFFFFFF  }
0x98: {  	s19 =	sld [smem:$0x3FDB];
	_ =	sdelay $0x1  }
0x99: {  	s20 =	simm.s32 $_scs_section_size  }
0x9a: {  	s4 =	simm.s32 $_size__tile_overlayer_lowered;
	s5 =	simm.s32 $_tile_overlayer_lowered  }
0x9b: {  	s6 =	simm.s32 $0x1BFF;
	s21 =	sshll.u32 s5, $0x1;
	s3 =	sadd.s32 s20, s19  }
0x9c: {  	s22 =	simm.s32 $0x0;
	s4 =	sshll.u32 s4, $0x1;
	s5 =	sadd.s32 s21, s3  }
0x9d: {  	[timem:s22], [sflag:s6] =	dma.local [hbm:s5], s4  }
0x9e: {  	_ =	swait.ge [sflag:s6], s4  }
0x9f: {  	s4 =	ssub.s32 $0x0, s4;
	[sflag:s6] =	ssyncset.done $0x0  }
0xa0: {  	[sflag:s6] =	ssyncadd.s32 s4;
	_ =	sdelay $0x1  }
0xa1: {  	s23 =	simm.s32 $0x1B8B  }
0xa2: {  	_ =	swait.ge [sflag:s23], $0x1  }
0xa3: {  	[sflag:s23] =	ssyncset.done $0x0  }
0xa4: {  	[sflag:s23] =	ssyncadd.s32 $0xFFFFFFFF  }
0xa5: {  	s4 =	sld [smem:$0x0]  }
0xa6: {  	s5 =	sand.u32 $0xFFFFFFFE, s1  }
0xa7: {  	p0 =	sne.s32 s1, s5  }
0xa8: {  	s5 =	sshll.u32 @p0 s5, $0xE  }
0xa9: {  	s5 =	sadd.s32 @p0 $0x11B8D, s5;
	s6 =	sshll.u32 @p0 s4, $0x11  }
0xaa: {  	s5 =	sor.u32 @p0 s6, s5  }
0xab: {  	[sflag:s5] =	ssyncadd.remote.s32 @p0 $0x1;
	_ =	sdelay $0x1  }
0xac: {  	s5 =	simm.s32 @p0 $0x1B8D  }
0xad: {  	_ =	swait.eq @p0 [sflag:s5], $0x1  }
0xae: {  	[sflag:s5] =	ssyncadd.s32 @p0 $0xFFFFFFFF  }
0xaf: {  	s6 =	sshll.u32 @!p0 s1, $0xE  }
0xb0: {  	s6 =	sor.u32 @!p0 $0x4000, s6;
	s5 =	simm.s32 @!p0 $0x1B8D  }
0xb1: {  	s4 =	sshll.u32 @!p0 s4, $0x11;
	s6 =	sadd.s32 @!p0 $0x11B8D, s6;
	_ =	swait.eq @!p0 [sflag:s5], $0x1  }
0xb2: {  	s4 =	sor.u32 @!p0 s4, s6;
	[sflag:s5] =	ssyncadd.s32 @!p0 $0xFFFFFFFF  }
0xb3: {  	s25 =	simm.s32 $0x1B8E;
	s24 =	sld [smem:$0x3FFE];
	[sflag:s4] =	ssyncadd.remote.s32 @!p0 $0x1  }
0xb4: {  	s26 =	simm.s32 $execute0_lowered;
	[smem:$0x3FD2] =	sst s25  }
0xb5: {  	s5 =	sshll.u32 s26, $0x1;
	_ =	strace $0x80000049;
	[dreg:$0x1] =	wrdreg $0xFFFFFFFF  }
0xb6: {  	s28 =	simm.s32 $_size_execute0_lowered;
	s3 =	sadd.s32 s3, s5;
	[dreg:$0x0] =	wrdreg $0x0  }
0xb7: {  	s5 =	sshll.u32 s28, $0x1;
	[dreg:$0x2] =	wrdreg s3  }
0xb8: {  	[dreg:$0x3] =	wrdreg s5  }
0xb9: {  	[dreg:$0x4] =	wrdreg $0xC0  }
0xba: {  	_ =	task [dreg:s22], $0x5FFFF  }
0xbb: {  	[dreg:$0x1] =	wrdreg $0xFFFFFFFF  }
0xbc: {  	[dreg:$0x0] =	wrdreg $0x60  }
0xbd: {  	[dreg:$0x2] =	wrdreg s24  }
0xbe: {  	[dreg:$0x3] =	wrdreg $0x59000  }
0xbf: {  	[dreg:$0x4] =	wrdreg $0x9  }
0xc0: {  	_ =	task.clear_ibuf [dreg:s22], $0x5FFFF;
	_ =	strace $0x90000049  }
0xc1: {  	s29 =	simm.s32 $0x9;
	_ =	strace $0x8000004B  }
0xc2: {  	_ =	swait.ge [sflag:s29], $0x1  }
0xc3: {  	[sflag:s29] =	ssyncadd.s32 $0xFFFFFFFF  }
0xc4: {  	_ =	strace $0x9000004B  }
0xc5: {  	_ =	sfence  }
0xc6: {  	s30 =	sld [smem:$0x0];
	_ =	sdelay $0x2  }
0xc7: {  	s31 =	sshll.u32 s1, $0xD;
	s1 =	sshrl.u32 s1, $0x2  }
0xc8: {  	s4 =	sand.u32 $0x4000, s31;
	s1 =	sadd.s32 s1, s30  }
0xc9: {  	s0 =	sor.u32 s4, s0;
	s1 =	sshll.u32 s1, $0x11  }
0xca: {  	s0 =	sor.u32 s1, s0  }
0xcb: {  	s0 =	sadd.s32 $0x8F2B, s0  }
0xcc: {  	[sflag:s0] =	ssyncadd.remote.s32 $0x1  }
0xcd: {  	_ =	sfence.sel $0xFFFF  }
0xce: {  	[dreg:$0x0] =	wrdreg $0xFFFFFFFF;
	(pc) =	sbr.abs _section_cstart, $3  }
0xcf: {  	[dreg:$0x1] =	wrdreg $0xFFFFFFFF  }
0xd0: {  	_ =	task.clear_ibuf [dreg:s22], $0x2FFFF;
	_ =	strace $0x9FFFFFFF  }
0xd1: {  	(tm) =	ssettm $0x7FFFFFFF  }
tec
execute0_lowered:
.L_overlay_start_1:
0x0: {  	(tag) =	ssettag $0x1  }
0x1: {  	s0 =	rddreg [dreg:$0x0]  }
0x2: {  	s2 =	rddreg [dreg:$0x1];
	s3 =	simm.s32 $0x0;
	s1 =	srdreg.scid  }
0x3: {  	s11 =	stileid.u32;
	s29 =	simm.s32 $0x4100;
	s30 =	simm.s32 $0x4  }
0x4: {  	s31 =	simm.s32 $0x3;
	[smem:$0x7FF] =	sst s3;
	s5 =	smul.u32 $0x4E000, s11  }
0x5: {  	s1 =	sand.u32 $0x1, s1;
	s4 =	sadd.s32 $0x2200, s0;
	s21 =	smul.u32 $0x13800, s11  }
0x6: {  	s0 =	sadd.s32 $0x5A400, s0;
	s22 =	smul.u32 $0x1388, s11;
	s18 =	sadd.s32 $0x138000, s2  }
0x7: {  	p0 =	sne.s32 s11, $0xF;
	_ =	strace $0x8000004A;
	s6 =	ssub.s32 $0x2, s1  }
0x8: {  	s25 =	sshll.u32 s1, $0x4;
	s14 =	smul.u32 $0x138800, s1;
	s5 =	sshrl.u32 s5, $0x2  }
0x9: {  	s1 =	smul.u32 $0x13880, s1;
	s7 =	sshrl.u32 s6, $0x1;
	s5 =	sadd.s32 s5, s2  }
0xa: {  	s6 =	ssub.s32 s6, s7;
	s7 =	sor.u32 s11, s25;
	s8 =	sadd.s32 $0x1800, s5  }
0xb: {  	s1 =	sadd.s32 s22, s1;
	s26 =	sadd.s32 $0x3000, s5;
	[dreg:$0x3] =	wrdreg s8  }
0xc: {  	s24 =	sshrl.u32 s14, $0x3;
	s9 =	sadd.s32 $0x4800, s5;
	[dreg:$0x4] =	wrdreg s26  }
0xd: {  	s10 =	sadd.s32 $0x6000, s5;
	s7 =	smul.u32 $0x1388, s7;
	[dreg:$0x5] =	wrdreg s9  }
0xe: {  	s12 =	sadd.s32 $0x7800, s5;
	s13 =	sadd.s32 $0x9000, s5;
	[dreg:$0x6] =	wrdreg s10  }
0xf: {  	s20 =	sadd.s32 $0xC000, s5;
	s15 =	sadd.s32 $0xF000, s5;
	[dreg:$0x7] =	wrdreg s12  }
0x10: {  	s16 =	sadd.s32 $0x10800, s5;
	s17 =	sadd.s32 $0x12000, s5;
	[dreg:$0x8] =	wrdreg s13  }
0x11: {  	s25 =	sadd.s32 $0x180, s1;
	s9 =	sadd.s32 $0xA800, s5;
	[dreg:$0xa] =	wrdreg s20  }
0x12: {  	s10 =	sadd.s32 $0xD800, s5;
	s26 =	sshrl.u32 s25, $0x3;
	s12 =	sadd.s32 $0x100, s1  }
0x13: {  	s1 =	simm.s32 $0x100;
	s8 =	simm.s32 $0x2;
	[dreg:$0x9] =	wrdreg s9  }
0x14: {  	[dreg:$0xb] =	wrdreg s10;
	s7 =	sshrl.u32 s7, $0x3;
	s9 =	sadd.s32 s21, s14  }
0x15: {  	s10 =	simm.s32 $0x0;
	s19 =	sadd.s32 s4, s7;
	s23 =	sshrl.u32 s9, $0x3  }
0x16: {  	s7 =	simm.s32 $0x5;
	s9 =	simm.s32 $0x19180;
	s20 =	sadd.s32 s0, s23  }
0x17: {  	s0 =	sadd.s32 s0, s24;
	s21 =	sadd.s32 $0x10, s19;
	s23 =	smax.u32 s6, $0x1  }
0x18: {  	s24 =	sadd.s32 s26, s4;
	s26 =	sadd.s32 $0x270, s19;
	s28 =	sadd.s32 $0x260, s19  }
0x19: {  	v0 =	vimm.f32 $0.0e+00;
	v1 =	vimm.f32 $1.000000000e+00;
	s6 =	simm.s32 $0x1;
	s22 =	sadd.s32 $0x27000, s0;
	s0 =	simm.s32 $0x80  }
.LBB2_1:
0x1a: {  	s11 =	simm.s32 $0x70;
	s25 =	simm.s32 $0x3C0  }
.LBB2_2:
0x1b: {  	p1 =	sne.s32 s25, $0x5FC0;
	[tilespmem:s11+$0x4100] =	vst v0  }
0x1c: {  	[tilespmem:s11+$0x4090] =	vst v0  }
0x1d: {  	[tilespmem:s11+$0x40A0] =	vst v0  }
.Ltmp0:
0x1e: {  	[tilespmem:s11+$0x40B0] =	vst v0;
	(pc) =	sbr.rel @p1 .LBB2_2-.Ltmp0, $4  }
0x1f: {  	[tilespmem:s11+$0x40C0] =	vst v0  }
0x20: {  	[tilespmem:s11+$0x40D0] =	vst v0  }
0x21: {  	[tilespmem:s11+$0x40E0] =	vst v0  }
0x22: {  	[tilespmem:s11+$0x40F0] =	vst v0;
	s11 =	sshra.s32 s25, $0x2;
	s25 =	sadd.s32 $0x200, s25  }
0x23: {  	[tilespmem:s11+$0x4100] =	vst v0  }
0x24: {  	[tilespmem:s11+$0x4090] =	vst v0  }
0x25: {  	[tilespmem:s11+$0x40A0] =	vst v0  }
0x26: {  	[tilespmem:s11+$0x40B0] =	vst v0  }
0x27: {  	[tilespmem:s11+$0x40C0] =	vst v0  }
0x28: {  	[tilespmem:s11+$0x40D0] =	vst v0  }
0x29: {  	[tilespmem:s11+$0x40E0] =	vst v0  }
0x2a: {  	[tilespmem:s11+$0x40F0] =	vst v0;
	s11 =	simm.s32 $0x0;
	s25 =	simm.s32 $0x200  }
.LBB2_4:
0x2b: {  	p1 =	sne.s32 s25, $0xFE00;
	[tilespmem:s11+$0x170] =	vst v1  }
0x2c: {  	[tilespmem:s11+$0x100] =	vst v1  }
0x2d: {  	[tilespmem:s11+$0x110] =	vst v1  }
.Ltmp1:
0x2e: {  	[tilespmem:s11+$0x120] =	vst v1;
	(pc) =	sbr.rel @p1 .LBB2_4-.Ltmp1, $4  }
0x2f: {  	[tilespmem:s11+$0x130] =	vst v1  }
0x30: {  	[tilespmem:s11+$0x140] =	vst v1  }
0x31: {  	[tilespmem:s11+$0x150] =	vst v1  }
0x32: {  	[tilespmem:s11+$0x160] =	vst v1;
	s11 =	sshra.s32 s25, $0x2;
	s25 =	sadd.s32 $0x200, s25  }
0x33: {  	[tilespmem:s11+$0x170] =	vst v1  }
0x34: {  	[tilespmem:s11+$0x100] =	vst v1  }
0x35: {  	[tilespmem:s11+$0x110] =	vst v1  }
0x36: {  	[tilespmem:s11+$0x120] =	vst v1  }
0x37: {  	[tilespmem:s11+$0x130] =	vst v1  }
0x38: {  	[tilespmem:s11+$0x140] =	vst v1  }
0x39: {  	[tilespmem:s11+$0x150] =	vst v1  }
0x3a: {  	[tilespmem:s11+$0x160] =	vst v1  }
0x3b: {  	[spmem:s5] =	stream.linear.scatter [tilespmem:s29], [sflag:$0x3], $0x1800, $0x38;
	[tilespmem:$0x19200] =	vst v63  }
0x3c: {  	s13 =	rddreg [dreg:$0x3]  }
0x3d: {  	[spmem:s13] =	stream.linear.scatter [tilespmem:s29], [sflag:$0x3], $0x1800, $0x38;
	[tilespmem:$0x19200] =	vst v63  }
0x3e: {  	s14 =	rddreg [dreg:$0x4]  }
0x3f: {  	[spmem:s14] =	stream.linear.scatter [tilespmem:s29], [sflag:$0x3], $0x1800, $0x38;
	[tilespmem:$0x19200] =	vst v63  }
0x40: {  	s25 =	rddreg [dreg:$0x5]  }
0x41: {  	[spmem:s25] =	stream.linear.scatter [tilespmem:s29], [sflag:$0x3], $0x1800, $0x38;
	[tilespmem:$0x19200] =	vst v63  }
0x42: {  	s13 =	rddreg [dreg:$0x6]  }
0x43: {  	[spmem:s13] =	stream.linear.scatter [tilespmem:s29], [sflag:$0x3], $0x1800, $0x38;
	[tilespmem:$0x19200] =	vst v63  }
0x44: {  	s14 =	rddreg [dreg:$0x7]  }
0x45: {  	[spmem:s14] =	stream.linear.scatter [tilespmem:s29], [sflag:$0x3], $0x1800, $0x38;
	[tilespmem:$0x19200] =	vst v63  }
0x46: {  	s25 =	rddreg [dreg:$0x8]  }
0x47: {  	[spmem:s25] =	stream.linear.scatter [tilespmem:s29], [sflag:$0x3], $0x1800, $0x38;
	[tilespmem:$0x19200] =	vst v63  }
0x48: {  	s13 =	rddreg [dreg:$0x9]  }
0x49: {  	[spmem:s13] =	stream.linear.scatter [tilespmem:s29], [sflag:$0x3], $0x1800, $0x38;
	[tilespmem:$0x19200] =	vst v63  }
0x4a: {  	s14 =	rddreg [dreg:$0xa]  }
0x4b: {  	[spmem:s14] =	stream.linear.scatter [tilespmem:s29], [sflag:$0x3], $0x1800, $0x38;
	[tilespmem:$0x19200] =	vst v63  }
0x4c: {  	s25 =	rddreg [dreg:$0xb]  }
0x4d: {  	[spmem:s25] =	stream.linear.scatter [tilespmem:s29], [sflag:$0x3], $0x1800, $0x38;
	[tilespmem:$0x19200] =	vst v63  }
0x4e: {  	_ = 	snop  }
0x4f: {  	[spmem:s15] =	stream.linear.scatter [tilespmem:s29], [sflag:$0x3], $0x1800, $0x38;
	[tilespmem:$0x19200] =	vst v63  }
0x50: {  	_ = 	snop  }
0x51: {  	[spmem:s16] =	stream.linear.scatter [tilespmem:s29], [sflag:$0x3], $0x1800, $0x38;
	[tilespmem:$0x19200] =	vst v63  }
0x52: {  	_ = 	snop  }
0x53: {  	[spmem:s17] =	stream.linear.scatter [tilespmem:s29], [sflag:$0x3], $0x1800, $0x38;
	[tilespmem:$0x19200] =	vst v63  }
0x54: {  	s11 =	simm.s32 @!p0 $0x4100  }
0x55: {  	[spmem:s18] =	stream.linear.scatter @!p0 [tilespmem:s11], [sflag:$0x3], $0x800, $0x38;
	[tilespmem:$0x19200] =	vst v63  }
0x56: {  	_ = 	snop  }
0x57: {  	[tilespmem:s3], [sflag:$0x4] =	stream.linear.gather [hbm4b:s19+s3], $0x80, $0x38;
	[tilespmem:$0x19200] =	vst v63  }
0x58: {  	_ =	swait.ge [sflag:s30], $0x80  }
0x59: {  	[sflag:s30] =	ssyncset.done $0x0  }
0x5a: {  	[sflag:s30] =	ssyncadd.s32 $0xFFFFFF80  }
0x5b: {  	_ =	swait.ge [sflag:s31], $0x1800  }
0x5c: {  	[sflag:s31] =	ssyncset.done $0x0  }
0x5d: {  	[sflag:s31] =	ssyncadd.s32 $0xFFFFE800  }
0x5e: {  	_ =	swait.ge [sflag:s31], $0x1800  }
0x5f: {  	[sflag:s31] =	ssyncset.done $0x0  }
0x60: {  	[sflag:s31] =	ssyncadd.s32 $0xFFFFE800  }
0x61: {  	_ =	swait.ge [sflag:s31], $0x1800  }
0x62: {  	[sflag:s31] =	ssyncset.done $0x0  }
0x63: {  	[sflag:s31] =	ssyncadd.s32 $0xFFFFE800  }
0x64: {  	_ =	swait.ge [sflag:s31], $0x1800  }
0x65: {  	[sflag:s31] =	ssyncset.done $0x0  }
0x66: {  	[sflag:s31] =	ssyncadd.s32 $0xFFFFE800  }
0x67: {  	_ =	swait.ge [sflag:s31], $0x1800  }
0x68: {  	[sflag:s31] =	ssyncset.done $0x0  }
0x69: {  	[sflag:s31] =	ssyncadd.s32 $0xFFFFE800  }
0x6a: {  	_ =	swait.ge [sflag:s31], $0x1800  }
0x6b: {  	[sflag:s31] =	ssyncset.done $0x0  }
0x6c: {  	[sflag:s31] =	ssyncadd.s32 $0xFFFFE800  }
0x6d: {  	_ =	swait.ge [sflag:s31], $0x1800  }
0x6e: {  	[sflag:s31] =	ssyncset.done $0x0  }
0x6f: {  	[sflag:s31] =	ssyncadd.s32 $0xFFFFE800  }
0x70: {  	_ =	swait.ge [sflag:s31], $0x1800  }
0x71: {  	[sflag:s31] =	ssyncset.done $0x0  }
0x72: {  	[sflag:s31] =	ssyncadd.s32 $0xFFFFE800  }
0x73: {  	_ =	swait.ge [sflag:s31], $0x1800  }
0x74: {  	[sflag:s31] =	ssyncset.done $0x0  }
0x75: {  	[sflag:s31] =	ssyncadd.s32 $0xFFFFE800  }
0x76: {  	_ =	swait.ge [sflag:s31], $0x1800  }
0x77: {  	[sflag:s31] =	ssyncset.done $0x0  }
0x78: {  	[sflag:s31] =	ssyncadd.s32 $0xFFFFE800  }
0x79: {  	_ =	swait.ge [sflag:s31], $0x1800  }
0x7a: {  	[sflag:s31] =	ssyncset.done $0x0  }
0x7b: {  	[sflag:s31] =	ssyncadd.s32 $0xFFFFE800  }
0x7c: {  	_ =	swait.ge [sflag:s31], $0x1800  }
0x7d: {  	[sflag:s31] =	ssyncset.done $0x0  }
0x7e: {  	[sflag:s31] =	ssyncadd.s32 $0xFFFFE800  }
0x7f: {  	_ =	swait.ge [sflag:s31], $0x1800  }
0x80: {  	[sflag:s31] =	ssyncset.done $0x0  }
0x81: {  	s11 =	simm.s32 @!p0 $0x3;
	[sflag:s31] =	ssyncadd.s32 $0xFFFFE800  }
0x82: {  	_ =	swait.ge @!p0 [sflag:s11], $0x800  }
0x83: {  	[sflag:s11] =	ssyncset.done @!p0 $0x0  }
0x84: {  	[sflag:s11] =	ssyncadd.s32 @!p0 $0xFFFFF800  }
0x85: {  	s13 =	simm.s32 $0x0;
	[bflag:$0x0] =	sbarrier.arrive $0xFFFF  }
0x86: {  	[spmem:s2] =	stream.indirect.scatter.add.f32 [tilespmem:s1], [sflag:$0x1], $0x80, s13, s0, $0xb8;
	[tilespmem:$0x19200] =	vst v63  }
0x87: {  	_ = 	snop  }
0x88: {  	[tilespmem:s0], [sflag:$0x4] =	stream.linear.gather [hbm4b:s21+s13], $0x80, $0x38;
	[tilespmem:$0x19200] =	vst v63  }
0x89: {  	_ =	swait.ge [sflag:s30], $0x80  }
0x8a: {  	[sflag:s30] =	ssyncset.done $0x0  }
0x8b: {  	[sflag:s30] =	ssyncadd.s32 $0xFFFFFF80  }
0x8c: {  	_ =	swait.ge [sflag:s6], $0x4000  }
0x8d: {  	[sflag:s6] =	ssyncset.done $0x0  }
0x8e: {  	s14 =	sshrl.u32 s12, $0x3;
	[sflag:s6] =	ssyncadd.s32 $0xFFFFC000  }
0x8f: {  	[spmem:s2] =	stream.indirect.scatter.add.f32 [tilespmem:s1], [sflag:$0x2], $0x80, s0, s0, $0xb8;
	[tilespmem:$0x19200] =	vst v63  }
0x90: {  	s11 =	sadd.s32 s4, s14  }
0x91: {  	[tilespmem:s3], [sflag:$0x5] =	stream.linear.gather [hbm4b:s11+s3], $0x80, $0x38;
	[tilespmem:$0x19200] =	vst v63  }
0x92: {  	_ =	swait.ge [sflag:s7], $0x80  }
0x93: {  	[sflag:s7] =	ssyncset.done $0x0  }
0x94: {  	[sflag:s7] =	ssyncadd.s32 $0xFFFFFF80  }
0x95: {  	_ =	swait.ge [sflag:s8], $0x4000  }
0x96: {  	[sflag:s8] =	ssyncset.done $0x0  }
0x97: {  	[sflag:s8] =	ssyncadd.s32 $0xFFFFC000  }
0x98: {  	[spmem:s2] =	stream.indirect.scatter.add.f32 [tilespmem:s1], [sflag:$0x1], $0x80, s3, s0, $0xb8;
	[tilespmem:$0x19200] =	vst v63  }
0x99: {  	s25 =	sadd.s32 $0x0, s24  }
0x9a: {  	[tilespmem:s0], [sflag:$0x4] =	stream.linear.gather [hbm4b:s25+s3], $0x80, $0x38;
	[tilespmem:$0x19200] =	vst v63  }
0x9b: {  	_ =	swait.ge [sflag:s30], $0x80  }
0x9c: {  	s11 =	simm.s32 $0x20;
	s25 =	smov.u32 s12;
	[sflag:s30] =	ssyncset.done $0x0  }
.LBB2_6:
0x9d: {  	p1 =	sne.s32 s11, $0x220;
	[sflag:s30] =	ssyncadd.s32 $0xFFFFFF80;
	s25 =	sadd.s32 $0x100, s25  }
0x9e: {  	s13 =	smov.u32 s11;
	s11 =	sadd.s32 $0x20, s11  }
0x9f: {  	_ =	swait.ge [sflag:s6], $0x4000  }
0xa0: {  	[sflag:s6] =	ssyncset.done $0x0  }
0xa1: {  	s14 =	sshrl.u32 s25, $0x3;
	[sflag:s6] =	ssyncadd.s32 $0xFFFFC000  }
0xa2: {  	[spmem:s2] =	stream.indirect.scatter.add.f32 [tilespmem:s1], [sflag:$0x2], $0x80, s0, s0, $0xb8;
	[tilespmem:$0x19200] =	vst v63  }
0xa3: {  	s14 =	sadd.s32 s4, s14  }
0xa4: {  	[tilespmem:s3], [sflag:$0x5] =	stream.linear.gather [hbm4b:s14+s3], $0x80, $0x38;
	[tilespmem:$0x19200] =	vst v63  }
0xa5: {  	_ =	swait.ge [sflag:s7], $0x80  }
0xa6: {  	[sflag:s7] =	ssyncset.done $0x0  }
0xa7: {  	[sflag:s7] =	ssyncadd.s32 $0xFFFFFF80  }
0xa8: {  	_ =	swait.ge [sflag:s8], $0x4000  }
0xa9: {  	[sflag:s8] =	ssyncset.done $0x0  }
0xaa: {  	[sflag:s8] =	ssyncadd.s32 $0xFFFFC000  }
0xab: {  	[spmem:s2] =	stream.indirect.scatter.add.f32 [tilespmem:s1], [sflag:$0x1], $0x80, s3, s0, $0xb8;
	[tilespmem:$0x19200] =	vst v63  }
.Ltmp2:
0xac: {  	_ = 	snop;
	(pc) =	sbr.rel @p1 .LBB2_6-.Ltmp2, $4  }
0xad: {  	s13 =	sadd.s32 s13, s24  }
0xae: {  	[tilespmem:s0], [sflag:$0x4] =	stream.linear.gather [hbm4b:s13+s3], $0x80, $0x38;
	[tilespmem:$0x19200] =	vst v63  }
0xaf: {  	_ =	swait.ge [sflag:s30], $0x80  }
0xb0: {  	[sflag:s30] =	ssyncset.done $0x0  }
0xb1: {  	[sflag:s30] =	ssyncadd.s32 $0xFFFFFF80  }
0xb2: {  	_ =	swait.ge [sflag:s6], $0x4000  }
0xb3: {  	[sflag:s6] =	ssyncset.done $0x0  }
0xb4: {  	[sflag:s6] =	ssyncadd.s32 $0xFFFFC000  }
0xb5: {  	[spmem:s2] =	stream.indirect.scatter.add.f32 [tilespmem:s1], [sflag:$0x2], $0x80, s0, s0, $0xb8;
	[tilespmem:$0x19200] =	vst v63  }
0xb6: {  	_ = 	snop  }
0xb7: {  	[tilespmem:s3], [sflag:$0x5] =	stream.linear.gather [hbm4b:s28+s3], $0x80, $0x38;
	[tilespmem:$0x19200] =	vst v63  }
0xb8: {  	_ =	swait.ge [sflag:s7], $0x80  }
0xb9: {  	[sflag:s7] =	ssyncset.done $0x0  }
0xba: {  	[sflag:s7] =	ssyncadd.s32 $0xFFFFFF80  }
0xbb: {  	_ =	swait.ge [sflag:s8], $0x4000  }
0xbc: {  	[sflag:s8] =	ssyncset.done $0x0  }
0xbd: {  	[sflag:s8] =	ssyncadd.s32 $0xFFFFC000  }
0xbe: {  	[spmem:s2] =	stream.indirect.scatter.add.f32 [tilespmem:s1], [sflag:$0x1], $0x80, s3, s0, $0xb8;
	[tilespmem:$0x19200] =	vst v63  }
0xbf: {  	_ =	swait.ge [sflag:s6], $0x4000  }
0xc0: {  	[sflag:s6] =	ssyncset.done $0x0  }
0xc1: {  	[sflag:s6] =	ssyncadd.s32 $0xFFFFC000  }
0xc2: {  	[tilespmem:s9], [sflag:$0x4] =	stream.linear.gather [hbm4b:s26+s3], $0x8, $0x38;
	[tilespmem:$0x19200] =	vst v63  }
0xc3: {  	_ =	swait.ge [sflag:s30], $0x8  }
0xc4: {  	[sflag:s30] =	ssyncset.done $0x0  }
0xc5: {  	s11 =	simm.s32 $0x8;
	[sflag:s30] =	ssyncadd.s32 $0xFFFFFFF8  }
0xc6: {  	[spmem:s2] =	stream.indirect.scatter.add.f32 [tilespmem:s1], [sflag:$0x4], $0x80, s9, s11, $0xb8;
	[tilespmem:$0x19200] =	vst v63  }
0xc7: {  	_ =	swait.ge [sflag:s30], $0x400  }
0xc8: {  	s25 =	stileid.u32;
	[sflag:s30] =	ssyncset.done $0x0  }
0xc9: {  	s11 =	sshll.u32 s25, $0x6;
	[sflag:s30] =	ssyncadd.s32 $0xFFFFFC00  }
0xca: {  	s13 =	sshrl.u32 s5, $0x3;
	s11 =	sor.u32 $0x1C04, s11;
	[bflag:$0x0] =	sbarrier.arrive $0xFFFF  }
0xcb: {  	[hbm:s20], [sflag:s11] =	dma.local [spmem:s13], $0x2700  }
0xcc: {  	_ =	swait.ge [sflag:s30], $0x2700  }
0xcd: {  	s10 =	sadd.s32 $0x1, s10;
	[sflag:s30] =	ssyncset.done $0x0  }
0xce: {  	p1 =	sne.s32 s10, s23;
	s13 =	sshrl.u32 @!p0 s18, $0x3;
	[sflag:s30] =	ssyncadd.s32 $0xFFFFD900  }
0xcf: {  	[hbm:s22], [sflag:s11] =	dma.local @!p0 [spmem:s13], $0x100  }
.Ltmp3:
0xd0: {  	_ = 	snop;
	(pc) =	sbr.rel @p1 .LBB2_1-.Ltmp3, $4  }
0xd1: {  	s11 =	simm.s32 @!p0 $0x4  }
0xd2: {  	_ =	swait.ge @!p0 [sflag:s11], $0x100  }
0xd3: {  	[sflag:s11] =	ssyncset.done @!p0 $0x0  }
0xd4: {  	[sflag:s11] =	ssyncadd.s32 @!p0 $0xFFFFFF00  }
0xd5: {  	_ =	sfence.sel $0x180000  }
0xd6: {  	[bflag:$0x0] =	sbarrier.arrive $0xFFFF  }
0xd7: {  	_ =	strace $0x9000004A  }
0xd8: {  	s0 =	stileid.u32;
	[bflag:$0x2] =	sbarrier.arrive $0xFFFF  }
0xd9: {  	p0 =	sne.s32 s0, $0x0;
	s0 =	rddreg [dreg:$0x2]  }
0xda: {  	s0 =	sadd.s32 @!p0 $0x100000, s0  }
0xdb: {  	[sflag:s0] =	ssyncadd.tile.s32 @!p0 $0x1;
	_ =	shalt  }
.Lfunc_end2:
_tile_overlayer_lowered:
.L_overlay_start_2:
0xdc: {  	(tag) =	ssettag $0x2  }
0xdd: {  	s0 =	rddreg [dreg:$0x0];
	s2 =	stileid.u32  }
0xde: {  	s1 =	rddreg [dreg:$0x1];
	p0 =	sne.s32 s2, $0x0  }
0xdf: {  	s3 =	rddreg [dreg:$0x2];
	[bflag:$0x3] =	sbarrier.arrive $0xFFFF;
	s2 =	simm.s32 @!p0 $0x1C04  }
0xe0: {  	[timem:s3], [sflag:s2] =	dma.local @!p0 [hbm:s0], s1  }
0xe1: {  	s0 =	simm.s32 @!p0 $0x4  }
0xe2: {  	_ =	swait.ge @!p0 [sflag:s0], s1  }
0xe3: {  	s1 =	ssub.s32 @!p0 $0x0, s1;
	[sflag:s0] =	ssyncset.done @!p0 $0x0  }
0xe4: {  	[sflag:s0] =	ssyncadd.s32 @!p0 s1  }
0xe5: {  	[bflag:$0x3] =	sbarrier.arrive $0xFFFF  }
0xe6: {  	_ =	shalt  }

</sc_bundles>
